<compile_context>
chip_gen: v7x
topology: tpu7x:2x2x1
jax: 0.10.2.dev20260603
libtpu: 0.0.44.dev20260713+nightly
codegen_flags: <defaults>
</compile_context>

<pallas_src>
import functools

import jax
import jax.numpy as jnp
from jax import lax
from jax.experimental import pallas as pl
from jax.experimental.pallas import tpu as pltpu
from jax.experimental.pallas import tpu_sc as plsc

LANES = 16


def _sc_bag_kernel(B, L, nv, bpw, ncats):
  mesh = plsc.VectorSubcoreMesh(core_axis_name="c", subcore_axis_name="s")
  num_cores = mesh.num_cores

  @functools.partial(
      pl.kernel,
      out_type=(
          jax.ShapeDtypeStruct((16, B), jnp.float32),
          jax.ShapeDtypeStruct((B,), jnp.float32),
      ),
      mesh=mesh,
      compiler_params=pltpu.CompilerParams(needs_layout_passes=False),
      scratch_types=[
          pltpu.VMEM((bpw,), jnp.int32),
          pltpu.VMEM((bpw,), jnp.float32),
          pltpu.VMEM((L, bpw), jnp.int32),
          pltpu.VMEM((ncats * 16,), jnp.float32),
          pltpu.VMEM((16, bpw), jnp.float32),
          pltpu.SemaphoreType.DMA,
      ],
  )
  def body(mid_hbm, cats_hbm, cattab_hbm, bias_hbm,
           mean_out, bias_out,
           idx_v, bias_v, cats_v, tab_v, mean_v, sem_b):
    wid = lax.axis_index("s") * num_cores + lax.axis_index("c")
    base = wid * bpw
    pltpu.sync_copy(mid_hbm.at[pl.ds(base, bpw)], idx_v)
    cp_bias = pltpu.async_copy(bias_hbm.at[idx_v], bias_v, sem_b)

    pltpu.sync_copy(cats_hbm.at[:, pl.ds(base, bpw)], cats_v)
    pltpu.sync_copy(cattab_hbm, tab_v)

    def group(g, carry):
      b0 = g * LANES
      cnt = jnp.zeros((LANES,), jnp.float32)
      acc = [jnp.zeros((LANES,), jnp.float32) for _ in range(16)]
      for l in range(L):
        idxs = cats_v[l, pl.ds(b0, LANES)]
        cnt = cnt + jnp.where(idxs != 0, 1.0, 0.0)
        flat = idxs * 16
        for d in range(16):
          acc[d] = acc[d] + plsc.load_gather(tab_v, [flat + d])
      inv = jnp.where(cnt > 0, 1.0 / jnp.maximum(cnt, 1.0), 0.0)
      for d in range(16):
        mean_v[d, pl.ds(b0, LANES)] = acc[d] * inv
      return carry

    lax.fori_loop(0, bpw // LANES, group, 0)
    pltpu.sync_copy(mean_v, mean_out.at[:, pl.ds(base, bpw)])

    cp_bias.wait()
    pltpu.sync_copy(bias_v, bias_out.at[pl.ds(base, bpw)])

  return body


def _sc_rows_kernel(B, nv, bpw, mdim):
  mesh = plsc.VectorSubcoreMesh(core_axis_name="c", subcore_axis_name="s")
  num_cores = mesh.num_cores

  @functools.partial(
      pl.kernel,
      out_type=jax.ShapeDtypeStruct((mdim, B), jnp.float32),
      mesh=mesh,
      compiler_params=pltpu.CompilerParams(needs_layout_passes=False),
      scratch_types=[
          pltpu.VMEM((bpw,), jnp.int32),
          pltpu.VMEM((bpw,), jnp.int32),
          pltpu.VMEM((bpw, 128), jnp.float32),
          pltpu.VMEM((mdim, bpw), jnp.float32),
          pltpu.SemaphoreType.DMA,
      ],
  )
  def body(mid_hbm, movies4_hbm, rows_out,
           idx_v, idx4_v, rows128_v, rows_t_v, sem_r):
    wid = lax.axis_index("s") * num_cores + lax.axis_index("c")
    base = wid * bpw
    pltpu.sync_copy(mid_hbm.at[pl.ds(base, bpw)], idx_v)

    def shift_grp(g, carry):
      b0 = g * LANES
      idx4_v[pl.ds(b0, LANES)] = jnp.bitwise_and(
          idx_v[pl.ds(b0, LANES)], 0x3FFFF)
      return carry
    lax.fori_loop(0, bpw // LANES, shift_grp, 0)
    cp_rows = pltpu.async_copy(movies4_hbm.at[idx4_v], rows128_v, sem_r)

    lane = lax.iota(jnp.int32, LANES)
    cp_rows.wait()

    def extract_grp(g, carry):
      b0 = g * LANES
      blane = b0 + lane
      off = lax.shift_right_logical(idx_v[pl.ds(b0, LANES)], 18) * mdim
      for d in range(mdim):
        rows_t_v[d, pl.ds(b0, LANES)] = plsc.load_gather(
            rows128_v, [blane, off + d])
      return carry

    lax.fori_loop(0, bpw // LANES, extract_grp, 0)
    pltpu.sync_copy(rows_t_v, rows_out.at[:, pl.ds(base, bpw)])

  return body


def _tr_body(c_ref, o_ref):
  o_ref[...] = c_ref[...].T


def _pack_body(t0_ref, t1_ref, t2_ref, t3_ref, o_ref):
  x = jnp.concatenate(
      [t0_ref[...], t1_ref[...], t2_ref[...], t3_ref[...]], axis=0)
  o_ref[...] = x.T


def _fc_body(rows_t_ref, mean_t_ref, w1_ref, w2_ref, b_ref, out_ref):
  a = jnp.maximum(rows_t_ref[...], 0.0)
  c = jnp.maximum(mean_t_ref[...], 0.0)
  dn = (((0,), (0,)), ((), ()))
  out_ref[...] = (
      lax.dot_general(a, w1_ref[...], dn, preferred_element_type=jnp.float32)
      + lax.dot_general(c, w2_ref[...], dn, preferred_element_type=jnp.float32)
      + b_ref[...]
  )


def kernel(movie_id, movie_categories, emb_movies, emb_cats, bias_movie,
           fc_w, fc_b):
  B = movie_id.shape[0]
  L = movie_categories.shape[1]
  ncats, cdim = emb_cats.shape
  mdim = emb_movies.shape[1]
  assert cdim == 16 and mdim == 32

  info = plsc.get_sparse_core_info()
  nv = info.num_cores * info.num_subcores
  bpw = B // nv

  mid = movie_id.astype(jnp.int32)
  tab_flat = emb_cats.reshape(-1)

  nmov = emb_movies.shape[0]
  STRIDE = 1 << 18
  PBLK = 2048
  BBLK = 8192
  nblk = STRIDE // PBLK
  movies_t = emb_movies.T
  last_blk = (nmov - 1) // PBLK
  last_bblk = (nmov - 1) // BBLK

  def _in_spec(m):
    return pl.BlockSpec(
        (mdim, PBLK),
        lambda i, m=m: (0, jnp.minimum(i + m * nblk, last_blk)))

  movies4 = pl.pallas_call(
      _pack_body,
      grid=(nblk,),
      in_specs=[_in_spec(0), _in_spec(1), _in_spec(2), _in_spec(3)],
      out_specs=pl.BlockSpec((PBLK, 128), lambda i: (i, 0)),
      out_shape=jax.ShapeDtypeStruct((STRIDE, 128), jnp.float32),
  )(movies_t, movies_t, movies_t, movies_t)

  bias_flat = bias_movie.reshape(-1)

  TRB = 2048
  cats_t = pl.pallas_call(
      _tr_body,
      grid=(B // TRB,),
      in_specs=[pl.BlockSpec((TRB, L), lambda i: (i, 0))],
      out_specs=pl.BlockSpec((L, TRB), lambda i: (0, i)),
      out_shape=jax.ShapeDtypeStruct((L, B), jnp.int32),
  )(movie_categories.astype(jnp.int32))

  sc_bag = _sc_bag_kernel(B, L, nv, bpw, ncats)
  mean_t, bias = sc_bag(mid, cats_t, tab_flat, bias_flat)

  sc_rows = _sc_rows_kernel(B, nv, bpw, mdim)
  rows_t = sc_rows(mid, movies4)

  w1 = fc_w.T[:mdim]
  w2 = fc_w.T[mdim:]
  out_dim = fc_w.shape[0]

  movie_vec = pl.pallas_call(
      _fc_body,
      out_shape=jax.ShapeDtypeStruct((B, out_dim), jnp.float32),
      compiler_params=pltpu.CompilerParams(fuse_transposed_lhs_in_matmul=True),
  )(rows_t, mean_t, w1, w2, fc_b.reshape(1, out_dim))

  return movie_vec, bias

# --- scband reference (transcript-rebuilt; emitter-appended) ---
"""Pipeline reference for scband-movie-encoder-27092653703771 (READ-ONLY COPY).

The authoritative reference and input builder live on the scoring server;
editing this copy changes nothing except your own understanding.
"""

import jax, jax.numpy as jnp
import numpy as np

NUM_MOVIES = 1000000
NUM_CATS = 1000
MOVIE_DIM = 32
CAT_DIM = 16
COMMON_DIM = 32
BATCH = 16384
BAG_LEN = 20


def setup_inputs(seed: int = 0) -> dict:
    key = jax.random.key(seed)
    ks = jax.random.split(key, 7)
    movie_id = jax.random.randint(ks[0], (BATCH,), 0, NUM_MOVIES, dtype=jnp.int32).astype(jnp.int64) if False else jax.random.randint(ks[0], (BATCH,), 0, NUM_MOVIES)
    movie_categories = jax.random.randint(ks[1], (BATCH, BAG_LEN), 0, NUM_CATS)
    emb_movies = jax.random.normal(ks[2], (NUM_MOVIES, MOVIE_DIM), dtype=jnp.float32)
    # padding_idx=0 row zeroed (torch zeros it; it is excluded from the mean anyway)
    emb_cats = jax.random.normal(ks[3], (NUM_CATS, CAT_DIM), dtype=jnp.float32).at[0].set(0.0)
    bias_movie = jax.random.normal(ks[4], (NUM_MOVIES, 1), dtype=jnp.float32)
    fc_w = jax.random.normal(ks[5], (COMMON_DIM, MOVIE_DIM + CAT_DIM), dtype=jnp.float32) * 0.05
    fc_b = jax.random.normal(ks[6], (COMMON_DIM,), dtype=jnp.float32) * 0.05
    return {
        "movie_id": movie_id,
        "movie_categories": movie_categories,
        "emb_movies": emb_movies,
        "emb_cats": emb_cats,
        "bias_movie": bias_movie,
        "fc_w": fc_w,
        "fc_b": fc_b,
    }


def reference(movie_id, movie_categories, emb_movies, emb_cats, bias_movie, fc_w, fc_b):
    # Embedding lookup for movie ids
    raw_movie_vec = jnp.take(emb_movies, movie_id, axis=0)  # [B, 32]
    # EmbeddingBag mean with padding_idx=0: padding entries excluded from sum and count
    gathered = jnp.take(emb_cats, movie_categories, axis=0)  # [B, L, 16]
    mask = (movie_categories != 0).astype(jnp.float32)[..., None]  # [B, L, 1]
    summed = jnp.sum(gathered * mask, axis=1)  # [B, 16]
    count = jnp.sum(mask, axis=1)  # [B, 1]
    categories_vec = jnp.where(count > 0, summed / jnp.maximum(count, 1.0), 0.0)
    movie_vec = jnp.concatenate([raw_movie_vec, categories_vec], axis=1)  # [B, 48]
    movie_vec = jax.nn.relu(movie_vec)  # dropout=0.0 -> identity
    movie_vec = movie_vec @ fc_w.T + fc_b  # [B, 32]
    movie_bias = jnp.take(bias_movie, movie_id, axis=0).reshape(-1)  # [B]
    return (movie_vec, movie_bias)

if __name__ == "__main__":
    import jax
    _d = setup_inputs()
    print(jax.jit(kernel)(*tuple(_d.values())))

</pallas_src>

<mosaic_0001>
#map = affine_map<(d0, d1) -> (0)>
#map1 = affine_map<(d0, d1) -> (0, 0)>
module attributes {stable_mosaic.version = 14 : i64} {
  func.func @body(%arg0: i32, %arg1: i32, %arg2: memref<16384xi32, #tpu.memory_space<hbm>>, %arg3: memref<20x16384xi32, #tpu.memory_space<hbm>>, %arg4: memref<16000xf32, #tpu.memory_space<hbm>>, %arg5: memref<1000000xf32, #tpu.memory_space<hbm>>, %arg6: memref<16x16384xf32, #tpu.memory_space<hbm>>, %arg7: memref<16384xf32, #tpu.memory_space<hbm>>, %arg8: memref<512xi32, #tpu.memory_space<vmem>>, %arg9: memref<512xf32, #tpu.memory_space<vmem>>, %arg10: memref<20x512xi32, #tpu.memory_space<vmem>>, %arg11: memref<16000xf32, #tpu.memory_space<vmem>>, %arg12: memref<16x512xf32, #tpu.memory_space<vmem>>, %arg13: memref<!tpu.dma_semaphore, #tpu.memory_space<semaphore_mem>>) attributes {dimension_semantics = [#tpu.dimension_semantics<core_parallel>, #tpu.dimension_semantics<subcore_parallel>], iteration_bounds = array<i64: 2, 16>, scalar_prefetch = 0 : i64, scratch_operands = 6 : i64, tpu.core_type = #tpu.core_type<sc_vector_subcore>, window_params = [{transform_indices = #map}, {transform_indices = #map1}, {transform_indices = #map}, {transform_indices = #map}, {transform_indices = #map1}, {transform_indices = #map}]} {
    %mul3A = arith.constant 2 : i32
    %mul3A_0 = arith.muli %arg1, %mul3A : i32
    %add3A = arith.addi %mul3A_0, %arg0 : i32
    %mul3A_1 = arith.constant 512 : i32
    %mul3A_2 = arith.muli %add3A, %mul3A_1 : i32
    "tpu.region"() ({
      %run_scoped3A = tpu.sem_alloc : memref<!tpu.dma_semaphore, #tpu.memory_space<semaphore_mem>>
      %dma_start3A_10 = tpu.memref_slice %arg2[%mul3A_2] : memref<16384xi32, #tpu.memory_space<hbm>> -> memref<512xi32, #tpu.memory_space<hbm>>
      %dma_start3A_11 = tpu.memref_slice %arg2[%mul3A_2] : memref<16384xi32, #tpu.memory_space<hbm>> -> memref<512xi32, #tpu.memory_space<hbm>>
      tpu.enqueue_dma source(%dma_start3A_11 : memref<512xi32, #tpu.memory_space<hbm>>) target(%arg8 : memref<512xi32, #tpu.memory_space<vmem>>) target_semaphore(%run_scoped3A : memref<!tpu.dma_semaphore, #tpu.memory_space<semaphore_mem>>)
      %dma_wait3A_12 = tpu.memref_slice %arg2[%mul3A_2] : memref<16384xi32, #tpu.memory_space<hbm>> -> memref<512xi32, #tpu.memory_space<hbm>>
      %dma_wait3A_13 = tpu.memref_slice %arg2[%mul3A_2] : memref<16384xi32, #tpu.memory_space<hbm>> -> memref<512xi32, #tpu.memory_space<hbm>>
      tpu.wait_dma2 semaphore(%run_scoped3A : memref<!tpu.dma_semaphore, #tpu.memory_space<semaphore_mem>>) src(%dma_wait3A_13 : memref<512xi32, #tpu.memory_space<hbm>>) dst(%arg8 : memref<512xi32, #tpu.memory_space<vmem>>)
      tpu.yield
    }) : () -> ()
    %dma_start3A = arith.constant 0 : i32
    %dma_start3A_3 = tpu.memref_slice %arg5[%dma_start3A] : memref<1000000xf32, #tpu.memory_space<hbm>> -> memref<1000000xf32, #tpu.memory_space<hbm>>
    tpu.enqueue_indirect_dma source(%dma_start3A_3 : memref<1000000xf32, #tpu.memory_space<hbm>>) target(%arg9 : memref<512xf32, #tpu.memory_space<vmem>>) offsets(%arg8 : memref<512xi32, #tpu.memory_space<vmem>>) semaphore(%arg13 : memref<!tpu.dma_semaphore, #tpu.memory_space<semaphore_mem>>)
    "tpu.region"() ({
      %run_scoped3A = tpu.sem_alloc : memref<!tpu.dma_semaphore, #tpu.memory_space<semaphore_mem>>
      %dma_start3A_10 = arith.constant 0 : i32
      %dma_start3A_11 = tpu.memref_slice %arg3[%dma_start3A_10, %mul3A_2] : memref<20x16384xi32, #tpu.memory_space<hbm>> -> memref<20x512xi32, #tpu.memory_space<hbm>>
      %dma_start3A_12 = arith.constant 0 : i32
      %dma_start3A_13 = tpu.memref_slice %arg3[%dma_start3A_12, %mul3A_2] : memref<20x16384xi32, #tpu.memory_space<hbm>> -> memref<20x512xi32, #tpu.memory_space<hbm>>
      tpu.enqueue_dma source(%dma_start3A_13 : memref<20x512xi32, #tpu.memory_space<hbm>>) target(%arg10 : memref<20x512xi32, #tpu.memory_space<vmem>>) target_semaphore(%run_scoped3A : memref<!tpu.dma_semaphore, #tpu.memory_space<semaphore_mem>>)
      %dma_wait3A_14 = arith.constant 0 : i32
      %dma_wait3A_15 = tpu.memref_slice %arg3[%dma_wait3A_14, %mul3A_2] : memref<20x16384xi32, #tpu.memory_space<hbm>> -> memref<20x512xi32, #tpu.memory_space<hbm>>
      %dma_wait3A_16 = arith.constant 0 : i32
      %dma_wait3A_17 = tpu.memref_slice %arg3[%dma_wait3A_16, %mul3A_2] : memref<20x16384xi32, #tpu.memory_space<hbm>> -> memref<20x512xi32, #tpu.memory_space<hbm>>
      tpu.wait_dma2 semaphore(%run_scoped3A : memref<!tpu.dma_semaphore, #tpu.memory_space<semaphore_mem>>) src(%dma_wait3A_17 : memref<20x512xi32, #tpu.memory_space<hbm>>) dst(%arg10 : memref<20x512xi32, #tpu.memory_space<vmem>>)
      tpu.yield
    }) : () -> ()
    "tpu.region"() ({
      %run_scoped3A = tpu.sem_alloc : memref<!tpu.dma_semaphore, #tpu.memory_space<semaphore_mem>>
      tpu.enqueue_dma source(%arg4 : memref<16000xf32, #tpu.memory_space<hbm>>) target(%arg11 : memref<16000xf32, #tpu.memory_space<vmem>>) target_semaphore(%run_scoped3A : memref<!tpu.dma_semaphore, #tpu.memory_space<semaphore_mem>>)
      tpu.wait_dma2 semaphore(%run_scoped3A : memref<!tpu.dma_semaphore, #tpu.memory_space<semaphore_mem>>) src(%arg4 : memref<16000xf32, #tpu.memory_space<hbm>>) dst(%arg11 : memref<16000xf32, #tpu.memory_space<vmem>>)
      tpu.yield
    }) : () -> ()
    %scan3A = arith.constant 0 : i32
    %scan3A_4 = arith.constant 0 : i32
    %scan3A_5 = arith.constant 32 : i32
    %scan3A_6 = arith.addi %scan3A_4, %scan3A_5 : i32
    %scan3A_7 = arith.constant 1 : i32
    scf.for %scan3A_10 = %scan3A_4 to %scan3A_6 step %scan3A_7  : i32 {
      %mul3A_11 = arith.constant 16 : i32
      %mul3A_12 = arith.muli %scan3A_10, %mul3A_11 : i32
      %broadcast_in_dim3A = arith.constant 0.000000e+00 : f32
      %broadcast_in_dim3A_13 = vector.broadcast %broadcast_in_dim3A : f32 to vector<16xf32>
      %broadcast_in_dim3A_14 = arith.constant 0.000000e+00 : f32
      %broadcast_in_dim3A_15 = vector.broadcast %broadcast_in_dim3A_14 : f32 to vector<16xf32>
      %broadcast_in_dim3A_16 = arith.constant 0.000000e+00 : f32
      %broadcast_in_dim3A_17 = vector.broadcast %broadcast_in_dim3A_16 : f32 to vector<16xf32>
      %broadcast_in_dim3A_18 = arith.constant 0.000000e+00 : f32
      %broadcast_in_dim3A_19 = vector.broadcast %broadcast_in_dim3A_18 : f32 to vector<16xf32>
      %broadcast_in_dim3A_20 = arith.constant 0.000000e+00 : f32
      %broadcast_in_dim3A_21 = vector.broadcast %broadcast_in_dim3A_20 : f32 to vector<16xf32>
      %broadcast_in_dim3A_22 = arith.constant 0.000000e+00 : f32
      %broadcast_in_dim3A_23 = vector.broadcast %broadcast_in_dim3A_22 : f32 to vector<16xf32>
      %broadcast_in_dim3A_24 = arith.constant 0.000000e+00 : f32
      %broadcast_in_dim3A_25 = vector.broadcast %broadcast_in_dim3A_24 : f32 to vector<16xf32>
      %broadcast_in_dim3A_26 = arith.constant 0.000000e+00 : f32
      %broadcast_in_dim3A_27 = vector.broadcast %broadcast_in_dim3A_26 : f32 to vector<16xf32>
      %broadcast_in_dim3A_28 = arith.constant 0.000000e+00 : f32
      %broadcast_in_dim3A_29 = vector.broadcast %broadcast_in_dim3A_28 : f32 to vector<16xf32>
      %broadcast_in_dim3A_30 = arith.constant 0.000000e+00 : f32
      %broadcast_in_dim3A_31 = vector.broadcast %broadcast_in_dim3A_30 : f32 to vector<16xf32>
      %broadcast_in_dim3A_32 = arith.constant 0.000000e+00 : f32
      %broadcast_in_dim3A_33 = vector.broadcast %broadcast_in_dim3A_32 : f32 to vector<16xf32>
      %broadcast_in_dim3A_34 = arith.constant 0.000000e+00 : f32
      %broadcast_in_dim3A_35 = vector.broadcast %broadcast_in_dim3A_34 : f32 to vector<16xf32>
      %broadcast_in_dim3A_36 = arith.constant 0.000000e+00 : f32
      %broadcast_in_dim3A_37 = vector.broadcast %broadcast_in_dim3A_36 : f32 to vector<16xf32>
      %broadcast_in_dim3A_38 = arith.constant 0.000000e+00 : f32
      %broadcast_in_dim3A_39 = vector.broadcast %broadcast_in_dim3A_38 : f32 to vector<16xf32>
      %broadcast_in_dim3A_40 = arith.constant 0.000000e+00 : f32
      %broadcast_in_dim3A_41 = vector.broadcast %broadcast_in_dim3A_40 : f32 to vector<16xf32>
      %broadcast_in_dim3A_42 = arith.constant 0.000000e+00 : f32
      %broadcast_in_dim3A_43 = vector.broadcast %broadcast_in_dim3A_42 : f32 to vector<16xf32>
      %broadcast_in_dim3A_44 = arith.constant 0.000000e+00 : f32
      %broadcast_in_dim3A_45 = vector.broadcast %broadcast_in_dim3A_44 : f32 to vector<16xf32>
      %get3A = arith.constant 0 : i32
      %get3A_46 = arith.index_cast %get3A : i32 to index
      %get3A_47 = arith.index_cast %mul3A_12 : i32 to index
      %get3A_48 = tpu.vector_load %arg10[%get3A_46, %get3A_47] {strides = array<i32>} : memref<20x512xi32, #tpu.memory_space<vmem>>, vector<16xi32>,
      %ne3A = arith.constant 0 : i32
      %ne3A_49 = vector.broadcast %ne3A : i32 to vector<16xi32>
      %ne3A_50 = arith.cmpi ne, %get3A_48, %ne3A_49 : vector<16xi32>
      %jit3A = arith.constant 1.000000e+00 : f32
      %jit3A_51 = arith.constant 0.000000e+00 : f32
      %broadcast_in_dim3A_52 = vector.broadcast %jit3A : f32 to vector<16xf32>
      %broadcast_in_dim3A_53 = vector.broadcast %jit3A_51 : f32 to vector<16xf32>
      %select_n3A = arith.select %ne3A_50, %broadcast_in_dim3A_52, %broadcast_in_dim3A_53 : vector<16xi1>, vector<16xf32>
      %add3A_54 = arith.addf %broadcast_in_dim3A_13, %select_n3A : vector<16xf32>
      %mul3A_55 = arith.constant 16 : i32
      %mul3A_56 = vector.broadcast %mul3A_55 : i32 to vector<16xi32>
      %mul3A_57 = arith.muli %get3A_48, %mul3A_56 : vector<16xi32>
      %add3A_58 = arith.constant 0 : i32
      %add3A_59 = vector.broadcast %add3A_58 : i32 to vector<16xi32>
      %add3A_60 = arith.addi %mul3A_57, %add3A_59 : vector<16xi32>
      %gather3A = tpu.vector_load_idx %arg11[%add3A_60] : memref<16000xf32, #tpu.memory_space<vmem>>[vector<16xi32>], vector<16xf32>,
      %add3A_61 = arith.addf %broadcast_in_dim3A_15, %gather3A : vector<16xf32>
      %add3A_62 = arith.constant 1 : i32
      %add3A_63 = vector.broadcast %add3A_62 : i32 to vector<16xi32>
      %add3A_64 = arith.addi %mul3A_57, %add3A_63 : vector<16xi32>
      %gather3A_65 = tpu.vector_load_idx %arg11[%add3A_64] : memref<16000xf32, #tpu.memory_space<vmem>>[vector<16xi32>], vector<16xf32>,
      %add3A_66 = arith.addf %broadcast_in_dim3A_17, %gather3A_65 : vector<16xf32>
      %add3A_67 = arith.constant 2 : i32
      %add3A_68 = vector.broadcast %add3A_67 : i32 to vector<16xi32>
      %add3A_69 = arith.addi %mul3A_57, %add3A_68 : vector<16xi32>
      %gather3A_70 = tpu.vector_load_idx %arg11[%add3A_69] : memref<16000xf32, #tpu.memory_space<vmem>>[vector<16xi32>], vector<16xf32>,
      %add3A_71 = arith.addf %broadcast_in_dim3A_19, %gather3A_70 : vector<16xf32>
      %add3A_72 = arith.constant 3 : i32
      %add3A_73 = vector.broadcast %add3A_72 : i32 to vector<16xi32>
      %add3A_74 = arith.addi %mul3A_57, %add3A_73 : vector<16xi32>
      %gather3A_75 = tpu.vector_load_idx %arg11[%add3A_74] : memref<16000xf32, #tpu.memory_space<vmem>>[vector<16xi32>], vector<16xf32>,
      %add3A_76 = arith.addf %broadcast_in_dim3A_21, %gather3A_75 : vector<16xf32>
      %add3A_77 = arith.constant 4 : i32
      %add3A_78 = vector.broadcast %add3A_77 : i32 to vector<16xi32>
      %add3A_79 = arith.addi %mul3A_57, %add3A_78 : vector<16xi32>
      %gather3A_80 = tpu.vector_load_idx %arg11[%add3A_79] : memref<16000xf32, #tpu.memory_space<vmem>>[vector<16xi32>], vector<16xf32>,
      %add3A_81 = arith.addf %broadcast_in_dim3A_23, %gather3A_80 : vector<16xf32>
      %add3A_82 = arith.constant 5 : i32
      %add3A_83 = vector.broadcast %add3A_82 : i32 to vector<16xi32>
      %add3A_84 = arith.addi %mul3A_57, %add3A_83 : vector<16xi32>
      %gather3A_85 = tpu.vector_load_idx %arg11[%add3A_84] : memref<16000xf32, #tpu.memory_space<vmem>>[vector<16xi32>], vector<16xf32>,
      %add3A_86 = arith.addf %broadcast_in_dim3A_25, %gather3A_85 : vector<16xf32>
      %add3A_87 = arith.constant 6 : i32
      %add3A_88 = vector.broadcast %add3A_87 : i32 to vector<16xi32>
      %add3A_89 = arith.addi %mul3A_57, %add3A_88 : vector<16xi32>
      %gather3A_90 = tpu.vector_load_idx %arg11[%add3A_89] : memref<16000xf32, #tpu.memory_space<vmem>>[vector<16xi32>], vector<16xf32>,
      %add3A_91 = arith.addf %broadcast_in_dim3A_27, %gather3A_90 : vector<16xf32>
      %add3A_92 = arith.constant 7 : i32
      %add3A_93 = vector.broadcast %add3A_92 : i32 to vector<16xi32>
      %add3A_94 = arith.addi %mul3A_57, %add3A_93 : vector<16xi32>
      %gather3A_95 = tpu.vector_load_idx %arg11[%add3A_94] : memref<16000xf32, #tpu.memory_space<vmem>>[vector<16xi32>], vector<16xf32>,
      %add3A_96 = arith.addf %broadcast_in_dim3A_29, %gather3A_95 : vector<16xf32>
      %add3A_97 = arith.constant 8 : i32
      %add3A_98 = vector.broadcast %add3A_97 : i32 to vector<16xi32>
      %add3A_99 = arith.addi %mul3A_57, %add3A_98 : vector<16xi32>
      %gather3A_100 = tpu.vector_load_idx %arg11[%add3A_99] : memref<16000xf32, #tpu.memory_space<vmem>>[vector<16xi32>], vector<16xf32>,
      %add3A_101 = arith.addf %broadcast_in_dim3A_31, %gather3A_100 : vector<16xf32>
      %add3A_102 = arith.constant 9 : i32
      %add3A_103 = vector.broadcast %add3A_102 : i32 to vector<16xi32>
      %add3A_104 = arith.addi %mul3A_57, %add3A_103 : vector<16xi32>
      %gather3A_105 = tpu.vector_load_idx %arg11[%add3A_104] : memref<16000xf32, #tpu.memory_space<vmem>>[vector<16xi32>], vector<16xf32>,
      %add3A_106 = arith.addf %broadcast_in_dim3A_33, %gather3A_105 : vector<16xf32>
      %add3A_107 = arith.constant 10 : i32
      %add3A_108 = vector.broadcast %add3A_107 : i32 to vector<16xi32>
      %add3A_109 = arith.addi %mul3A_57, %add3A_108 : vector<16xi32>
      %gather3A_110 = tpu.vector_load_idx %arg11[%add3A_109] : memref<16000xf32, #tpu.memory_space<vmem>>[vector<16xi32>], vector<16xf32>,
      %add3A_111 = arith.addf %broadcast_in_dim3A_35, %gather3A_110 : vector<16xf32>
      %add3A_112 = arith.constant 11 : i32
      %add3A_113 = vector.broadcast %add3A_112 : i32 to vector<16xi32>
      %add3A_114 = arith.addi %mul3A_57, %add3A_113 : vector<16xi32>
      %gather3A_115 = tpu.vector_load_idx %arg11[%add3A_114] : memref<16000xf32, #tpu.memory_space<vmem>>[vector<16xi32>], vector<16xf32>,
      %add3A_116 = arith.addf %broadcast_in_dim3A_37, %gather3A_115 : vector<16xf32>
      %add3A_117 = arith.constant 12 : i32
      %add3A_118 = vector.broadcast %add3A_117 : i32 to vector<16xi32>
      %add3A_119 = arith.addi %mul3A_57, %add3A_118 : vector<16xi32>
      %gather3A_120 = tpu.vector_load_idx %arg11[%add3A_119] : memref<16000xf32, #tpu.memory_space<vmem>>[vector<16xi32>], vector<16xf32>,
      %add3A_121 = arith.addf %broadcast_in_dim3A_39, %gather3A_120 : vector<16xf32>
      %add3A_122 = arith.constant 13 : i32
      %add3A_123 = vector.broadcast %add3A_122 : i32 to vector<16xi32>
      %add3A_124 = arith.addi %mul3A_57, %add3A_123 : vector<16xi32>
      %gather3A_125 = tpu.vector_load_idx %arg11[%add3A_124] : memref<16000xf32, #tpu.memory_space<vmem>>[vector<16xi32>], vector<16xf32>,
      %add3A_126 = arith.addf %broadcast_in_dim3A_41, %gather3A_125 : vector<16xf32>
      %add3A_127 = arith.constant 14 : i32
      %add3A_128 = vector.broadcast %add3A_127 : i32 to vector<16xi32>
      %add3A_129 = arith.addi %mul3A_57, %add3A_128 : vector<16xi32>
      %gather3A_130 = tpu.vector_load_idx %arg11[%add3A_129] : memref<16000xf32, #tpu.memory_space<vmem>>[vector<16xi32>], vector<16xf32>,
      %add3A_131 = arith.addf %broadcast_in_dim3A_43, %gather3A_130 : vector<16xf32>
      %add3A_132 = arith.constant 15 : i32
      %add3A_133 = vector.broadcast %add3A_132 : i32 to vector<16xi32>
      %add3A_134 = arith.addi %mul3A_57, %add3A_133 : vector<16xi32>
      %gather3A_135 = tpu.vector_load_idx %arg11[%add3A_134] : memref<16000xf32, #tpu.memory_space<vmem>>[vector<16xi32>], vector<16xf32>,
      %add3A_136 = arith.addf %broadcast_in_dim3A_45, %gather3A_135 : vector<16xf32>
      %get3A_137 = arith.constant 1 : i32
      %get3A_138 = arith.index_cast %get3A_137 : i32 to index
      %get3A_139 = arith.index_cast %mul3A_12 : i32 to index
      %get3A_140 = tpu.vector_load %arg10[%get3A_138, %get3A_139] {strides = array<i32>} : memref<20x512xi32, #tpu.memory_space<vmem>>, vector<16xi32>,
      %ne3A_141 = arith.constant 0 : i32
      %ne3A_142 = vector.broadcast %ne3A_141 : i32 to vector<16xi32>
      %ne3A_143 = arith.cmpi ne, %get3A_140, %ne3A_142 : vector<16xi32>
      %jit3A_144 = arith.constant 1.000000e+00 : f32
      %jit3A_145 = arith.constant 0.000000e+00 : f32
      %broadcast_in_dim3A_146 = vector.broadcast %jit3A_144 : f32 to vector<16xf32>
      %broadcast_in_dim3A_147 = vector.broadcast %jit3A_145 : f32 to vector<16xf32>
      %select_n3A_148 = arith.select %ne3A_143, %broadcast_in_dim3A_146, %broadcast_in_dim3A_147 : vector<16xi1>, vector<16xf32>
      %add3A_149 = arith.addf %add3A_54, %select_n3A_148 : vector<16xf32>
      %mul3A_150 = arith.constant 16 : i32
      %mul3A_151 = vector.broadcast %mul3A_150 : i32 to vector<16xi32>
      %mul3A_152 = arith.muli %get3A_140, %mul3A_151 : vector<16xi32>
      %add3A_153 = arith.constant 0 : i32
      %add3A_154 = vector.broadcast %add3A_153 : i32 to vector<16xi32>
      %add3A_155 = arith.addi %mul3A_152, %add3A_154 : vector<16xi32>
      %gather3A_156 = tpu.vector_load_idx %arg11[%add3A_155] : memref<16000xf32, #tpu.memory_space<vmem>>[vector<16xi32>], vector<16xf32>,
      %add3A_157 = arith.addf %add3A_61, %gather3A_156 : vector<16xf32>
      %add3A_158 = arith.constant 1 : i32
      %add3A_159 = vector.broadcast %add3A_158 : i32 to vector<16xi32>
      %add3A_160 = arith.addi %mul3A_152, %add3A_159 : vector<16xi32>
      %gather3A_161 = tpu.vector_load_idx %arg11[%add3A_160] : memref<16000xf32, #tpu.memory_space<vmem>>[vector<16xi32>], vector<16xf32>,
      %add3A_162 = arith.addf %add3A_66, %gather3A_161 : vector<16xf32>
      %add3A_163 = arith.constant 2 : i32
      %add3A_164 = vector.broadcast %add3A_163 : i32 to vector<16xi32>
      %add3A_165 = arith.addi %mul3A_152, %add3A_164 : vector<16xi32>
      %gather3A_166 = tpu.vector_load_idx %arg11[%add3A_165] : memref<16000xf32, #tpu.memory_space<vmem>>[vector<16xi32>], vector<16xf32>,
      %add3A_167 = arith.addf %add3A_71, %gather3A_166 : vector<16xf32>
      %add3A_168 = arith.constant 3 : i32
      %add3A_169 = vector.broadcast %add3A_168 : i32 to vector<16xi32>
      %add3A_170 = arith.addi %mul3A_152, %add3A_169 : vector<16xi32>
      %gather3A_171 = tpu.vector_load_idx %arg11[%add3A_170] : memref<16000xf32, #tpu.memory_space<vmem>>[vector<16xi32>], vector<16xf32>,
      %add3A_172 = arith.addf %add3A_76, %gather3A_171 : vector<16xf32>
      %add3A_173 = arith.constant 4 : i32
      %add3A_174 = vector.broadcast %add3A_173 : i32 to vector<16xi32>
      %add3A_175 = arith.addi %mul3A_152, %add3A_174 : vector<16xi32>
      %gather3A_176 = tpu.vector_load_idx %arg11[%add3A_175] : memref<16000xf32, #tpu.memory_space<vmem>>[vector<16xi32>], vector<16xf32>,
      %add3A_177 = arith.addf %add3A_81, %gather3A_176 : vector<16xf32>
      %add3A_178 = arith.constant 5 : i32
      %add3A_179 = vector.broadcast %add3A_178 : i32 to vector<16xi32>
      %add3A_180 = arith.addi %mul3A_152, %add3A_179 : vector<16xi32>
      %gather3A_181 = tpu.vector_load_idx %arg11[%add3A_180] : memref<16000xf32, #tpu.memory_space<vmem>>[vector<16xi32>], vector<16xf32>,
      %add3A_182 = arith.addf %add3A_86, %gather3A_181 : vector<16xf32>
      %add3A_183 = arith.constant 6 : i32
      %add3A_184 = vector.broadcast %add3A_183 : i32 to vector<16xi32>
      %add3A_185 = arith.addi %mul3A_152, %add3A_184 : vector<16xi32>
      %gather3A_186 = tpu.vector_load_idx %arg11[%add3A_185] : memref<16000xf32, #tpu.memory_space<vmem>>[vector<16xi32>], vector<16xf32>,
      %add3A_187 = arith.addf %add3A_91, %gather3A_186 : vector<16xf32>
      %add3A_188 = arith.constant 7 : i32
      %add3A_189 = vector.broadcast %add3A_188 : i32 to vector<16xi32>
      %add3A_190 = arith.addi %mul3A_152, %add3A_189 : vector<16xi32>
      %gather3A_191 = tpu.vector_load_idx %arg11[%add3A_190] : memref<16000xf32, #tpu.memory_space<vmem>>[vector<16xi32>], vector<16xf32>,
      %add3A_192 = arith.addf %add3A_96, %gather3A_191 : vector<16xf32>
      %add3A_193 = arith.constant 8 : i32
      %add3A_194 = vector.broadcast %add3A_193 : i32 to vector<16xi32>
      %add3A_195 = arith.addi %mul3A_152, %add3A_194 : vector<16xi32>
      %gather3A_196 = tpu.vector_load_idx %arg11[%add3A_195] : memref<16000xf32, #tpu.memory_space<vmem>>[vector<16xi32>], vector<16xf32>,
      %add3A_197 = arith.addf %add3A_101, %gather3A_196 : vector<16xf32>
      %add3A_198 = arith.constant 9 : i32
      %add3A_199 = vector.broadcast %add3A_198 : i32 to vector<16xi32>
      %add3A_200 = arith.addi %mul3A_152, %add3A_199 : vector<16xi32>
      %gather3A_201 = tpu.vector_load_idx %arg11[%add3A_200] : memref<16000xf32, #tpu.memory_space<vmem>>[vector<16xi32>], vector<16xf32>,
      %add3A_202 = arith.addf %add3A_106, %gather3A_201 : vector<16xf32>
      %add3A_203 = arith.constant 10 : i32
      %add3A_204 = vector.broadcast %add3A_203 : i32 to vector<16xi32>
      %add3A_205 = arith.addi %mul3A_152, %add3A_204 : vector<16xi32>
      %gather3A_206 = tpu.vector_load_idx %arg11[%add3A_205] : memref<16000xf32, #tpu.memory_space<vmem>>[vector<16xi32>], vector<16xf32>,
      %add3A_207 = arith.addf %add3A_111, %gather3A_206 : vector<16xf32>
      %add3A_208 = arith.constant 11 : i32
      %add3A_209 = vector.broadcast %add3A_208 : i32 to vector<16xi32>
      %add3A_210 = arith.addi %mul3A_152, %add3A_209 : vector<16xi32>
      %gather3A_211 = tpu.vector_load_idx %arg11[%add3A_210] : memref<16000xf32, #tpu.memory_space<vmem>>[vector<16xi32>], vector<16xf32>,
      %add3A_212 = arith.addf %add3A_116, %gather3A_211 : vector<16xf32>
      %add3A_213 = arith.constant 12 : i32
      %add3A_214 = vector.broadcast %add3A_213 : i32 to vector<16xi32>
      %add3A_215 = arith.addi %mul3A_152, %add3A_214 : vector<16xi32>
      %gather3A_216 = tpu.vector_load_idx %arg11[%add3A_215] : memref<16000xf32, #tpu.memory_space<vmem>>[vector<16xi32>], vector<16xf32>,
      %add3A_217 = arith.addf %add3A_121, %gather3A_216 : vector<16xf32>
      %add3A_218 = arith.constant 13 : i32
      %add3A_219 = vector.broadcast %add3A_218 : i32 to vector<16xi32>
      %add3A_220 = arith.addi %mul3A_152, %add3A_219 : vector<16xi32>
      %gather3A_221 = tpu.vector_load_idx %arg11[%add3A_220] : memref<16000xf32, #tpu.memory_space<vmem>>[vector<16xi32>], vector<16xf32>,
      %add3A_222 = arith.addf %add3A_126, %gather3A_221 : vector<16xf32>
      %add3A_223 = arith.constant 14 : i32
      %add3A_224 = vector.broadcast %add3A_223 : i32 to vector<16xi32>
      %add3A_225 = arith.addi %mul3A_152, %add3A_224 : vector<16xi32>
      %gather3A_226 = tpu.vector_load_idx %arg11[%add3A_225] : memref<16000xf32, #tpu.memory_space<vmem>>[vector<16xi32>], vector<16xf32>,
      %add3A_227 = arith.addf %add3A_131, %gather3A_226 : vector<16xf32>
      %add3A_228 = arith.constant 15 : i32
      %add3A_229 = vector.broadcast %add3A_228 : i32 to vector<16xi32>
      %add3A_230 = arith.addi %mul3A_152, %add3A_229 : vector<16xi32>
      %gather3A_231 = tpu.vector_load_idx %arg11[%add3A_230] : memref<16000xf32, #tpu.memory_space<vmem>>[vector<16xi32>], vector<16xf32>,
      %add3A_232 = arith.addf %add3A_136, %gather3A_231 : vector<16xf32>
      %get3A_233 = arith.constant 2 : i32
      %get3A_234 = arith.index_cast %get3A_233 : i32 to index
      %get3A_235 = arith.index_cast %mul3A_12 : i32 to index
      %get3A_236 = tpu.vector_load %arg10[%get3A_234, %get3A_235] {strides = array<i32>} : memref<20x512xi32, #tpu.memory_space<vmem>>, vector<16xi32>,
      %ne3A_237 = arith.constant 0 : i32
      %ne3A_238 = vector.broadcast %ne3A_237 : i32 to vector<16xi32>
      %ne3A_239 = arith.cmpi ne, %get3A_236, %ne3A_238 : vector<16xi32>
      %jit3A_240 = arith.constant 1.000000e+00 : f32
      %jit3A_241 = arith.constant 0.000000e+00 : f32
      %broadcast_in_dim3A_242 = vector.broadcast %jit3A_240 : f32 to vector<16xf32>
      %broadcast_in_dim3A_243 = vector.broadcast %jit3A_241 : f32 to vector<16xf32>
      %select_n3A_244 = arith.select %ne3A_239, %broadcast_in_dim3A_242, %broadcast_in_dim3A_243 : vector<16xi1>, vector<16xf32>
      %add3A_245 = arith.addf %add3A_149, %select_n3A_244 : vector<16xf32>
      %mul3A_246 = arith.constant 16 : i32
      %mul3A_247 = vector.broadcast %mul3A_246 : i32 to vector<16xi32>
      %mul3A_248 = arith.muli %get3A_236, %mul3A_247 : vector<16xi32>
      %add3A_249 = arith.constant 0 : i32
      %add3A_250 = vector.broadcast %add3A_249 : i32 to vector<16xi32>
      %add3A_251 = arith.addi %mul3A_248, %add3A_250 : vector<16xi32>
      %gather3A_252 = tpu.vector_load_idx %arg11[%add3A_251] : memref<16000xf32, #tpu.memory_space<vmem>>[vector<16xi32>], vector<16xf32>,
      %add3A_253 = arith.addf %add3A_157, %gather3A_252 : vector<16xf32>
      %add3A_254 = arith.constant 1 : i32
      %add3A_255 = vector.broadcast %add3A_254 : i32 to vector<16xi32>
      %add3A_256 = arith.addi %mul3A_248, %add3A_255 : vector<16xi32>
      %gather3A_257 = tpu.vector_load_idx %arg11[%add3A_256] : memref<16000xf32, #tpu.memory_space<vmem>>[vector<16xi32>], vector<16xf32>,
      %add3A_258 = arith.addf %add3A_162, %gather3A_257 : vector<16xf32>
      %add3A_259 = arith.constant 2 : i32
      %add3A_260 = vector.broadcast %add3A_259 : i32 to vector<16xi32>
      %add3A_261 = arith.addi %mul3A_248, %add3A_260 : vector<16xi32>
      %gather3A_262 = tpu.vector_load_idx %arg11[%add3A_261] : memref<16000xf32, #tpu.memory_space<vmem>>[vector<16xi32>], vector<16xf32>,
      %add3A_263 = arith.addf %add3A_167, %gather3A_262 : vector<16xf32>
      %add3A_264 = arith.constant 3 : i32
      %add3A_265 = vector.broadcast %add3A_264 : i32 to vector<16xi32>
      %add3A_266 = arith.addi %mul3A_248, %add3A_265 : vector<16xi32>
      %gather3A_267 = tpu.vector_load_idx %arg11[%add3A_266] : memref<16000xf32, #tpu.memory_space<vmem>>[vector<16xi32>], vector<16xf32>,
      %add3A_268 = arith.addf %add3A_172, %gather3A_267 : vector<16xf32>
      %add3A_269 = arith.constant 4 : i32
      %add3A_270 = vector.broadcast %add3A_269 : i32 to vector<16xi32>
      %add3A_271 = arith.addi %mul3A_248, %add3A_270 : vector<16xi32>
      %gather3A_272 = tpu.vector_load_idx %arg11[%add3A_271] : memref<16000xf32, #tpu.memory_space<vmem>>[vector<16xi32>], vector<16xf32>,
      %add3A_273 = arith.addf %add3A_177, %gather3A_272 : vector<16xf32>
      %add3A_274 = arith.constant 5 : i32
      %add3A_275 = vector.broadcast %add3A_274 : i32 to vector<16xi32>
      %add3A_276 = arith.addi %mul3A_248, %add3A_275 : vector<16xi32>
      %gather3A_277 = tpu.vector_load_idx %arg11[%add3A_276] : memref<16000xf32, #tpu.memory_space<vmem>>[vector<16xi32>], vector<16xf32>,
      %add3A_278 = arith.addf %add3A_182, %gather3A_277 : vector<16xf32>
      %add3A_279 = arith.constant 6 : i32
      %add3A_280 = vector.broadcast %add3A_279 : i32 to vector<16xi32>
      %add3A_281 = arith.addi %mul3A_248, %add3A_280 : vector<16xi32>
      %gather3A_282 = tpu.vector_load_idx %arg11[%add3A_281] : memref<16000xf32, #tpu.memory_space<vmem>>[vector<16xi32>], vector<16xf32>,
      %add3A_283 = arith.addf %add3A_187, %gather3A_282 : vector<16xf32>
      %add3A_284 = arith.constant 7 : i32
      %add3A_285 = vector.broadcast %add3A_284 : i32 to vector<16xi32>
      %add3A_286 = arith.addi %mul3A_248, %add3A_285 : vector<16xi32>
      %gather3A_287 = tpu.vector_load_idx %arg11[%add3A_286] : memref<16000xf32, #tpu.memory_space<vmem>>[vector<16xi32>], vector<16xf32>,
      %add3A_288 = arith.addf %add3A_192, %gather3A_287 : vector<16xf32>
      %add3A_289 = arith.constant 8 : i32
      %add3A_290 = vector.broadcast %add3A_289 : i32 to vector<16xi32>
      %add3A_291 = arith.addi %mul3A_248, %add3A_290 : vector<16xi32>
      %gather3A_292 = tpu.vector_load_idx %arg11[%add3A_291] : memref<16000xf32, #tpu.memory_space<vmem>>[vector<16xi32>], vector<16xf32>,
      %add3A_293 = arith.addf %add3A_197, %gather3A_292 : vector<16xf32>
      %add3A_294 = arith.constant 9 : i32
      %add3A_295 = vector.broadcast %add3A_294 : i32 to vector<16xi32>
      %add3A_296 = arith.addi %mul3A_248, %add3A_295 : vector<16xi32>
      %gather3A_297 = tpu.vector_load_idx %arg11[%add3A_296] : memref<16000xf32, #tpu.memory_space<vmem>>[vector<16xi32>], vector<16xf32>,
      %add3A_298 = arith.addf %add3A_202, %gather3A_297 : vector<16xf32>
      %add3A_299 = arith.constant 10 : i32
      %add3A_300 = vector.broadcast %add3A_299 : i32 to vector<16xi32>
      %add3A_301 = arith.addi %mul3A_248, %add3A_300 : vector<16xi32>
      %gather3A_302 = tpu.vector_load_idx %arg11[%add3A_301] : memref<16000xf32, #tpu.memory_space<vmem>>[vector<16xi32>], vector<16xf32>,
      %add3A_303 = arith.addf %add3A_207, %gather3A_302 : vector<16xf32>
      %add3A_304 = arith.constant 11 : i32
      %add3A_305 = vector.broadcast %add3A_304 : i32 to vector<16xi32>
      %add3A_306 = arith.addi %mul3A_248, %add3A_305 : vector<16xi32>
      %gather3A_307 = tpu.vector_load_idx %arg11[%add3A_306] : memref<16000xf32, #tpu.memory_space<vmem>>[vector<16xi32>], vector<16xf32>,
      %add3A_308 = arith.addf %add3A_212, %gather3A_307 : vector<16xf32>
      %add3A_309 = arith.constant 12 : i32
      %add3A_310 = vector.broadcast %add3A_309 : i32 to vector<16xi32>
      %add3A_311 = arith.addi %mul3A_248, %add3A_310 : vector<16xi32>
      %gather3A_312 = tpu.vector_load_idx %arg11[%add3A_311] : memref<16000xf32, #tpu.memory_space<vmem>>[vector<16xi32>], vector<16xf32>,
      %add3A_313 = arith.addf %add3A_217, %gather3A_312 : vector<16xf32>
      %add3A_314 = arith.constant 13 : i32
      %add3A_315 = vector.broadcast %add3A_314 : i32 to vector<16xi32>
      %add3A_316 = arith.addi %mul3A_248, %add3A_315 : vector<16xi32>
      %gather3A_317 = tpu.vector_load_idx %arg11[%add3A_316] : memref<16000xf32, #tpu.memory_space<vmem>>[vector<16xi32>], vector<16xf32>,
      %add3A_318 = arith.addf %add3A_222, %gather3A_317 : vector<16xf32>
      %add3A_319 = arith.constant 14 : i32
      %add3A_320 = vector.broadcast %add3A_319 : i32 to vector<16xi32>
      %add3A_321 = arith.addi %mul3A_248, %add3A_320 : vector<16xi32>
      %gather3A_322 = tpu.vector_load_idx %arg11[%add3A_321] : memref<16000xf32, #tpu.memory_space<vmem>>[vector<16xi32>], vector<16xf32>,
      %add3A_323 = arith.addf %add3A_227, %gather3A_322 : vector<16xf32>
      %add3A_324 = arith.constant 15 : i32
      %add3A_325 = vector.broadcast %add3A_324 : i32 to vector<16xi32>
      %add3A_326 = arith.addi %mul3A_248, %add3A_325 : vector<16xi32>
      %gather3A_327 = tpu.vector_load_idx %arg11[%add3A_326] : memref<16000xf32, #tpu.memory_space<vmem>>[vector<16xi32>], vector<16xf32>,
      %add3A_328 = arith.addf %add3A_232, %gather3A_327 : vector<16xf32>
      %get3A_329 = arith.constant 3 : i32
      %get3A_330 = arith.index_cast %get3A_329 : i32 to index
      %get3A_331 = arith.index_cast %mul3A_12 : i32 to index
      %get3A_332 = tpu.vector_load %arg10[%get3A_330, %get3A_331] {strides = array<i32>} : memref<20x512xi32, #tpu.memory_space<vmem>>, vector<16xi32>,
      %ne3A_333 = arith.constant 0 : i32
      %ne3A_334 = vector.broadcast %ne3A_333 : i32 to vector<16xi32>
      %ne3A_335 = arith.cmpi ne, %get3A_332, %ne3A_334 : vector<16xi32>
      %jit3A_336 = arith.constant 1.000000e+00 : f32
      %jit3A_337 = arith.constant 0.000000e+00 : f32
      %broadcast_in_dim3A_338 = vector.broadcast %jit3A_336 : f32 to vector<16xf32>
      %broadcast_in_dim3A_339 = vector.broadcast %jit3A_337 : f32 to vector<16xf32>
      %select_n3A_340 = arith.select %ne3A_335, %broadcast_in_dim3A_338, %broadcast_in_dim3A_339 : vector<16xi1>, vector<16xf32>
      %add3A_341 = arith.addf %add3A_245, %select_n3A_340 : vector<16xf32>
      %mul3A_342 = arith.constant 16 : i32
      %mul3A_343 = vector.broadcast %mul3A_342 : i32 to vector<16xi32>
      %mul3A_344 = arith.muli %get3A_332, %mul3A_343 : vector<16xi32>
      %add3A_345 = arith.constant 0 : i32
      %add3A_346 = vector.broadcast %add3A_345 : i32 to vector<16xi32>
      %add3A_347 = arith.addi %mul3A_344, %add3A_346 : vector<16xi32>
      %gather3A_348 = tpu.vector_load_idx %arg11[%add3A_347] : memref<16000xf32, #tpu.memory_space<vmem>>[vector<16xi32>], vector<16xf32>,
      %add3A_349 = arith.addf %add3A_253, %gather3A_348 : vector<16xf32>
      %add3A_350 = arith.constant 1 : i32
      %add3A_351 = vector.broadcast %add3A_350 : i32 to vector<16xi32>
      %add3A_352 = arith.addi %mul3A_344, %add3A_351 : vector<16xi32>
      %gather3A_353 = tpu.vector_load_idx %arg11[%add3A_352] : memref<16000xf32, #tpu.memory_space<vmem>>[vector<16xi32>], vector<16xf32>,
      %add3A_354 = arith.addf %add3A_258, %gather3A_353 : vector<16xf32>
      %add3A_355 = arith.constant 2 : i32
      %add3A_356 = vector.broadcast %add3A_355 : i32 to vector<16xi32>
      %add3A_357 = arith.addi %mul3A_344, %add3A_356 : vector<16xi32>
      %gather3A_358 = tpu.vector_load_idx %arg11[%add3A_357] : memref<16000xf32, #tpu.memory_space<vmem>>[vector<16xi32>], vector<16xf32>,
      %add3A_359 = arith.addf %add3A_263, %gather3A_358 : vector<16xf32>
      %add3A_360 = arith.constant 3 : i32
      %add3A_361 = vector.broadcast %add3A_360 : i32 to vector<16xi32>
      %add3A_362 = arith.addi %mul3A_344, %add3A_361 : vector<16xi32>
      %gather3A_363 = tpu.vector_load_idx %arg11[%add3A_362] : memref<16000xf32, #tpu.memory_space<vmem>>[vector<16xi32>], vector<16xf32>,
      %add3A_364 = arith.addf %add3A_268, %gather3A_363 : vector<16xf32>
      %add3A_365 = arith.constant 4 : i32
      %add3A_366 = vector.broadcast %add3A_365 : i32 to vector<16xi32>
      %add3A_367 = arith.addi %mul3A_344, %add3A_366 : vector<16xi32>
      %gather3A_368 = tpu.vector_load_idx %arg11[%add3A_367] : memref<16000xf32, #tpu.memory_space<vmem>>[vector<16xi32>], vector<16xf32>,
      %add3A_369 = arith.addf %add3A_273, %gather3A_368 : vector<16xf32>
      %add3A_370 = arith.constant 5 : i32
      %add3A_371 = vector.broadcast %add3A_370 : i32 to vector<16xi32>
      %add3A_372 = arith.addi %mul3A_344, %add3A_371 : vector<16xi32>
      %gather3A_373 = tpu.vector_load_idx %arg11[%add3A_372] : memref<16000xf32, #tpu.memory_space<vmem>>[vector<16xi32>], vector<16xf32>,
      %add3A_374 = arith.addf %add3A_278, %gather3A_373 : vector<16xf32>
      %add3A_375 = arith.constant 6 : i32
      %add3A_376 = vector.broadcast %add3A_375 : i32 to vector<16xi32>
      %add3A_377 = arith.addi %mul3A_344, %add3A_376 : vector<16xi32>
      %gather3A_378 = tpu.vector_load_idx %arg11[%add3A_377] : memref<16000xf32, #tpu.memory_space<vmem>>[vector<16xi32>], vector<16xf32>,
      %add3A_379 = arith.addf %add3A_283, %gather3A_378 : vector<16xf32>
      %add3A_380 = arith.constant 7 : i32
      %add3A_381 = vector.broadcast %add3A_380 : i32 to vector<16xi32>
      %add3A_382 = arith.addi %mul3A_344, %add3A_381 : vector<16xi32>
      %gather3A_383 = tpu.vector_load_idx %arg11[%add3A_382] : memref<16000xf32, #tpu.memory_space<vmem>>[vector<16xi32>], vector<16xf32>,
      %add3A_384 = arith.addf %add3A_288, %gather3A_383 : vector<16xf32>
      %add3A_385 = arith.constant 8 : i32
      %add3A_386 = vector.broadcast %add3A_385 : i32 to vector<16xi32>
      %add3A_387 = arith.addi %mul3A_344, %add3A_386 : vector<16xi32>
      %gather3A_388 = tpu.vector_load_idx %arg11[%add3A_387] : memref<16000xf32, #tpu.memory_space<vmem>>[vector<16xi32>], vector<16xf32>,
      %add3A_389 = arith.addf %add3A_293, %gather3A_388 : vector<16xf32>
      %add3A_390 = arith.constant 9 : i32
      %add3A_391 = vector.broadcast %add3A_390 : i32 to vector<16xi32>
      %add3A_392 = arith.addi %mul3A_344, %add3A_391 : vector<16xi32>
      %gather3A_393 = tpu.vector_load_idx %arg11[%add3A_392] : memref<16000xf32, #tpu.memory_space<vmem>>[vector<16xi32>], vector<16xf32>,
      %add3A_394 = arith.addf %add3A_298, %gather3A_393 : vector<16xf32>
      %add3A_395 = arith.constant 10 : i32
      %add3A_396 = vector.broadcast %add3A_395 : i32 to vector<16xi32>
      %add3A_397 = arith.addi %mul3A_344, %add3A_396 : vector<16xi32>
      %gather3A_398 = tpu.vector_load_idx %arg11[%add3A_397] : memref<16000xf32, #tpu.memory_space<vmem>>[vector<16xi32>], vector<16xf32>,
      %add3A_399 = arith.addf %add3A_303, %gather3A_398 : vector<16xf32>
      %add3A_400 = arith.constant 11 : i32
      %add3A_401 = vector.broadcast %add3A_400 : i32 to vector<16xi32>
      %add3A_402 = arith.addi %mul3A_344, %add3A_401 : vector<16xi32>
      %gather3A_403 = tpu.vector_load_idx %arg11[%add3A_402] : memref<16000xf32, #tpu.memory_space<vmem>>[vector<16xi32>], vector<16xf32>,
      %add3A_404 = arith.addf %add3A_308, %gather3A_403 : vector<16xf32>
      %add3A_405 = arith.constant 12 : i32
      %add3A_406 = vector.broadcast %add3A_405 : i32 to vector<16xi32>
      %add3A_407 = arith.addi %mul3A_344, %add3A_406 : vector<16xi32>
      %gather3A_408 = tpu.vector_load_idx %arg11[%add3A_407] : memref<16000xf32, #tpu.memory_space<vmem>>[vector<16xi32>], vector<16xf32>,
      %add3A_409 = arith.addf %add3A_313, %gather3A_408 : vector<16xf32>
      %add3A_410 = arith.constant 13 : i32
      %add3A_411 = vector.broadcast %add3A_410 : i32 to vector<16xi32>
      %add3A_412 = arith.addi %mul3A_344, %add3A_411 : vector<16xi32>
      %gather3A_413 = tpu.vector_load_idx %arg11[%add3A_412] : memref<16000xf32, #tpu.memory_space<vmem>>[vector<16xi32>], vector<16xf32>,
      %add3A_414 = arith.addf %add3A_318, %gather3A_413 : vector<16xf32>
      %add3A_415 = arith.constant 14 : i32
      %add3A_416 = vector.broadcast %add3A_415 : i32 to vector<16xi32>
      %add3A_417 = arith.addi %mul3A_344, %add3A_416 : vector<16xi32>
      %gather3A_418 = tpu.vector_load_idx %arg11[%add3A_417] : memref<16000xf32, #tpu.memory_space<vmem>>[vector<16xi32>], vector<16xf32>,
      %add3A_419 = arith.addf %add3A_323, %gather3A_418 : vector<16xf32>
      %add3A_420 = arith.constant 15 : i32
      %add3A_421 = vector.broadcast %add3A_420 : i32 to vector<16xi32>
      %add3A_422 = arith.addi %mul3A_344, %add3A_421 : vector<16xi32>
      %gather3A_423 = tpu.vector_load_idx %arg11[%add3A_422] : memref<16000xf32, #tpu.memory_space<vmem>>[vector<16xi32>], vector<16xf32>,
      %add3A_424 = arith.addf %add3A_328, %gather3A_423 : vector<16xf32>
      %get3A_425 = arith.constant 4 : i32
      %get3A_426 = arith.index_cast %get3A_425 : i32 to index
      %get3A_427 = arith.index_cast %mul3A_12 : i32 to index
      %get3A_428 = tpu.vector_load %arg10[%get3A_426, %get3A_427] {strides = array<i32>} : memref<20x512xi32, #tpu.memory_space<vmem>>, vector<16xi32>,
      %ne3A_429 = arith.constant 0 : i32
      %ne3A_430 = vector.broadcast %ne3A_429 : i32 to vector<16xi32>
      %ne3A_431 = arith.cmpi ne, %get3A_428, %ne3A_430 : vector<16xi32>
      %jit3A_432 = arith.constant 1.000000e+00 : f32
      %jit3A_433 = arith.constant 0.000000e+00 : f32
      %broadcast_in_dim3A_434 = vector.broadcast %jit3A_432 : f32 to vector<16xf32>
      %broadcast_in_dim3A_435 = vector.broadcast %jit3A_433 : f32 to vector<16xf32>
      %select_n3A_436 = arith.select %ne3A_431, %broadcast_in_dim3A_434, %broadcast_in_dim3A_435 : vector<16xi1>, vector<16xf32>
      %add3A_437 = arith.addf %add3A_341, %select_n3A_436 : vector<16xf32>
      %mul3A_438 = arith.constant 16 : i32
      %mul3A_439 = vector.broadcast %mul3A_438 : i32 to vector<16xi32>
      %mul3A_440 = arith.muli %get3A_428, %mul3A_439 : vector<16xi32>
      %add3A_441 = arith.constant 0 : i32
      %add3A_442 = vector.broadcast %add3A_441 : i32 to vector<16xi32>
      %add3A_443 = arith.addi %mul3A_440, %add3A_442 : vector<16xi32>
      %gather3A_444 = tpu.vector_load_idx %arg11[%add3A_443] : memref<16000xf32, #tpu.memory_space<vmem>>[vector<16xi32>], vector<16xf32>,
      %add3A_445 = arith.addf %add3A_349, %gather3A_444 : vector<16xf32>
      %add3A_446 = arith.constant 1 : i32
      %add3A_447 = vector.broadcast %add3A_446 : i32 to vector<16xi32>
      %add3A_448 = arith.addi %mul3A_440, %add3A_447 : vector<16xi32>
      %gather3A_449 = tpu.vector_load_idx %arg11[%add3A_448] : memref<16000xf32, #tpu.memory_space<vmem>>[vector<16xi32>], vector<16xf32>,
      %add3A_450 = arith.addf %add3A_354, %gather3A_449 : vector<16xf32>
      %add3A_451 = arith.constant 2 : i32
      %add3A_452 = vector.broadcast %add3A_451 : i32 to vector<16xi32>
      %add3A_453 = arith.addi %mul3A_440, %add3A_452 : vector<16xi32>
      %gather3A_454 = tpu.vector_load_idx %arg11[%add3A_453] : memref<16000xf32, #tpu.memory_space<vmem>>[vector<16xi32>], vector<16xf32>,
      %add3A_455 = arith.addf %add3A_359, %gather3A_454 : vector<16xf32>
      %add3A_456 = arith.constant 3 : i32
      %add3A_457 = vector.broadcast %add3A_456 : i32 to vector<16xi32>
      %add3A_458 = arith.addi %mul3A_440, %add3A_457 : vector<16xi32>
      %gather3A_459 = tpu.vector_load_idx %arg11[%add3A_458] : memref<16000xf32, #tpu.memory_space<vmem>>[vector<16xi32>], vector<16xf32>,
      %add3A_460 = arith.addf %add3A_364, %gather3A_459 : vector<16xf32>
      %add3A_461 = arith.constant 4 : i32
      %add3A_462 = vector.broadcast %add3A_461 : i32 to vector<16xi32>
      %add3A_463 = arith.addi %mul3A_440, %add3A_462 : vector<16xi32>
      %gather3A_464 = tpu.vector_load_idx %arg11[%add3A_463] : memref<16000xf32, #tpu.memory_space<vmem>>[vector<16xi32>], vector<16xf32>,
      %add3A_465 = arith.addf %add3A_369, %gather3A_464 : vector<16xf32>
      %add3A_466 = arith.constant 5 : i32
      %add3A_467 = vector.broadcast %add3A_466 : i32 to vector<16xi32>
      %add3A_468 = arith.addi %mul3A_440, %add3A_467 : vector<16xi32>
      %gather3A_469 = tpu.vector_load_idx %arg11[%add3A_468] : memref<16000xf32, #tpu.memory_space<vmem>>[vector<16xi32>], vector<16xf32>,
      %add3A_470 = arith.addf %add3A_374, %gather3A_469 : vector<16xf32>
      %add3A_471 = arith.constant 6 : i32
      %add3A_472 = vector.broadcast %add3A_471 : i32 to vector<16xi32>
      %add3A_473 = arith.addi %mul3A_440, %add3A_472 : vector<16xi32>
      %gather3A_474 = tpu.vector_load_idx %arg11[%add3A_473] : memref<16000xf32, #tpu.memory_space<vmem>>[vector<16xi32>], vector<16xf32>,
      %add3A_475 = arith.addf %add3A_379, %gather3A_474 : vector<16xf32>
      %add3A_476 = arith.constant 7 : i32
      %add3A_477 = vector.broadcast %add3A_476 : i32 to vector<16xi32>
      %add3A_478 = arith.addi %mul3A_440, %add3A_477 : vector<16xi32>
      %gather3A_479 = tpu.vector_load_idx %arg11[%add3A_478] : memref<16000xf32, #tpu.memory_space<vmem>>[vector<16xi32>], vector<16xf32>,
      %add3A_480 = arith.addf %add3A_384, %gather3A_479 : vector<16xf32>
      %add3A_481 = arith.constant 8 : i32
      %add3A_482 = vector.broadcast %add3A_481 : i32 to vector<16xi32>
      %add3A_483 = arith.addi %mul3A_440, %add3A_482 : vector<16xi32>
      %gather3A_484 = tpu.vector_load_idx %arg11[%add3A_483] : memref<16000xf32, #tpu.memory_space<vmem>>[vector<16xi32>], vector<16xf32>,
      %add3A_485 = arith.addf %add3A_389, %gather3A_484 : vector<16xf32>
      %add3A_486 = arith.constant 9 : i32
      %add3A_487 = vector.broadcast %add3A_486 : i32 to vector<16xi32>
      %add3A_488 = arith.addi %mul3A_440, %add3A_487 : vector<16xi32>
      %gather3A_489 = tpu.vector_load_idx %arg11[%add3A_488] : memref<16000xf32, #tpu.memory_space<vmem>>[vector<16xi32>], vector<16xf32>,
      %add3A_490 = arith.addf %add3A_394, %gather3A_489 : vector<16xf32>
      %add3A_491 = arith.constant 10 : i32
      %add3A_492 = vector.broadcast %add3A_491 : i32 to vector<16xi32>
      %add3A_493 = arith.addi %mul3A_440, %add3A_492 : vector<16xi32>
      %gather3A_494 = tpu.vector_load_idx %arg11[%add3A_493] : memref<16000xf32, #tpu.memory_space<vmem>>[vector<16xi32>], vector<16xf32>,
      %add3A_495 = arith.addf %add3A_399, %gather3A_494 : vector<16xf32>
      %add3A_496 = arith.constant 11 : i32
      %add3A_497 = vector.broadcast %add3A_496 : i32 to vector<16xi32>
      %add3A_498 = arith.addi %mul3A_440, %add3A_497 : vector<16xi32>
      %gather3A_499 = tpu.vector_load_idx %arg11[%add3A_498] : memref<16000xf32, #tpu.memory_space<vmem>>[vector<16xi32>], vector<16xf32>,
      %add3A_500 = arith.addf %add3A_404, %gather3A_499 : vector<16xf32>
      %add3A_501 = arith.constant 12 : i32
      %add3A_502 = vector.broadcast %add3A_501 : i32 to vector<16xi32>
      %add3A_503 = arith.addi %mul3A_440, %add3A_502 : vector<16xi32>
      %gather3A_504 = tpu.vector_load_idx %arg11[%add3A_503] : memref<16000xf32, #tpu.memory_space<vmem>>[vector<16xi32>], vector<16xf32>,
      %add3A_505 = arith.addf %add3A_409, %gather3A_504 : vector<16xf32>
      %add3A_506 = arith.constant 13 : i32
      %add3A_507 = vector.broadcast %add3A_506 : i32 to vector<16xi32>
      %add3A_508 = arith.addi %mul3A_440, %add3A_507 : vector<16xi32>
      %gather3A_509 = tpu.vector_load_idx %arg11[%add3A_508] : memref<16000xf32, #tpu.memory_space<vmem>>[vector<16xi32>], vector<16xf32>,
      %add3A_510 = arith.addf %add3A_414, %gather3A_509 : vector<16xf32>
      %add3A_511 = arith.constant 14 : i32
      %add3A_512 = vector.broadcast %add3A_511 : i32 to vector<16xi32>
      %add3A_513 = arith.addi %mul3A_440, %add3A_512 : vector<16xi32>
      %gather3A_514 = tpu.vector_load_idx %arg11[%add3A_513] : memref<16000xf32, #tpu.memory_space<vmem>>[vector<16xi32>], vector<16xf32>,
      %add3A_515 = arith.addf %add3A_419, %gather3A_514 : vector<16xf32>
      %add3A_516 = arith.constant 15 : i32
      %add3A_517 = vector.broadcast %add3A_516 : i32 to vector<16xi32>
      %add3A_518 = arith.addi %mul3A_440, %add3A_517 : vector<16xi32>
      %gather3A_519 = tpu.vector_load_idx %arg11[%add3A_518] : memref<16000xf32, #tpu.memory_space<vmem>>[vector<16xi32>], vector<16xf32>,
      %add3A_520 = arith.addf %add3A_424, %gather3A_519 : vector<16xf32>
      %get3A_521 = arith.constant 5 : i32
      %get3A_522 = arith.index_cast %get3A_521 : i32 to index
      %get3A_523 = arith.index_cast %mul3A_12 : i32 to index
      %get3A_524 = tpu.vector_load %arg10[%get3A_522, %get3A_523] {strides = array<i32>} : memref<20x512xi32, #tpu.memory_space<vmem>>, vector<16xi32>,
      %ne3A_525 = arith.constant 0 : i32
      %ne3A_526 = vector.broadcast %ne3A_525 : i32 to vector<16xi32>
      %ne3A_527 = arith.cmpi ne, %get3A_524, %ne3A_526 : vector<16xi32>
      %jit3A_528 = arith.constant 1.000000e+00 : f32
      %jit3A_529 = arith.constant 0.000000e+00 : f32
      %broadcast_in_dim3A_530 = vector.broadcast %jit3A_528 : f32 to vector<16xf32>
      %broadcast_in_dim3A_531 = vector.broadcast %jit3A_529 : f32 to vector<16xf32>
      %select_n3A_532 = arith.select %ne3A_527, %broadcast_in_dim3A_530, %broadcast_in_dim3A_531 : vector<16xi1>, vector<16xf32>
      %add3A_533 = arith.addf %add3A_437, %select_n3A_532 : vector<16xf32>
      %mul3A_534 = arith.constant 16 : i32
      %mul3A_535 = vector.broadcast %mul3A_534 : i32 to vector<16xi32>
      %mul3A_536 = arith.muli %get3A_524, %mul3A_535 : vector<16xi32>
      %add3A_537 = arith.constant 0 : i32
      %add3A_538 = vector.broadcast %add3A_537 : i32 to vector<16xi32>
      %add3A_539 = arith.addi %mul3A_536, %add3A_538 : vector<16xi32>
      %gather3A_540 = tpu.vector_load_idx %arg11[%add3A_539] : memref<16000xf32, #tpu.memory_space<vmem>>[vector<16xi32>], vector<16xf32>,
      %add3A_541 = arith.addf %add3A_445, %gather3A_540 : vector<16xf32>
      %add3A_542 = arith.constant 1 : i32
      %add3A_543 = vector.broadcast %add3A_542 : i32 to vector<16xi32>
      %add3A_544 = arith.addi %mul3A_536, %add3A_543 : vector<16xi32>
      %gather3A_545 = tpu.vector_load_idx %arg11[%add3A_544] : memref<16000xf32, #tpu.memory_space<vmem>>[vector<16xi32>], vector<16xf32>,
      %add3A_546 = arith.addf %add3A_450, %gather3A_545 : vector<16xf32>
      %add3A_547 = arith.constant 2 : i32
      %add3A_548 = vector.broadcast %add3A_547 : i32 to vector<16xi32>
      %add3A_549 = arith.addi %mul3A_536, %add3A_548 : vector<16xi32>
      %gather3A_550 = tpu.vector_load_idx %arg11[%add3A_549] : memref<16000xf32, #tpu.memory_space<vmem>>[vector<16xi32>], vector<16xf32>,
      %add3A_551 = arith.addf %add3A_455, %gather3A_550 : vector<16xf32>
      %add3A_552 = arith.constant 3 : i32
      %add3A_553 = vector.broadcast %add3A_552 : i32 to vector<16xi32>
      %add3A_554 = arith.addi %mul3A_536, %add3A_553 : vector<16xi32>
      %gather3A_555 = tpu.vector_load_idx %arg11[%add3A_554] : memref<16000xf32, #tpu.memory_space<vmem>>[vector<16xi32>], vector<16xf32>,
      %add3A_556 = arith.addf %add3A_460, %gather3A_555 : vector<16xf32>
      %add3A_557 = arith.constant 4 : i32
      %add3A_558 = vector.broadcast %add3A_557 : i32 to vector<16xi32>
      %add3A_559 = arith.addi %mul3A_536, %add3A_558 : vector<16xi32>
      %gather3A_560 = tpu.vector_load_idx %arg11[%add3A_559] : memref<16000xf32, #tpu.memory_space<vmem>>[vector<16xi32>], vector<16xf32>,
      %add3A_561 = arith.addf %add3A_465, %gather3A_560 : vector<16xf32>
      %add3A_562 = arith.constant 5 : i32
      %add3A_563 = vector.broadcast %add3A_562 : i32 to vector<16xi32>
      %add3A_564 = arith.addi %mul3A_536, %add3A_563 : vector<16xi32>
      %gather3A_565 = tpu.vector_load_idx %arg11[%add3A_564] : memref<16000xf32, #tpu.memory_space<vmem>>[vector<16xi32>], vector<16xf32>,
      %add3A_566 = arith.addf %add3A_470, %gather3A_565 : vector<16xf32>
      %add3A_567 = arith.constant 6 : i32
      %add3A_568 = vector.broadcast %add3A_567 : i32 to vector<16xi32>
      %add3A_569 = arith.addi %mul3A_536, %add3A_568 : vector<16xi32>
      %gather3A_570 = tpu.vector_load_idx %arg11[%add3A_569] : memref<16000xf32, #tpu.memory_space<vmem>>[vector<16xi32>], vector<16xf32>,
      %add3A_571 = arith.addf %add3A_475, %gather3A_570 : vector<16xf32>
      %add3A_572 = arith.constant 7 : i32
      %add3A_573 = vector.broadcast %add3A_572 : i32 to vector<16xi32>
      %add3A_574 = arith.addi %mul3A_536, %add3A_573 : vector<16xi32>
      %gather3A_575 = tpu.vector_load_idx %arg11[%add3A_574] : memref<16000xf32, #tpu.memory_space<vmem>>[vector<16xi32>], vector<16xf32>,
      %add3A_576 = arith.addf %add3A_480, %gather3A_575 : vector<16xf32>
      %add3A_577 = arith.constant 8 : i32
      %add3A_578 = vector.broadcast %add3A_577 : i32 to vector<16xi32>
      %add3A_579 = arith.addi %mul3A_536, %add3A_578 : vector<16xi32>
      %gather3A_580 = tpu.vector_load_idx %arg11[%add3A_579] : memref<16000xf32, #tpu.memory_space<vmem>>[vector<16xi32>], vector<16xf32>,
      %add3A_581 = arith.addf %add3A_485, %gather3A_580 : vector<16xf32>
      %add3A_582 = arith.constant 9 : i32
      %add3A_583 = vector.broadcast %add3A_582 : i32 to vector<16xi32>
      %add3A_584 = arith.addi %mul3A_536, %add3A_583 : vector<16xi32>
      %gather3A_585 = tpu.vector_load_idx %arg11[%add3A_584] : memref<16000xf32, #tpu.memory_space<vmem>>[vector<16xi32>], vector<16xf32>,
      %add3A_586 = arith.addf %add3A_490, %gather3A_585 : vector<16xf32>
      %add3A_587 = arith.constant 10 : i32
      %add3A_588 = vector.broadcast %add3A_587 : i32 to vector<16xi32>
      %add3A_589 = arith.addi %mul3A_536, %add3A_588 : vector<16xi32>
      %gather3A_590 = tpu.vector_load_idx %arg11[%add3A_589] : memref<16000xf32, #tpu.memory_space<vmem>>[vector<16xi32>], vector<16xf32>,
      %add3A_591 = arith.addf %add3A_495, %gather3A_590 : vector<16xf32>
      %add3A_592 = arith.constant 11 : i32
      %add3A_593 = vector.broadcast %add3A_592 : i32 to vector<16xi32>
      %add3A_594 = arith.addi %mul3A_536, %add3A_593 : vector<16xi32>
      %gather3A_595 = tpu.vector_load_idx %arg11[%add3A_594] : memref<16000xf32, #tpu.memory_space<vmem>>[vector<16xi32>], vector<16xf32>,
      %add3A_596 = arith.addf %add3A_500, %gather3A_595 : vector<16xf32>
      %add3A_597 = arith.constant 12 : i32
      %add3A_598 = vector.broadcast %add3A_597 : i32 to vector<16xi32>
      %add3A_599 = arith.addi %mul3A_536, %add3A_598 : vector<16xi32>
      %gather3A_600 = tpu.vector_load_idx %arg11[%add3A_599] : memref<16000xf32, #tpu.memory_space<vmem>>[vector<16xi32>], vector<16xf32>,
      %add3A_601 = arith.addf %add3A_505, %gather3A_600 : vector<16xf32>
      %add3A_602 = arith.constant 13 : i32
      %add3A_603 = vector.broadcast %add3A_602 : i32 to vector<16xi32>
      %add3A_604 = arith.addi %mul3A_536, %add3A_603 : vector<16xi32>
      %gather3A_605 = tpu.vector_load_idx %arg11[%add3A_604] : memref<16000xf32, #tpu.memory_space<vmem>>[vector<16xi32>], vector<16xf32>,
      %add3A_606 = arith.addf %add3A_510, %gather3A_605 : vector<16xf32>
      %add3A_607 = arith.constant 14 : i32
      %add3A_608 = vector.broadcast %add3A_607 : i32 to vector<16xi32>
      %add3A_609 = arith.addi %mul3A_536, %add3A_608 : vector<16xi32>
      %gather3A_610 = tpu.vector_load_idx %arg11[%add3A_609] : memref<16000xf32, #tpu.memory_space<vmem>>[vector<16xi32>], vector<16xf32>,
      %add3A_611 = arith.addf %add3A_515, %gather3A_610 : vector<16xf32>
      %add3A_612 = arith.constant 15 : i32
      %add3A_613 = vector.broadcast %add3A_612 : i32 to vector<16xi32>
      %add3A_614 = arith.addi %mul3A_536, %add3A_613 : vector<16xi32>
      %gather3A_615 = tpu.vector_load_idx %arg11[%add3A_614] : memref<16000xf32, #tpu.memory_space<vmem>>[vector<16xi32>], vector<16xf32>,
      %add3A_616 = arith.addf %add3A_520, %gather3A_615 : vector<16xf32>
      %get3A_617 = arith.constant 6 : i32
      %get3A_618 = arith.index_cast %get3A_617 : i32 to index
      %get3A_619 = arith.index_cast %mul3A_12 : i32 to index
      %get3A_620 = tpu.vector_load %arg10[%get3A_618, %get3A_619] {strides = array<i32>} : memref<20x512xi32, #tpu.memory_space<vmem>>, vector<16xi32>,
      %ne3A_621 = arith.constant 0 : i32
      %ne3A_622 = vector.broadcast %ne3A_621 : i32 to vector<16xi32>
      %ne3A_623 = arith.cmpi ne, %get3A_620, %ne3A_622 : vector<16xi32>
      %jit3A_624 = arith.constant 1.000000e+00 : f32
      %jit3A_625 = arith.constant 0.000000e+00 : f32
      %broadcast_in_dim3A_626 = vector.broadcast %jit3A_624 : f32 to vector<16xf32>
      %broadcast_in_dim3A_627 = vector.broadcast %jit3A_625 : f32 to vector<16xf32>
      %select_n3A_628 = arith.select %ne3A_623, %broadcast_in_dim3A_626, %broadcast_in_dim3A_627 : vector<16xi1>, vector<16xf32>
      %add3A_629 = arith.addf %add3A_533, %select_n3A_628 : vector<16xf32>
      %mul3A_630 = arith.constant 16 : i32
      %mul3A_631 = vector.broadcast %mul3A_630 : i32 to vector<16xi32>
      %mul3A_632 = arith.muli %get3A_620, %mul3A_631 : vector<16xi32>
      %add3A_633 = arith.constant 0 : i32
      %add3A_634 = vector.broadcast %add3A_633 : i32 to vector<16xi32>
      %add3A_635 = arith.addi %mul3A_632, %add3A_634 : vector<16xi32>
      %gather3A_636 = tpu.vector_load_idx %arg11[%add3A_635] : memref<16000xf32, #tpu.memory_space<vmem>>[vector<16xi32>], vector<16xf32>,
      %add3A_637 = arith.addf %add3A_541, %gather3A_636 : vector<16xf32>
      %add3A_638 = arith.constant 1 : i32
      %add3A_639 = vector.broadcast %add3A_638 : i32 to vector<16xi32>
      %add3A_640 = arith.addi %mul3A_632, %add3A_639 : vector<16xi32>
      %gather3A_641 = tpu.vector_load_idx %arg11[%add3A_640] : memref<16000xf32, #tpu.memory_space<vmem>>[vector<16xi32>], vector<16xf32>,
      %add3A_642 = arith.addf %add3A_546, %gather3A_641 : vector<16xf32>
      %add3A_643 = arith.constant 2 : i32
      %add3A_644 = vector.broadcast %add3A_643 : i32 to vector<16xi32>
      %add3A_645 = arith.addi %mul3A_632, %add3A_644 : vector<16xi32>
      %gather3A_646 = tpu.vector_load_idx %arg11[%add3A_645] : memref<16000xf32, #tpu.memory_space<vmem>>[vector<16xi32>], vector<16xf32>,
      %add3A_647 = arith.addf %add3A_551, %gather3A_646 : vector<16xf32>
      %add3A_648 = arith.constant 3 : i32
      %add3A_649 = vector.broadcast %add3A_648 : i32 to vector<16xi32>
      %add3A_650 = arith.addi %mul3A_632, %add3A_649 : vector<16xi32>
      %gather3A_651 = tpu.vector_load_idx %arg11[%add3A_650] : memref<16000xf32, #tpu.memory_space<vmem>>[vector<16xi32>], vector<16xf32>,
      %add3A_652 = arith.addf %add3A_556, %gather3A_651 : vector<16xf32>
      %add3A_653 = arith.constant 4 : i32
      %add3A_654 = vector.broadcast %add3A_653 : i32 to vector<16xi32>
      %add3A_655 = arith.addi %mul3A_632, %add3A_654 : vector<16xi32>
      %gather3A_656 = tpu.vector_load_idx %arg11[%add3A_655] : memref<16000xf32, #tpu.memory_space<vmem>>[vector<16xi32>], vector<16xf32>,
      %add3A_657 = arith.addf %add3A_561, %gather3A_656 : vector<16xf32>
      %add3A_658 = arith.constant 5 : i32
      %add3A_659 = vector.broadcast %add3A_658 : i32 to vector<16xi32>
      %add3A_660 = arith.addi %mul3A_632, %add3A_659 : vector<16xi32>
      %gather3A_661 = tpu.vector_load_idx %arg11[%add3A_660] : memref<16000xf32, #tpu.memory_space<vmem>>[vector<16xi32>], vector<16xf32>,
      %add3A_662 = arith.addf %add3A_566, %gather3A_661 : vector<16xf32>
      %add3A_663 = arith.constant 6 : i32
      %add3A_664 = vector.broadcast %add3A_663 : i32 to vector<16xi32>
      %add3A_665 = arith.addi %mul3A_632, %add3A_664 : vector<16xi32>
      %gather3A_666 = tpu.vector_load_idx %arg11[%add3A_665] : memref<16000xf32, #tpu.memory_space<vmem>>[vector<16xi32>], vector<16xf32>,
      %add3A_667 = arith.addf %add3A_571, %gather3A_666 : vector<16xf32>
      %add3A_668 = arith.constant 7 : i32
      %add3A_669 = vector.broadcast %add3A_668 : i32 to vector<16xi32>
      %add3A_670 = arith.addi %mul3A_632, %add3A_669 : vector<16xi32>
      %gather3A_671 = tpu.vector_load_idx %arg11[%add3A_670] : memref<16000xf32, #tpu.memory_space<vmem>>[vector<16xi32>], vector<16xf32>,
      %add3A_672 = arith.addf %add3A_576, %gather3A_671 : vector<16xf32>
      %add3A_673 = arith.constant 8 : i32
      %add3A_674 = vector.broadcast %add3A_673 : i32 to vector<16xi32>
      %add3A_675 = arith.addi %mul3A_632, %add3A_674 : vector<16xi32>
      %gather3A_676 = tpu.vector_load_idx %arg11[%add3A_675] : memref<16000xf32, #tpu.memory_space<vmem>>[vector<16xi32>], vector<16xf32>,
      %add3A_677 = arith.addf %add3A_581, %gather3A_676 : vector<16xf32>
      %add3A_678 = arith.constant 9 : i32
      %add3A_679 = vector.broadcast %add3A_678 : i32 to vector<16xi32>
      %add3A_680 = arith.addi %mul3A_632, %add3A_679 : vector<16xi32>
      %gather3A_681 = tpu.vector_load_idx %arg11[%add3A_680] : memref<16000xf32, #tpu.memory_space<vmem>>[vector<16xi32>], vector<16xf32>,
      %add3A_682 = arith.addf %add3A_586, %gather3A_681 : vector<16xf32>
      %add3A_683 = arith.constant 10 : i32
      %add3A_684 = vector.broadcast %add3A_683 : i32 to vector<16xi32>
      %add3A_685 = arith.addi %mul3A_632, %add3A_684 : vector<16xi32>
      %gather3A_686 = tpu.vector_load_idx %arg11[%add3A_685] : memref<16000xf32, #tpu.memory_space<vmem>>[vector<16xi32>], vector<16xf32>,
      %add3A_687 = arith.addf %add3A_591, %gather3A_686 : vector<16xf32>
      %add3A_688 = arith.constant 11 : i32
      %add3A_689 = vector.broadcast %add3A_688 : i32 to vector<16xi32>
      %add3A_690 = arith.addi %mul3A_632, %add3A_689 : vector<16xi32>
      %gather3A_691 = tpu.vector_load_idx %arg11[%add3A_690] : memref<16000xf32, #tpu.memory_space<vmem>>[vector<16xi32>], vector<16xf32>,
      %add3A_692 = arith.addf %add3A_596, %gather3A_691 : vector<16xf32>
      %add3A_693 = arith.constant 12 : i32
      %add3A_694 = vector.broadcast %add3A_693 : i32 to vector<16xi32>
      %add3A_695 = arith.addi %mul3A_632, %add3A_694 : vector<16xi32>
      %gather3A_696 = tpu.vector_load_idx %arg11[%add3A_695] : memref<16000xf32, #tpu.memory_space<vmem>>[vector<16xi32>], vector<16xf32>,
      %add3A_697 = arith.addf %add3A_601, %gather3A_696 : vector<16xf32>
      %add3A_698 = arith.constant 13 : i32
      %add3A_699 = vector.broadcast %add3A_698 : i32 to vector<16xi32>
      %add3A_700 = arith.addi %mul3A_632, %add3A_699 : vector<16xi32>
      %gather3A_701 = tpu.vector_load_idx %arg11[%add3A_700] : memref<16000xf32, #tpu.memory_space<vmem>>[vector<16xi32>], vector<16xf32>,
      %add3A_702 = arith.addf %add3A_606, %gather3A_701 : vector<16xf32>
      %add3A_703 = arith.constant 14 : i32
      %add3A_704 = vector.broadcast %add3A_703 : i32 to vector<16xi32>
      %add3A_705 = arith.addi %mul3A_632, %add3A_704 : vector<16xi32>
      %gather3A_706 = tpu.vector_load_idx %arg11[%add3A_705] : memref<16000xf32, #tpu.memory_space<vmem>>[vector<16xi32>], vector<16xf32>,
      %add3A_707 = arith.addf %add3A_611, %gather3A_706 : vector<16xf32>
      %add3A_708 = arith.constant 15 : i32
      %add3A_709 = vector.broadcast %add3A_708 : i32 to vector<16xi32>
      %add3A_710 = arith.addi %mul3A_632, %add3A_709 : vector<16xi32>
      %gather3A_711 = tpu.vector_load_idx %arg11[%add3A_710] : memref<16000xf32, #tpu.memory_space<vmem>>[vector<16xi32>], vector<16xf32>,
      %add3A_712 = arith.addf %add3A_616, %gather3A_711 : vector<16xf32>
      %get3A_713 = arith.constant 7 : i32
      %get3A_714 = arith.index_cast %get3A_713 : i32 to index
      %get3A_715 = arith.index_cast %mul3A_12 : i32 to index
      %get3A_716 = tpu.vector_load %arg10[%get3A_714, %get3A_715] {strides = array<i32>} : memref<20x512xi32, #tpu.memory_space<vmem>>, vector<16xi32>,
      %ne3A_717 = arith.constant 0 : i32
      %ne3A_718 = vector.broadcast %ne3A_717 : i32 to vector<16xi32>
      %ne3A_719 = arith.cmpi ne, %get3A_716, %ne3A_718 : vector<16xi32>
      %jit3A_720 = arith.constant 1.000000e+00 : f32
      %jit3A_721 = arith.constant 0.000000e+00 : f32
      %broadcast_in_dim3A_722 = vector.broadcast %jit3A_720 : f32 to vector<16xf32>
      %broadcast_in_dim3A_723 = vector.broadcast %jit3A_721 : f32 to vector<16xf32>
      %select_n3A_724 = arith.select %ne3A_719, %broadcast_in_dim3A_722, %broadcast_in_dim3A_723 : vector<16xi1>, vector<16xf32>
      %add3A_725 = arith.addf %add3A_629, %select_n3A_724 : vector<16xf32>
      %mul3A_726 = arith.constant 16 : i32
      %mul3A_727 = vector.broadcast %mul3A_726 : i32 to vector<16xi32>
      %mul3A_728 = arith.muli %get3A_716, %mul3A_727 : vector<16xi32>
      %add3A_729 = arith.constant 0 : i32
      %add3A_730 = vector.broadcast %add3A_729 : i32 to vector<16xi32>
      %add3A_731 = arith.addi %mul3A_728, %add3A_730 : vector<16xi32>
      %gather3A_732 = tpu.vector_load_idx %arg11[%add3A_731] : memref<16000xf32, #tpu.memory_space<vmem>>[vector<16xi32>], vector<16xf32>,
      %add3A_733 = arith.addf %add3A_637, %gather3A_732 : vector<16xf32>
      %add3A_734 = arith.constant 1 : i32
      %add3A_735 = vector.broadcast %add3A_734 : i32 to vector<16xi32>
      %add3A_736 = arith.addi %mul3A_728, %add3A_735 : vector<16xi32>
      %gather3A_737 = tpu.vector_load_idx %arg11[%add3A_736] : memref<16000xf32, #tpu.memory_space<vmem>>[vector<16xi32>], vector<16xf32>,
      %add3A_738 = arith.addf %add3A_642, %gather3A_737 : vector<16xf32>
      %add3A_739 = arith.constant 2 : i32
      %add3A_740 = vector.broadcast %add3A_739 : i32 to vector<16xi32>
      %add3A_741 = arith.addi %mul3A_728, %add3A_740 : vector<16xi32>
      %gather3A_742 = tpu.vector_load_idx %arg11[%add3A_741] : memref<16000xf32, #tpu.memory_space<vmem>>[vector<16xi32>], vector<16xf32>,
      %add3A_743 = arith.addf %add3A_647, %gather3A_742 : vector<16xf32>
      %add3A_744 = arith.constant 3 : i32
      %add3A_745 = vector.broadcast %add3A_744 : i32 to vector<16xi32>
      %add3A_746 = arith.addi %mul3A_728, %add3A_745 : vector<16xi32>
      %gather3A_747 = tpu.vector_load_idx %arg11[%add3A_746] : memref<16000xf32, #tpu.memory_space<vmem>>[vector<16xi32>], vector<16xf32>,
      %add3A_748 = arith.addf %add3A_652, %gather3A_747 : vector<16xf32>
      %add3A_749 = arith.constant 4 : i32
      %add3A_750 = vector.broadcast %add3A_749 : i32 to vector<16xi32>
      %add3A_751 = arith.addi %mul3A_728, %add3A_750 : vector<16xi32>
      %gather3A_752 = tpu.vector_load_idx %arg11[%add3A_751] : memref<16000xf32, #tpu.memory_space<vmem>>[vector<16xi32>], vector<16xf32>,
      %add3A_753 = arith.addf %add3A_657, %gather3A_752 : vector<16xf32>
      %add3A_754 = arith.constant 5 : i32
      %add3A_755 = vector.broadcast %add3A_754 : i32 to vector<16xi32>
      %add3A_756 = arith.addi %mul3A_728, %add3A_755 : vector<16xi32>
      %gather3A_757 = tpu.vector_load_idx %arg11[%add3A_756] : memref<16000xf32, #tpu.memory_space<vmem>>[vector<16xi32>], vector<16xf32>,
      %add3A_758 = arith.addf %add3A_662, %gather3A_757 : vector<16xf32>
      %add3A_759 = arith.constant 6 : i32
      %add3A_760 = vector.broadcast %add3A_759 : i32 to vector<16xi32>
      %add3A_761 = arith.addi %mul3A_728, %add3A_760 : vector<16xi32>
      %gather3A_762 = tpu.vector_load_idx %arg11[%add3A_761] : memref<16000xf32, #tpu.memory_space<vmem>>[vector<16xi32>], vector<16xf32>,
      %add3A_763 = arith.addf %add3A_667, %gather3A_762 : vector<16xf32>
      %add3A_764 = arith.constant 7 : i32
      %add3A_765 = vector.broadcast %add3A_764 : i32 to vector<16xi32>
      %add3A_766 = arith.addi %mul3A_728, %add3A_765 : vector<16xi32>
      %gather3A_767 = tpu.vector_load_idx %arg11[%add3A_766] : memref<16000xf32, #tpu.memory_space<vmem>>[vector<16xi32>], vector<16xf32>,
      %add3A_768 = arith.addf %add3A_672, %gather3A_767 : vector<16xf32>
      %add3A_769 = arith.constant 8 : i32
      %add3A_770 = vector.broadcast %add3A_769 : i32 to vector<16xi32>
      %add3A_771 = arith.addi %mul3A_728, %add3A_770 : vector<16xi32>
      %gather3A_772 = tpu.vector_load_idx %arg11[%add3A_771] : memref<16000xf32, #tpu.memory_space<vmem>>[vector<16xi32>], vector<16xf32>,
      %add3A_773 = arith.addf %add3A_677, %gather3A_772 : vector<16xf32>
      %add3A_774 = arith.constant 9 : i32
      %add3A_775 = vector.broadcast %add3A_774 : i32 to vector<16xi32>
      %add3A_776 = arith.addi %mul3A_728, %add3A_775 : vector<16xi32>
      %gather3A_777 = tpu.vector_load_idx %arg11[%add3A_776] : memref<16000xf32, #tpu.memory_space<vmem>>[vector<16xi32>], vector<16xf32>,
      %add3A_778 = arith.addf %add3A_682, %gather3A_777 : vector<16xf32>
      %add3A_779 = arith.constant 10 : i32
      %add3A_780 = vector.broadcast %add3A_779 : i32 to vector<16xi32>
      %add3A_781 = arith.addi %mul3A_728, %add3A_780 : vector<16xi32>
      %gather3A_782 = tpu.vector_load_idx %arg11[%add3A_781] : memref<16000xf32, #tpu.memory_space<vmem>>[vector<16xi32>], vector<16xf32>,
      %add3A_783 = arith.addf %add3A_687, %gather3A_782 : vector<16xf32>
      %add3A_784 = arith.constant 11 : i32
      %add3A_785 = vector.broadcast %add3A_784 : i32 to vector<16xi32>
      %add3A_786 = arith.addi %mul3A_728, %add3A_785 : vector<16xi32>
      %gather3A_787 = tpu.vector_load_idx %arg11[%add3A_786] : memref<16000xf32, #tpu.memory_space<vmem>>[vector<16xi32>], vector<16xf32>,
      %add3A_788 = arith.addf %add3A_692, %gather3A_787 : vector<16xf32>
      %add3A_789 = arith.constant 12 : i32
      %add3A_790 = vector.broadcast %add3A_789 : i32 to vector<16xi32>
      %add3A_791 = arith.addi %mul3A_728, %add3A_790 : vector<16xi32>
      %gather3A_792 = tpu.vector_load_idx %arg11[%add3A_791] : memref<16000xf32, #tpu.memory_space<vmem>>[vector<16xi32>], vector<16xf32>,
      %add3A_793 = arith.addf %add3A_697, %gather3A_792 : vector<16xf32>
      %add3A_794 = arith.constant 13 : i32
      %add3A_795 = vector.broadcast %add3A_794 : i32 to vector<16xi32>
      %add3A_796 = arith.addi %mul3A_728, %add3A_795 : vector<16xi32>
      %gather3A_797 = tpu.vector_load_idx %arg11[%add3A_796] : memref<16000xf32, #tpu.memory_space<vmem>>[vector<16xi32>], vector<16xf32>,
      %add3A_798 = arith.addf %add3A_702, %gather3A_797 : vector<16xf32>
      %add3A_799 = arith.constant 14 : i32
      %add3A_800 = vector.broadcast %add3A_799 : i32 to vector<16xi32>
      %add3A_801 = arith.addi %mul3A_728, %add3A_800 : vector<16xi32>
      %gather3A_802 = tpu.vector_load_idx %arg11[%add3A_801] : memref<16000xf32, #tpu.memory_space<vmem>>[vector<16xi32>], vector<16xf32>,
      %add3A_803 = arith.addf %add3A_707, %gather3A_802 : vector<16xf32>
      %add3A_804 = arith.constant 15 : i32
      %add3A_805 = vector.broadcast %add3A_804 : i32 to vector<16xi32>
      %add3A_806 = arith.addi %mul3A_728, %add3A_805 : vector<16xi32>
      %gather3A_807 = tpu.vector_load_idx %arg11[%add3A_806] : memref<16000xf32, #tpu.memory_space<vmem>>[vector<16xi32>], vector<16xf32>,
      %add3A_808 = arith.addf %add3A_712, %gather3A_807 : vector<16xf32>
      %get3A_809 = arith.constant 8 : i32
      %get3A_810 = arith.index_cast %get3A_809 : i32 to index
      %get3A_811 = arith.index_cast %mul3A_12 : i32 to index
      %get3A_812 = tpu.vector_load %arg10[%get3A_810, %get3A_811] {strides = array<i32>} : memref<20x512xi32, #tpu.memory_space<vmem>>, vector<16xi32>,
      %ne3A_813 = arith.constant 0 : i32
      %ne3A_814 = vector.broadcast %ne3A_813 : i32 to vector<16xi32>
      %ne3A_815 = arith.cmpi ne, %get3A_812, %ne3A_814 : vector<16xi32>
      %jit3A_816 = arith.constant 1.000000e+00 : f32
      %jit3A_817 = arith.constant 0.000000e+00 : f32
      %broadcast_in_dim3A_818 = vector.broadcast %jit3A_816 : f32 to vector<16xf32>
      %broadcast_in_dim3A_819 = vector.broadcast %jit3A_817 : f32 to vector<16xf32>
      %select_n3A_820 = arith.select %ne3A_815, %broadcast_in_dim3A_818, %broadcast_in_dim3A_819 : vector<16xi1>, vector<16xf32>
      %add3A_821 = arith.addf %add3A_725, %select_n3A_820 : vector<16xf32>
      %mul3A_822 = arith.constant 16 : i32
      %mul3A_823 = vector.broadcast %mul3A_822 : i32 to vector<16xi32>
      %mul3A_824 = arith.muli %get3A_812, %mul3A_823 : vector<16xi32>
      %add3A_825 = arith.constant 0 : i32
      %add3A_826 = vector.broadcast %add3A_825 : i32 to vector<16xi32>
      %add3A_827 = arith.addi %mul3A_824, %add3A_826 : vector<16xi32>
      %gather3A_828 = tpu.vector_load_idx %arg11[%add3A_827] : memref<16000xf32, #tpu.memory_space<vmem>>[vector<16xi32>], vector<16xf32>,
      %add3A_829 = arith.addf %add3A_733, %gather3A_828 : vector<16xf32>
      %add3A_830 = arith.constant 1 : i32
      %add3A_831 = vector.broadcast %add3A_830 : i32 to vector<16xi32>
      %add3A_832 = arith.addi %mul3A_824, %add3A_831 : vector<16xi32>
      %gather3A_833 = tpu.vector_load_idx %arg11[%add3A_832] : memref<16000xf32, #tpu.memory_space<vmem>>[vector<16xi32>], vector<16xf32>,
      %add3A_834 = arith.addf %add3A_738, %gather3A_833 : vector<16xf32>
      %add3A_835 = arith.constant 2 : i32
      %add3A_836 = vector.broadcast %add3A_835 : i32 to vector<16xi32>
      %add3A_837 = arith.addi %mul3A_824, %add3A_836 : vector<16xi32>
      %gather3A_838 = tpu.vector_load_idx %arg11[%add3A_837] : memref<16000xf32, #tpu.memory_space<vmem>>[vector<16xi32>], vector<16xf32>,
      %add3A_839 = arith.addf %add3A_743, %gather3A_838 : vector<16xf32>
      %add3A_840 = arith.constant 3 : i32
      %add3A_841 = vector.broadcast %add3A_840 : i32 to vector<16xi32>
      %add3A_842 = arith.addi %mul3A_824, %add3A_841 : vector<16xi32>
      %gather3A_843 = tpu.vector_load_idx %arg11[%add3A_842] : memref<16000xf32, #tpu.memory_space<vmem>>[vector<16xi32>], vector<16xf32>,
      %add3A_844 = arith.addf %add3A_748, %gather3A_843 : vector<16xf32>
      %add3A_845 = arith.constant 4 : i32
      %add3A_846 = vector.broadcast %add3A_845 : i32 to vector<16xi32>
      %add3A_847 = arith.addi %mul3A_824, %add3A_846 : vector<16xi32>
      %gather3A_848 = tpu.vector_load_idx %arg11[%add3A_847] : memref<16000xf32, #tpu.memory_space<vmem>>[vector<16xi32>], vector<16xf32>,
      %add3A_849 = arith.addf %add3A_753, %gather3A_848 : vector<16xf32>
      %add3A_850 = arith.constant 5 : i32
      %add3A_851 = vector.broadcast %add3A_850 : i32 to vector<16xi32>
      %add3A_852 = arith.addi %mul3A_824, %add3A_851 : vector<16xi32>
      %gather3A_853 = tpu.vector_load_idx %arg11[%add3A_852] : memref<16000xf32, #tpu.memory_space<vmem>>[vector<16xi32>], vector<16xf32>,
      %add3A_854 = arith.addf %add3A_758, %gather3A_853 : vector<16xf32>
      %add3A_855 = arith.constant 6 : i32
      %add3A_856 = vector.broadcast %add3A_855 : i32 to vector<16xi32>
      %add3A_857 = arith.addi %mul3A_824, %add3A_856 : vector<16xi32>
      %gather3A_858 = tpu.vector_load_idx %arg11[%add3A_857] : memref<16000xf32, #tpu.memory_space<vmem>>[vector<16xi32>], vector<16xf32>,
      %add3A_859 = arith.addf %add3A_763, %gather3A_858 : vector<16xf32>
      %add3A_860 = arith.constant 7 : i32
      %add3A_861 = vector.broadcast %add3A_860 : i32 to vector<16xi32>
      %add3A_862 = arith.addi %mul3A_824, %add3A_861 : vector<16xi32>
      %gather3A_863 = tpu.vector_load_idx %arg11[%add3A_862] : memref<16000xf32, #tpu.memory_space<vmem>>[vector<16xi32>], vector<16xf32>,
      %add3A_864 = arith.addf %add3A_768, %gather3A_863 : vector<16xf32>
      %add3A_865 = arith.constant 8 : i32
      %add3A_866 = vector.broadcast %add3A_865 : i32 to vector<16xi32>
      %add3A_867 = arith.addi %mul3A_824, %add3A_866 : vector<16xi32>
      %gather3A_868 = tpu.vector_load_idx %arg11[%add3A_867] : memref<16000xf32, #tpu.memory_space<vmem>>[vector<16xi32>], vector<16xf32>,
      %add3A_869 = arith.addf %add3A_773, %gather3A_868 : vector<16xf32>
      %add3A_870 = arith.constant 9 : i32
      %add3A_871 = vector.broadcast %add3A_870 : i32 to vector<16xi32>
      %add3A_872 = arith.addi %mul3A_824, %add3A_871 : vector<16xi32>
      %gather3A_873 = tpu.vector_load_idx %arg11[%add3A_872] : memref<16000xf32, #tpu.memory_space<vmem>>[vector<16xi32>], vector<16xf32>,
      %add3A_874 = arith.addf %add3A_778, %gather3A_873 : vector<16xf32>
      %add3A_875 = arith.constant 10 : i32
      %add3A_876 = vector.broadcast %add3A_875 : i32 to vector<16xi32>
      %add3A_877 = arith.addi %mul3A_824, %add3A_876 : vector<16xi32>
      %gather3A_878 = tpu.vector_load_idx %arg11[%add3A_877] : memref<16000xf32, #tpu.memory_space<vmem>>[vector<16xi32>], vector<16xf32>,
      %add3A_879 = arith.addf %add3A_783, %gather3A_878 : vector<16xf32>
      %add3A_880 = arith.constant 11 : i32
      %add3A_881 = vector.broadcast %add3A_880 : i32 to vector<16xi32>
      %add3A_882 = arith.addi %mul3A_824, %add3A_881 : vector<16xi32>
      %gather3A_883 = tpu.vector_load_idx %arg11[%add3A_882] : memref<16000xf32, #tpu.memory_space<vmem>>[vector<16xi32>], vector<16xf32>,
      %add3A_884 = arith.addf %add3A_788, %gather3A_883 : vector<16xf32>
      %add3A_885 = arith.constant 12 : i32
      %add3A_886 = vector.broadcast %add3A_885 : i32 to vector<16xi32>
      %add3A_887 = arith.addi %mul3A_824, %add3A_886 : vector<16xi32>
      %gather3A_888 = tpu.vector_load_idx %arg11[%add3A_887] : memref<16000xf32, #tpu.memory_space<vmem>>[vector<16xi32>], vector<16xf32>,
      %add3A_889 = arith.addf %add3A_793, %gather3A_888 : vector<16xf32>
      %add3A_890 = arith.constant 13 : i32
      %add3A_891 = vector.broadcast %add3A_890 : i32 to vector<16xi32>
      %add3A_892 = arith.addi %mul3A_824, %add3A_891 : vector<16xi32>
      %gather3A_893 = tpu.vector_load_idx %arg11[%add3A_892] : memref<16000xf32, #tpu.memory_space<vmem>>[vector<16xi32>], vector<16xf32>,
      %add3A_894 = arith.addf %add3A_798, %gather3A_893 : vector<16xf32>
      %add3A_895 = arith.constant 14 : i32
      %add3A_896 = vector.broadcast %add3A_895 : i32 to vector<16xi32>
      %add3A_897 = arith.addi %mul3A_824, %add3A_896 : vector<16xi32>
      %gather3A_898 = tpu.vector_load_idx %arg11[%add3A_897] : memref<16000xf32, #tpu.memory_space<vmem>>[vector<16xi32>], vector<16xf32>,
      %add3A_899 = arith.addf %add3A_803, %gather3A_898 : vector<16xf32>
      %add3A_900 = arith.constant 15 : i32
      %add3A_901 = vector.broadcast %add3A_900 : i32 to vector<16xi32>
      %add3A_902 = arith.addi %mul3A_824, %add3A_901 : vector<16xi32>
      %gather3A_903 = tpu.vector_load_idx %arg11[%add3A_902] : memref<16000xf32, #tpu.memory_space<vmem>>[vector<16xi32>], vector<16xf32>,
      %add3A_904 = arith.addf %add3A_808, %gather3A_903 : vector<16xf32>
      %get3A_905 = arith.constant 9 : i32
      %get3A_906 = arith.index_cast %get3A_905 : i32 to index
      %get3A_907 = arith.index_cast %mul3A_12 : i32 to index
      %get3A_908 = tpu.vector_load %arg10[%get3A_906, %get3A_907] {strides = array<i32>} : memref<20x512xi32, #tpu.memory_space<vmem>>, vector<16xi32>,
      %ne3A_909 = arith.constant 0 : i32
      %ne3A_910 = vector.broadcast %ne3A_909 : i32 to vector<16xi32>
      %ne3A_911 = arith.cmpi ne, %get3A_908, %ne3A_910 : vector<16xi32>
      %jit3A_912 = arith.constant 1.000000e+00 : f32
      %jit3A_913 = arith.constant 0.000000e+00 : f32
      %broadcast_in_dim3A_914 = vector.broadcast %jit3A_912 : f32 to vector<16xf32>
      %broadcast_in_dim3A_915 = vector.broadcast %jit3A_913 : f32 to vector<16xf32>
      %select_n3A_916 = arith.select %ne3A_911, %broadcast_in_dim3A_914, %broadcast_in_dim3A_915 : vector<16xi1>, vector<16xf32>
      %add3A_917 = arith.addf %add3A_821, %select_n3A_916 : vector<16xf32>
      %mul3A_918 = arith.constant 16 : i32
      %mul3A_919 = vector.broadcast %mul3A_918 : i32 to vector<16xi32>
      %mul3A_920 = arith.muli %get3A_908, %mul3A_919 : vector<16xi32>
      %add3A_921 = arith.constant 0 : i32
      %add3A_922 = vector.broadcast %add3A_921 : i32 to vector<16xi32>
      %add3A_923 = arith.addi %mul3A_920, %add3A_922 : vector<16xi32>
      %gather3A_924 = tpu.vector_load_idx %arg11[%add3A_923] : memref<16000xf32, #tpu.memory_space<vmem>>[vector<16xi32>], vector<16xf32>,
      %add3A_925 = arith.addf %add3A_829, %gather3A_924 : vector<16xf32>
      %add3A_926 = arith.constant 1 : i32
      %add3A_927 = vector.broadcast %add3A_926 : i32 to vector<16xi32>
      %add3A_928 = arith.addi %mul3A_920, %add3A_927 : vector<16xi32>
      %gather3A_929 = tpu.vector_load_idx %arg11[%add3A_928] : memref<16000xf32, #tpu.memory_space<vmem>>[vector<16xi32>], vector<16xf32>,
      %add3A_930 = arith.addf %add3A_834, %gather3A_929 : vector<16xf32>
      %add3A_931 = arith.constant 2 : i32
      %add3A_932 = vector.broadcast %add3A_931 : i32 to vector<16xi32>
      %add3A_933 = arith.addi %mul3A_920, %add3A_932 : vector<16xi32>
      %gather3A_934 = tpu.vector_load_idx %arg11[%add3A_933] : memref<16000xf32, #tpu.memory_space<vmem>>[vector<16xi32>], vector<16xf32>,
      %add3A_935 = arith.addf %add3A_839, %gather3A_934 : vector<16xf32>
      %add3A_936 = arith.constant 3 : i32
      %add3A_937 = vector.broadcast %add3A_936 : i32 to vector<16xi32>
      %add3A_938 = arith.addi %mul3A_920, %add3A_937 : vector<16xi32>
      %gather3A_939 = tpu.vector_load_idx %arg11[%add3A_938] : memref<16000xf32, #tpu.memory_space<vmem>>[vector<16xi32>], vector<16xf32>,
      %add3A_940 = arith.addf %add3A_844, %gather3A_939 : vector<16xf32>
      %add3A_941 = arith.constant 4 : i32
      %add3A_942 = vector.broadcast %add3A_941 : i32 to vector<16xi32>
      %add3A_943 = arith.addi %mul3A_920, %add3A_942 : vector<16xi32>
      %gather3A_944 = tpu.vector_load_idx %arg11[%add3A_943] : memref<16000xf32, #tpu.memory_space<vmem>>[vector<16xi32>], vector<16xf32>,
      %add3A_945 = arith.addf %add3A_849, %gather3A_944 : vector<16xf32>
      %add3A_946 = arith.constant 5 : i32
      %add3A_947 = vector.broadcast %add3A_946 : i32 to vector<16xi32>
      %add3A_948 = arith.addi %mul3A_920, %add3A_947 : vector<16xi32>
      %gather3A_949 = tpu.vector_load_idx %arg11[%add3A_948] : memref<16000xf32, #tpu.memory_space<vmem>>[vector<16xi32>], vector<16xf32>,
      %add3A_950 = arith.addf %add3A_854, %gather3A_949 : vector<16xf32>
      %add3A_951 = arith.constant 6 : i32
      %add3A_952 = vector.broadcast %add3A_951 : i32 to vector<16xi32>
      %add3A_953 = arith.addi %mul3A_920, %add3A_952 : vector<16xi32>
      %gather3A_954 = tpu.vector_load_idx %arg11[%add3A_953] : memref<16000xf32, #tpu.memory_space<vmem>>[vector<16xi32>], vector<16xf32>,
      %add3A_955 = arith.addf %add3A_859, %gather3A_954 : vector<16xf32>
      %add3A_956 = arith.constant 7 : i32
      %add3A_957 = vector.broadcast %add3A_956 : i32 to vector<16xi32>
      %add3A_958 = arith.addi %mul3A_920, %add3A_957 : vector<16xi32>
      %gather3A_959 = tpu.vector_load_idx %arg11[%add3A_958] : memref<16000xf32, #tpu.memory_space<vmem>>[vector<16xi32>], vector<16xf32>,
      %add3A_960 = arith.addf %add3A_864, %gather3A_959 : vector<16xf32>
      %add3A_961 = arith.constant 8 : i32
      %add3A_962 = vector.broadcast %add3A_961 : i32 to vector<16xi32>
      %add3A_963 = arith.addi %mul3A_920, %add3A_962 : vector<16xi32>
      %gather3A_964 = tpu.vector_load_idx %arg11[%add3A_963] : memref<16000xf32, #tpu.memory_space<vmem>>[vector<16xi32>], vector<16xf32>,
      %add3A_965 = arith.addf %add3A_869, %gather3A_964 : vector<16xf32>
      %add3A_966 = arith.constant 9 : i32
      %add3A_967 = vector.broadcast %add3A_966 : i32 to vector<16xi32>
      %add3A_968 = arith.addi %mul3A_920, %add3A_967 : vector<16xi32>
      %gather3A_969 = tpu.vector_load_idx %arg11[%add3A_968] : memref<16000xf32, #tpu.memory_space<vmem>>[vector<16xi32>], vector<16xf32>,
      %add3A_970 = arith.addf %add3A_874, %gather3A_969 : vector<16xf32>
      %add3A_971 = arith.constant 10 : i32
      %add3A_972 = vector.broadcast %add3A_971 : i32 to vector<16xi32>
      %add3A_973 = arith.addi %mul3A_920, %add3A_972 : vector<16xi32>
      %gather3A_974 = tpu.vector_load_idx %arg11[%add3A_973] : memref<16000xf32, #tpu.memory_space<vmem>>[vector<16xi32>], vector<16xf32>,
      %add3A_975 = arith.addf %add3A_879, %gather3A_974 : vector<16xf32>
      %add3A_976 = arith.constant 11 : i32
      %add3A_977 = vector.broadcast %add3A_976 : i32 to vector<16xi32>
      %add3A_978 = arith.addi %mul3A_920, %add3A_977 : vector<16xi32>
      %gather3A_979 = tpu.vector_load_idx %arg11[%add3A_978] : memref<16000xf32, #tpu.memory_space<vmem>>[vector<16xi32>], vector<16xf32>,
      %add3A_980 = arith.addf %add3A_884, %gather3A_979 : vector<16xf32>
      %add3A_981 = arith.constant 12 : i32
      %add3A_982 = vector.broadcast %add3A_981 : i32 to vector<16xi32>
      %add3A_983 = arith.addi %mul3A_920, %add3A_982 : vector<16xi32>
      %gather3A_984 = tpu.vector_load_idx %arg11[%add3A_983] : memref<16000xf32, #tpu.memory_space<vmem>>[vector<16xi32>], vector<16xf32>,
      %add3A_985 = arith.addf %add3A_889, %gather3A_984 : vector<16xf32>
      %add3A_986 = arith.constant 13 : i32
      %add3A_987 = vector.broadcast %add3A_986 : i32 to vector<16xi32>
      %add3A_988 = arith.addi %mul3A_920, %add3A_987 : vector<16xi32>
      %gather3A_989 = tpu.vector_load_idx %arg11[%add3A_988] : memref<16000xf32, #tpu.memory_space<vmem>>[vector<16xi32>], vector<16xf32>,
      %add3A_990 = arith.addf %add3A_894, %gather3A_989 : vector<16xf32>
      %add3A_991 = arith.constant 14 : i32
      %add3A_992 = vector.broadcast %add3A_991 : i32 to vector<16xi32>
      %add3A_993 = arith.addi %mul3A_920, %add3A_992 : vector<16xi32>
      %gather3A_994 = tpu.vector_load_idx %arg11[%add3A_993] : memref<16000xf32, #tpu.memory_space<vmem>>[vector<16xi32>], vector<16xf32>,
      %add3A_995 = arith.addf %add3A_899, %gather3A_994 : vector<16xf32>
      %add3A_996 = arith.constant 15 : i32
      %add3A_997 = vector.broadcast %add3A_996 : i32 to vector<16xi32>
      %add3A_998 = arith.addi %mul3A_920, %add3A_997 : vector<16xi32>
      %gather3A_999 = tpu.vector_load_idx %arg11[%add3A_998] : memref<16000xf32, #tpu.memory_space<vmem>>[vector<16xi32>], vector<16xf32>,
      %add3A_1000 = arith.addf %add3A_904, %gather3A_999 : vector<16xf32>
      %get3A_1001 = arith.constant 10 : i32
      %get3A_1002 = arith.index_cast %get3A_1001 : i32 to index
      %get3A_1003 = arith.index_cast %mul3A_12 : i32 to index
      %get3A_1004 = tpu.vector_load %arg10[%get3A_1002, %get3A_1003] {strides = array<i32>} : memref<20x512xi32, #tpu.memory_space<vmem>>, vector<16xi32>,
      %ne3A_1005 = arith.constant 0 : i32
      %ne3A_1006 = vector.broadcast %ne3A_1005 : i32 to vector<16xi32>
      %ne3A_1007 = arith.cmpi ne, %get3A_1004, %ne3A_1006 : vector<16xi32>
      %jit3A_1008 = arith.constant 1.000000e+00 : f32
      %jit3A_1009 = arith.constant 0.000000e+00 : f32
      %broadcast_in_dim3A_1010 = vector.broadcast %jit3A_1008 : f32 to vector<16xf32>
      %broadcast_in_dim3A_1011 = vector.broadcast %jit3A_1009 : f32 to vector<16xf32>
      %select_n3A_1012 = arith.select %ne3A_1007, %broadcast_in_dim3A_1010, %broadcast_in_dim3A_1011 : vector<16xi1>, vector<16xf32>
      %add3A_1013 = arith.addf %add3A_917, %select_n3A_1012 : vector<16xf32>
      %mul3A_1014 = arith.constant 16 : i32
      %mul3A_1015 = vector.broadcast %mul3A_1014 : i32 to vector<16xi32>
      %mul3A_1016 = arith.muli %get3A_1004, %mul3A_1015 : vector<16xi32>
      %add3A_1017 = arith.constant 0 : i32
      %add3A_1018 = vector.broadcast %add3A_1017 : i32 to vector<16xi32>
      %add3A_1019 = arith.addi %mul3A_1016, %add3A_1018 : vector<16xi32>
      %gather3A_1020 = tpu.vector_load_idx %arg11[%add3A_1019] : memref<16000xf32, #tpu.memory_space<vmem>>[vector<16xi32>], vector<16xf32>,
      %add3A_1021 = arith.addf %add3A_925, %gather3A_1020 : vector<16xf32>
      %add3A_1022 = arith.constant 1 : i32
      %add3A_1023 = vector.broadcast %add3A_1022 : i32 to vector<16xi32>
      %add3A_1024 = arith.addi %mul3A_1016, %add3A_1023 : vector<16xi32>
      %gather3A_1025 = tpu.vector_load_idx %arg11[%add3A_1024] : memref<16000xf32, #tpu.memory_space<vmem>>[vector<16xi32>], vector<16xf32>,
      %add3A_1026 = arith.addf %add3A_930, %gather3A_1025 : vector<16xf32>
      %add3A_1027 = arith.constant 2 : i32
      %add3A_1028 = vector.broadcast %add3A_1027 : i32 to vector<16xi32>
      %add3A_1029 = arith.addi %mul3A_1016, %add3A_1028 : vector<16xi32>
      %gather3A_1030 = tpu.vector_load_idx %arg11[%add3A_1029] : memref<16000xf32, #tpu.memory_space<vmem>>[vector<16xi32>], vector<16xf32>,
      %add3A_1031 = arith.addf %add3A_935, %gather3A_1030 : vector<16xf32>
      %add3A_1032 = arith.constant 3 : i32
      %add3A_1033 = vector.broadcast %add3A_1032 : i32 to vector<16xi32>
      %add3A_1034 = arith.addi %mul3A_1016, %add3A_1033 : vector<16xi32>
      %gather3A_1035 = tpu.vector_load_idx %arg11[%add3A_1034] : memref<16000xf32, #tpu.memory_space<vmem>>[vector<16xi32>], vector<16xf32>,
      %add3A_1036 = arith.addf %add3A_940, %gather3A_1035 : vector<16xf32>
      %add3A_1037 = arith.constant 4 : i32
      %add3A_1038 = vector.broadcast %add3A_1037 : i32 to vector<16xi32>
      %add3A_1039 = arith.addi %mul3A_1016, %add3A_1038 : vector<16xi32>
      %gather3A_1040 = tpu.vector_load_idx %arg11[%add3A_1039] : memref<16000xf32, #tpu.memory_space<vmem>>[vector<16xi32>], vector<16xf32>,
      %add3A_1041 = arith.addf %add3A_945, %gather3A_1040 : vector<16xf32>
      %add3A_1042 = arith.constant 5 : i32
      %add3A_1043 = vector.broadcast %add3A_1042 : i32 to vector<16xi32>
      %add3A_1044 = arith.addi %mul3A_1016, %add3A_1043 : vector<16xi32>
      %gather3A_1045 = tpu.vector_load_idx %arg11[%add3A_1044] : memref<16000xf32, #tpu.memory_space<vmem>>[vector<16xi32>], vector<16xf32>,
      %add3A_1046 = arith.addf %add3A_950, %gather3A_1045 : vector<16xf32>
      %add3A_1047 = arith.constant 6 : i32
      %add3A_1048 = vector.broadcast %add3A_1047 : i32 to vector<16xi32>
      %add3A_1049 = arith.addi %mul3A_1016, %add3A_1048 : vector<16xi32>
      %gather3A_1050 = tpu.vector_load_idx %arg11[%add3A_1049] : memref<16000xf32, #tpu.memory_space<vmem>>[vector<16xi32>], vector<16xf32>,
      %add3A_1051 = arith.addf %add3A_955, %gather3A_1050 : vector<16xf32>
      %add3A_1052 = arith.constant 7 : i32
      %add3A_1053 = vector.broadcast %add3A_1052 : i32 to vector<16xi32>
      %add3A_1054 = arith.addi %mul3A_1016, %add3A_1053 : vector<16xi32>
      %gather3A_1055 = tpu.vector_load_idx %arg11[%add3A_1054] : memref<16000xf32, #tpu.memory_space<vmem>>[vector<16xi32>], vector<16xf32>,
      %add3A_1056 = arith.addf %add3A_960, %gather3A_1055 : vector<16xf32>
      %add3A_1057 = arith.constant 8 : i32
      %add3A_1058 = vector.broadcast %add3A_1057 : i32 to vector<16xi32>
      %add3A_1059 = arith.addi %mul3A_1016, %add3A_1058 : vector<16xi32>
      %gather3A_1060 = tpu.vector_load_idx %arg11[%add3A_1059] : memref<16000xf32, #tpu.memory_space<vmem>>[vector<16xi32>], vector<16xf32>,
      %add3A_1061 = arith.addf %add3A_965, %gather3A_1060 : vector<16xf32>
      %add3A_1062 = arith.constant 9 : i32
      %add3A_1063 = vector.broadcast %add3A_1062 : i32 to vector<16xi32>
      %add3A_1064 = arith.addi %mul3A_1016, %add3A_1063 : vector<16xi32>
      %gather3A_1065 = tpu.vector_load_idx %arg11[%add3A_1064] : memref<16000xf32, #tpu.memory_space<vmem>>[vector<16xi32>], vector<16xf32>,
      %add3A_1066 = arith.addf %add3A_970, %gather3A_1065 : vector<16xf32>
      %add3A_1067 = arith.constant 10 : i32
      %add3A_1068 = vector.broadcast %add3A_1067 : i32 to vector<16xi32>
      %add3A_1069 = arith.addi %mul3A_1016, %add3A_1068 : vector<16xi32>
      %gather3A_1070 = tpu.vector_load_idx %arg11[%add3A_1069] : memref<16000xf32, #tpu.memory_space<vmem>>[vector<16xi32>], vector<16xf32>,
      %add3A_1071 = arith.addf %add3A_975, %gather3A_1070 : vector<16xf32>
      %add3A_1072 = arith.constant 11 : i32
      %add3A_1073 = vector.broadcast %add3A_1072 : i32 to vector<16xi32>
      %add3A_1074 = arith.addi %mul3A_1016, %add3A_1073 : vector<16xi32>
      %gather3A_1075 = tpu.vector_load_idx %arg11[%add3A_1074] : memref<16000xf32, #tpu.memory_space<vmem>>[vector<16xi32>], vector<16xf32>,
      %add3A_1076 = arith.addf %add3A_980, %gather3A_1075 : vector<16xf32>
      %add3A_1077 = arith.constant 12 : i32
      %add3A_1078 = vector.broadcast %add3A_1077 : i32 to vector<16xi32>
      %add3A_1079 = arith.addi %mul3A_1016, %add3A_1078 : vector<16xi32>
      %gather3A_1080 = tpu.vector_load_idx %arg11[%add3A_1079] : memref<16000xf32, #tpu.memory_space<vmem>>[vector<16xi32>], vector<16xf32>,
      %add3A_1081 = arith.addf %add3A_985, %gather3A_1080 : vector<16xf32>
      %add3A_1082 = arith.constant 13 : i32
      %add3A_1083 = vector.broadcast %add3A_1082 : i32 to vector<16xi32>
      %add3A_1084 = arith.addi %mul3A_1016, %add3A_1083 : vector<16xi32>
      %gather3A_1085 = tpu.vector_load_idx %arg11[%add3A_1084] : memref<16000xf32, #tpu.memory_space<vmem>>[vector<16xi32>], vector<16xf32>,
      %add3A_1086 = arith.addf %add3A_990, %gather3A_1085 : vector<16xf32>
      %add3A_1087 = arith.constant 14 : i32
      %add3A_1088 = vector.broadcast %add3A_1087 : i32 to vector<16xi32>
      %add3A_1089 = arith.addi %mul3A_1016, %add3A_1088 : vector<16xi32>
      %gather3A_1090 = tpu.vector_load_idx %arg11[%add3A_1089] : memref<16000xf32, #tpu.memory_space<vmem>>[vector<16xi32>], vector<16xf32>,
      %add3A_1091 = arith.addf %add3A_995, %gather3A_1090 : vector<16xf32>
      %add3A_1092 = arith.constant 15 : i32
      %add3A_1093 = vector.broadcast %add3A_1092 : i32 to vector<16xi32>
      %add3A_1094 = arith.addi %mul3A_1016, %add3A_1093 : vector<16xi32>
      %gather3A_1095 = tpu.vector_load_idx %arg11[%add3A_1094] : memref<16000xf32, #tpu.memory_space<vmem>>[vector<16xi32>], vector<16xf32>,
      %add3A_1096 = arith.addf %add3A_1000, %gather3A_1095 : vector<16xf32>
      %get3A_1097 = arith.constant 11 : i32
      %get3A_1098 = arith.index_cast %get3A_1097 : i32 to index
      %get3A_1099 = arith.index_cast %mul3A_12 : i32 to index
      %get3A_1100 = tpu.vector_load %arg10[%get3A_1098, %get3A_1099] {strides = array<i32>} : memref<20x512xi32, #tpu.memory_space<vmem>>, vector<16xi32>,
      %ne3A_1101 = arith.constant 0 : i32
      %ne3A_1102 = vector.broadcast %ne3A_1101 : i32 to vector<16xi32>
      %ne3A_1103 = arith.cmpi ne, %get3A_1100, %ne3A_1102 : vector<16xi32>
      %jit3A_1104 = arith.constant 1.000000e+00 : f32
      %jit3A_1105 = arith.constant 0.000000e+00 : f32
      %broadcast_in_dim3A_1106 = vector.broadcast %jit3A_1104 : f32 to vector<16xf32>
      %broadcast_in_dim3A_1107 = vector.broadcast %jit3A_1105 : f32 to vector<16xf32>
      %select_n3A_1108 = arith.select %ne3A_1103, %broadcast_in_dim3A_1106, %broadcast_in_dim3A_1107 : vector<16xi1>, vector<16xf32>
      %add3A_1109 = arith.addf %add3A_1013, %select_n3A_1108 : vector<16xf32>
      %mul3A_1110 = arith.constant 16 : i32
      %mul3A_1111 = vector.broadcast %mul3A_1110 : i32 to vector<16xi32>
      %mul3A_1112 = arith.muli %get3A_1100, %mul3A_1111 : vector<16xi32>
      %add3A_1113 = arith.constant 0 : i32
      %add3A_1114 = vector.broadcast %add3A_1113 : i32 to vector<16xi32>
      %add3A_1115 = arith.addi %mul3A_1112, %add3A_1114 : vector<16xi32>
      %gather3A_1116 = tpu.vector_load_idx %arg11[%add3A_1115] : memref<16000xf32, #tpu.memory_space<vmem>>[vector<16xi32>], vector<16xf32>,
      %add3A_1117 = arith.addf %add3A_1021, %gather3A_1116 : vector<16xf32>
      %add3A_1118 = arith.constant 1 : i32
      %add3A_1119 = vector.broadcast %add3A_1118 : i32 to vector<16xi32>
      %add3A_1120 = arith.addi %mul3A_1112, %add3A_1119 : vector<16xi32>
      %gather3A_1121 = tpu.vector_load_idx %arg11[%add3A_1120] : memref<16000xf32, #tpu.memory_space<vmem>>[vector<16xi32>], vector<16xf32>,
      %add3A_1122 = arith.addf %add3A_1026, %gather3A_1121 : vector<16xf32>
      %add3A_1123 = arith.constant 2 : i32
      %add3A_1124 = vector.broadcast %add3A_1123 : i32 to vector<16xi32>
      %add3A_1125 = arith.addi %mul3A_1112, %add3A_1124 : vector<16xi32>
      %gather3A_1126 = tpu.vector_load_idx %arg11[%add3A_1125] : memref<16000xf32, #tpu.memory_space<vmem>>[vector<16xi32>], vector<16xf32>,
      %add3A_1127 = arith.addf %add3A_1031, %gather3A_1126 : vector<16xf32>
      %add3A_1128 = arith.constant 3 : i32
      %add3A_1129 = vector.broadcast %add3A_1128 : i32 to vector<16xi32>
      %add3A_1130 = arith.addi %mul3A_1112, %add3A_1129 : vector<16xi32>
      %gather3A_1131 = tpu.vector_load_idx %arg11[%add3A_1130] : memref<16000xf32, #tpu.memory_space<vmem>>[vector<16xi32>], vector<16xf32>,
      %add3A_1132 = arith.addf %add3A_1036, %gather3A_1131 : vector<16xf32>
      %add3A_1133 = arith.constant 4 : i32
      %add3A_1134 = vector.broadcast %add3A_1133 : i32 to vector<16xi32>
      %add3A_1135 = arith.addi %mul3A_1112, %add3A_1134 : vector<16xi32>
      %gather3A_1136 = tpu.vector_load_idx %arg11[%add3A_1135] : memref<16000xf32, #tpu.memory_space<vmem>>[vector<16xi32>], vector<16xf32>,
      %add3A_1137 = arith.addf %add3A_1041, %gather3A_1136 : vector<16xf32>
      %add3A_1138 = arith.constant 5 : i32
      %add3A_1139 = vector.broadcast %add3A_1138 : i32 to vector<16xi32>
      %add3A_1140 = arith.addi %mul3A_1112, %add3A_1139 : vector<16xi32>
      %gather3A_1141 = tpu.vector_load_idx %arg11[%add3A_1140] : memref<16000xf32, #tpu.memory_space<vmem>>[vector<16xi32>], vector<16xf32>,
      %add3A_1142 = arith.addf %add3A_1046, %gather3A_1141 : vector<16xf32>
      %add3A_1143 = arith.constant 6 : i32
      %add3A_1144 = vector.broadcast %add3A_1143 : i32 to vector<16xi32>
      %add3A_1145 = arith.addi %mul3A_1112, %add3A_1144 : vector<16xi32>
      %gather3A_1146 = tpu.vector_load_idx %arg11[%add3A_1145] : memref<16000xf32, #tpu.memory_space<vmem>>[vector<16xi32>], vector<16xf32>,
      %add3A_1147 = arith.addf %add3A_1051, %gather3A_1146 : vector<16xf32>
      %add3A_1148 = arith.constant 7 : i32
      %add3A_1149 = vector.broadcast %add3A_1148 : i32 to vector<16xi32>
      %add3A_1150 = arith.addi %mul3A_1112, %add3A_1149 : vector<16xi32>
      %gather3A_1151 = tpu.vector_load_idx %arg11[%add3A_1150] : memref<16000xf32, #tpu.memory_space<vmem>>[vector<16xi32>], vector<16xf32>,
      %add3A_1152 = arith.addf %add3A_1056, %gather3A_1151 : vector<16xf32>
      %add3A_1153 = arith.constant 8 : i32
      %add3A_1154 = vector.broadcast %add3A_1153 : i32 to vector<16xi32>
      %add3A_1155 = arith.addi %mul3A_1112, %add3A_1154 : vector<16xi32>
      %gather3A_1156 = tpu.vector_load_idx %arg11[%add3A_1155] : memref<16000xf32, #tpu.memory_space<vmem>>[vector<16xi32>], vector<16xf32>,
      %add3A_1157 = arith.addf %add3A_1061, %gather3A_1156 : vector<16xf32>
      %add3A_1158 = arith.constant 9 : i32
      %add3A_1159 = vector.broadcast %add3A_1158 : i32 to vector<16xi32>
      %add3A_1160 = arith.addi %mul3A_1112, %add3A_1159 : vector<16xi32>
      %gather3A_1161 = tpu.vector_load_idx %arg11[%add3A_1160] : memref<16000xf32, #tpu.memory_space<vmem>>[vector<16xi32>], vector<16xf32>,
      %add3A_1162 = arith.addf %add3A_1066, %gather3A_1161 : vector<16xf32>
      %add3A_1163 = arith.constant 10 : i32
      %add3A_1164 = vector.broadcast %add3A_1163 : i32 to vector<16xi32>
      %add3A_1165 = arith.addi %mul3A_1112, %add3A_1164 : vector<16xi32>
      %gather3A_1166 = tpu.vector_load_idx %arg11[%add3A_1165] : memref<16000xf32, #tpu.memory_space<vmem>>[vector<16xi32>], vector<16xf32>,
      %add3A_1167 = arith.addf %add3A_1071, %gather3A_1166 : vector<16xf32>
      %add3A_1168 = arith.constant 11 : i32
      %add3A_1169 = vector.broadcast %add3A_1168 : i32 to vector<16xi32>
      %add3A_1170 = arith.addi %mul3A_1112, %add3A_1169 : vector<16xi32>
      %gather3A_1171 = tpu.vector_load_idx %arg11[%add3A_1170] : memref<16000xf32, #tpu.memory_space<vmem>>[vector<16xi32>], vector<16xf32>,
      %add3A_1172 = arith.addf %add3A_1076, %gather3A_1171 : vector<16xf32>
      %add3A_1173 = arith.constant 12 : i32
      %add3A_1174 = vector.broadcast %add3A_1173 : i32 to vector<16xi32>
      %add3A_1175 = arith.addi %mul3A_1112, %add3A_1174 : vector<16xi32>
      %gather3A_1176 = tpu.vector_load_idx %arg11[%add3A_1175] : memref<16000xf32, #tpu.memory_space<vmem>>[vector<16xi32>], vector<16xf32>,
      %add3A_1177 = arith.addf %add3A_1081, %gather3A_1176 : vector<16xf32>
      %add3A_1178 = arith.constant 13 : i32
      %add3A_1179 = vector.broadcast %add3A_1178 : i32 to vector<16xi32>
      %add3A_1180 = arith.addi %mul3A_1112, %add3A_1179 : vector<16xi32>
      %gather3A_1181 = tpu.vector_load_idx %arg11[%add3A_1180] : memref<16000xf32, #tpu.memory_space<vmem>>[vector<16xi32>], vector<16xf32>,
      %add3A_1182 = arith.addf %add3A_1086, %gather3A_1181 : vector<16xf32>
      %add3A_1183 = arith.constant 14 : i32
      %add3A_1184 = vector.broadcast %add3A_1183 : i32 to vector<16xi32>
      %add3A_1185 = arith.addi %mul3A_1112, %add3A_1184 : vector<16xi32>
      %gather3A_1186 = tpu.vector_load_idx %arg11[%add3A_1185] : memref<16000xf32, #tpu.memory_space<vmem>>[vector<16xi32>], vector<16xf32>,
      %add3A_1187 = arith.addf %add3A_1091, %gather3A_1186 : vector<16xf32>
      %add3A_1188 = arith.constant 15 : i32
      %add3A_1189 = vector.broadcast %add3A_1188 : i32 to vector<16xi32>
      %add3A_1190 = arith.addi %mul3A_1112, %add3A_1189 : vector<16xi32>
      %gather3A_1191 = tpu.vector_load_idx %arg11[%add3A_1190] : memref<16000xf32, #tpu.memory_space<vmem>>[vector<16xi32>], vector<16xf32>,
      %add3A_1192 = arith.addf %add3A_1096, %gather3A_1191 : vector<16xf32>
      %get3A_1193 = arith.constant 12 : i32
      %get3A_1194 = arith.index_cast %get3A_1193 : i32 to index
      %get3A_1195 = arith.index_cast %mul3A_12 : i32 to index
      %get3A_1196 = tpu.vector_load %arg10[%get3A_1194, %get3A_1195] {strides = array<i32>} : memref<20x512xi32, #tpu.memory_space<vmem>>, vector<16xi32>,
      %ne3A_1197 = arith.constant 0 : i32
      %ne3A_1198 = vector.broadcast %ne3A_1197 : i32 to vector<16xi32>
      %ne3A_1199 = arith.cmpi ne, %get3A_1196, %ne3A_1198 : vector<16xi32>
      %jit3A_1200 = arith.constant 1.000000e+00 : f32
      %jit3A_1201 = arith.constant 0.000000e+00 : f32
      %broadcast_in_dim3A_1202 = vector.broadcast %jit3A_1200 : f32 to vector<16xf32>
      %broadcast_in_dim3A_1203 = vector.broadcast %jit3A_1201 : f32 to vector<16xf32>
      %select_n3A_1204 = arith.select %ne3A_1199, %broadcast_in_dim3A_1202, %broadcast_in_dim3A_1203 : vector<16xi1>, vector<16xf32>
      %add3A_1205 = arith.addf %add3A_1109, %select_n3A_1204 : vector<16xf32>
      %mul3A_1206 = arith.constant 16 : i32
      %mul3A_1207 = vector.broadcast %mul3A_1206 : i32 to vector<16xi32>
      %mul3A_1208 = arith.muli %get3A_1196, %mul3A_1207 : vector<16xi32>
      %add3A_1209 = arith.constant 0 : i32
      %add3A_1210 = vector.broadcast %add3A_1209 : i32 to vector<16xi32>
      %add3A_1211 = arith.addi %mul3A_1208, %add3A_1210 : vector<16xi32>
      %gather3A_1212 = tpu.vector_load_idx %arg11[%add3A_1211] : memref<16000xf32, #tpu.memory_space<vmem>>[vector<16xi32>], vector<16xf32>,
      %add3A_1213 = arith.addf %add3A_1117, %gather3A_1212 : vector<16xf32>
      %add3A_1214 = arith.constant 1 : i32
      %add3A_1215 = vector.broadcast %add3A_1214 : i32 to vector<16xi32>
      %add3A_1216 = arith.addi %mul3A_1208, %add3A_1215 : vector<16xi32>
      %gather3A_1217 = tpu.vector_load_idx %arg11[%add3A_1216] : memref<16000xf32, #tpu.memory_space<vmem>>[vector<16xi32>], vector<16xf32>,
      %add3A_1218 = arith.addf %add3A_1122, %gather3A_1217 : vector<16xf32>
      %add3A_1219 = arith.constant 2 : i32
      %add3A_1220 = vector.broadcast %add3A_1219 : i32 to vector<16xi32>
      %add3A_1221 = arith.addi %mul3A_1208, %add3A_1220 : vector<16xi32>
      %gather3A_1222 = tpu.vector_load_idx %arg11[%add3A_1221] : memref<16000xf32, #tpu.memory_space<vmem>>[vector<16xi32>], vector<16xf32>,
      %add3A_1223 = arith.addf %add3A_1127, %gather3A_1222 : vector<16xf32>
      %add3A_1224 = arith.constant 3 : i32
      %add3A_1225 = vector.broadcast %add3A_1224 : i32 to vector<16xi32>
      %add3A_1226 = arith.addi %mul3A_1208, %add3A_1225 : vector<16xi32>
      %gather3A_1227 = tpu.vector_load_idx %arg11[%add3A_1226] : memref<16000xf32, #tpu.memory_space<vmem>>[vector<16xi32>], vector<16xf32>,
      %add3A_1228 = arith.addf %add3A_1132, %gather3A_1227 : vector<16xf32>
      %add3A_1229 = arith.constant 4 : i32
      %add3A_1230 = vector.broadcast %add3A_1229 : i32 to vector<16xi32>
      %add3A_1231 = arith.addi %mul3A_1208, %add3A_1230 : vector<16xi32>
      %gather3A_1232 = tpu.vector_load_idx %arg11[%add3A_1231] : memref<16000xf32, #tpu.memory_space<vmem>>[vector<16xi32>], vector<16xf32>,
      %add3A_1233 = arith.addf %add3A_1137, %gather3A_1232 : vector<16xf32>
      %add3A_1234 = arith.constant 5 : i32
      %add3A_1235 = vector.broadcast %add3A_1234 : i32 to vector<16xi32>
      %add3A_1236 = arith.addi %mul3A_1208, %add3A_1235 : vector<16xi32>
      %gather3A_1237 = tpu.vector_load_idx %arg11[%add3A_1236] : memref<16000xf32, #tpu.memory_space<vmem>>[vector<16xi32>], vector<16xf32>,
      %add3A_1238 = arith.addf %add3A_1142, %gather3A_1237 : vector<16xf32>
      %add3A_1239 = arith.constant 6 : i32
      %add3A_1240 = vector.broadcast %add3A_1239 : i32 to vector<16xi32>
      %add3A_1241 = arith.addi %mul3A_1208, %add3A_1240 : vector<16xi32>
      %gather3A_1242 = tpu.vector_load_idx %arg11[%add3A_1241] : memref<16000xf32, #tpu.memory_space<vmem>>[vector<16xi32>], vector<16xf32>,
      %add3A_1243 = arith.addf %add3A_1147, %gather3A_1242 : vector<16xf32>
      %add3A_1244 = arith.constant 7 : i32
      %add3A_1245 = vector.broadcast %add3A_1244 : i32 to vector<16xi32>
      %add3A_1246 = arith.addi %mul3A_1208, %add3A_1245 : vector<16xi32>
      %gather3A_1247 = tpu.vector_load_idx %arg11[%add3A_1246] : memref<16000xf32, #tpu.memory_space<vmem>>[vector<16xi32>], vector<16xf32>,
      %add3A_1248 = arith.addf %add3A_1152, %gather3A_1247 : vector<16xf32>
      %add3A_1249 = arith.constant 8 : i32
      %add3A_1250 = vector.broadcast %add3A_1249 : i32 to vector<16xi32>
      %add3A_1251 = arith.addi %mul3A_1208, %add3A_1250 : vector<16xi32>
      %gather3A_1252 = tpu.vector_load_idx %arg11[%add3A_1251] : memref<16000xf32, #tpu.memory_space<vmem>>[vector<16xi32>], vector<16xf32>,
      %add3A_1253 = arith.addf %add3A_1157, %gather3A_1252 : vector<16xf32>
      %add3A_1254 = arith.constant 9 : i32
      %add3A_1255 = vector.broadcast %add3A_1254 : i32 to vector<16xi32>
      %add3A_1256 = arith.addi %mul3A_1208, %add3A_1255 : vector<16xi32>
      %gather3A_1257 = tpu.vector_load_idx %arg11[%add3A_1256] : memref<16000xf32, #tpu.memory_space<vmem>>[vector<16xi32>], vector<16xf32>,
      %add3A_1258 = arith.addf %add3A_1162, %gather3A_1257 : vector<16xf32>
      %add3A_1259 = arith.constant 10 : i32
      %add3A_1260 = vector.broadcast %add3A_1259 : i32 to vector<16xi32>
      %add3A_1261 = arith.addi %mul3A_1208, %add3A_1260 : vector<16xi32>
      %gather3A_1262 = tpu.vector_load_idx %arg11[%add3A_1261] : memref<16000xf32, #tpu.memory_space<vmem>>[vector<16xi32>], vector<16xf32>,
      %add3A_1263 = arith.addf %add3A_1167, %gather3A_1262 : vector<16xf32>
      %add3A_1264 = arith.constant 11 : i32
      %add3A_1265 = vector.broadcast %add3A_1264 : i32 to vector<16xi32>
      %add3A_1266 = arith.addi %mul3A_1208, %add3A_1265 : vector<16xi32>
      %gather3A_1267 = tpu.vector_load_idx %arg11[%add3A_1266] : memref<16000xf32, #tpu.memory_space<vmem>>[vector<16xi32>], vector<16xf32>,
      %add3A_1268 = arith.addf %add3A_1172, %gather3A_1267 : vector<16xf32>
      %add3A_1269 = arith.constant 12 : i32
      %add3A_1270 = vector.broadcast %add3A_1269 : i32 to vector<16xi32>
      %add3A_1271 = arith.addi %mul3A_1208, %add3A_1270 : vector<16xi32>
      %gather3A_1272 = tpu.vector_load_idx %arg11[%add3A_1271] : memref<16000xf32, #tpu.memory_space<vmem>>[vector<16xi32>], vector<16xf32>,
      %add3A_1273 = arith.addf %add3A_1177, %gather3A_1272 : vector<16xf32>
      %add3A_1274 = arith.constant 13 : i32
      %add3A_1275 = vector.broadcast %add3A_1274 : i32 to vector<16xi32>
      %add3A_1276 = arith.addi %mul3A_1208, %add3A_1275 : vector<16xi32>
      %gather3A_1277 = tpu.vector_load_idx %arg11[%add3A_1276] : memref<16000xf32, #tpu.memory_space<vmem>>[vector<16xi32>], vector<16xf32>,
      %add3A_1278 = arith.addf %add3A_1182, %gather3A_1277 : vector<16xf32>
      %add3A_1279 = arith.constant 14 : i32
      %add3A_1280 = vector.broadcast %add3A_1279 : i32 to vector<16xi32>
      %add3A_1281 = arith.addi %mul3A_1208, %add3A_1280 : vector<16xi32>
      %gather3A_1282 = tpu.vector_load_idx %arg11[%add3A_1281] : memref<16000xf32, #tpu.memory_space<vmem>>[vector<16xi32>], vector<16xf32>,
      %add3A_1283 = arith.addf %add3A_1187, %gather3A_1282 : vector<16xf32>
      %add3A_1284 = arith.constant 15 : i32
      %add3A_1285 = vector.broadcast %add3A_1284 : i32 to vector<16xi32>
      %add3A_1286 = arith.addi %mul3A_1208, %add3A_1285 : vector<16xi32>
      %gather3A_1287 = tpu.vector_load_idx %arg11[%add3A_1286] : memref<16000xf32, #tpu.memory_space<vmem>>[vector<16xi32>], vector<16xf32>,
      %add3A_1288 = arith.addf %add3A_1192, %gather3A_1287 : vector<16xf32>
      %get3A_1289 = arith.constant 13 : i32
      %get3A_1290 = arith.index_cast %get3A_1289 : i32 to index
      %get3A_1291 = arith.index_cast %mul3A_12 : i32 to index
      %get3A_1292 = tpu.vector_load %arg10[%get3A_1290, %get3A_1291] {strides = array<i32>} : memref<20x512xi32, #tpu.memory_space<vmem>>, vector<16xi32>,
      %ne3A_1293 = arith.constant 0 : i32
      %ne3A_1294 = vector.broadcast %ne3A_1293 : i32 to vector<16xi32>
      %ne3A_1295 = arith.cmpi ne, %get3A_1292, %ne3A_1294 : vector<16xi32>
      %jit3A_1296 = arith.constant 1.000000e+00 : f32
      %jit3A_1297 = arith.constant 0.000000e+00 : f32
      %broadcast_in_dim3A_1298 = vector.broadcast %jit3A_1296 : f32 to vector<16xf32>
      %broadcast_in_dim3A_1299 = vector.broadcast %jit3A_1297 : f32 to vector<16xf32>
      %select_n3A_1300 = arith.select %ne3A_1295, %broadcast_in_dim3A_1298, %broadcast_in_dim3A_1299 : vector<16xi1>, vector<16xf32>
      %add3A_1301 = arith.addf %add3A_1205, %select_n3A_1300 : vector<16xf32>
      %mul3A_1302 = arith.constant 16 : i32
      %mul3A_1303 = vector.broadcast %mul3A_1302 : i32 to vector<16xi32>
      %mul3A_1304 = arith.muli %get3A_1292, %mul3A_1303 : vector<16xi32>
      %add3A_1305 = arith.constant 0 : i32
      %add3A_1306 = vector.broadcast %add3A_1305 : i32 to vector<16xi32>
      %add3A_1307 = arith.addi %mul3A_1304, %add3A_1306 : vector<16xi32>
      %gather3A_1308 = tpu.vector_load_idx %arg11[%add3A_1307] : memref<16000xf32, #tpu.memory_space<vmem>>[vector<16xi32>], vector<16xf32>,
      %add3A_1309 = arith.addf %add3A_1213, %gather3A_1308 : vector<16xf32>
      %add3A_1310 = arith.constant 1 : i32
      %add3A_1311 = vector.broadcast %add3A_1310 : i32 to vector<16xi32>
      %add3A_1312 = arith.addi %mul3A_1304, %add3A_1311 : vector<16xi32>
      %gather3A_1313 = tpu.vector_load_idx %arg11[%add3A_1312] : memref<16000xf32, #tpu.memory_space<vmem>>[vector<16xi32>], vector<16xf32>,
      %add3A_1314 = arith.addf %add3A_1218, %gather3A_1313 : vector<16xf32>
      %add3A_1315 = arith.constant 2 : i32
      %add3A_1316 = vector.broadcast %add3A_1315 : i32 to vector<16xi32>
      %add3A_1317 = arith.addi %mul3A_1304, %add3A_1316 : vector<16xi32>
      %gather3A_1318 = tpu.vector_load_idx %arg11[%add3A_1317] : memref<16000xf32, #tpu.memory_space<vmem>>[vector<16xi32>], vector<16xf32>,
      %add3A_1319 = arith.addf %add3A_1223, %gather3A_1318 : vector<16xf32>
      %add3A_1320 = arith.constant 3 : i32
      %add3A_1321 = vector.broadcast %add3A_1320 : i32 to vector<16xi32>
      %add3A_1322 = arith.addi %mul3A_1304, %add3A_1321 : vector<16xi32>
      %gather3A_1323 = tpu.vector_load_idx %arg11[%add3A_1322] : memref<16000xf32, #tpu.memory_space<vmem>>[vector<16xi32>], vector<16xf32>,
      %add3A_1324 = arith.addf %add3A_1228, %gather3A_1323 : vector<16xf32>
      %add3A_1325 = arith.constant 4 : i32
      %add3A_1326 = vector.broadcast %add3A_1325 : i32 to vector<16xi32>
      %add3A_1327 = arith.addi %mul3A_1304, %add3A_1326 : vector<16xi32>
      %gather3A_1328 = tpu.vector_load_idx %arg11[%add3A_1327] : memref<16000xf32, #tpu.memory_space<vmem>>[vector<16xi32>], vector<16xf32>,
      %add3A_1329 = arith.addf %add3A_1233, %gather3A_1328 : vector<16xf32>
      %add3A_1330 = arith.constant 5 : i32
      %add3A_1331 = vector.broadcast %add3A_1330 : i32 to vector<16xi32>
      %add3A_1332 = arith.addi %mul3A_1304, %add3A_1331 : vector<16xi32>
      %gather3A_1333 = tpu.vector_load_idx %arg11[%add3A_1332] : memref<16000xf32, #tpu.memory_space<vmem>>[vector<16xi32>], vector<16xf32>,
      %add3A_1334 = arith.addf %add3A_1238, %gather3A_1333 : vector<16xf32>
      %add3A_1335 = arith.constant 6 : i32
      %add3A_1336 = vector.broadcast %add3A_1335 : i32 to vector<16xi32>
      %add3A_1337 = arith.addi %mul3A_1304, %add3A_1336 : vector<16xi32>
      %gather3A_1338 = tpu.vector_load_idx %arg11[%add3A_1337] : memref<16000xf32, #tpu.memory_space<vmem>>[vector<16xi32>], vector<16xf32>,
      %add3A_1339 = arith.addf %add3A_1243, %gather3A_1338 : vector<16xf32>
      %add3A_1340 = arith.constant 7 : i32
      %add3A_1341 = vector.broadcast %add3A_1340 : i32 to vector<16xi32>
      %add3A_1342 = arith.addi %mul3A_1304, %add3A_1341 : vector<16xi32>
      %gather3A_1343 = tpu.vector_load_idx %arg11[%add3A_1342] : memref<16000xf32, #tpu.memory_space<vmem>>[vector<16xi32>], vector<16xf32>,
      %add3A_1344 = arith.addf %add3A_1248, %gather3A_1343 : vector<16xf32>
      %add3A_1345 = arith.constant 8 : i32
      %add3A_1346 = vector.broadcast %add3A_1345 : i32 to vector<16xi32>
      %add3A_1347 = arith.addi %mul3A_1304, %add3A_1346 : vector<16xi32>
      %gather3A_1348 = tpu.vector_load_idx %arg11[%add3A_1347] : memref<16000xf32, #tpu.memory_space<vmem>>[vector<16xi32>], vector<16xf32>,
      %add3A_1349 = arith.addf %add3A_1253, %gather3A_1348 : vector<16xf32>
      %add3A_1350 = arith.constant 9 : i32
      %add3A_1351 = vector.broadcast %add3A_1350 : i32 to vector<16xi32>
      %add3A_1352 = arith.addi %mul3A_1304, %add3A_1351 : vector<16xi32>
      %gather3A_1353 = tpu.vector_load_idx %arg11[%add3A_1352] : memref<16000xf32, #tpu.memory_space<vmem>>[vector<16xi32>], vector<16xf32>,
      %add3A_1354 = arith.addf %add3A_1258, %gather3A_1353 : vector<16xf32>
      %add3A_1355 = arith.constant 10 : i32
      %add3A_1356 = vector.broadcast %add3A_1355 : i32 to vector<16xi32>
      %add3A_1357 = arith.addi %mul3A_1304, %add3A_1356 : vector<16xi32>
      %gather3A_1358 = tpu.vector_load_idx %arg11[%add3A_1357] : memref<16000xf32, #tpu.memory_space<vmem>>[vector<16xi32>], vector<16xf32>,
      %add3A_1359 = arith.addf %add3A_1263, %gather3A_1358 : vector<16xf32>
      %add3A_1360 = arith.constant 11 : i32
      %add3A_1361 = vector.broadcast %add3A_1360 : i32 to vector<16xi32>
      %add3A_1362 = arith.addi %mul3A_1304, %add3A_1361 : vector<16xi32>
      %gather3A_1363 = tpu.vector_load_idx %arg11[%add3A_1362] : memref<16000xf32, #tpu.memory_space<vmem>>[vector<16xi32>], vector<16xf32>,
      %add3A_1364 = arith.addf %add3A_1268, %gather3A_1363 : vector<16xf32>
      %add3A_1365 = arith.constant 12 : i32
      %add3A_1366 = vector.broadcast %add3A_1365 : i32 to vector<16xi32>
      %add3A_1367 = arith.addi %mul3A_1304, %add3A_1366 : vector<16xi32>
      %gather3A_1368 = tpu.vector_load_idx %arg11[%add3A_1367] : memref<16000xf32, #tpu.memory_space<vmem>>[vector<16xi32>], vector<16xf32>,
      %add3A_1369 = arith.addf %add3A_1273, %gather3A_1368 : vector<16xf32>
      %add3A_1370 = arith.constant 13 : i32
      %add3A_1371 = vector.broadcast %add3A_1370 : i32 to vector<16xi32>
      %add3A_1372 = arith.addi %mul3A_1304, %add3A_1371 : vector<16xi32>
      %gather3A_1373 = tpu.vector_load_idx %arg11[%add3A_1372] : memref<16000xf32, #tpu.memory_space<vmem>>[vector<16xi32>], vector<16xf32>,
      %add3A_1374 = arith.addf %add3A_1278, %gather3A_1373 : vector<16xf32>
      %add3A_1375 = arith.constant 14 : i32
      %add3A_1376 = vector.broadcast %add3A_1375 : i32 to vector<16xi32>
      %add3A_1377 = arith.addi %mul3A_1304, %add3A_1376 : vector<16xi32>
      %gather3A_1378 = tpu.vector_load_idx %arg11[%add3A_1377] : memref<16000xf32, #tpu.memory_space<vmem>>[vector<16xi32>], vector<16xf32>,
      %add3A_1379 = arith.addf %add3A_1283, %gather3A_1378 : vector<16xf32>
      %add3A_1380 = arith.constant 15 : i32
      %add3A_1381 = vector.broadcast %add3A_1380 : i32 to vector<16xi32>
      %add3A_1382 = arith.addi %mul3A_1304, %add3A_1381 : vector<16xi32>
      %gather3A_1383 = tpu.vector_load_idx %arg11[%add3A_1382] : memref<16000xf32, #tpu.memory_space<vmem>>[vector<16xi32>], vector<16xf32>,
      %add3A_1384 = arith.addf %add3A_1288, %gather3A_1383 : vector<16xf32>
      %get3A_1385 = arith.constant 14 : i32
      %get3A_1386 = arith.index_cast %get3A_1385 : i32 to index
      %get3A_1387 = arith.index_cast %mul3A_12 : i32 to index
      %get3A_1388 = tpu.vector_load %arg10[%get3A_1386, %get3A_1387] {strides = array<i32>} : memref<20x512xi32, #tpu.memory_space<vmem>>, vector<16xi32>,
      %ne3A_1389 = arith.constant 0 : i32
      %ne3A_1390 = vector.broadcast %ne3A_1389 : i32 to vector<16xi32>
      %ne3A_1391 = arith.cmpi ne, %get3A_1388, %ne3A_1390 : vector<16xi32>
      %jit3A_1392 = arith.constant 1.000000e+00 : f32
      %jit3A_1393 = arith.constant 0.000000e+00 : f32
      %broadcast_in_dim3A_1394 = vector.broadcast %jit3A_1392 : f32 to vector<16xf32>
      %broadcast_in_dim3A_1395 = vector.broadcast %jit3A_1393 : f32 to vector<16xf32>
      %select_n3A_1396 = arith.select %ne3A_1391, %broadcast_in_dim3A_1394, %broadcast_in_dim3A_1395 : vector<16xi1>, vector<16xf32>
      %add3A_1397 = arith.addf %add3A_1301, %select_n3A_1396 : vector<16xf32>
      %mul3A_1398 = arith.constant 16 : i32
      %mul3A_1399 = vector.broadcast %mul3A_1398 : i32 to vector<16xi32>
      %mul3A_1400 = arith.muli %get3A_1388, %mul3A_1399 : vector<16xi32>
      %add3A_1401 = arith.constant 0 : i32
      %add3A_1402 = vector.broadcast %add3A_1401 : i32 to vector<16xi32>
      %add3A_1403 = arith.addi %mul3A_1400, %add3A_1402 : vector<16xi32>
      %gather3A_1404 = tpu.vector_load_idx %arg11[%add3A_1403] : memref<16000xf32, #tpu.memory_space<vmem>>[vector<16xi32>], vector<16xf32>,
      %add3A_1405 = arith.addf %add3A_1309, %gather3A_1404 : vector<16xf32>
      %add3A_1406 = arith.constant 1 : i32
      %add3A_1407 = vector.broadcast %add3A_1406 : i32 to vector<16xi32>
      %add3A_1408 = arith.addi %mul3A_1400, %add3A_1407 : vector<16xi32>
      %gather3A_1409 = tpu.vector_load_idx %arg11[%add3A_1408] : memref<16000xf32, #tpu.memory_space<vmem>>[vector<16xi32>], vector<16xf32>,
      %add3A_1410 = arith.addf %add3A_1314, %gather3A_1409 : vector<16xf32>
      %add3A_1411 = arith.constant 2 : i32
      %add3A_1412 = vector.broadcast %add3A_1411 : i32 to vector<16xi32>
      %add3A_1413 = arith.addi %mul3A_1400, %add3A_1412 : vector<16xi32>
      %gather3A_1414 = tpu.vector_load_idx %arg11[%add3A_1413] : memref<16000xf32, #tpu.memory_space<vmem>>[vector<16xi32>], vector<16xf32>,
      %add3A_1415 = arith.addf %add3A_1319, %gather3A_1414 : vector<16xf32>
      %add3A_1416 = arith.constant 3 : i32
      %add3A_1417 = vector.broadcast %add3A_1416 : i32 to vector<16xi32>
      %add3A_1418 = arith.addi %mul3A_1400, %add3A_1417 : vector<16xi32>
      %gather3A_1419 = tpu.vector_load_idx %arg11[%add3A_1418] : memref<16000xf32, #tpu.memory_space<vmem>>[vector<16xi32>], vector<16xf32>,
      %add3A_1420 = arith.addf %add3A_1324, %gather3A_1419 : vector<16xf32>
      %add3A_1421 = arith.constant 4 : i32
      %add3A_1422 = vector.broadcast %add3A_1421 : i32 to vector<16xi32>
      %add3A_1423 = arith.addi %mul3A_1400, %add3A_1422 : vector<16xi32>
      %gather3A_1424 = tpu.vector_load_idx %arg11[%add3A_1423] : memref<16000xf32, #tpu.memory_space<vmem>>[vector<16xi32>], vector<16xf32>,
      %add3A_1425 = arith.addf %add3A_1329, %gather3A_1424 : vector<16xf32>
      %add3A_1426 = arith.constant 5 : i32
      %add3A_1427 = vector.broadcast %add3A_1426 : i32 to vector<16xi32>
      %add3A_1428 = arith.addi %mul3A_1400, %add3A_1427 : vector<16xi32>
      %gather3A_1429 = tpu.vector_load_idx %arg11[%add3A_1428] : memref<16000xf32, #tpu.memory_space<vmem>>[vector<16xi32>], vector<16xf32>,
      %add3A_1430 = arith.addf %add3A_1334, %gather3A_1429 : vector<16xf32>
      %add3A_1431 = arith.constant 6 : i32
      %add3A_1432 = vector.broadcast %add3A_1431 : i32 to vector<16xi32>
      %add3A_1433 = arith.addi %mul3A_1400, %add3A_1432 : vector<16xi32>
      %gather3A_1434 = tpu.vector_load_idx %arg11[%add3A_1433] : memref<16000xf32, #tpu.memory_space<vmem>>[vector<16xi32>], vector<16xf32>,
      %add3A_1435 = arith.addf %add3A_1339, %gather3A_1434 : vector<16xf32>
      %add3A_1436 = arith.constant 7 : i32
      %add3A_1437 = vector.broadcast %add3A_1436 : i32 to vector<16xi32>
      %add3A_1438 = arith.addi %mul3A_1400, %add3A_1437 : vector<16xi32>
      %gather3A_1439 = tpu.vector_load_idx %arg11[%add3A_1438] : memref<16000xf32, #tpu.memory_space<vmem>>[vector<16xi32>], vector<16xf32>,
      %add3A_1440 = arith.addf %add3A_1344, %gather3A_1439 : vector<16xf32>
      %add3A_1441 = arith.constant 8 : i32
      %add3A_1442 = vector.broadcast %add3A_1441 : i32 to vector<16xi32>
      %add3A_1443 = arith.addi %mul3A_1400, %add3A_1442 : vector<16xi32>
      %gather3A_1444 = tpu.vector_load_idx %arg11[%add3A_1443] : memref<16000xf32, #tpu.memory_space<vmem>>[vector<16xi32>], vector<16xf32>,
      %add3A_1445 = arith.addf %add3A_1349, %gather3A_1444 : vector<16xf32>
      %add3A_1446 = arith.constant 9 : i32
      %add3A_1447 = vector.broadcast %add3A_1446 : i32 to vector<16xi32>
      %add3A_1448 = arith.addi %mul3A_1400, %add3A_1447 : vector<16xi32>
      %gather3A_1449 = tpu.vector_load_idx %arg11[%add3A_1448] : memref<16000xf32, #tpu.memory_space<vmem>>[vector<16xi32>], vector<16xf32>,
      %add3A_1450 = arith.addf %add3A_1354, %gather3A_1449 : vector<16xf32>
      %add3A_1451 = arith.constant 10 : i32
      %add3A_1452 = vector.broadcast %add3A_1451 : i32 to vector<16xi32>
      %add3A_1453 = arith.addi %mul3A_1400, %add3A_1452 : vector<16xi32>
      %gather3A_1454 = tpu.vector_load_idx %arg11[%add3A_1453] : memref<16000xf32, #tpu.memory_space<vmem>>[vector<16xi32>], vector<16xf32>,
      %add3A_1455 = arith.addf %add3A_1359, %gather3A_1454 : vector<16xf32>
      %add3A_1456 = arith.constant 11 : i32
      %add3A_1457 = vector.broadcast %add3A_1456 : i32 to vector<16xi32>
      %add3A_1458 = arith.addi %mul3A_1400, %add3A_1457 : vector<16xi32>
      %gather3A_1459 = tpu.vector_load_idx %arg11[%add3A_1458] : memref<16000xf32, #tpu.memory_space<vmem>>[vector<16xi32>], vector<16xf32>,
      %add3A_1460 = arith.addf %add3A_1364, %gather3A_1459 : vector<16xf32>
      %add3A_1461 = arith.constant 12 : i32
      %add3A_1462 = vector.broadcast %add3A_1461 : i32 to vector<16xi32>
      %add3A_1463 = arith.addi %mul3A_1400, %add3A_1462 : vector<16xi32>
      %gather3A_1464 = tpu.vector_load_idx %arg11[%add3A_1463] : memref<16000xf32, #tpu.memory_space<vmem>>[vector<16xi32>], vector<16xf32>,
      %add3A_1465 = arith.addf %add3A_1369, %gather3A_1464 : vector<16xf32>
      %add3A_1466 = arith.constant 13 : i32
      %add3A_1467 = vector.broadcast %add3A_1466 : i32 to vector<16xi32>
      %add3A_1468 = arith.addi %mul3A_1400, %add3A_1467 : vector<16xi32>
      %gather3A_1469 = tpu.vector_load_idx %arg11[%add3A_1468] : memref<16000xf32, #tpu.memory_space<vmem>>[vector<16xi32>], vector<16xf32>,
      %add3A_1470 = arith.addf %add3A_1374, %gather3A_1469 : vector<16xf32>
      %add3A_1471 = arith.constant 14 : i32
      %add3A_1472 = vector.broadcast %add3A_1471 : i32 to vector<16xi32>
      %add3A_1473 = arith.addi %mul3A_1400, %add3A_1472 : vector<16xi32>
      %gather3A_1474 = tpu.vector_load_idx %arg11[%add3A_1473] : memref<16000xf32, #tpu.memory_space<vmem>>[vector<16xi32>], vector<16xf32>,
      %add3A_1475 = arith.addf %add3A_1379, %gather3A_1474 : vector<16xf32>
      %add3A_1476 = arith.constant 15 : i32
      %add3A_1477 = vector.broadcast %add3A_1476 : i32 to vector<16xi32>
      %add3A_1478 = arith.addi %mul3A_1400, %add3A_1477 : vector<16xi32>
      %gather3A_1479 = tpu.vector_load_idx %arg11[%add3A_1478] : memref<16000xf32, #tpu.memory_space<vmem>>[vector<16xi32>], vector<16xf32>,
      %add3A_1480 = arith.addf %add3A_1384, %gather3A_1479 : vector<16xf32>
      %get3A_1481 = arith.constant 15 : i32
      %get3A_1482 = arith.index_cast %get3A_1481 : i32 to index
      %get3A_1483 = arith.index_cast %mul3A_12 : i32 to index
      %get3A_1484 = tpu.vector_load %arg10[%get3A_1482, %get3A_1483] {strides = array<i32>} : memref<20x512xi32, #tpu.memory_space<vmem>>, vector<16xi32>,
      %ne3A_1485 = arith.constant 0 : i32
      %ne3A_1486 = vector.broadcast %ne3A_1485 : i32 to vector<16xi32>
      %ne3A_1487 = arith.cmpi ne, %get3A_1484, %ne3A_1486 : vector<16xi32>
      %jit3A_1488 = arith.constant 1.000000e+00 : f32
      %jit3A_1489 = arith.constant 0.000000e+00 : f32
      %broadcast_in_dim3A_1490 = vector.broadcast %jit3A_1488 : f32 to vector<16xf32>
      %broadcast_in_dim3A_1491 = vector.broadcast %jit3A_1489 : f32 to vector<16xf32>
      %select_n3A_1492 = arith.select %ne3A_1487, %broadcast_in_dim3A_1490, %broadcast_in_dim3A_1491 : vector<16xi1>, vector<16xf32>
      %add3A_1493 = arith.addf %add3A_1397, %select_n3A_1492 : vector<16xf32>
      %mul3A_1494 = arith.constant 16 : i32
      %mul3A_1495 = vector.broadcast %mul3A_1494 : i32 to vector<16xi32>
      %mul3A_1496 = arith.muli %get3A_1484, %mul3A_1495 : vector<16xi32>
      %add3A_1497 = arith.constant 0 : i32
      %add3A_1498 = vector.broadcast %add3A_1497 : i32 to vector<16xi32>
      %add3A_1499 = arith.addi %mul3A_1496, %add3A_1498 : vector<16xi32>
      %gather3A_1500 = tpu.vector_load_idx %arg11[%add3A_1499] : memref<16000xf32, #tpu.memory_space<vmem>>[vector<16xi32>], vector<16xf32>,
      %add3A_1501 = arith.addf %add3A_1405, %gather3A_1500 : vector<16xf32>
      %add3A_1502 = arith.constant 1 : i32
      %add3A_1503 = vector.broadcast %add3A_1502 : i32 to vector<16xi32>
      %add3A_1504 = arith.addi %mul3A_1496, %add3A_1503 : vector<16xi32>
      %gather3A_1505 = tpu.vector_load_idx %arg11[%add3A_1504] : memref<16000xf32, #tpu.memory_space<vmem>>[vector<16xi32>], vector<16xf32>,
      %add3A_1506 = arith.addf %add3A_1410, %gather3A_1505 : vector<16xf32>
      %add3A_1507 = arith.constant 2 : i32
      %add3A_1508 = vector.broadcast %add3A_1507 : i32 to vector<16xi32>
      %add3A_1509 = arith.addi %mul3A_1496, %add3A_1508 : vector<16xi32>
      %gather3A_1510 = tpu.vector_load_idx %arg11[%add3A_1509] : memref<16000xf32, #tpu.memory_space<vmem>>[vector<16xi32>], vector<16xf32>,
      %add3A_1511 = arith.addf %add3A_1415, %gather3A_1510 : vector<16xf32>
      %add3A_1512 = arith.constant 3 : i32
      %add3A_1513 = vector.broadcast %add3A_1512 : i32 to vector<16xi32>
      %add3A_1514 = arith.addi %mul3A_1496, %add3A_1513 : vector<16xi32>
      %gather3A_1515 = tpu.vector_load_idx %arg11[%add3A_1514] : memref<16000xf32, #tpu.memory_space<vmem>>[vector<16xi32>], vector<16xf32>,
      %add3A_1516 = arith.addf %add3A_1420, %gather3A_1515 : vector<16xf32>
      %add3A_1517 = arith.constant 4 : i32
      %add3A_1518 = vector.broadcast %add3A_1517 : i32 to vector<16xi32>
      %add3A_1519 = arith.addi %mul3A_1496, %add3A_1518 : vector<16xi32>
      %gather3A_1520 = tpu.vector_load_idx %arg11[%add3A_1519] : memref<16000xf32, #tpu.memory_space<vmem>>[vector<16xi32>], vector<16xf32>,
      %add3A_1521 = arith.addf %add3A_1425, %gather3A_1520 : vector<16xf32>
      %add3A_1522 = arith.constant 5 : i32
      %add3A_1523 = vector.broadcast %add3A_1522 : i32 to vector<16xi32>
      %add3A_1524 = arith.addi %mul3A_1496, %add3A_1523 : vector<16xi32>
      %gather3A_1525 = tpu.vector_load_idx %arg11[%add3A_1524] : memref<16000xf32, #tpu.memory_space<vmem>>[vector<16xi32>], vector<16xf32>,
      %add3A_1526 = arith.addf %add3A_1430, %gather3A_1525 : vector<16xf32>
      %add3A_1527 = arith.constant 6 : i32
      %add3A_1528 = vector.broadcast %add3A_1527 : i32 to vector<16xi32>
      %add3A_1529 = arith.addi %mul3A_1496, %add3A_1528 : vector<16xi32>
      %gather3A_1530 = tpu.vector_load_idx %arg11[%add3A_1529] : memref<16000xf32, #tpu.memory_space<vmem>>[vector<16xi32>], vector<16xf32>,
      %add3A_1531 = arith.addf %add3A_1435, %gather3A_1530 : vector<16xf32>
      %add3A_1532 = arith.constant 7 : i32
      %add3A_1533 = vector.broadcast %add3A_1532 : i32 to vector<16xi32>
      %add3A_1534 = arith.addi %mul3A_1496, %add3A_1533 : vector<16xi32>
      %gather3A_1535 = tpu.vector_load_idx %arg11[%add3A_1534] : memref<16000xf32, #tpu.memory_space<vmem>>[vector<16xi32>], vector<16xf32>,
      %add3A_1536 = arith.addf %add3A_1440, %gather3A_1535 : vector<16xf32>
      %add3A_1537 = arith.constant 8 : i32
      %add3A_1538 = vector.broadcast %add3A_1537 : i32 to vector<16xi32>
      %add3A_1539 = arith.addi %mul3A_1496, %add3A_1538 : vector<16xi32>
      %gather3A_1540 = tpu.vector_load_idx %arg11[%add3A_1539] : memref<16000xf32, #tpu.memory_space<vmem>>[vector<16xi32>], vector<16xf32>,
      %add3A_1541 = arith.addf %add3A_1445, %gather3A_1540 : vector<16xf32>
      %add3A_1542 = arith.constant 9 : i32
      %add3A_1543 = vector.broadcast %add3A_1542 : i32 to vector<16xi32>
      %add3A_1544 = arith.addi %mul3A_1496, %add3A_1543 : vector<16xi32>
      %gather3A_1545 = tpu.vector_load_idx %arg11[%add3A_1544] : memref<16000xf32, #tpu.memory_space<vmem>>[vector<16xi32>], vector<16xf32>,
      %add3A_1546 = arith.addf %add3A_1450, %gather3A_1545 : vector<16xf32>
      %add3A_1547 = arith.constant 10 : i32
      %add3A_1548 = vector.broadcast %add3A_1547 : i32 to vector<16xi32>
      %add3A_1549 = arith.addi %mul3A_1496, %add3A_1548 : vector<16xi32>
      %gather3A_1550 = tpu.vector_load_idx %arg11[%add3A_1549] : memref<16000xf32, #tpu.memory_space<vmem>>[vector<16xi32>], vector<16xf32>,
      %add3A_1551 = arith.addf %add3A_1455, %gather3A_1550 : vector<16xf32>
      %add3A_1552 = arith.constant 11 : i32
      %add3A_1553 = vector.broadcast %add3A_1552 : i32 to vector<16xi32>
      %add3A_1554 = arith.addi %mul3A_1496, %add3A_1553 : vector<16xi32>
      %gather3A_1555 = tpu.vector_load_idx %arg11[%add3A_1554] : memref<16000xf32, #tpu.memory_space<vmem>>[vector<16xi32>], vector<16xf32>,
      %add3A_1556 = arith.addf %add3A_1460, %gather3A_1555 : vector<16xf32>
      %add3A_1557 = arith.constant 12 : i32
      %add3A_1558 = vector.broadcast %add3A_1557 : i32 to vector<16xi32>
      %add3A_1559 = arith.addi %mul3A_1496, %add3A_1558 : vector<16xi32>
      %gather3A_1560 = tpu.vector_load_idx %arg11[%add3A_1559] : memref<16000xf32, #tpu.memory_space<vmem>>[vector<16xi32>], vector<16xf32>,
      %add3A_1561 = arith.addf %add3A_1465, %gather3A_1560 : vector<16xf32>
      %add3A_1562 = arith.constant 13 : i32
      %add3A_1563 = vector.broadcast %add3A_1562 : i32 to vector<16xi32>
      %add3A_1564 = arith.addi %mul3A_1496, %add3A_1563 : vector<16xi32>
      %gather3A_1565 = tpu.vector_load_idx %arg11[%add3A_1564] : memref<16000xf32, #tpu.memory_space<vmem>>[vector<16xi32>], vector<16xf32>,
      %add3A_1566 = arith.addf %add3A_1470, %gather3A_1565 : vector<16xf32>
      %add3A_1567 = arith.constant 14 : i32
      %add3A_1568 = vector.broadcast %add3A_1567 : i32 to vector<16xi32>
      %add3A_1569 = arith.addi %mul3A_1496, %add3A_1568 : vector<16xi32>
      %gather3A_1570 = tpu.vector_load_idx %arg11[%add3A_1569] : memref<16000xf32, #tpu.memory_space<vmem>>[vector<16xi32>], vector<16xf32>,
      %add3A_1571 = arith.addf %add3A_1475, %gather3A_1570 : vector<16xf32>
      %add3A_1572 = arith.constant 15 : i32
      %add3A_1573 = vector.broadcast %add3A_1572 : i32 to vector<16xi32>
      %add3A_1574 = arith.addi %mul3A_1496, %add3A_1573 : vector<16xi32>
      %gather3A_1575 = tpu.vector_load_idx %arg11[%add3A_1574] : memref<16000xf32, #tpu.memory_space<vmem>>[vector<16xi32>], vector<16xf32>,
      %add3A_1576 = arith.addf %add3A_1480, %gather3A_1575 : vector<16xf32>
      %get3A_1577 = arith.constant 16 : i32
      %get3A_1578 = arith.index_cast %get3A_1577 : i32 to index
      %get3A_1579 = arith.index_cast %mul3A_12 : i32 to index
      %get3A_1580 = tpu.vector_load %arg10[%get3A_1578, %get3A_1579] {strides = array<i32>} : memref<20x512xi32, #tpu.memory_space<vmem>>, vector<16xi32>,
      %ne3A_1581 = arith.constant 0 : i32
      %ne3A_1582 = vector.broadcast %ne3A_1581 : i32 to vector<16xi32>
      %ne3A_1583 = arith.cmpi ne, %get3A_1580, %ne3A_1582 : vector<16xi32>
      %jit3A_1584 = arith.constant 1.000000e+00 : f32
      %jit3A_1585 = arith.constant 0.000000e+00 : f32
      %broadcast_in_dim3A_1586 = vector.broadcast %jit3A_1584 : f32 to vector<16xf32>
      %broadcast_in_dim3A_1587 = vector.broadcast %jit3A_1585 : f32 to vector<16xf32>
      %select_n3A_1588 = arith.select %ne3A_1583, %broadcast_in_dim3A_1586, %broadcast_in_dim3A_1587 : vector<16xi1>, vector<16xf32>
      %add3A_1589 = arith.addf %add3A_1493, %select_n3A_1588 : vector<16xf32>
      %mul3A_1590 = arith.constant 16 : i32
      %mul3A_1591 = vector.broadcast %mul3A_1590 : i32 to vector<16xi32>
      %mul3A_1592 = arith.muli %get3A_1580, %mul3A_1591 : vector<16xi32>
      %add3A_1593 = arith.constant 0 : i32
      %add3A_1594 = vector.broadcast %add3A_1593 : i32 to vector<16xi32>
      %add3A_1595 = arith.addi %mul3A_1592, %add3A_1594 : vector<16xi32>
      %gather3A_1596 = tpu.vector_load_idx %arg11[%add3A_1595] : memref<16000xf32, #tpu.memory_space<vmem>>[vector<16xi32>], vector<16xf32>,
      %add3A_1597 = arith.addf %add3A_1501, %gather3A_1596 : vector<16xf32>
      %add3A_1598 = arith.constant 1 : i32
      %add3A_1599 = vector.broadcast %add3A_1598 : i32 to vector<16xi32>
      %add3A_1600 = arith.addi %mul3A_1592, %add3A_1599 : vector<16xi32>
      %gather3A_1601 = tpu.vector_load_idx %arg11[%add3A_1600] : memref<16000xf32, #tpu.memory_space<vmem>>[vector<16xi32>], vector<16xf32>,
      %add3A_1602 = arith.addf %add3A_1506, %gather3A_1601 : vector<16xf32>
      %add3A_1603 = arith.constant 2 : i32
      %add3A_1604 = vector.broadcast %add3A_1603 : i32 to vector<16xi32>
      %add3A_1605 = arith.addi %mul3A_1592, %add3A_1604 : vector<16xi32>
      %gather3A_1606 = tpu.vector_load_idx %arg11[%add3A_1605] : memref<16000xf32, #tpu.memory_space<vmem>>[vector<16xi32>], vector<16xf32>,
      %add3A_1607 = arith.addf %add3A_1511, %gather3A_1606 : vector<16xf32>
      %add3A_1608 = arith.constant 3 : i32
      %add3A_1609 = vector.broadcast %add3A_1608 : i32 to vector<16xi32>
      %add3A_1610 = arith.addi %mul3A_1592, %add3A_1609 : vector<16xi32>
      %gather3A_1611 = tpu.vector_load_idx %arg11[%add3A_1610] : memref<16000xf32, #tpu.memory_space<vmem>>[vector<16xi32>], vector<16xf32>,
      %add3A_1612 = arith.addf %add3A_1516, %gather3A_1611 : vector<16xf32>
      %add3A_1613 = arith.constant 4 : i32
      %add3A_1614 = vector.broadcast %add3A_1613 : i32 to vector<16xi32>
      %add3A_1615 = arith.addi %mul3A_1592, %add3A_1614 : vector<16xi32>
      %gather3A_1616 = tpu.vector_load_idx %arg11[%add3A_1615] : memref<16000xf32, #tpu.memory_space<vmem>>[vector<16xi32>], vector<16xf32>,
      %add3A_1617 = arith.addf %add3A_1521, %gather3A_1616 : vector<16xf32>
      %add3A_1618 = arith.constant 5 : i32
      %add3A_1619 = vector.broadcast %add3A_1618 : i32 to vector<16xi32>
      %add3A_1620 = arith.addi %mul3A_1592, %add3A_1619 : vector<16xi32>
      %gather3A_1621 = tpu.vector_load_idx %arg11[%add3A_1620] : memref<16000xf32, #tpu.memory_space<vmem>>[vector<16xi32>], vector<16xf32>,
      %add3A_1622 = arith.addf %add3A_1526, %gather3A_1621 : vector<16xf32>
      %add3A_1623 = arith.constant 6 : i32
      %add3A_1624 = vector.broadcast %add3A_1623 : i32 to vector<16xi32>
      %add3A_1625 = arith.addi %mul3A_1592, %add3A_1624 : vector<16xi32>
      %gather3A_1626 = tpu.vector_load_idx %arg11[%add3A_1625] : memref<16000xf32, #tpu.memory_space<vmem>>[vector<16xi32>], vector<16xf32>,
      %add3A_1627 = arith.addf %add3A_1531, %gather3A_1626 : vector<16xf32>
      %add3A_1628 = arith.constant 7 : i32
      %add3A_1629 = vector.broadcast %add3A_1628 : i32 to vector<16xi32>
      %add3A_1630 = arith.addi %mul3A_1592, %add3A_1629 : vector<16xi32>
      %gather3A_1631 = tpu.vector_load_idx %arg11[%add3A_1630] : memref<16000xf32, #tpu.memory_space<vmem>>[vector<16xi32>], vector<16xf32>,
      %add3A_1632 = arith.addf %add3A_1536, %gather3A_1631 : vector<16xf32>
      %add3A_1633 = arith.constant 8 : i32
      %add3A_1634 = vector.broadcast %add3A_1633 : i32 to vector<16xi32>
      %add3A_1635 = arith.addi %mul3A_1592, %add3A_1634 : vector<16xi32>
      %gather3A_1636 = tpu.vector_load_idx %arg11[%add3A_1635] : memref<16000xf32, #tpu.memory_space<vmem>>[vector<16xi32>], vector<16xf32>,
      %add3A_1637 = arith.addf %add3A_1541, %gather3A_1636 : vector<16xf32>
      %add3A_1638 = arith.constant 9 : i32
      %add3A_1639 = vector.broadcast %add3A_1638 : i32 to vector<16xi32>
      %add3A_1640 = arith.addi %mul3A_1592, %add3A_1639 : vector<16xi32>
      %gather3A_1641 = tpu.vector_load_idx %arg11[%add3A_1640] : memref<16000xf32, #tpu.memory_space<vmem>>[vector<16xi32>], vector<16xf32>,
      %add3A_1642 = arith.addf %add3A_1546, %gather3A_1641 : vector<16xf32>
      %add3A_1643 = arith.constant 10 : i32
      %add3A_1644 = vector.broadcast %add3A_1643 : i32 to vector<16xi32>
      %add3A_1645 = arith.addi %mul3A_1592, %add3A_1644 : vector<16xi32>
      %gather3A_1646 = tpu.vector_load_idx %arg11[%add3A_1645] : memref<16000xf32, #tpu.memory_space<vmem>>[vector<16xi32>], vector<16xf32>,
      %add3A_1647 = arith.addf %add3A_1551, %gather3A_1646 : vector<16xf32>
      %add3A_1648 = arith.constant 11 : i32
      %add3A_1649 = vector.broadcast %add3A_1648 : i32 to vector<16xi32>
      %add3A_1650 = arith.addi %mul3A_1592, %add3A_1649 : vector<16xi32>
      %gather3A_1651 = tpu.vector_load_idx %arg11[%add3A_1650] : memref<16000xf32, #tpu.memory_space<vmem>>[vector<16xi32>], vector<16xf32>,
      %add3A_1652 = arith.addf %add3A_1556, %gather3A_1651 : vector<16xf32>
      %add3A_1653 = arith.constant 12 : i32
      %add3A_1654 = vector.broadcast %add3A_1653 : i32 to vector<16xi32>
      %add3A_1655 = arith.addi %mul3A_1592, %add3A_1654 : vector<16xi32>
      %gather3A_1656 = tpu.vector_load_idx %arg11[%add3A_1655] : memref<16000xf32, #tpu.memory_space<vmem>>[vector<16xi32>], vector<16xf32>,
      %add3A_1657 = arith.addf %add3A_1561, %gather3A_1656 : vector<16xf32>
      %add3A_1658 = arith.constant 13 : i32
      %add3A_1659 = vector.broadcast %add3A_1658 : i32 to vector<16xi32>
      %add3A_1660 = arith.addi %mul3A_1592, %add3A_1659 : vector<16xi32>
      %gather3A_1661 = tpu.vector_load_idx %arg11[%add3A_1660] : memref<16000xf32, #tpu.memory_space<vmem>>[vector<16xi32>], vector<16xf32>,
      %add3A_1662 = arith.addf %add3A_1566, %gather3A_1661 : vector<16xf32>
      %add3A_1663 = arith.constant 14 : i32
      %add3A_1664 = vector.broadcast %add3A_1663 : i32 to vector<16xi32>
      %add3A_1665 = arith.addi %mul3A_1592, %add3A_1664 : vector<16xi32>
      %gather3A_1666 = tpu.vector_load_idx %arg11[%add3A_1665] : memref<16000xf32, #tpu.memory_space<vmem>>[vector<16xi32>], vector<16xf32>,
      %add3A_1667 = arith.addf %add3A_1571, %gather3A_1666 : vector<16xf32>
      %add3A_1668 = arith.constant 15 : i32
      %add3A_1669 = vector.broadcast %add3A_1668 : i32 to vector<16xi32>
      %add3A_1670 = arith.addi %mul3A_1592, %add3A_1669 : vector<16xi32>
      %gather3A_1671 = tpu.vector_load_idx %arg11[%add3A_1670] : memref<16000xf32, #tpu.memory_space<vmem>>[vector<16xi32>], vector<16xf32>,
      %add3A_1672 = arith.addf %add3A_1576, %gather3A_1671 : vector<16xf32>
      %get3A_1673 = arith.constant 17 : i32
      %get3A_1674 = arith.index_cast %get3A_1673 : i32 to index
      %get3A_1675 = arith.index_cast %mul3A_12 : i32 to index
      %get3A_1676 = tpu.vector_load %arg10[%get3A_1674, %get3A_1675] {strides = array<i32>} : memref<20x512xi32, #tpu.memory_space<vmem>>, vector<16xi32>,
      %ne3A_1677 = arith.constant 0 : i32
      %ne3A_1678 = vector.broadcast %ne3A_1677 : i32 to vector<16xi32>
      %ne3A_1679 = arith.cmpi ne, %get3A_1676, %ne3A_1678 : vector<16xi32>
      %jit3A_1680 = arith.constant 1.000000e+00 : f32
      %jit3A_1681 = arith.constant 0.000000e+00 : f32
      %broadcast_in_dim3A_1682 = vector.broadcast %jit3A_1680 : f32 to vector<16xf32>
      %broadcast_in_dim3A_1683 = vector.broadcast %jit3A_1681 : f32 to vector<16xf32>
      %select_n3A_1684 = arith.select %ne3A_1679, %broadcast_in_dim3A_1682, %broadcast_in_dim3A_1683 : vector<16xi1>, vector<16xf32>
      %add3A_1685 = arith.addf %add3A_1589, %select_n3A_1684 : vector<16xf32>
      %mul3A_1686 = arith.constant 16 : i32
      %mul3A_1687 = vector.broadcast %mul3A_1686 : i32 to vector<16xi32>
      %mul3A_1688 = arith.muli %get3A_1676, %mul3A_1687 : vector<16xi32>
      %add3A_1689 = arith.constant 0 : i32
      %add3A_1690 = vector.broadcast %add3A_1689 : i32 to vector<16xi32>
      %add3A_1691 = arith.addi %mul3A_1688, %add3A_1690 : vector<16xi32>
      %gather3A_1692 = tpu.vector_load_idx %arg11[%add3A_1691] : memref<16000xf32, #tpu.memory_space<vmem>>[vector<16xi32>], vector<16xf32>,
      %add3A_1693 = arith.addf %add3A_1597, %gather3A_1692 : vector<16xf32>
      %add3A_1694 = arith.constant 1 : i32
      %add3A_1695 = vector.broadcast %add3A_1694 : i32 to vector<16xi32>
      %add3A_1696 = arith.addi %mul3A_1688, %add3A_1695 : vector<16xi32>
      %gather3A_1697 = tpu.vector_load_idx %arg11[%add3A_1696] : memref<16000xf32, #tpu.memory_space<vmem>>[vector<16xi32>], vector<16xf32>,
      %add3A_1698 = arith.addf %add3A_1602, %gather3A_1697 : vector<16xf32>
      %add3A_1699 = arith.constant 2 : i32
      %add3A_1700 = vector.broadcast %add3A_1699 : i32 to vector<16xi32>
      %add3A_1701 = arith.addi %mul3A_1688, %add3A_1700 : vector<16xi32>
      %gather3A_1702 = tpu.vector_load_idx %arg11[%add3A_1701] : memref<16000xf32, #tpu.memory_space<vmem>>[vector<16xi32>], vector<16xf32>,
      %add3A_1703 = arith.addf %add3A_1607, %gather3A_1702 : vector<16xf32>
      %add3A_1704 = arith.constant 3 : i32
      %add3A_1705 = vector.broadcast %add3A_1704 : i32 to vector<16xi32>
      %add3A_1706 = arith.addi %mul3A_1688, %add3A_1705 : vector<16xi32>
      %gather3A_1707 = tpu.vector_load_idx %arg11[%add3A_1706] : memref<16000xf32, #tpu.memory_space<vmem>>[vector<16xi32>], vector<16xf32>,
      %add3A_1708 = arith.addf %add3A_1612, %gather3A_1707 : vector<16xf32>
      %add3A_1709 = arith.constant 4 : i32
      %add3A_1710 = vector.broadcast %add3A_1709 : i32 to vector<16xi32>
      %add3A_1711 = arith.addi %mul3A_1688, %add3A_1710 : vector<16xi32>
      %gather3A_1712 = tpu.vector_load_idx %arg11[%add3A_1711] : memref<16000xf32, #tpu.memory_space<vmem>>[vector<16xi32>], vector<16xf32>,
      %add3A_1713 = arith.addf %add3A_1617, %gather3A_1712 : vector<16xf32>
      %add3A_1714 = arith.constant 5 : i32
      %add3A_1715 = vector.broadcast %add3A_1714 : i32 to vector<16xi32>
      %add3A_1716 = arith.addi %mul3A_1688, %add3A_1715 : vector<16xi32>
      %gather3A_1717 = tpu.vector_load_idx %arg11[%add3A_1716] : memref<16000xf32, #tpu.memory_space<vmem>>[vector<16xi32>], vector<16xf32>,
      %add3A_1718 = arith.addf %add3A_1622, %gather3A_1717 : vector<16xf32>
      %add3A_1719 = arith.constant 6 : i32
      %add3A_1720 = vector.broadcast %add3A_1719 : i32 to vector<16xi32>
      %add3A_1721 = arith.addi %mul3A_1688, %add3A_1720 : vector<16xi32>
      %gather3A_1722 = tpu.vector_load_idx %arg11[%add3A_1721] : memref<16000xf32, #tpu.memory_space<vmem>>[vector<16xi32>], vector<16xf32>,
      %add3A_1723 = arith.addf %add3A_1627, %gather3A_1722 : vector<16xf32>
      %add3A_1724 = arith.constant 7 : i32
      %add3A_1725 = vector.broadcast %add3A_1724 : i32 to vector<16xi32>
      %add3A_1726 = arith.addi %mul3A_1688, %add3A_1725 : vector<16xi32>
      %gather3A_1727 = tpu.vector_load_idx %arg11[%add3A_1726] : memref<16000xf32, #tpu.memory_space<vmem>>[vector<16xi32>], vector<16xf32>,
      %add3A_1728 = arith.addf %add3A_1632, %gather3A_1727 : vector<16xf32>
      %add3A_1729 = arith.constant 8 : i32
      %add3A_1730 = vector.broadcast %add3A_1729 : i32 to vector<16xi32>
      %add3A_1731 = arith.addi %mul3A_1688, %add3A_1730 : vector<16xi32>
      %gather3A_1732 = tpu.vector_load_idx %arg11[%add3A_1731] : memref<16000xf32, #tpu.memory_space<vmem>>[vector<16xi32>], vector<16xf32>,
      %add3A_1733 = arith.addf %add3A_1637, %gather3A_1732 : vector<16xf32>
      %add3A_1734 = arith.constant 9 : i32
      %add3A_1735 = vector.broadcast %add3A_1734 : i32 to vector<16xi32>
      %add3A_1736 = arith.addi %mul3A_1688, %add3A_1735 : vector<16xi32>
      %gather3A_1737 = tpu.vector_load_idx %arg11[%add3A_1736] : memref<16000xf32, #tpu.memory_space<vmem>>[vector<16xi32>], vector<16xf32>,
      %add3A_1738 = arith.addf %add3A_1642, %gather3A_1737 : vector<16xf32>
      %add3A_1739 = arith.constant 10 : i32
      %add3A_1740 = vector.broadcast %add3A_1739 : i32 to vector<16xi32>
      %add3A_1741 = arith.addi %mul3A_1688, %add3A_1740 : vector<16xi32>
      %gather3A_1742 = tpu.vector_load_idx %arg11[%add3A_1741] : memref<16000xf32, #tpu.memory_space<vmem>>[vector<16xi32>], vector<16xf32>,
      %add3A_1743 = arith.addf %add3A_1647, %gather3A_1742 : vector<16xf32>
      %add3A_1744 = arith.constant 11 : i32
      %add3A_1745 = vector.broadcast %add3A_1744 : i32 to vector<16xi32>
      %add3A_1746 = arith.addi %mul3A_1688, %add3A_1745 : vector<16xi32>
      %gather3A_1747 = tpu.vector_load_idx %arg11[%add3A_1746] : memref<16000xf32, #tpu.memory_space<vmem>>[vector<16xi32>], vector<16xf32>,
      %add3A_1748 = arith.addf %add3A_1652, %gather3A_1747 : vector<16xf32>
      %add3A_1749 = arith.constant 12 : i32
      %add3A_1750 = vector.broadcast %add3A_1749 : i32 to vector<16xi32>
      %add3A_1751 = arith.addi %mul3A_1688, %add3A_1750 : vector<16xi32>
      %gather3A_1752 = tpu.vector_load_idx %arg11[%add3A_1751] : memref<16000xf32, #tpu.memory_space<vmem>>[vector<16xi32>], vector<16xf32>,
      %add3A_1753 = arith.addf %add3A_1657, %gather3A_1752 : vector<16xf32>
      %add3A_1754 = arith.constant 13 : i32
      %add3A_1755 = vector.broadcast %add3A_1754 : i32 to vector<16xi32>
      %add3A_1756 = arith.addi %mul3A_1688, %add3A_1755 : vector<16xi32>
      %gather3A_1757 = tpu.vector_load_idx %arg11[%add3A_1756] : memref<16000xf32, #tpu.memory_space<vmem>>[vector<16xi32>], vector<16xf32>,
      %add3A_1758 = arith.addf %add3A_1662, %gather3A_1757 : vector<16xf32>
      %add3A_1759 = arith.constant 14 : i32
      %add3A_1760 = vector.broadcast %add3A_1759 : i32 to vector<16xi32>
      %add3A_1761 = arith.addi %mul3A_1688, %add3A_1760 : vector<16xi32>
      %gather3A_1762 = tpu.vector_load_idx %arg11[%add3A_1761] : memref<16000xf32, #tpu.memory_space<vmem>>[vector<16xi32>], vector<16xf32>,
      %add3A_1763 = arith.addf %add3A_1667, %gather3A_1762 : vector<16xf32>
      %add3A_1764 = arith.constant 15 : i32
      %add3A_1765 = vector.broadcast %add3A_1764 : i32 to vector<16xi32>
      %add3A_1766 = arith.addi %mul3A_1688, %add3A_1765 : vector<16xi32>
      %gather3A_1767 = tpu.vector_load_idx %arg11[%add3A_1766] : memref<16000xf32, #tpu.memory_space<vmem>>[vector<16xi32>], vector<16xf32>,
      %add3A_1768 = arith.addf %add3A_1672, %gather3A_1767 : vector<16xf32>
      %get3A_1769 = arith.constant 18 : i32
      %get3A_1770 = arith.index_cast %get3A_1769 : i32 to index
      %get3A_1771 = arith.index_cast %mul3A_12 : i32 to index
      %get3A_1772 = tpu.vector_load %arg10[%get3A_1770, %get3A_1771] {strides = array<i32>} : memref<20x512xi32, #tpu.memory_space<vmem>>, vector<16xi32>,
      %ne3A_1773 = arith.constant 0 : i32
      %ne3A_1774 = vector.broadcast %ne3A_1773 : i32 to vector<16xi32>
      %ne3A_1775 = arith.cmpi ne, %get3A_1772, %ne3A_1774 : vector<16xi32>
      %jit3A_1776 = arith.constant 1.000000e+00 : f32
      %jit3A_1777 = arith.constant 0.000000e+00 : f32
      %broadcast_in_dim3A_1778 = vector.broadcast %jit3A_1776 : f32 to vector<16xf32>
      %broadcast_in_dim3A_1779 = vector.broadcast %jit3A_1777 : f32 to vector<16xf32>
      %select_n3A_1780 = arith.select %ne3A_1775, %broadcast_in_dim3A_1778, %broadcast_in_dim3A_1779 : vector<16xi1>, vector<16xf32>
      %add3A_1781 = arith.addf %add3A_1685, %select_n3A_1780 : vector<16xf32>
      %mul3A_1782 = arith.constant 16 : i32
      %mul3A_1783 = vector.broadcast %mul3A_1782 : i32 to vector<16xi32>
      %mul3A_1784 = arith.muli %get3A_1772, %mul3A_1783 : vector<16xi32>
      %add3A_1785 = arith.constant 0 : i32
      %add3A_1786 = vector.broadcast %add3A_1785 : i32 to vector<16xi32>
      %add3A_1787 = arith.addi %mul3A_1784, %add3A_1786 : vector<16xi32>
      %gather3A_1788 = tpu.vector_load_idx %arg11[%add3A_1787] : memref<16000xf32, #tpu.memory_space<vmem>>[vector<16xi32>], vector<16xf32>,
      %add3A_1789 = arith.addf %add3A_1693, %gather3A_1788 : vector<16xf32>
      %add3A_1790 = arith.constant 1 : i32
      %add3A_1791 = vector.broadcast %add3A_1790 : i32 to vector<16xi32>
      %add3A_1792 = arith.addi %mul3A_1784, %add3A_1791 : vector<16xi32>
      %gather3A_1793 = tpu.vector_load_idx %arg11[%add3A_1792] : memref<16000xf32, #tpu.memory_space<vmem>>[vector<16xi32>], vector<16xf32>,
      %add3A_1794 = arith.addf %add3A_1698, %gather3A_1793 : vector<16xf32>
      %add3A_1795 = arith.constant 2 : i32
      %add3A_1796 = vector.broadcast %add3A_1795 : i32 to vector<16xi32>
      %add3A_1797 = arith.addi %mul3A_1784, %add3A_1796 : vector<16xi32>
      %gather3A_1798 = tpu.vector_load_idx %arg11[%add3A_1797] : memref<16000xf32, #tpu.memory_space<vmem>>[vector<16xi32>], vector<16xf32>,
      %add3A_1799 = arith.addf %add3A_1703, %gather3A_1798 : vector<16xf32>
      %add3A_1800 = arith.constant 3 : i32
      %add3A_1801 = vector.broadcast %add3A_1800 : i32 to vector<16xi32>
      %add3A_1802 = arith.addi %mul3A_1784, %add3A_1801 : vector<16xi32>
      %gather3A_1803 = tpu.vector_load_idx %arg11[%add3A_1802] : memref<16000xf32, #tpu.memory_space<vmem>>[vector<16xi32>], vector<16xf32>,
      %add3A_1804 = arith.addf %add3A_1708, %gather3A_1803 : vector<16xf32>
      %add3A_1805 = arith.constant 4 : i32
      %add3A_1806 = vector.broadcast %add3A_1805 : i32 to vector<16xi32>
      %add3A_1807 = arith.addi %mul3A_1784, %add3A_1806 : vector<16xi32>
      %gather3A_1808 = tpu.vector_load_idx %arg11[%add3A_1807] : memref<16000xf32, #tpu.memory_space<vmem>>[vector<16xi32>], vector<16xf32>,
      %add3A_1809 = arith.addf %add3A_1713, %gather3A_1808 : vector<16xf32>
      %add3A_1810 = arith.constant 5 : i32
      %add3A_1811 = vector.broadcast %add3A_1810 : i32 to vector<16xi32>
      %add3A_1812 = arith.addi %mul3A_1784, %add3A_1811 : vector<16xi32>
      %gather3A_1813 = tpu.vector_load_idx %arg11[%add3A_1812] : memref<16000xf32, #tpu.memory_space<vmem>>[vector<16xi32>], vector<16xf32>,
      %add3A_1814 = arith.addf %add3A_1718, %gather3A_1813 : vector<16xf32>
      %add3A_1815 = arith.constant 6 : i32
      %add3A_1816 = vector.broadcast %add3A_1815 : i32 to vector<16xi32>
      %add3A_1817 = arith.addi %mul3A_1784, %add3A_1816 : vector<16xi32>
      %gather3A_1818 = tpu.vector_load_idx %arg11[%add3A_1817] : memref<16000xf32, #tpu.memory_space<vmem>>[vector<16xi32>], vector<16xf32>,
      %add3A_1819 = arith.addf %add3A_1723, %gather3A_1818 : vector<16xf32>
      %add3A_1820 = arith.constant 7 : i32
      %add3A_1821 = vector.broadcast %add3A_1820 : i32 to vector<16xi32>
      %add3A_1822 = arith.addi %mul3A_1784, %add3A_1821 : vector<16xi32>
      %gather3A_1823 = tpu.vector_load_idx %arg11[%add3A_1822] : memref<16000xf32, #tpu.memory_space<vmem>>[vector<16xi32>], vector<16xf32>,
      %add3A_1824 = arith.addf %add3A_1728, %gather3A_1823 : vector<16xf32>
      %add3A_1825 = arith.constant 8 : i32
      %add3A_1826 = vector.broadcast %add3A_1825 : i32 to vector<16xi32>
      %add3A_1827 = arith.addi %mul3A_1784, %add3A_1826 : vector<16xi32>
      %gather3A_1828 = tpu.vector_load_idx %arg11[%add3A_1827] : memref<16000xf32, #tpu.memory_space<vmem>>[vector<16xi32>], vector<16xf32>,
      %add3A_1829 = arith.addf %add3A_1733, %gather3A_1828 : vector<16xf32>
      %add3A_1830 = arith.constant 9 : i32
      %add3A_1831 = vector.broadcast %add3A_1830 : i32 to vector<16xi32>
      %add3A_1832 = arith.addi %mul3A_1784, %add3A_1831 : vector<16xi32>
      %gather3A_1833 = tpu.vector_load_idx %arg11[%add3A_1832] : memref<16000xf32, #tpu.memory_space<vmem>>[vector<16xi32>], vector<16xf32>,
      %add3A_1834 = arith.addf %add3A_1738, %gather3A_1833 : vector<16xf32>
      %add3A_1835 = arith.constant 10 : i32
      %add3A_1836 = vector.broadcast %add3A_1835 : i32 to vector<16xi32>
      %add3A_1837 = arith.addi %mul3A_1784, %add3A_1836 : vector<16xi32>
      %gather3A_1838 = tpu.vector_load_idx %arg11[%add3A_1837] : memref<16000xf32, #tpu.memory_space<vmem>>[vector<16xi32>], vector<16xf32>,
      %add3A_1839 = arith.addf %add3A_1743, %gather3A_1838 : vector<16xf32>
      %add3A_1840 = arith.constant 11 : i32
      %add3A_1841 = vector.broadcast %add3A_1840 : i32 to vector<16xi32>
      %add3A_1842 = arith.addi %mul3A_1784, %add3A_1841 : vector<16xi32>
      %gather3A_1843 = tpu.vector_load_idx %arg11[%add3A_1842] : memref<16000xf32, #tpu.memory_space<vmem>>[vector<16xi32>], vector<16xf32>,
      %add3A_1844 = arith.addf %add3A_1748, %gather3A_1843 : vector<16xf32>
      %add3A_1845 = arith.constant 12 : i32
      %add3A_1846 = vector.broadcast %add3A_1845 : i32 to vector<16xi32>
      %add3A_1847 = arith.addi %mul3A_1784, %add3A_1846 : vector<16xi32>
      %gather3A_1848 = tpu.vector_load_idx %arg11[%add3A_1847] : memref<16000xf32, #tpu.memory_space<vmem>>[vector<16xi32>], vector<16xf32>,
      %add3A_1849 = arith.addf %add3A_1753, %gather3A_1848 : vector<16xf32>
      %add3A_1850 = arith.constant 13 : i32
      %add3A_1851 = vector.broadcast %add3A_1850 : i32 to vector<16xi32>
      %add3A_1852 = arith.addi %mul3A_1784, %add3A_1851 : vector<16xi32>
      %gather3A_1853 = tpu.vector_load_idx %arg11[%add3A_1852] : memref<16000xf32, #tpu.memory_space<vmem>>[vector<16xi32>], vector<16xf32>,
      %add3A_1854 = arith.addf %add3A_1758, %gather3A_1853 : vector<16xf32>
      %add3A_1855 = arith.constant 14 : i32
      %add3A_1856 = vector.broadcast %add3A_1855 : i32 to vector<16xi32>
      %add3A_1857 = arith.addi %mul3A_1784, %add3A_1856 : vector<16xi32>
      %gather3A_1858 = tpu.vector_load_idx %arg11[%add3A_1857] : memref<16000xf32, #tpu.memory_space<vmem>>[vector<16xi32>], vector<16xf32>,
      %add3A_1859 = arith.addf %add3A_1763, %gather3A_1858 : vector<16xf32>
      %add3A_1860 = arith.constant 15 : i32
      %add3A_1861 = vector.broadcast %add3A_1860 : i32 to vector<16xi32>
      %add3A_1862 = arith.addi %mul3A_1784, %add3A_1861 : vector<16xi32>
      %gather3A_1863 = tpu.vector_load_idx %arg11[%add3A_1862] : memref<16000xf32, #tpu.memory_space<vmem>>[vector<16xi32>], vector<16xf32>,
      %add3A_1864 = arith.addf %add3A_1768, %gather3A_1863 : vector<16xf32>
      %get3A_1865 = arith.constant 19 : i32
      %get3A_1866 = arith.index_cast %get3A_1865 : i32 to index
      %get3A_1867 = arith.index_cast %mul3A_12 : i32 to index
      %get3A_1868 = tpu.vector_load %arg10[%get3A_1866, %get3A_1867] {strides = array<i32>} : memref<20x512xi32, #tpu.memory_space<vmem>>, vector<16xi32>,
      %ne3A_1869 = arith.constant 0 : i32
      %ne3A_1870 = vector.broadcast %ne3A_1869 : i32 to vector<16xi32>
      %ne3A_1871 = arith.cmpi ne, %get3A_1868, %ne3A_1870 : vector<16xi32>
      %jit3A_1872 = arith.constant 1.000000e+00 : f32
      %jit3A_1873 = arith.constant 0.000000e+00 : f32
      %broadcast_in_dim3A_1874 = vector.broadcast %jit3A_1872 : f32 to vector<16xf32>
      %broadcast_in_dim3A_1875 = vector.broadcast %jit3A_1873 : f32 to vector<16xf32>
      %select_n3A_1876 = arith.select %ne3A_1871, %broadcast_in_dim3A_1874, %broadcast_in_dim3A_1875 : vector<16xi1>, vector<16xf32>
      %add3A_1877 = arith.addf %add3A_1781, %select_n3A_1876 : vector<16xf32>
      %mul3A_1878 = arith.constant 16 : i32
      %mul3A_1879 = vector.broadcast %mul3A_1878 : i32 to vector<16xi32>
      %mul3A_1880 = arith.muli %get3A_1868, %mul3A_1879 : vector<16xi32>
      %add3A_1881 = arith.constant 0 : i32
      %add3A_1882 = vector.broadcast %add3A_1881 : i32 to vector<16xi32>
      %add3A_1883 = arith.addi %mul3A_1880, %add3A_1882 : vector<16xi32>
      %gather3A_1884 = tpu.vector_load_idx %arg11[%add3A_1883] : memref<16000xf32, #tpu.memory_space<vmem>>[vector<16xi32>], vector<16xf32>,
      %add3A_1885 = arith.addf %add3A_1789, %gather3A_1884 : vector<16xf32>
      %add3A_1886 = arith.constant 1 : i32
      %add3A_1887 = vector.broadcast %add3A_1886 : i32 to vector<16xi32>
      %add3A_1888 = arith.addi %mul3A_1880, %add3A_1887 : vector<16xi32>
      %gather3A_1889 = tpu.vector_load_idx %arg11[%add3A_1888] : memref<16000xf32, #tpu.memory_space<vmem>>[vector<16xi32>], vector<16xf32>,
      %add3A_1890 = arith.addf %add3A_1794, %gather3A_1889 : vector<16xf32>
      %add3A_1891 = arith.constant 2 : i32
      %add3A_1892 = vector.broadcast %add3A_1891 : i32 to vector<16xi32>
      %add3A_1893 = arith.addi %mul3A_1880, %add3A_1892 : vector<16xi32>
      %gather3A_1894 = tpu.vector_load_idx %arg11[%add3A_1893] : memref<16000xf32, #tpu.memory_space<vmem>>[vector<16xi32>], vector<16xf32>,
      %add3A_1895 = arith.addf %add3A_1799, %gather3A_1894 : vector<16xf32>
      %add3A_1896 = arith.constant 3 : i32
      %add3A_1897 = vector.broadcast %add3A_1896 : i32 to vector<16xi32>
      %add3A_1898 = arith.addi %mul3A_1880, %add3A_1897 : vector<16xi32>
      %gather3A_1899 = tpu.vector_load_idx %arg11[%add3A_1898] : memref<16000xf32, #tpu.memory_space<vmem>>[vector<16xi32>], vector<16xf32>,
      %add3A_1900 = arith.addf %add3A_1804, %gather3A_1899 : vector<16xf32>
      %add3A_1901 = arith.constant 4 : i32
      %add3A_1902 = vector.broadcast %add3A_1901 : i32 to vector<16xi32>
      %add3A_1903 = arith.addi %mul3A_1880, %add3A_1902 : vector<16xi32>
      %gather3A_1904 = tpu.vector_load_idx %arg11[%add3A_1903] : memref<16000xf32, #tpu.memory_space<vmem>>[vector<16xi32>], vector<16xf32>,
      %add3A_1905 = arith.addf %add3A_1809, %gather3A_1904 : vector<16xf32>
      %add3A_1906 = arith.constant 5 : i32
      %add3A_1907 = vector.broadcast %add3A_1906 : i32 to vector<16xi32>
      %add3A_1908 = arith.addi %mul3A_1880, %add3A_1907 : vector<16xi32>
      %gather3A_1909 = tpu.vector_load_idx %arg11[%add3A_1908] : memref<16000xf32, #tpu.memory_space<vmem>>[vector<16xi32>], vector<16xf32>,
      %add3A_1910 = arith.addf %add3A_1814, %gather3A_1909 : vector<16xf32>
      %add3A_1911 = arith.constant 6 : i32
      %add3A_1912 = vector.broadcast %add3A_1911 : i32 to vector<16xi32>
      %add3A_1913 = arith.addi %mul3A_1880, %add3A_1912 : vector<16xi32>
      %gather3A_1914 = tpu.vector_load_idx %arg11[%add3A_1913] : memref<16000xf32, #tpu.memory_space<vmem>>[vector<16xi32>], vector<16xf32>,
      %add3A_1915 = arith.addf %add3A_1819, %gather3A_1914 : vector<16xf32>
      %add3A_1916 = arith.constant 7 : i32
      %add3A_1917 = vector.broadcast %add3A_1916 : i32 to vector<16xi32>
      %add3A_1918 = arith.addi %mul3A_1880, %add3A_1917 : vector<16xi32>
      %gather3A_1919 = tpu.vector_load_idx %arg11[%add3A_1918] : memref<16000xf32, #tpu.memory_space<vmem>>[vector<16xi32>], vector<16xf32>,
      %add3A_1920 = arith.addf %add3A_1824, %gather3A_1919 : vector<16xf32>
      %add3A_1921 = arith.constant 8 : i32
      %add3A_1922 = vector.broadcast %add3A_1921 : i32 to vector<16xi32>
      %add3A_1923 = arith.addi %mul3A_1880, %add3A_1922 : vector<16xi32>
      %gather3A_1924 = tpu.vector_load_idx %arg11[%add3A_1923] : memref<16000xf32, #tpu.memory_space<vmem>>[vector<16xi32>], vector<16xf32>,
      %add3A_1925 = arith.addf %add3A_1829, %gather3A_1924 : vector<16xf32>
      %add3A_1926 = arith.constant 9 : i32
      %add3A_1927 = vector.broadcast %add3A_1926 : i32 to vector<16xi32>
      %add3A_1928 = arith.addi %mul3A_1880, %add3A_1927 : vector<16xi32>
      %gather3A_1929 = tpu.vector_load_idx %arg11[%add3A_1928] : memref<16000xf32, #tpu.memory_space<vmem>>[vector<16xi32>], vector<16xf32>,
      %add3A_1930 = arith.addf %add3A_1834, %gather3A_1929 : vector<16xf32>
      %add3A_1931 = arith.constant 10 : i32
      %add3A_1932 = vector.broadcast %add3A_1931 : i32 to vector<16xi32>
      %add3A_1933 = arith.addi %mul3A_1880, %add3A_1932 : vector<16xi32>
      %gather3A_1934 = tpu.vector_load_idx %arg11[%add3A_1933] : memref<16000xf32, #tpu.memory_space<vmem>>[vector<16xi32>], vector<16xf32>,
      %add3A_1935 = arith.addf %add3A_1839, %gather3A_1934 : vector<16xf32>
      %add3A_1936 = arith.constant 11 : i32
      %add3A_1937 = vector.broadcast %add3A_1936 : i32 to vector<16xi32>
      %add3A_1938 = arith.addi %mul3A_1880, %add3A_1937 : vector<16xi32>
      %gather3A_1939 = tpu.vector_load_idx %arg11[%add3A_1938] : memref<16000xf32, #tpu.memory_space<vmem>>[vector<16xi32>], vector<16xf32>,
      %add3A_1940 = arith.addf %add3A_1844, %gather3A_1939 : vector<16xf32>
      %add3A_1941 = arith.constant 12 : i32
      %add3A_1942 = vector.broadcast %add3A_1941 : i32 to vector<16xi32>
      %add3A_1943 = arith.addi %mul3A_1880, %add3A_1942 : vector<16xi32>
      %gather3A_1944 = tpu.vector_load_idx %arg11[%add3A_1943] : memref<16000xf32, #tpu.memory_space<vmem>>[vector<16xi32>], vector<16xf32>,
      %add3A_1945 = arith.addf %add3A_1849, %gather3A_1944 : vector<16xf32>
      %add3A_1946 = arith.constant 13 : i32
      %add3A_1947 = vector.broadcast %add3A_1946 : i32 to vector<16xi32>
      %add3A_1948 = arith.addi %mul3A_1880, %add3A_1947 : vector<16xi32>
      %gather3A_1949 = tpu.vector_load_idx %arg11[%add3A_1948] : memref<16000xf32, #tpu.memory_space<vmem>>[vector<16xi32>], vector<16xf32>,
      %add3A_1950 = arith.addf %add3A_1854, %gather3A_1949 : vector<16xf32>
      %add3A_1951 = arith.constant 14 : i32
      %add3A_1952 = vector.broadcast %add3A_1951 : i32 to vector<16xi32>
      %add3A_1953 = arith.addi %mul3A_1880, %add3A_1952 : vector<16xi32>
      %gather3A_1954 = tpu.vector_load_idx %arg11[%add3A_1953] : memref<16000xf32, #tpu.memory_space<vmem>>[vector<16xi32>], vector<16xf32>,
      %add3A_1955 = arith.addf %add3A_1859, %gather3A_1954 : vector<16xf32>
      %add3A_1956 = arith.constant 15 : i32
      %add3A_1957 = vector.broadcast %add3A_1956 : i32 to vector<16xi32>
      %add3A_1958 = arith.addi %mul3A_1880, %add3A_1957 : vector<16xi32>
      %gather3A_1959 = tpu.vector_load_idx %arg11[%add3A_1958] : memref<16000xf32, #tpu.memory_space<vmem>>[vector<16xi32>], vector<16xf32>,
      %add3A_1960 = arith.addf %add3A_1864, %gather3A_1959 : vector<16xf32>
      %gt3A = arith.constant 0.000000e+00 : f32
      %gt3A_1961 = vector.broadcast %gt3A : f32 to vector<16xf32>
      %gt3A_1962 = arith.cmpf ogt, %add3A_1877, %gt3A_1961 : vector<16xf32>
      %max3A = arith.constant 1.000000e+00 : f32
      %max3A_1963 = vector.broadcast %max3A : f32 to vector<16xf32>
      %max3A_1964 = arith.maximumf %add3A_1877, %max3A_1963 : vector<16xf32>
      %div3A = arith.constant 1.000000e+00 : f32
      %div3A_1965 = vector.broadcast %div3A : f32 to vector<16xf32>
      %div3A_1966 = arith.divf %div3A_1965, %max3A_1964 : vector<16xf32>
      %jit3A_1967 = arith.constant 0.000000e+00 : f32
      %broadcast_in_dim3A_1968 = vector.broadcast %jit3A_1967 : f32 to vector<16xf32>
      %select_n3A_1969 = arith.select %gt3A_1962, %div3A_1966, %broadcast_in_dim3A_1968 : vector<16xi1>, vector<16xf32>
      %mul3A_1970 = arith.mulf %add3A_1885, %select_n3A_1969 : vector<16xf32>
      %swap3A = arith.constant 0 : i32
      %swap3A_1971 = arith.index_cast %swap3A : i32 to index
      %swap3A_1972 = arith.index_cast %mul3A_12 : i32 to index
      %swap3A_1973 = tpu.vector_load %arg12[%swap3A_1971, %swap3A_1972] {strides = array<i32>} : memref<16x512xf32, #tpu.memory_space<vmem>>, vector<16xf32>,
      tpu.vector_store %arg12[%swap3A_1971, %swap3A_1972], %mul3A_1970 {strides = array<i32>} : memref<16x512xf32, #tpu.memory_space<vmem>>, vector<16xf32>,
      %mul3A_1974 = arith.mulf %add3A_1890, %select_n3A_1969 : vector<16xf32>
      %swap3A_1975 = arith.constant 1 : i32
      %swap3A_1976 = arith.index_cast %swap3A_1975 : i32 to index
      %swap3A_1977 = arith.index_cast %mul3A_12 : i32 to index
      %swap3A_1978 = tpu.vector_load %arg12[%swap3A_1976, %swap3A_1977] {strides = array<i32>} : memref<16x512xf32, #tpu.memory_space<vmem>>, vector<16xf32>,
      tpu.vector_store %arg12[%swap3A_1976, %swap3A_1977], %mul3A_1974 {strides = array<i32>} : memref<16x512xf32, #tpu.memory_space<vmem>>, vector<16xf32>,
      %mul3A_1979 = arith.mulf %add3A_1895, %select_n3A_1969 : vector<16xf32>
      %swap3A_1980 = arith.constant 2 : i32
      %swap3A_1981 = arith.index_cast %swap3A_1980 : i32 to index
      %swap3A_1982 = arith.index_cast %mul3A_12 : i32 to index
      %swap3A_1983 = tpu.vector_load %arg12[%swap3A_1981, %swap3A_1982] {strides = array<i32>} : memref<16x512xf32, #tpu.memory_space<vmem>>, vector<16xf32>,
      tpu.vector_store %arg12[%swap3A_1981, %swap3A_1982], %mul3A_1979 {strides = array<i32>} : memref<16x512xf32, #tpu.memory_space<vmem>>, vector<16xf32>,
      %mul3A_1984 = arith.mulf %add3A_1900, %select_n3A_1969 : vector<16xf32>
      %swap3A_1985 = arith.constant 3 : i32
      %swap3A_1986 = arith.index_cast %swap3A_1985 : i32 to index
      %swap3A_1987 = arith.index_cast %mul3A_12 : i32 to index
      %swap3A_1988 = tpu.vector_load %arg12[%swap3A_1986, %swap3A_1987] {strides = array<i32>} : memref<16x512xf32, #tpu.memory_space<vmem>>, vector<16xf32>,
      tpu.vector_store %arg12[%swap3A_1986, %swap3A_1987], %mul3A_1984 {strides = array<i32>} : memref<16x512xf32, #tpu.memory_space<vmem>>, vector<16xf32>,
      %mul3A_1989 = arith.mulf %add3A_1905, %select_n3A_1969 : vector<16xf32>
      %swap3A_1990 = arith.constant 4 : i32
      %swap3A_1991 = arith.index_cast %swap3A_1990 : i32 to index
      %swap3A_1992 = arith.index_cast %mul3A_12 : i32 to index
      %swap3A_1993 = tpu.vector_load %arg12[%swap3A_1991, %swap3A_1992] {strides = array<i32>} : memref<16x512xf32, #tpu.memory_space<vmem>>, vector<16xf32>,
      tpu.vector_store %arg12[%swap3A_1991, %swap3A_1992], %mul3A_1989 {strides = array<i32>} : memref<16x512xf32, #tpu.memory_space<vmem>>, vector<16xf32>,
      %mul3A_1994 = arith.mulf %add3A_1910, %select_n3A_1969 : vector<16xf32>
      %swap3A_1995 = arith.constant 5 : i32
      %swap3A_1996 = arith.index_cast %swap3A_1995 : i32 to index
      %swap3A_1997 = arith.index_cast %mul3A_12 : i32 to index
      %swap3A_1998 = tpu.vector_load %arg12[%swap3A_1996, %swap3A_1997] {strides = array<i32>} : memref<16x512xf32, #tpu.memory_space<vmem>>, vector<16xf32>,
      tpu.vector_store %arg12[%swap3A_1996, %swap3A_1997], %mul3A_1994 {strides = array<i32>} : memref<16x512xf32, #tpu.memory_space<vmem>>, vector<16xf32>,
      %mul3A_1999 = arith.mulf %add3A_1915, %select_n3A_1969 : vector<16xf32>
      %swap3A_2000 = arith.constant 6 : i32
      %swap3A_2001 = arith.index_cast %swap3A_2000 : i32 to index
      %swap3A_2002 = arith.index_cast %mul3A_12 : i32 to index
      %swap3A_2003 = tpu.vector_load %arg12[%swap3A_2001, %swap3A_2002] {strides = array<i32>} : memref<16x512xf32, #tpu.memory_space<vmem>>, vector<16xf32>,
      tpu.vector_store %arg12[%swap3A_2001, %swap3A_2002], %mul3A_1999 {strides = array<i32>} : memref<16x512xf32, #tpu.memory_space<vmem>>, vector<16xf32>,
      %mul3A_2004 = arith.mulf %add3A_1920, %select_n3A_1969 : vector<16xf32>
      %swap3A_2005 = arith.constant 7 : i32
      %swap3A_2006 = arith.index_cast %swap3A_2005 : i32 to index
      %swap3A_2007 = arith.index_cast %mul3A_12 : i32 to index
      %swap3A_2008 = tpu.vector_load %arg12[%swap3A_2006, %swap3A_2007] {strides = array<i32>} : memref<16x512xf32, #tpu.memory_space<vmem>>, vector<16xf32>,
      tpu.vector_store %arg12[%swap3A_2006, %swap3A_2007], %mul3A_2004 {strides = array<i32>} : memref<16x512xf32, #tpu.memory_space<vmem>>, vector<16xf32>,
      %mul3A_2009 = arith.mulf %add3A_1925, %select_n3A_1969 : vector<16xf32>
      %swap3A_2010 = arith.constant 8 : i32
      %swap3A_2011 = arith.index_cast %swap3A_2010 : i32 to index
      %swap3A_2012 = arith.index_cast %mul3A_12 : i32 to index
      %swap3A_2013 = tpu.vector_load %arg12[%swap3A_2011, %swap3A_2012] {strides = array<i32>} : memref<16x512xf32, #tpu.memory_space<vmem>>, vector<16xf32>,
      tpu.vector_store %arg12[%swap3A_2011, %swap3A_2012], %mul3A_2009 {strides = array<i32>} : memref<16x512xf32, #tpu.memory_space<vmem>>, vector<16xf32>,
      %mul3A_2014 = arith.mulf %add3A_1930, %select_n3A_1969 : vector<16xf32>
      %swap3A_2015 = arith.constant 9 : i32
      %swap3A_2016 = arith.index_cast %swap3A_2015 : i32 to index
      %swap3A_2017 = arith.index_cast %mul3A_12 : i32 to index
      %swap3A_2018 = tpu.vector_load %arg12[%swap3A_2016, %swap3A_2017] {strides = array<i32>} : memref<16x512xf32, #tpu.memory_space<vmem>>, vector<16xf32>,
      tpu.vector_store %arg12[%swap3A_2016, %swap3A_2017], %mul3A_2014 {strides = array<i32>} : memref<16x512xf32, #tpu.memory_space<vmem>>, vector<16xf32>,
      %mul3A_2019 = arith.mulf %add3A_1935, %select_n3A_1969 : vector<16xf32>
      %swap3A_2020 = arith.constant 10 : i32
      %swap3A_2021 = arith.index_cast %swap3A_2020 : i32 to index
      %swap3A_2022 = arith.index_cast %mul3A_12 : i32 to index
      %swap3A_2023 = tpu.vector_load %arg12[%swap3A_2021, %swap3A_2022] {strides = array<i32>} : memref<16x512xf32, #tpu.memory_space<vmem>>, vector<16xf32>,
      tpu.vector_store %arg12[%swap3A_2021, %swap3A_2022], %mul3A_2019 {strides = array<i32>} : memref<16x512xf32, #tpu.memory_space<vmem>>, vector<16xf32>,
      %mul3A_2024 = arith.mulf %add3A_1940, %select_n3A_1969 : vector<16xf32>
      %swap3A_2025 = arith.constant 11 : i32
      %swap3A_2026 = arith.index_cast %swap3A_2025 : i32 to index
      %swap3A_2027 = arith.index_cast %mul3A_12 : i32 to index
      %swap3A_2028 = tpu.vector_load %arg12[%swap3A_2026, %swap3A_2027] {strides = array<i32>} : memref<16x512xf32, #tpu.memory_space<vmem>>, vector<16xf32>,
      tpu.vector_store %arg12[%swap3A_2026, %swap3A_2027], %mul3A_2024 {strides = array<i32>} : memref<16x512xf32, #tpu.memory_space<vmem>>, vector<16xf32>,
      %mul3A_2029 = arith.mulf %add3A_1945, %select_n3A_1969 : vector<16xf32>
      %swap3A_2030 = arith.constant 12 : i32
      %swap3A_2031 = arith.index_cast %swap3A_2030 : i32 to index
      %swap3A_2032 = arith.index_cast %mul3A_12 : i32 to index
      %swap3A_2033 = tpu.vector_load %arg12[%swap3A_2031, %swap3A_2032] {strides = array<i32>} : memref<16x512xf32, #tpu.memory_space<vmem>>, vector<16xf32>,
      tpu.vector_store %arg12[%swap3A_2031, %swap3A_2032], %mul3A_2029 {strides = array<i32>} : memref<16x512xf32, #tpu.memory_space<vmem>>, vector<16xf32>,
      %mul3A_2034 = arith.mulf %add3A_1950, %select_n3A_1969 : vector<16xf32>
      %swap3A_2035 = arith.constant 13 : i32
      %swap3A_2036 = arith.index_cast %swap3A_2035 : i32 to index
      %swap3A_2037 = arith.index_cast %mul3A_12 : i32 to index
      %swap3A_2038 = tpu.vector_load %arg12[%swap3A_2036, %swap3A_2037] {strides = array<i32>} : memref<16x512xf32, #tpu.memory_space<vmem>>, vector<16xf32>,
      tpu.vector_store %arg12[%swap3A_2036, %swap3A_2037], %mul3A_2034 {strides = array<i32>} : memref<16x512xf32, #tpu.memory_space<vmem>>, vector<16xf32>,
      %mul3A_2039 = arith.mulf %add3A_1955, %select_n3A_1969 : vector<16xf32>
      %swap3A_2040 = arith.constant 14 : i32
      %swap3A_2041 = arith.index_cast %swap3A_2040 : i32 to index
      %swap3A_2042 = arith.index_cast %mul3A_12 : i32 to index
      %swap3A_2043 = tpu.vector_load %arg12[%swap3A_2041, %swap3A_2042] {strides = array<i32>} : memref<16x512xf32, #tpu.memory_space<vmem>>, vector<16xf32>,
      tpu.vector_store %arg12[%swap3A_2041, %swap3A_2042], %mul3A_2039 {strides = array<i32>} : memref<16x512xf32, #tpu.memory_space<vmem>>, vector<16xf32>,
      %mul3A_2044 = arith.mulf %add3A_1960, %select_n3A_1969 : vector<16xf32>
      %swap3A_2045 = arith.constant 15 : i32
      %swap3A_2046 = arith.index_cast %swap3A_2045 : i32 to index
      %swap3A_2047 = arith.index_cast %mul3A_12 : i32 to index
      %swap3A_2048 = tpu.vector_load %arg12[%swap3A_2046, %swap3A_2047] {strides = array<i32>} : memref<16x512xf32, #tpu.memory_space<vmem>>, vector<16xf32>,
      tpu.vector_store %arg12[%swap3A_2046, %swap3A_2047], %mul3A_2044 {strides = array<i32>} : memref<16x512xf32, #tpu.memory_space<vmem>>, vector<16xf32>,
    }
    %scan3A_8 = arith.constant 32 : i32
    "tpu.region"() ({
      %run_scoped3A = tpu.sem_alloc : memref<!tpu.dma_semaphore, #tpu.memory_space<semaphore_mem>>
      %dma_start3A_10 = arith.constant 0 : i32
      %dma_start3A_11 = tpu.memref_slice %arg6[%dma_start3A_10, %mul3A_2] : memref<16x16384xf32, #tpu.memory_space<hbm>> -> memref<16x512xf32, #tpu.memory_space<hbm>>
      %dma_start3A_12 = arith.constant 0 : i32
      %dma_start3A_13 = tpu.memref_slice %arg6[%dma_start3A_12, %mul3A_2] : memref<16x16384xf32, #tpu.memory_space<hbm>> -> memref<16x512xf32, #tpu.memory_space<hbm>>
      tpu.enqueue_dma source(%arg12 : memref<16x512xf32, #tpu.memory_space<vmem>>) target(%dma_start3A_13 : memref<16x512xf32, #tpu.memory_space<hbm>>) target_semaphore(%run_scoped3A : memref<!tpu.dma_semaphore, #tpu.memory_space<semaphore_mem>>)
      %dma_wait3A_14 = arith.constant 0 : i32
      %dma_wait3A_15 = tpu.memref_slice %arg6[%dma_wait3A_14, %mul3A_2] : memref<16x16384xf32, #tpu.memory_space<hbm>> -> memref<16x512xf32, #tpu.memory_space<hbm>>
      %dma_wait3A_16 = arith.constant 0 : i32
      %dma_wait3A_17 = tpu.memref_slice %arg6[%dma_wait3A_16, %mul3A_2] : memref<16x16384xf32, #tpu.memory_space<hbm>> -> memref<16x512xf32, #tpu.memory_space<hbm>>
      tpu.wait_dma2 semaphore(%run_scoped3A : memref<!tpu.dma_semaphore, #tpu.memory_space<semaphore_mem>>) src(%arg12 : memref<16x512xf32, #tpu.memory_space<vmem>>) dst(%dma_wait3A_17 : memref<16x512xf32, #tpu.memory_space<hbm>>)
      tpu.yield
    }) : () -> ()
    %dma_wait3A = arith.constant 0 : i32
    %dma_wait3A_9 = tpu.memref_slice %arg5[%dma_wait3A] : memref<1000000xf32, #tpu.memory_space<hbm>> -> memref<1000000xf32, #tpu.memory_space<hbm>>
    tpu.wait_indirect_dma semaphore(%arg13 : memref<!tpu.dma_semaphore, #tpu.memory_space<semaphore_mem>>) src(%dma_wait3A_9 : memref<1000000xf32, #tpu.memory_space<hbm>>) dst(%arg9 : memref<512xf32, #tpu.memory_space<vmem>>)
    "tpu.region"() ({
      %run_scoped3A = tpu.sem_alloc : memref<!tpu.dma_semaphore, #tpu.memory_space<semaphore_mem>>
      %dma_start3A_10 = tpu.memref_slice %arg7[%mul3A_2] : memref<16384xf32, #tpu.memory_space<hbm>> -> memref<512xf32, #tpu.memory_space<hbm>>
      %dma_start3A_11 = tpu.memref_slice %arg7[%mul3A_2] : memref<16384xf32, #tpu.memory_space<hbm>> -> memref<512xf32, #tpu.memory_space<hbm>>
      tpu.enqueue_dma source(%arg9 : memref<512xf32, #tpu.memory_space<vmem>>) target(%dma_start3A_11 : memref<512xf32, #tpu.memory_space<hbm>>) target_semaphore(%run_scoped3A : memref<!tpu.dma_semaphore, #tpu.memory_space<semaphore_mem>>)
      %dma_wait3A_12 = tpu.memref_slice %arg7[%mul3A_2] : memref<16384xf32, #tpu.memory_space<hbm>> -> memref<512xf32, #tpu.memory_space<hbm>>
      %dma_wait3A_13 = tpu.memref_slice %arg7[%mul3A_2] : memref<16384xf32, #tpu.memory_space<hbm>> -> memref<512xf32, #tpu.memory_space<hbm>>
      tpu.wait_dma2 semaphore(%run_scoped3A : memref<!tpu.dma_semaphore, #tpu.memory_space<semaphore_mem>>) src(%arg9 : memref<512xf32, #tpu.memory_space<vmem>>) dst(%dma_wait3A_13 : memref<512xf32, #tpu.memory_space<hbm>>)
      tpu.yield
    }) : () -> ()
    return
  }
}

#map = affine_map<(d0, d1) -> (0)>
#map1 = affine_map<(d0, d1) -> (0, 0)>
module attributes {stable_mosaic.version = 14 : i64} {
  func.func @body(%arg0: i32, %arg1: i32, %arg2: memref<16384xi32, #tpu.memory_space<hbm>>, %arg3: memref<262144x128xf32, #tpu.memory_space<hbm>>, %arg4: memref<32x16384xf32, #tpu.memory_space<hbm>>, %arg5: memref<512xi32, #tpu.memory_space<vmem>>, %arg6: memref<512xi32, #tpu.memory_space<vmem>>, %arg7: memref<512x128xf32, #tpu.memory_space<vmem>>, %arg8: memref<32x512xf32, #tpu.memory_space<vmem>>, %arg9: memref<!tpu.dma_semaphore, #tpu.memory_space<semaphore_mem>>) attributes {dimension_semantics = [#tpu.dimension_semantics<core_parallel>, #tpu.dimension_semantics<subcore_parallel>], iteration_bounds = array<i64: 2, 16>, scalar_prefetch = 0 : i64, scratch_operands = 5 : i64, tpu.core_type = #tpu.core_type<sc_vector_subcore>, window_params = [{transform_indices = #map}, {transform_indices = #map1}, {transform_indices = #map1}]} {
    %mul3A = arith.constant 2 : i32
    %mul3A_0 = arith.muli %arg1, %mul3A : i32
    %add3A = arith.addi %mul3A_0, %arg0 : i32
    %mul3A_1 = arith.constant 512 : i32
    %mul3A_2 = arith.muli %add3A, %mul3A_1 : i32
    "tpu.region"() ({
      %run_scoped3A = tpu.sem_alloc : memref<!tpu.dma_semaphore, #tpu.memory_space<semaphore_mem>>
      %dma_start3A_18 = tpu.memref_slice %arg2[%mul3A_2] : memref<16384xi32, #tpu.memory_space<hbm>> -> memref<512xi32, #tpu.memory_space<hbm>>
      %dma_start3A_19 = tpu.memref_slice %arg2[%mul3A_2] : memref<16384xi32, #tpu.memory_space<hbm>> -> memref<512xi32, #tpu.memory_space<hbm>>
      tpu.enqueue_dma source(%dma_start3A_19 : memref<512xi32, #tpu.memory_space<hbm>>) target(%arg5 : memref<512xi32, #tpu.memory_space<vmem>>) target_semaphore(%run_scoped3A : memref<!tpu.dma_semaphore, #tpu.memory_space<semaphore_mem>>)
      %dma_wait3A_20 = tpu.memref_slice %arg2[%mul3A_2] : memref<16384xi32, #tpu.memory_space<hbm>> -> memref<512xi32, #tpu.memory_space<hbm>>
      %dma_wait3A_21 = tpu.memref_slice %arg2[%mul3A_2] : memref<16384xi32, #tpu.memory_space<hbm>> -> memref<512xi32, #tpu.memory_space<hbm>>
      tpu.wait_dma2 semaphore(%run_scoped3A : memref<!tpu.dma_semaphore, #tpu.memory_space<semaphore_mem>>) src(%dma_wait3A_21 : memref<512xi32, #tpu.memory_space<hbm>>) dst(%arg5 : memref<512xi32, #tpu.memory_space<vmem>>)
      tpu.yield
    }) : () -> ()
    %scan3A = arith.constant 0 : i32
    %scan3A_3 = arith.constant 0 : i32
    %scan3A_4 = arith.constant 32 : i32
    %scan3A_5 = arith.addi %scan3A_3, %scan3A_4 : i32
    %scan3A_6 = arith.constant 1 : i32
    scf.for %scan3A_18 = %scan3A_3 to %scan3A_5 step %scan3A_6  : i32 {
      %mul3A_19 = arith.constant 16 : i32
      %mul3A_20 = arith.muli %scan3A_18, %mul3A_19 : i32
      %get3A = arith.index_cast %mul3A_20 : i32 to index
      %get3A_21 = tpu.vector_load %arg5[%get3A] {strides = array<i32>} : memref<512xi32, #tpu.memory_space<vmem>>, vector<16xi32>,
      %and3A = arith.constant 262143 : i32
      %and3A_22 = vector.broadcast %and3A : i32 to vector<16xi32>
      %and3A_23 = arith.andi %get3A_21, %and3A_22 : vector<16xi32>
      %swap3A = arith.index_cast %mul3A_20 : i32 to index
      %swap3A_24 = tpu.vector_load %arg6[%swap3A] {strides = array<i32>} : memref<512xi32, #tpu.memory_space<vmem>>, vector<16xi32>,
      tpu.vector_store %arg6[%swap3A], %and3A_23 {strides = array<i32>} : memref<512xi32, #tpu.memory_space<vmem>>, vector<16xi32>,
    }
    %scan3A_7 = arith.constant 32 : i32
    %dma_start3A = arith.constant 0 : i32
    %dma_start3A_8 = arith.constant 0 : i32
    %dma_start3A_9 = tpu.memref_slice %arg3[%dma_start3A, %dma_start3A_8] : memref<262144x128xf32, #tpu.memory_space<hbm>> -> memref<262144x128xf32, #tpu.memory_space<hbm>>
    tpu.enqueue_indirect_dma source(%dma_start3A_9 : memref<262144x128xf32, #tpu.memory_space<hbm>>) target(%arg7 : memref<512x128xf32, #tpu.memory_space<vmem>>) offsets(%arg6 : memref<512xi32, #tpu.memory_space<vmem>>) semaphore(%arg9 : memref<!tpu.dma_semaphore, #tpu.memory_space<semaphore_mem>>)
    %iota3A = tpu.iota {dimensions = array<i32: 0>} : vector<16xi32>
    %dma_wait3A = arith.constant 0 : i32
    %dma_wait3A_10 = arith.constant 0 : i32
    %dma_wait3A_11 = tpu.memref_slice %arg3[%dma_wait3A, %dma_wait3A_10] : memref<262144x128xf32, #tpu.memory_space<hbm>> -> memref<262144x128xf32, #tpu.memory_space<hbm>>
    tpu.wait_indirect_dma semaphore(%arg9 : memref<!tpu.dma_semaphore, #tpu.memory_space<semaphore_mem>>) src(%dma_wait3A_11 : memref<262144x128xf32, #tpu.memory_space<hbm>>) dst(%arg7 : memref<512x128xf32, #tpu.memory_space<vmem>>)
    %scan3A_12 = arith.constant 0 : i32
    %scan3A_13 = arith.constant 0 : i32
    %scan3A_14 = arith.constant 32 : i32
    %scan3A_15 = arith.addi %scan3A_13, %scan3A_14 : i32
    %scan3A_16 = arith.constant 1 : i32
    scf.for %scan3A_18 = %scan3A_13 to %scan3A_15 step %scan3A_16  : i32 {
      %mul3A_19 = arith.constant 16 : i32
      %mul3A_20 = arith.muli %scan3A_18, %mul3A_19 : i32
      %add3A_21 = vector.broadcast %mul3A_20 : i32 to vector<16xi32>
      %add3A_22 = arith.addi %add3A_21, %iota3A : vector<16xi32>
      %get3A = arith.index_cast %mul3A_20 : i32 to index
      %get3A_23 = tpu.vector_load %arg5[%get3A] {strides = array<i32>} : memref<512xi32, #tpu.memory_space<vmem>>, vector<16xi32>,
      %shift_right_logical3A = arith.constant 18 : i32
      %shift_right_logical3A_24 = vector.broadcast %shift_right_logical3A : i32 to vector<16xi32>
      %shift_right_logical3A_25 = arith.shrui %get3A_23, %shift_right_logical3A_24 : vector<16xi32>
      %mul3A_26 = arith.constant 32 : i32
      %mul3A_27 = vector.broadcast %mul3A_26 : i32 to vector<16xi32>
      %mul3A_28 = arith.muli %shift_right_logical3A_25, %mul3A_27 : vector<16xi32>
      %add3A_29 = arith.constant 0 : i32
      %add3A_30 = vector.broadcast %add3A_29 : i32 to vector<16xi32>
      %add3A_31 = arith.addi %mul3A_28, %add3A_30 : vector<16xi32>
      %gather3A = tpu.vector_load_idx %arg7[%add3A_22, %add3A_31] : memref<512x128xf32, #tpu.memory_space<vmem>>[vector<16xi32>, vector<16xi32>], vector<16xf32>,
      %swap3A = arith.constant 0 : i32
      %swap3A_32 = arith.index_cast %swap3A : i32 to index
      %swap3A_33 = arith.index_cast %mul3A_20 : i32 to index
      %swap3A_34 = tpu.vector_load %arg8[%swap3A_32, %swap3A_33] {strides = array<i32>} : memref<32x512xf32, #tpu.memory_space<vmem>>, vector<16xf32>,
      tpu.vector_store %arg8[%swap3A_32, %swap3A_33], %gather3A {strides = array<i32>} : memref<32x512xf32, #tpu.memory_space<vmem>>, vector<16xf32>,
      %add3A_35 = arith.constant 1 : i32
      %add3A_36 = vector.broadcast %add3A_35 : i32 to vector<16xi32>
      %add3A_37 = arith.addi %mul3A_28, %add3A_36 : vector<16xi32>
      %gather3A_38 = tpu.vector_load_idx %arg7[%add3A_22, %add3A_37] : memref<512x128xf32, #tpu.memory_space<vmem>>[vector<16xi32>, vector<16xi32>], vector<16xf32>,
      %swap3A_39 = arith.constant 1 : i32
      %swap3A_40 = arith.index_cast %swap3A_39 : i32 to index
      %swap3A_41 = arith.index_cast %mul3A_20 : i32 to index
      %swap3A_42 = tpu.vector_load %arg8[%swap3A_40, %swap3A_41] {strides = array<i32>} : memref<32x512xf32, #tpu.memory_space<vmem>>, vector<16xf32>,
      tpu.vector_store %arg8[%swap3A_40, %swap3A_41], %gather3A_38 {strides = array<i32>} : memref<32x512xf32, #tpu.memory_space<vmem>>, vector<16xf32>,
      %add3A_43 = arith.constant 2 : i32
      %add3A_44 = vector.broadcast %add3A_43 : i32 to vector<16xi32>
      %add3A_45 = arith.addi %mul3A_28, %add3A_44 : vector<16xi32>
      %gather3A_46 = tpu.vector_load_idx %arg7[%add3A_22, %add3A_45] : memref<512x128xf32, #tpu.memory_space<vmem>>[vector<16xi32>, vector<16xi32>], vector<16xf32>,
      %swap3A_47 = arith.constant 2 : i32
      %swap3A_48 = arith.index_cast %swap3A_47 : i32 to index
      %swap3A_49 = arith.index_cast %mul3A_20 : i32 to index
      %swap3A_50 = tpu.vector_load %arg8[%swap3A_48, %swap3A_49] {strides = array<i32>} : memref<32x512xf32, #tpu.memory_space<vmem>>, vector<16xf32>,
      tpu.vector_store %arg8[%swap3A_48, %swap3A_49], %gather3A_46 {strides = array<i32>} : memref<32x512xf32, #tpu.memory_space<vmem>>, vector<16xf32>,
      %add3A_51 = arith.constant 3 : i32
      %add3A_52 = vector.broadcast %add3A_51 : i32 to vector<16xi32>
      %add3A_53 = arith.addi %mul3A_28, %add3A_52 : vector<16xi32>
      %gather3A_54 = tpu.vector_load_idx %arg7[%add3A_22, %add3A_53] : memref<512x128xf32, #tpu.memory_space<vmem>>[vector<16xi32>, vector<16xi32>], vector<16xf32>,
      %swap3A_55 = arith.constant 3 : i32
      %swap3A_56 = arith.index_cast %swap3A_55 : i32 to index
      %swap3A_57 = arith.index_cast %mul3A_20 : i32 to index
      %swap3A_58 = tpu.vector_load %arg8[%swap3A_56, %swap3A_57] {strides = array<i32>} : memref<32x512xf32, #tpu.memory_space<vmem>>, vector<16xf32>,
      tpu.vector_store %arg8[%swap3A_56, %swap3A_57], %gather3A_54 {strides = array<i32>} : memref<32x512xf32, #tpu.memory_space<vmem>>, vector<16xf32>,
      %add3A_59 = arith.constant 4 : i32
      %add3A_60 = vector.broadcast %add3A_59 : i32 to vector<16xi32>
      %add3A_61 = arith.addi %mul3A_28, %add3A_60 : vector<16xi32>
      %gather3A_62 = tpu.vector_load_idx %arg7[%add3A_22, %add3A_61] : memref<512x128xf32, #tpu.memory_space<vmem>>[vector<16xi32>, vector<16xi32>], vector<16xf32>,
      %swap3A_63 = arith.constant 4 : i32
      %swap3A_64 = arith.index_cast %swap3A_63 : i32 to index
      %swap3A_65 = arith.index_cast %mul3A_20 : i32 to index
      %swap3A_66 = tpu.vector_load %arg8[%swap3A_64, %swap3A_65] {strides = array<i32>} : memref<32x512xf32, #tpu.memory_space<vmem>>, vector<16xf32>,
      tpu.vector_store %arg8[%swap3A_64, %swap3A_65], %gather3A_62 {strides = array<i32>} : memref<32x512xf32, #tpu.memory_space<vmem>>, vector<16xf32>,
      %add3A_67 = arith.constant 5 : i32
      %add3A_68 = vector.broadcast %add3A_67 : i32 to vector<16xi32>
      %add3A_69 = arith.addi %mul3A_28, %add3A_68 : vector<16xi32>
      %gather3A_70 = tpu.vector_load_idx %arg7[%add3A_22, %add3A_69] : memref<512x128xf32, #tpu.memory_space<vmem>>[vector<16xi32>, vector<16xi32>], vector<16xf32>,
      %swap3A_71 = arith.constant 5 : i32
      %swap3A_72 = arith.index_cast %swap3A_71 : i32 to index
      %swap3A_73 = arith.index_cast %mul3A_20 : i32 to index
      %swap3A_74 = tpu.vector_load %arg8[%swap3A_72, %swap3A_73] {strides = array<i32>} : memref<32x512xf32, #tpu.memory_space<vmem>>, vector<16xf32>,
      tpu.vector_store %arg8[%swap3A_72, %swap3A_73], %gather3A_70 {strides = array<i32>} : memref<32x512xf32, #tpu.memory_space<vmem>>, vector<16xf32>,
      %add3A_75 = arith.constant 6 : i32
      %add3A_76 = vector.broadcast %add3A_75 : i32 to vector<16xi32>
      %add3A_77 = arith.addi %mul3A_28, %add3A_76 : vector<16xi32>
      %gather3A_78 = tpu.vector_load_idx %arg7[%add3A_22, %add3A_77] : memref<512x128xf32, #tpu.memory_space<vmem>>[vector<16xi32>, vector<16xi32>], vector<16xf32>,
      %swap3A_79 = arith.constant 6 : i32
      %swap3A_80 = arith.index_cast %swap3A_79 : i32 to index
      %swap3A_81 = arith.index_cast %mul3A_20 : i32 to index
      %swap3A_82 = tpu.vector_load %arg8[%swap3A_80, %swap3A_81] {strides = array<i32>} : memref<32x512xf32, #tpu.memory_space<vmem>>, vector<16xf32>,
      tpu.vector_store %arg8[%swap3A_80, %swap3A_81], %gather3A_78 {strides = array<i32>} : memref<32x512xf32, #tpu.memory_space<vmem>>, vector<16xf32>,
      %add3A_83 = arith.constant 7 : i32
      %add3A_84 = vector.broadcast %add3A_83 : i32 to vector<16xi32>
      %add3A_85 = arith.addi %mul3A_28, %add3A_84 : vector<16xi32>
      %gather3A_86 = tpu.vector_load_idx %arg7[%add3A_22, %add3A_85] : memref<512x128xf32, #tpu.memory_space<vmem>>[vector<16xi32>, vector<16xi32>], vector<16xf32>,
      %swap3A_87 = arith.constant 7 : i32
      %swap3A_88 = arith.index_cast %swap3A_87 : i32 to index
      %swap3A_89 = arith.index_cast %mul3A_20 : i32 to index
      %swap3A_90 = tpu.vector_load %arg8[%swap3A_88, %swap3A_89] {strides = array<i32>} : memref<32x512xf32, #tpu.memory_space<vmem>>, vector<16xf32>,
      tpu.vector_store %arg8[%swap3A_88, %swap3A_89], %gather3A_86 {strides = array<i32>} : memref<32x512xf32, #tpu.memory_space<vmem>>, vector<16xf32>,
      %add3A_91 = arith.constant 8 : i32
      %add3A_92 = vector.broadcast %add3A_91 : i32 to vector<16xi32>
      %add3A_93 = arith.addi %mul3A_28, %add3A_92 : vector<16xi32>
      %gather3A_94 = tpu.vector_load_idx %arg7[%add3A_22, %add3A_93] : memref<512x128xf32, #tpu.memory_space<vmem>>[vector<16xi32>, vector<16xi32>], vector<16xf32>,
      %swap3A_95 = arith.constant 8 : i32
      %swap3A_96 = arith.index_cast %swap3A_95 : i32 to index
      %swap3A_97 = arith.index_cast %mul3A_20 : i32 to index
      %swap3A_98 = tpu.vector_load %arg8[%swap3A_96, %swap3A_97] {strides = array<i32>} : memref<32x512xf32, #tpu.memory_space<vmem>>, vector<16xf32>,
      tpu.vector_store %arg8[%swap3A_96, %swap3A_97], %gather3A_94 {strides = array<i32>} : memref<32x512xf32, #tpu.memory_space<vmem>>, vector<16xf32>,
      %add3A_99 = arith.constant 9 : i32
      %add3A_100 = vector.broadcast %add3A_99 : i32 to vector<16xi32>
      %add3A_101 = arith.addi %mul3A_28, %add3A_100 : vector<16xi32>
      %gather3A_102 = tpu.vector_load_idx %arg7[%add3A_22, %add3A_101] : memref<512x128xf32, #tpu.memory_space<vmem>>[vector<16xi32>, vector<16xi32>], vector<16xf32>,
      %swap3A_103 = arith.constant 9 : i32
      %swap3A_104 = arith.index_cast %swap3A_103 : i32 to index
      %swap3A_105 = arith.index_cast %mul3A_20 : i32 to index
      %swap3A_106 = tpu.vector_load %arg8[%swap3A_104, %swap3A_105] {strides = array<i32>} : memref<32x512xf32, #tpu.memory_space<vmem>>, vector<16xf32>,
      tpu.vector_store %arg8[%swap3A_104, %swap3A_105], %gather3A_102 {strides = array<i32>} : memref<32x512xf32, #tpu.memory_space<vmem>>, vector<16xf32>,
      %add3A_107 = arith.constant 10 : i32
      %add3A_108 = vector.broadcast %add3A_107 : i32 to vector<16xi32>
      %add3A_109 = arith.addi %mul3A_28, %add3A_108 : vector<16xi32>
      %gather3A_110 = tpu.vector_load_idx %arg7[%add3A_22, %add3A_109] : memref<512x128xf32, #tpu.memory_space<vmem>>[vector<16xi32>, vector<16xi32>], vector<16xf32>,
      %swap3A_111 = arith.constant 10 : i32
      %swap3A_112 = arith.index_cast %swap3A_111 : i32 to index
      %swap3A_113 = arith.index_cast %mul3A_20 : i32 to index
      %swap3A_114 = tpu.vector_load %arg8[%swap3A_112, %swap3A_113] {strides = array<i32>} : memref<32x512xf32, #tpu.memory_space<vmem>>, vector<16xf32>,
      tpu.vector_store %arg8[%swap3A_112, %swap3A_113], %gather3A_110 {strides = array<i32>} : memref<32x512xf32, #tpu.memory_space<vmem>>, vector<16xf32>,
      %add3A_115 = arith.constant 11 : i32
      %add3A_116 = vector.broadcast %add3A_115 : i32 to vector<16xi32>
      %add3A_117 = arith.addi %mul3A_28, %add3A_116 : vector<16xi32>
      %gather3A_118 = tpu.vector_load_idx %arg7[%add3A_22, %add3A_117] : memref<512x128xf32, #tpu.memory_space<vmem>>[vector<16xi32>, vector<16xi32>], vector<16xf32>,
      %swap3A_119 = arith.constant 11 : i32
      %swap3A_120 = arith.index_cast %swap3A_119 : i32 to index
      %swap3A_121 = arith.index_cast %mul3A_20 : i32 to index
      %swap3A_122 = tpu.vector_load %arg8[%swap3A_120, %swap3A_121] {strides = array<i32>} : memref<32x512xf32, #tpu.memory_space<vmem>>, vector<16xf32>,
      tpu.vector_store %arg8[%swap3A_120, %swap3A_121], %gather3A_118 {strides = array<i32>} : memref<32x512xf32, #tpu.memory_space<vmem>>, vector<16xf32>,
      %add3A_123 = arith.constant 12 : i32
      %add3A_124 = vector.broadcast %add3A_123 : i32 to vector<16xi32>
      %add3A_125 = arith.addi %mul3A_28, %add3A_124 : vector<16xi32>
      %gather3A_126 = tpu.vector_load_idx %arg7[%add3A_22, %add3A_125] : memref<512x128xf32, #tpu.memory_space<vmem>>[vector<16xi32>, vector<16xi32>], vector<16xf32>,
      %swap3A_127 = arith.constant 12 : i32
      %swap3A_128 = arith.index_cast %swap3A_127 : i32 to index
      %swap3A_129 = arith.index_cast %mul3A_20 : i32 to index
      %swap3A_130 = tpu.vector_load %arg8[%swap3A_128, %swap3A_129] {strides = array<i32>} : memref<32x512xf32, #tpu.memory_space<vmem>>, vector<16xf32>,
      tpu.vector_store %arg8[%swap3A_128, %swap3A_129], %gather3A_126 {strides = array<i32>} : memref<32x512xf32, #tpu.memory_space<vmem>>, vector<16xf32>,
      %add3A_131 = arith.constant 13 : i32
      %add3A_132 = vector.broadcast %add3A_131 : i32 to vector<16xi32>
      %add3A_133 = arith.addi %mul3A_28, %add3A_132 : vector<16xi32>
      %gather3A_134 = tpu.vector_load_idx %arg7[%add3A_22, %add3A_133] : memref<512x128xf32, #tpu.memory_space<vmem>>[vector<16xi32>, vector<16xi32>], vector<16xf32>,
      %swap3A_135 = arith.constant 13 : i32
      %swap3A_136 = arith.index_cast %swap3A_135 : i32 to index
      %swap3A_137 = arith.index_cast %mul3A_20 : i32 to index
      %swap3A_138 = tpu.vector_load %arg8[%swap3A_136, %swap3A_137] {strides = array<i32>} : memref<32x512xf32, #tpu.memory_space<vmem>>, vector<16xf32>,
      tpu.vector_store %arg8[%swap3A_136, %swap3A_137], %gather3A_134 {strides = array<i32>} : memref<32x512xf32, #tpu.memory_space<vmem>>, vector<16xf32>,
      %add3A_139 = arith.constant 14 : i32
      %add3A_140 = vector.broadcast %add3A_139 : i32 to vector<16xi32>
      %add3A_141 = arith.addi %mul3A_28, %add3A_140 : vector<16xi32>
      %gather3A_142 = tpu.vector_load_idx %arg7[%add3A_22, %add3A_141] : memref<512x128xf32, #tpu.memory_space<vmem>>[vector<16xi32>, vector<16xi32>], vector<16xf32>,
      %swap3A_143 = arith.constant 14 : i32
      %swap3A_144 = arith.index_cast %swap3A_143 : i32 to index
      %swap3A_145 = arith.index_cast %mul3A_20 : i32 to index
      %swap3A_146 = tpu.vector_load %arg8[%swap3A_144, %swap3A_145] {strides = array<i32>} : memref<32x512xf32, #tpu.memory_space<vmem>>, vector<16xf32>,
      tpu.vector_store %arg8[%swap3A_144, %swap3A_145], %gather3A_142 {strides = array<i32>} : memref<32x512xf32, #tpu.memory_space<vmem>>, vector<16xf32>,
      %add3A_147 = arith.constant 15 : i32
      %add3A_148 = vector.broadcast %add3A_147 : i32 to vector<16xi32>
      %add3A_149 = arith.addi %mul3A_28, %add3A_148 : vector<16xi32>
      %gather3A_150 = tpu.vector_load_idx %arg7[%add3A_22, %add3A_149] : memref<512x128xf32, #tpu.memory_space<vmem>>[vector<16xi32>, vector<16xi32>], vector<16xf32>,
      %swap3A_151 = arith.constant 15 : i32
      %swap3A_152 = arith.index_cast %swap3A_151 : i32 to index
      %swap3A_153 = arith.index_cast %mul3A_20 : i32 to index
      %swap3A_154 = tpu.vector_load %arg8[%swap3A_152, %swap3A_153] {strides = array<i32>} : memref<32x512xf32, #tpu.memory_space<vmem>>, vector<16xf32>,
      tpu.vector_store %arg8[%swap3A_152, %swap3A_153], %gather3A_150 {strides = array<i32>} : memref<32x512xf32, #tpu.memory_space<vmem>>, vector<16xf32>,
      %add3A_155 = arith.constant 16 : i32
      %add3A_156 = vector.broadcast %add3A_155 : i32 to vector<16xi32>
      %add3A_157 = arith.addi %mul3A_28, %add3A_156 : vector<16xi32>
      %gather3A_158 = tpu.vector_load_idx %arg7[%add3A_22, %add3A_157] : memref<512x128xf32, #tpu.memory_space<vmem>>[vector<16xi32>, vector<16xi32>], vector<16xf32>,
      %swap3A_159 = arith.constant 16 : i32
      %swap3A_160 = arith.index_cast %swap3A_159 : i32 to index
      %swap3A_161 = arith.index_cast %mul3A_20 : i32 to index
      %swap3A_162 = tpu.vector_load %arg8[%swap3A_160, %swap3A_161] {strides = array<i32>} : memref<32x512xf32, #tpu.memory_space<vmem>>, vector<16xf32>,
      tpu.vector_store %arg8[%swap3A_160, %swap3A_161], %gather3A_158 {strides = array<i32>} : memref<32x512xf32, #tpu.memory_space<vmem>>, vector<16xf32>,
      %add3A_163 = arith.constant 17 : i32
      %add3A_164 = vector.broadcast %add3A_163 : i32 to vector<16xi32>
      %add3A_165 = arith.addi %mul3A_28, %add3A_164 : vector<16xi32>
      %gather3A_166 = tpu.vector_load_idx %arg7[%add3A_22, %add3A_165] : memref<512x128xf32, #tpu.memory_space<vmem>>[vector<16xi32>, vector<16xi32>], vector<16xf32>,
      %swap3A_167 = arith.constant 17 : i32
      %swap3A_168 = arith.index_cast %swap3A_167 : i32 to index
      %swap3A_169 = arith.index_cast %mul3A_20 : i32 to index
      %swap3A_170 = tpu.vector_load %arg8[%swap3A_168, %swap3A_169] {strides = array<i32>} : memref<32x512xf32, #tpu.memory_space<vmem>>, vector<16xf32>,
      tpu.vector_store %arg8[%swap3A_168, %swap3A_169], %gather3A_166 {strides = array<i32>} : memref<32x512xf32, #tpu.memory_space<vmem>>, vector<16xf32>,
      %add3A_171 = arith.constant 18 : i32
      %add3A_172 = vector.broadcast %add3A_171 : i32 to vector<16xi32>
      %add3A_173 = arith.addi %mul3A_28, %add3A_172 : vector<16xi32>
      %gather3A_174 = tpu.vector_load_idx %arg7[%add3A_22, %add3A_173] : memref<512x128xf32, #tpu.memory_space<vmem>>[vector<16xi32>, vector<16xi32>], vector<16xf32>,
      %swap3A_175 = arith.constant 18 : i32
      %swap3A_176 = arith.index_cast %swap3A_175 : i32 to index
      %swap3A_177 = arith.index_cast %mul3A_20 : i32 to index
      %swap3A_178 = tpu.vector_load %arg8[%swap3A_176, %swap3A_177] {strides = array<i32>} : memref<32x512xf32, #tpu.memory_space<vmem>>, vector<16xf32>,
      tpu.vector_store %arg8[%swap3A_176, %swap3A_177], %gather3A_174 {strides = array<i32>} : memref<32x512xf32, #tpu.memory_space<vmem>>, vector<16xf32>,
      %add3A_179 = arith.constant 19 : i32
      %add3A_180 = vector.broadcast %add3A_179 : i32 to vector<16xi32>
      %add3A_181 = arith.addi %mul3A_28, %add3A_180 : vector<16xi32>
      %gather3A_182 = tpu.vector_load_idx %arg7[%add3A_22, %add3A_181] : memref<512x128xf32, #tpu.memory_space<vmem>>[vector<16xi32>, vector<16xi32>], vector<16xf32>,
      %swap3A_183 = arith.constant 19 : i32
      %swap3A_184 = arith.index_cast %swap3A_183 : i32 to index
      %swap3A_185 = arith.index_cast %mul3A_20 : i32 to index
      %swap3A_186 = tpu.vector_load %arg8[%swap3A_184, %swap3A_185] {strides = array<i32>} : memref<32x512xf32, #tpu.memory_space<vmem>>, vector<16xf32>,
      tpu.vector_store %arg8[%swap3A_184, %swap3A_185], %gather3A_182 {strides = array<i32>} : memref<32x512xf32, #tpu.memory_space<vmem>>, vector<16xf32>,
      %add3A_187 = arith.constant 20 : i32
      %add3A_188 = vector.broadcast %add3A_187 : i32 to vector<16xi32>
      %add3A_189 = arith.addi %mul3A_28, %add3A_188 : vector<16xi32>
      %gather3A_190 = tpu.vector_load_idx %arg7[%add3A_22, %add3A_189] : memref<512x128xf32, #tpu.memory_space<vmem>>[vector<16xi32>, vector<16xi32>], vector<16xf32>,
      %swap3A_191 = arith.constant 20 : i32
      %swap3A_192 = arith.index_cast %swap3A_191 : i32 to index
      %swap3A_193 = arith.index_cast %mul3A_20 : i32 to index
      %swap3A_194 = tpu.vector_load %arg8[%swap3A_192, %swap3A_193] {strides = array<i32>} : memref<32x512xf32, #tpu.memory_space<vmem>>, vector<16xf32>,
      tpu.vector_store %arg8[%swap3A_192, %swap3A_193], %gather3A_190 {strides = array<i32>} : memref<32x512xf32, #tpu.memory_space<vmem>>, vector<16xf32>,
      %add3A_195 = arith.constant 21 : i32
      %add3A_196 = vector.broadcast %add3A_195 : i32 to vector<16xi32>
      %add3A_197 = arith.addi %mul3A_28, %add3A_196 : vector<16xi32>
      %gather3A_198 = tpu.vector_load_idx %arg7[%add3A_22, %add3A_197] : memref<512x128xf32, #tpu.memory_space<vmem>>[vector<16xi32>, vector<16xi32>], vector<16xf32>,
      %swap3A_199 = arith.constant 21 : i32
      %swap3A_200 = arith.index_cast %swap3A_199 : i32 to index
      %swap3A_201 = arith.index_cast %mul3A_20 : i32 to index
      %swap3A_202 = tpu.vector_load %arg8[%swap3A_200, %swap3A_201] {strides = array<i32>} : memref<32x512xf32, #tpu.memory_space<vmem>>, vector<16xf32>,
      tpu.vector_store %arg8[%swap3A_200, %swap3A_201], %gather3A_198 {strides = array<i32>} : memref<32x512xf32, #tpu.memory_space<vmem>>, vector<16xf32>,
      %add3A_203 = arith.constant 22 : i32
      %add3A_204 = vector.broadcast %add3A_203 : i32 to vector<16xi32>
      %add3A_205 = arith.addi %mul3A_28, %add3A_204 : vector<16xi32>
      %gather3A_206 = tpu.vector_load_idx %arg7[%add3A_22, %add3A_205] : memref<512x128xf32, #tpu.memory_space<vmem>>[vector<16xi32>, vector<16xi32>], vector<16xf32>,
      %swap3A_207 = arith.constant 22 : i32
      %swap3A_208 = arith.index_cast %swap3A_207 : i32 to index
      %swap3A_209 = arith.index_cast %mul3A_20 : i32 to index
      %swap3A_210 = tpu.vector_load %arg8[%swap3A_208, %swap3A_209] {strides = array<i32>} : memref<32x512xf32, #tpu.memory_space<vmem>>, vector<16xf32>,
      tpu.vector_store %arg8[%swap3A_208, %swap3A_209], %gather3A_206 {strides = array<i32>} : memref<32x512xf32, #tpu.memory_space<vmem>>, vector<16xf32>,
      %add3A_211 = arith.constant 23 : i32
      %add3A_212 = vector.broadcast %add3A_211 : i32 to vector<16xi32>
      %add3A_213 = arith.addi %mul3A_28, %add3A_212 : vector<16xi32>
      %gather3A_214 = tpu.vector_load_idx %arg7[%add3A_22, %add3A_213] : memref<512x128xf32, #tpu.memory_space<vmem>>[vector<16xi32>, vector<16xi32>], vector<16xf32>,
      %swap3A_215 = arith.constant 23 : i32
      %swap3A_216 = arith.index_cast %swap3A_215 : i32 to index
      %swap3A_217 = arith.index_cast %mul3A_20 : i32 to index
      %swap3A_218 = tpu.vector_load %arg8[%swap3A_216, %swap3A_217] {strides = array<i32>} : memref<32x512xf32, #tpu.memory_space<vmem>>, vector<16xf32>,
      tpu.vector_store %arg8[%swap3A_216, %swap3A_217], %gather3A_214 {strides = array<i32>} : memref<32x512xf32, #tpu.memory_space<vmem>>, vector<16xf32>,
      %add3A_219 = arith.constant 24 : i32
      %add3A_220 = vector.broadcast %add3A_219 : i32 to vector<16xi32>
      %add3A_221 = arith.addi %mul3A_28, %add3A_220 : vector<16xi32>
      %gather3A_222 = tpu.vector_load_idx %arg7[%add3A_22, %add3A_221] : memref<512x128xf32, #tpu.memory_space<vmem>>[vector<16xi32>, vector<16xi32>], vector<16xf32>,
      %swap3A_223 = arith.constant 24 : i32
      %swap3A_224 = arith.index_cast %swap3A_223 : i32 to index
      %swap3A_225 = arith.index_cast %mul3A_20 : i32 to index
      %swap3A_226 = tpu.vector_load %arg8[%swap3A_224, %swap3A_225] {strides = array<i32>} : memref<32x512xf32, #tpu.memory_space<vmem>>, vector<16xf32>,
      tpu.vector_store %arg8[%swap3A_224, %swap3A_225], %gather3A_222 {strides = array<i32>} : memref<32x512xf32, #tpu.memory_space<vmem>>, vector<16xf32>,
      %add3A_227 = arith.constant 25 : i32
      %add3A_228 = vector.broadcast %add3A_227 : i32 to vector<16xi32>
      %add3A_229 = arith.addi %mul3A_28, %add3A_228 : vector<16xi32>
      %gather3A_230 = tpu.vector_load_idx %arg7[%add3A_22, %add3A_229] : memref<512x128xf32, #tpu.memory_space<vmem>>[vector<16xi32>, vector<16xi32>], vector<16xf32>,
      %swap3A_231 = arith.constant 25 : i32
      %swap3A_232 = arith.index_cast %swap3A_231 : i32 to index
      %swap3A_233 = arith.index_cast %mul3A_20 : i32 to index
      %swap3A_234 = tpu.vector_load %arg8[%swap3A_232, %swap3A_233] {strides = array<i32>} : memref<32x512xf32, #tpu.memory_space<vmem>>, vector<16xf32>,
      tpu.vector_store %arg8[%swap3A_232, %swap3A_233], %gather3A_230 {strides = array<i32>} : memref<32x512xf32, #tpu.memory_space<vmem>>, vector<16xf32>,
      %add3A_235 = arith.constant 26 : i32
      %add3A_236 = vector.broadcast %add3A_235 : i32 to vector<16xi32>
      %add3A_237 = arith.addi %mul3A_28, %add3A_236 : vector<16xi32>
      %gather3A_238 = tpu.vector_load_idx %arg7[%add3A_22, %add3A_237] : memref<512x128xf32, #tpu.memory_space<vmem>>[vector<16xi32>, vector<16xi32>], vector<16xf32>,
      %swap3A_239 = arith.constant 26 : i32
      %swap3A_240 = arith.index_cast %swap3A_239 : i32 to index
      %swap3A_241 = arith.index_cast %mul3A_20 : i32 to index
      %swap3A_242 = tpu.vector_load %arg8[%swap3A_240, %swap3A_241] {strides = array<i32>} : memref<32x512xf32, #tpu.memory_space<vmem>>, vector<16xf32>,
      tpu.vector_store %arg8[%swap3A_240, %swap3A_241], %gather3A_238 {strides = array<i32>} : memref<32x512xf32, #tpu.memory_space<vmem>>, vector<16xf32>,
      %add3A_243 = arith.constant 27 : i32
      %add3A_244 = vector.broadcast %add3A_243 : i32 to vector<16xi32>
      %add3A_245 = arith.addi %mul3A_28, %add3A_244 : vector<16xi32>
      %gather3A_246 = tpu.vector_load_idx %arg7[%add3A_22, %add3A_245] : memref<512x128xf32, #tpu.memory_space<vmem>>[vector<16xi32>, vector<16xi32>], vector<16xf32>,
      %swap3A_247 = arith.constant 27 : i32
      %swap3A_248 = arith.index_cast %swap3A_247 : i32 to index
      %swap3A_249 = arith.index_cast %mul3A_20 : i32 to index
      %swap3A_250 = tpu.vector_load %arg8[%swap3A_248, %swap3A_249] {strides = array<i32>} : memref<32x512xf32, #tpu.memory_space<vmem>>, vector<16xf32>,
      tpu.vector_store %arg8[%swap3A_248, %swap3A_249], %gather3A_246 {strides = array<i32>} : memref<32x512xf32, #tpu.memory_space<vmem>>, vector<16xf32>,
      %add3A_251 = arith.constant 28 : i32
      %add3A_252 = vector.broadcast %add3A_251 : i32 to vector<16xi32>
      %add3A_253 = arith.addi %mul3A_28, %add3A_252 : vector<16xi32>
      %gather3A_254 = tpu.vector_load_idx %arg7[%add3A_22, %add3A_253] : memref<512x128xf32, #tpu.memory_space<vmem>>[vector<16xi32>, vector<16xi32>], vector<16xf32>,
      %swap3A_255 = arith.constant 28 : i32
      %swap3A_256 = arith.index_cast %swap3A_255 : i32 to index
      %swap3A_257 = arith.index_cast %mul3A_20 : i32 to index
      %swap3A_258 = tpu.vector_load %arg8[%swap3A_256, %swap3A_257] {strides = array<i32>} : memref<32x512xf32, #tpu.memory_space<vmem>>, vector<16xf32>,
      tpu.vector_store %arg8[%swap3A_256, %swap3A_257], %gather3A_254 {strides = array<i32>} : memref<32x512xf32, #tpu.memory_space<vmem>>, vector<16xf32>,
      %add3A_259 = arith.constant 29 : i32
      %add3A_260 = vector.broadcast %add3A_259 : i32 to vector<16xi32>
      %add3A_261 = arith.addi %mul3A_28, %add3A_260 : vector<16xi32>
      %gather3A_262 = tpu.vector_load_idx %arg7[%add3A_22, %add3A_261] : memref<512x128xf32, #tpu.memory_space<vmem>>[vector<16xi32>, vector<16xi32>], vector<16xf32>,
      %swap3A_263 = arith.constant 29 : i32
      %swap3A_264 = arith.index_cast %swap3A_263 : i32 to index
      %swap3A_265 = arith.index_cast %mul3A_20 : i32 to index
      %swap3A_266 = tpu.vector_load %arg8[%swap3A_264, %swap3A_265] {strides = array<i32>} : memref<32x512xf32, #tpu.memory_space<vmem>>, vector<16xf32>,
      tpu.vector_store %arg8[%swap3A_264, %swap3A_265], %gather3A_262 {strides = array<i32>} : memref<32x512xf32, #tpu.memory_space<vmem>>, vector<16xf32>,
      %add3A_267 = arith.constant 30 : i32
      %add3A_268 = vector.broadcast %add3A_267 : i32 to vector<16xi32>
      %add3A_269 = arith.addi %mul3A_28, %add3A_268 : vector<16xi32>
      %gather3A_270 = tpu.vector_load_idx %arg7[%add3A_22, %add3A_269] : memref<512x128xf32, #tpu.memory_space<vmem>>[vector<16xi32>, vector<16xi32>], vector<16xf32>,
      %swap3A_271 = arith.constant 30 : i32
      %swap3A_272 = arith.index_cast %swap3A_271 : i32 to index
      %swap3A_273 = arith.index_cast %mul3A_20 : i32 to index
      %swap3A_274 = tpu.vector_load %arg8[%swap3A_272, %swap3A_273] {strides = array<i32>} : memref<32x512xf32, #tpu.memory_space<vmem>>, vector<16xf32>,
      tpu.vector_store %arg8[%swap3A_272, %swap3A_273], %gather3A_270 {strides = array<i32>} : memref<32x512xf32, #tpu.memory_space<vmem>>, vector<16xf32>,
      %add3A_275 = arith.constant 31 : i32
      %add3A_276 = vector.broadcast %add3A_275 : i32 to vector<16xi32>
      %add3A_277 = arith.addi %mul3A_28, %add3A_276 : vector<16xi32>
      %gather3A_278 = tpu.vector_load_idx %arg7[%add3A_22, %add3A_277] : memref<512x128xf32, #tpu.memory_space<vmem>>[vector<16xi32>, vector<16xi32>], vector<16xf32>,
      %swap3A_279 = arith.constant 31 : i32
      %swap3A_280 = arith.index_cast %swap3A_279 : i32 to index
      %swap3A_281 = arith.index_cast %mul3A_20 : i32 to index
      %swap3A_282 = tpu.vector_load %arg8[%swap3A_280, %swap3A_281] {strides = array<i32>} : memref<32x512xf32, #tpu.memory_space<vmem>>, vector<16xf32>,
      tpu.vector_store %arg8[%swap3A_280, %swap3A_281], %gather3A_278 {strides = array<i32>} : memref<32x512xf32, #tpu.memory_space<vmem>>, vector<16xf32>,
    }
    %scan3A_17 = arith.constant 32 : i32
    "tpu.region"() ({
      %run_scoped3A = tpu.sem_alloc : memref<!tpu.dma_semaphore, #tpu.memory_space<semaphore_mem>>
      %dma_start3A_18 = arith.constant 0 : i32
      %dma_start3A_19 = tpu.memref_slice %arg4[%dma_start3A_18, %mul3A_2] : memref<32x16384xf32, #tpu.memory_space<hbm>> -> memref<32x512xf32, #tpu.memory_space<hbm>>
      %dma_start3A_20 = arith.constant 0 : i32
      %dma_start3A_21 = tpu.memref_slice %arg4[%dma_start3A_20, %mul3A_2] : memref<32x16384xf32, #tpu.memory_space<hbm>> -> memref<32x512xf32, #tpu.memory_space<hbm>>
      tpu.enqueue_dma source(%arg8 : memref<32x512xf32, #tpu.memory_space<vmem>>) target(%dma_start3A_21 : memref<32x512xf32, #tpu.memory_space<hbm>>) target_semaphore(%run_scoped3A : memref<!tpu.dma_semaphore, #tpu.memory_space<semaphore_mem>>)
      %dma_wait3A_22 = arith.constant 0 : i32
      %dma_wait3A_23 = tpu.memref_slice %arg4[%dma_wait3A_22, %mul3A_2] : memref<32x16384xf32, #tpu.memory_space<hbm>> -> memref<32x512xf32, #tpu.memory_space<hbm>>
      %dma_wait3A_24 = arith.constant 0 : i32
      %dma_wait3A_25 = tpu.memref_slice %arg4[%dma_wait3A_24, %mul3A_2] : memref<32x16384xf32, #tpu.memory_space<hbm>> -> memref<32x512xf32, #tpu.memory_space<hbm>>
      tpu.wait_dma2 semaphore(%run_scoped3A : memref<!tpu.dma_semaphore, #tpu.memory_space<semaphore_mem>>) src(%arg8 : memref<32x512xf32, #tpu.memory_space<vmem>>) dst(%dma_wait3A_25 : memref<32x512xf32, #tpu.memory_space<hbm>>)
      tpu.yield
    }) : () -> ()
    return
  }
}

module attributes {stable_mosaic.version = 14 : i64} {
  func.func @_tr_body(%arg0: i32, %arg1: memref<2048x20xi32, #tpu.memory_space<vmem>>, %arg2: memref<20x2048xi32, #tpu.memory_space<vmem>>) attributes {dimension_semantics = [#tpu.dimension_semantics<arbitrary>], iteration_bounds = array<i64: 8>, scalar_prefetch = 0 : i64, scratch_operands = 0 : i64, tpu.core_type = #tpu.core_type<tc>, window_params = [{transform_indices = @transform_0, window_bounds = array<i64: 2048, 20>}, {transform_indices = @transform_1, window_bounds = array<i64: 20, 2048>}]} {
    %get3A = arith.constant 0 : index
    %get3A_0 = arith.constant 0 : index
    %get3A_1 = vector.load %arg1[%get3A, %get3A_0] : memref<2048x20xi32, #tpu.memory_space<vmem>>, vector<2048x20xi32>
    %transpose3A = tpu.transpose %get3A_1, [1, 0] : vector<2048x20xi32> -> vector<20x2048xi32>
    %swap3A = arith.constant 0 : index
    %swap3A_2 = arith.constant 0 : index
    %swap3A_3 = vector.load %arg2[%swap3A, %swap3A_2] : memref<20x2048xi32, #tpu.memory_space<vmem>>, vector<20x2048xi32>
    tpu.vector_store %arg2[%swap3A, %swap3A_2], %transpose3A {strides = array<i32>} : memref<20x2048xi32, #tpu.memory_space<vmem>>, vector<20x2048xi32>,
    return
  }
  func.func @transform_0(%arg0: i32) -> (i32, i32) {
    %c0_i32 = arith.constant 0 : i32
    %c0_i32_0 = arith.constant 0 : i32
    return %arg0, %c0_i32 : i32, i32
  }
  func.func @transform_1(%arg0: i32) -> (i32, i32) {
    %c0_i32 = arith.constant 0 : i32
    %c0_i32_0 = arith.constant 0 : i32
    return %c0_i32, %arg0 : i32, i32
  }
}

module attributes {stable_mosaic.version = 14 : i64} {
  func.func @_pack_body(%arg0: i32, %arg1: memref<32x2048xf32, #tpu.memory_space<vmem>>, %arg2: memref<32x2048xf32, #tpu.memory_space<vmem>>, %arg3: memref<32x2048xf32, #tpu.memory_space<vmem>>, %arg4: memref<32x2048xf32, #tpu.memory_space<vmem>>, %arg5: memref<2048x128xf32, #tpu.memory_space<vmem>>) attributes {dimension_semantics = [#tpu.dimension_semantics<arbitrary>], iteration_bounds = array<i64: 128>, scalar_prefetch = 0 : i64, scratch_operands = 0 : i64, tpu.core_type = #tpu.core_type<tc>, window_params = [{transform_indices = @transform_0, window_bounds = array<i64: 32, 2048>}, {transform_indices = @transform_1, window_bounds = array<i64: 32, 2048>}, {transform_indices = @transform_2, window_bounds = array<i64: 32, 2048>}, {transform_indices = @transform_3, window_bounds = array<i64: 32, 2048>}, {transform_indices = @transform_4, window_bounds = array<i64: 2048, 128>}]} {
    %get3A = arith.constant 0 : index
    %get3A_0 = arith.constant 0 : index
    %get3A_1 = vector.load %arg1[%get3A, %get3A_0] : memref<32x2048xf32, #tpu.memory_space<vmem>>, vector<32x2048xf32>
    %get3A_2 = arith.constant 0 : index
    %get3A_3 = arith.constant 0 : index
    %get3A_4 = vector.load %arg2[%get3A_2, %get3A_3] : memref<32x2048xf32, #tpu.memory_space<vmem>>, vector<32x2048xf32>
    %get3A_5 = arith.constant 0 : index
    %get3A_6 = arith.constant 0 : index
    %get3A_7 = vector.load %arg3[%get3A_5, %get3A_6] : memref<32x2048xf32, #tpu.memory_space<vmem>>, vector<32x2048xf32>
    %get3A_8 = arith.constant 0 : index
    %get3A_9 = arith.constant 0 : index
    %get3A_10 = vector.load %arg4[%get3A_8, %get3A_9] : memref<32x2048xf32, #tpu.memory_space<vmem>>, vector<32x2048xf32>
    %concatenate3A = tpu.concatenate %get3A_1, %get3A_4, %get3A_7, %get3A_10 in 0 : vector<32x2048xf32>, vector<32x2048xf32>, vector<32x2048xf32>, vector<32x2048xf32> -> vector<128x2048xf32>
    %transpose3A = tpu.transpose %concatenate3A, [1, 0] : vector<128x2048xf32> -> vector<2048x128xf32>
    %swap3A = arith.constant 0 : index
    %swap3A_11 = arith.constant 0 : index
    %swap3A_12 = vector.load %arg5[%swap3A, %swap3A_11] : memref<2048x128xf32, #tpu.memory_space<vmem>>, vector<2048x128xf32>
    tpu.vector_store %arg5[%swap3A, %swap3A_11], %transpose3A {strides = array<i32>} : memref<2048x128xf32, #tpu.memory_space<vmem>>, vector<2048x128xf32>,
    return
  }
  func.func @transform_0(%arg0: i32) -> (i32, i32) {
    %add3A = arith.constant 0 : i32
    %add3A_0 = arith.addi %arg0, %add3A : i32
    %min3A = arith.constant 488 : i32
    %min3A_1 = arith.minsi %add3A_0, %min3A : i32
    %c0_i32 = arith.constant 0 : i32
    %c0_i32_2 = arith.constant 0 : i32
    return %c0_i32, %min3A_1 : i32, i32
  }
  func.func @transform_1(%arg0: i32) -> (i32, i32) {
    %add3A = arith.constant 128 : i32
    %add3A_0 = arith.addi %arg0, %add3A : i32
    %min3A = arith.constant 488 : i32
    %min3A_1 = arith.minsi %add3A_0, %min3A : i32
    %c0_i32 = arith.constant 0 : i32
    %c0_i32_2 = arith.constant 0 : i32
    return %c0_i32, %min3A_1 : i32, i32
  }
  func.func @transform_2(%arg0: i32) -> (i32, i32) {
    %add3A = arith.constant 256 : i32
    %add3A_0 = arith.addi %arg0, %add3A : i32
    %min3A = arith.constant 488 : i32
    %min3A_1 = arith.minsi %add3A_0, %min3A : i32
    %c0_i32 = arith.constant 0 : i32
    %c0_i32_2 = arith.constant 0 : i32
    return %c0_i32, %min3A_1 : i32, i32
  }
  func.func @transform_3(%arg0: i32) -> (i32, i32) {
    %add3A = arith.constant 384 : i32
    %add3A_0 = arith.addi %arg0, %add3A : i32
    %min3A = arith.constant 488 : i32
    %min3A_1 = arith.minsi %add3A_0, %min3A : i32
    %c0_i32 = arith.constant 0 : i32
    %c0_i32_2 = arith.constant 0 : i32
    return %c0_i32, %min3A_1 : i32, i32
  }
  func.func @transform_4(%arg0: i32) -> (i32, i32) {
    %c0_i32 = arith.constant 0 : i32
    %c0_i32_0 = arith.constant 0 : i32
    return %arg0, %c0_i32 : i32, i32
  }
}

module attributes {stable_mosaic.version = 14 : i64} {
  func.func @_fc_body(%arg0: memref<32x16384xf32, #tpu.memory_space<vmem>>, %arg1: memref<16x16384xf32, #tpu.memory_space<vmem>>, %arg2: memref<32x32xf32, #tpu.memory_space<vmem>>, %arg3: memref<16x32xf32, #tpu.memory_space<vmem>>, %arg4: memref<1x32xf32, #tpu.memory_space<vmem>>, %arg5: memref<16384x32xf32, #tpu.memory_space<vmem>>) attributes {dimension_semantics = [], scalar_prefetch = 0 : i64, scratch_operands = 0 : i64, tpu.core_type = #tpu.core_type<tc>} {
    %get3A = arith.constant 0 : index
    %get3A_0 = arith.constant 0 : index
    %get3A_1 = vector.load %arg0[%get3A, %get3A_0] : memref<32x16384xf32, #tpu.memory_space<vmem>>, vector<32x16384xf32>
    %max3A = arith.constant 0.000000e+00 : f32
    %max3A_2 = vector.broadcast %max3A : f32 to vector<32x16384xf32>
    %max3A_3 = arith.maximumf %get3A_1, %max3A_2 : vector<32x16384xf32>
    %get3A_4 = arith.constant 0 : index
    %get3A_5 = arith.constant 0 : index
    %get3A_6 = vector.load %arg1[%get3A_4, %get3A_5] : memref<16x16384xf32, #tpu.memory_space<vmem>>, vector<16x16384xf32>
    %max3A_7 = arith.constant 0.000000e+00 : f32
    %max3A_8 = vector.broadcast %max3A_7 : f32 to vector<16x16384xf32>
    %max3A_9 = arith.maximumf %get3A_6, %max3A_8 : vector<16x16384xf32>
    %get3A_10 = arith.constant 0 : index
    %get3A_11 = arith.constant 0 : index
    %get3A_12 = vector.load %arg2[%get3A_10, %get3A_11] : memref<32x32xf32, #tpu.memory_space<vmem>>, vector<32x32xf32>
    %dot_general3A = arith.constant dense<0.000000e+00> : vector<16384x32xf32>
    %dot_general3A_13 = tpu.matmul %max3A_3, %get3A_12, %dot_general3A {dimension_numbers = #tpu.dot_dimension_numbers<[0], [0], [1], [1], [0, 1, 1, 1], [], []>, transpose_lhs_hint = true} : vector<32x16384xf32>, vector<32x32xf32>, vector<16384x32xf32> -> vector<16384x32xf32>
    %get3A_14 = arith.constant 0 : index
    %get3A_15 = arith.constant 0 : index
    %get3A_16 = vector.load %arg3[%get3A_14, %get3A_15] : memref<16x32xf32, #tpu.memory_space<vmem>>, vector<16x32xf32>
    %dot_general3A_17 = arith.constant dense<0.000000e+00> : vector<16384x32xf32>
    %dot_general3A_18 = tpu.matmul %max3A_9, %get3A_16, %dot_general3A_17 {dimension_numbers = #tpu.dot_dimension_numbers<[0], [0], [1], [1], [0, 1, 1, 1], [], []>, transpose_lhs_hint = true} : vector<16x16384xf32>, vector<16x32xf32>, vector<16384x32xf32> -> vector<16384x32xf32>
    %add3A = arith.addf %dot_general3A_13, %dot_general3A_18 : vector<16384x32xf32>
    %get3A_19 = arith.constant 0 : index
    %get3A_20 = arith.constant 0 : index
    %get3A_21 = vector.load %arg4[%get3A_19, %get3A_20] : memref<1x32xf32, #tpu.memory_space<vmem>>, vector<1x32xf32>
    %add3A_22 = vector.broadcast %get3A_21 : vector<1x32xf32> to vector<16384x32xf32>
    %add3A_23 = arith.addf %add3A, %add3A_22 : vector<16384x32xf32>
    %swap3A = arith.constant 0 : index
    %swap3A_24 = arith.constant 0 : index
    %swap3A_25 = vector.load %arg5[%swap3A, %swap3A_24] : memref<16384x32xf32, #tpu.memory_space<vmem>>, vector<16384x32xf32>
    tpu.vector_store %arg5[%swap3A, %swap3A_24], %add3A_23 {strides = array<i32>} : memref<16384x32xf32, #tpu.memory_space<vmem>>, vector<16384x32xf32>,
    return
  }
}

</mosaic_0001>

<sc_bundles>
// kernel: kernel.10.cloned.1.call-start
scs
__scs_entry_jumppad:
0x0: {  	(pc) =	sbr.rel $0x88, $3  }
0x1: {  	(tag) =	ssettag $0x0;
	lr =	simm.s32 $0x1  }
0x2: {  	[smem:$0x3F9A] =	sst lr;
	_ =	strace $0xD0000000  }
0x3: {  	_ = 	snop  }
0x4: {  	_ = 	snop  }
0x5: {  	_ = 	snop  }
0x6: {  	_ = 	snop  }
0x7: {  	_ = 	snop  }
__scs_overlays_trampoline_lowered:
0x8: {  	[smem:$0x3FA9] =	sst s0  }
0x9: {  	[smem:$0x3FAA] =	sst s1  }
0xa: {  	[smem:$0x3FAB] =	sst s2  }
0xb: {  	[smem:$0x3FAC] =	sst s3  }
0xc: {  	[smem:$0x3FAD] =	sst s4  }
0xd: {  	[smem:$0x3FAE] =	sst s5  }
0xe: {  	[smem:$0x3FAF] =	sst s6  }
0xf: {  	[smem:$0x3FB0] =	sst s7  }
0x10: {  	[smem:$0x3FB1] =	sst s8  }
0x11: {  	[smem:$0x3FB2] =	sst s9;
	s0 =	simm.s32 @!p0 $0x0  }
0x12: {  	s1 =	sld [smem:$0x3F98];
	s0 =	simm.s32 @p0 $0x1  }
0x13: {  	[smem:$0x3FB3] =	sst s0;
	s0 =	simm.s32 @!p1 $0x0  }
0x14: {  	s2 =	sld [smem:$0x3F97];
	s0 =	simm.s32 @p1 $0x1  }
0x15: {  	[smem:$0x3FB4] =	sst s0;
	s0 =	simm.s32 @!p2 $0x0  }
0x16: {  	s3 =	sld [smem:$0x3FDB];
	s0 =	simm.s32 @p2 $0x1  }
0x17: {  	s4 =	simm.s32 $0x1BF5;
	[smem:$0x3FB6] =	sst s0  }
0x18: {  	s0 =	sld [smem:$0x3F99];
	_ =	swait.ge [sflag:s4], $0x0  }
0x19: {  	s7 =	sld [smem:$0x3F9A]  }
0x1a: {  	s8 =	sadd.s32 $0xFFFFE003, lr  }
0x1b: {  	s9 =	sadd.s32 $0xFFFFFEF7, lr;
	s5 =	simm.s32 $0xFFFFFFFF;
	p2 =	slt.u32 s8, $0xFFFFF086  }
0x1c: {  	p1 =	slt.u32 s9, $0xF7A;
	s5 =	simm.s32 @!p2 $0x0  }
0x1d: {  	s5 =	simm.s32 @p1 $0x1;
	p0 =	seq.s32 s7, s2  }
0x1e: {  	s7 =	smul.u32 @!p0 $0xF7A, s2;
	p2 =	seq.s32 @!p0 s5, $0x0  }
0x1f: {  	s9 =	smul.u32 $0xF7A, s1;
	s8 =	simm.s32 @!p0 $0x1BF5;
	p2 =	por !p2, p0  }
0x20: {  	[sflag:s8] =	ssyncset.s32 @!p0 $0xFFFFF086;
	s6 =	sadd.s32 @!p0 s3, s7;
	s7 =	simm.s32 @!p0 $0x108  }
0x21: {  	s3 =	sadd.s32 s3, s9;
	s6 =	sadd.s32 @!p0 $0x88, s6;
	s7 =	simm.s32 @p2 $0x1082  }
0x22: {  	[simem:s7], [sflag:s8] =	dma.local @!p0 [hbm:s6], $0xF7A  }
0x23: {  	s9 =	sor.u32 $0xD0000000, s2;
	s6 =	simm.s32 $0x108;
	_ =	swait.ge @!p0 [sflag:s8], $0x0  }
0x24: {  	s3 =	sadd.s32 $0x88, s3;
	s6 =	simm.s32 @!p1 $0x1082;
	[sflag:s4] =	ssyncset.s32 $0xFFFFF086  }
0x25: {  	[simem:s6], [sflag:s4] =	dma.local [hbm:s3], $0xF7A  }
0x26: {  	[smem:$0x3F9A] =	sst s1;
	(tag) =	ssettag s2;
	_ =	strace s9  }
0x27: {  	s1 =	sld [smem:$0x3FAA]  }
0x28: {  	s2 =	sld [smem:$0x3FAB]  }
0x29: {  	s4 =	sld [smem:$0x3FAD]  }
0x2a: {  	p0 =	seq.s32 s5, $0x0;
	s5 =	sld [smem:$0x3FAE]  }
0x2b: {  	s6 =	sld [smem:$0x3FAF]  }
0x2c: {  	s7 =	sld [smem:$0x3FB0]  }
0x2d: {  	s3 =	simm.s32 $0x108;
	s8 =	sld [smem:$0x3FB1]  }
0x2e: {  	s3 =	simm.s32 @!p0 $0x1082;
	s9 =	sld [smem:$0x3FB2]  }
0x2f: {  	lr =	sadd.s32 s0, s3;
	s0 =	sld [smem:$0x3FA9]  }
0x30: {  	s3 =	sld [smem:$0x3FAC]  }
0x31: {  	[smem:$0x3FB5] =	sst s10  }
0x32: {  	s10 =	sld [smem:$0x3FB3];
	_ =	sdelay $0x3  }
0x33: {  	p0 =	seq.s32 s10, $0x1;
	s10 =	sld [smem:$0x3FB5];
	_ =	sdelay $0x3  }
0x34: {  	[smem:$0x3FB5] =	sst s10  }
0x35: {  	s10 =	sld [smem:$0x3FB4];
	_ =	sdelay $0x3  }
0x36: {  	p1 =	seq.s32 s10, $0x1;
	s10 =	sld [smem:$0x3FB5];
	_ =	sdelay $0x3  }
0x37: {  	[smem:$0x3FB5] =	sst s10  }
0x38: {  	s10 =	sld [smem:$0x3FB6]  }
0x39: {  	_ = 	snop;
	(pc) =	sbr.ind lr, $3  }
0x3a: {  	_ = 	snop  }
0x3b: {  	_ = 	snop  }
0x3c: {  	p2 =	seq.s32 s10, $0x1;
	s10 =	sld [smem:$0x3FB5]  }
0x3d: {  	_ =	shalt  }
0x3e: {  	_ =	shalt  }
0x3f: {  	_ =	shalt  }
0x40: {  	_ =	shalt  }
0x41: {  	_ =	shalt  }
0x42: {  	_ =	shalt  }
0x43: {  	_ =	shalt  }
0x44: {  	_ =	shalt  }
0x45: {  	_ =	shalt  }
0x46: {  	_ =	shalt  }
0x47: {  	_ =	shalt  }
0x48: {  	_ =	shalt  }
0x49: {  	_ =	shalt  }
0x4a: {  	_ =	shalt  }
0x4b: {  	_ =	shalt  }
0x4c: {  	_ =	shalt  }
0x4d: {  	_ =	shalt  }
0x4e: {  	_ =	shalt  }
0x4f: {  	_ =	shalt  }
0x50: {  	_ =	shalt  }
0x51: {  	_ =	shalt  }
0x52: {  	_ =	shalt  }
0x53: {  	_ =	shalt  }
0x54: {  	_ =	shalt  }
0x55: {  	_ =	shalt  }
0x56: {  	_ =	shalt  }
0x57: {  	_ =	shalt  }
0x58: {  	_ =	shalt  }
0x59: {  	_ =	shalt  }
0x5a: {  	_ =	shalt  }
0x5b: {  	_ =	shalt  }
0x5c: {  	_ =	shalt  }
0x5d: {  	_ =	shalt  }
0x5e: {  	_ =	shalt  }
0x5f: {  	_ =	shalt  }
0x60: {  	_ =	shalt  }
0x61: {  	_ =	shalt  }
0x62: {  	_ =	shalt  }
0x63: {  	_ =	shalt  }
0x64: {  	_ =	shalt  }
0x65: {  	_ =	shalt  }
0x66: {  	_ =	shalt  }
0x67: {  	_ =	shalt  }
0x68: {  	_ =	shalt  }
0x69: {  	_ =	shalt  }
0x6a: {  	_ =	shalt  }
0x6b: {  	_ =	shalt  }
0x6c: {  	_ =	shalt  }
0x6d: {  	_ =	shalt  }
0x6e: {  	_ =	shalt  }
0x6f: {  	_ =	shalt  }
0x70: {  	_ =	shalt  }
0x71: {  	_ =	shalt  }
0x72: {  	_ =	shalt  }
0x73: {  	_ =	shalt  }
0x74: {  	_ =	shalt  }
0x75: {  	_ =	shalt  }
0x76: {  	_ =	shalt  }
0x77: {  	_ =	shalt  }
0x78: {  	_ =	shalt  }
0x79: {  	_ =	shalt  }
0x7a: {  	_ =	shalt  }
0x7b: {  	_ =	shalt  }
0x7c: {  	_ =	shalt  }
0x7d: {  	_ =	shalt  }
0x7e: {  	_ =	shalt  }
0x7f: {  	_ =	shalt  }
0x80: {  	_ =	shalt  }
0x81: {  	_ =	shalt  }
0x82: {  	_ =	shalt  }
0x83: {  	_ =	shalt  }
0x84: {  	_ =	shalt  }
0x85: {  	_ =	shalt  }
0x86: {  	_ =	shalt  }
0x87: {  	_ =	shalt  }
.Lfunc_end0:
.L_simem_size_0:
called_computation.1_lowered:
.L_overlay_start_0:
0x88: {  	s2 =	sld [smem:$0x3FD9]  }
0x89: {  	s3 =	sld [smem:$0x3FFE];
	_ =	sdelay $0x1  }
0x8a: {  	s1 =	srdreg.scid  }
0x8b: {  	s0 =	sand.u32 $0x1, s1  }
0x8c: {  	s14 =	sshll.u32 s0, $0xA;
	s2 =	sadd.s32 s3, s2  }
0x8d: {  	s2 =	sadd.s32 s2, s14  }
0x8e: {  	[smem:$0x3FC1] =	sst s2  }
0x8f: {  	_ = 	snop  }
0x90: {  	s2 =	sld [smem:$0x3FD0];
	_ =	sdelay $0x2  }
0x91: {  	s4 =	simm.s32 $0xB;
	s5 =	simm.s32 $0x10;
	s15 =	sld [smem:$0x3FC9]  }
0x92: {  	[smem:s5], [sflag:s4] =	dma.local [hbm:s2], $0x1  }
0x93: {  	_ =	swait.eq [sflag:s4], $0x1  }
0x94: {  	[sflag:s4] =	ssyncset.done $0x0  }
0x95: {  	[sflag:s4] =	ssyncadd.s32 $0xFFFFFFFF  }
0x96: {  	s16 =	sld [smem:$0x10];
	(tm) =	ssettm $0x1  }
0x97: {  	s17 =	sld [smem:$0x3FFB];
	_ =	sdelay $0x3  }
0x98: {  	_ =	strace s17  }
0x99: {  	s4 =	sld [smem:$0x3FFC];
	_ =	sdelay $0x3  }
0x9a: {  	_ =	strace s4  }
0x9b: {  	s4 =	sld [smem:$0x3FFD];
	_ =	sdelay $0x3  }
0x9c: {  	_ =	strace s4  }
0x9d: {  	_ =	strace $0x8FFFFFFF  }
0x9e: {  	s18 =	sld [smem:$0x3FDB];
	_ =	sdelay $0x1  }
0x9f: {  	s19 =	simm.s32 $_scs_section_size  }
0xa0: {  	s6 =	simm.s32 $_size__tile_overlayer_lowered;
	s7 =	simm.s32 $_tile_overlayer_lowered  }
0xa1: {  	s22 =	simm.s32 $0x1BFF;
	s21 =	sshll.u32 s7, $0x1;
	s4 =	sadd.s32 s19, s18  }
0xa2: {  	s8 =	simm.s32 $0x0;
	s20 =	sshll.u32 s6, $0x1;
	s6 =	sadd.s32 s21, s4  }
0xa3: {  	[timem:s8], [sflag:s22] =	dma.local [hbm:s6], s20  }
0xa4: {  	_ =	swait.ge [sflag:s22], s20  }
0xa5: {  	s5 =	ssub.s32 $0x0, s20;
	[sflag:s22] =	ssyncset.done $0x0  }
0xa6: {  	[sflag:s22] =	ssyncadd.s32 s5;
	_ =	sdelay $0x1  }
0xa7: {  	s23 =	simm.s32 $0x1B8B  }
0xa8: {  	_ =	swait.ge [sflag:s23], $0x1  }
0xa9: {  	[sflag:s23] =	ssyncset.done $0x0  }
0xaa: {  	s25 =	simm.s32 $0x1B8E;
	s24 =	sld [smem:$0x3FFE];
	[sflag:s23] =	ssyncadd.s32 $0xFFFFFFFF  }
0xab: {  	s26 =	simm.s32 $execute0_lowered;
	[smem:$0x3FD2] =	sst s25  }
0xac: {  	s6 =	sshll.u32 s26, $0x1;
	_ =	strace $0x80000046;
	[dreg:$0x1] =	wrdreg $0xFFFFFFFF  }
0xad: {  	s28 =	simm.s32 $_size_execute0_lowered;
	s4 =	sadd.s32 s4, s6;
	[dreg:$0x0] =	wrdreg $0x0  }
0xae: {  	s6 =	sshll.u32 s28, $0x1;
	[dreg:$0x2] =	wrdreg s4  }
0xaf: {  	[dreg:$0x3] =	wrdreg s6  }
0xb0: {  	[dreg:$0x4] =	wrdreg $0xC0  }
0xb1: {  	_ =	task [dreg:s8], $0x5FFFF  }
0xb2: {  	[dreg:$0x1] =	wrdreg $0xFFFFFFFF  }
0xb3: {  	[dreg:$0x0] =	wrdreg $0x60  }
0xb4: {  	[dreg:$0x2] =	wrdreg s15  }
0xb5: {  	[dreg:$0x3] =	wrdreg s24  }
0xb6: {  	[dreg:$0x4] =	wrdreg s16  }
0xb7: {  	[dreg:$0x5] =	wrdreg $0xA  }
0xb8: {  	_ =	task.clear_ibuf [dreg:s8], $0x6FFFF;
	_ =	strace $0x90000046  }
0xb9: {  	s29 =	simm.s32 $0xA;
	_ =	strace $0x80000048  }
0xba: {  	_ =	swait.ge [sflag:s29], $0x1  }
0xbb: {  	[sflag:s29] =	ssyncadd.s32 $0xFFFFFFFF  }
0xbc: {  	_ =	strace $0x90000048  }
0xbd: {  	_ =	sfence  }
0xbe: {  	s30 =	sld [smem:$0x0];
	_ =	sdelay $0x2  }
0xbf: {  	s31 =	sshll.u32 s1, $0xD;
	s1 =	sshrl.u32 s1, $0x2  }
0xc0: {  	s3 =	sand.u32 $0x4000, s31;
	s1 =	sadd.s32 s1, s30  }
0xc1: {  	s0 =	sor.u32 s3, s0;
	s1 =	sshll.u32 s1, $0x11  }
0xc2: {  	s0 =	sor.u32 s1, s0  }
0xc3: {  	s0 =	sadd.s32 $0x8F2B, s0  }
0xc4: {  	[sflag:s0] =	ssyncadd.remote.s32 $0x1  }
0xc5: {  	_ =	sfence.sel $0xFFFF  }
0xc6: {  	[dreg:$0x0] =	wrdreg $0xFFFFFFFF;
	(pc) =	sbr.abs _section_cstart, $3  }
0xc7: {  	[dreg:$0x1] =	wrdreg $0xFFFFFFFF  }
0xc8: {  	_ =	task.clear_ibuf [dreg:s8], $0x2FFFF;
	_ =	strace $0x9FFFFFFF  }
0xc9: {  	(tm) =	ssettm $0x7FFFFFFF  }
tec
execute0_lowered:
.L_overlay_start_1:
0x0: {  	(tag) =	ssettag $0x1  }
0x1: {  	s4 =	rddreg [dreg:$0x0]  }
0x2: {  	s3 =	rddreg [dreg:$0x1]  }
0x3: {  	s5 =	rddreg [dreg:$0x2]  }
0x4: {  	s0 =	rddreg [dreg:$0x3];
	s6 =	srdreg.scid  }
0x5: {  	s2 =	simm.s32 $0x0;
	s1 =	stileid.u32;
	s10 =	simm.s32 $0x1  }
0x6: {  	s11 =	simm.s32 $0x1000;
	s12 =	simm.s32 $0x20000;
	s13 =	simm.s32 $0x10400  }
0x7: {  	s14 =	simm.s32 $0x0;
	s6 =	sand.u32 $0x1, s6;
	[smem:$0x7FF] =	sst s2  }
0x8: {  	s7 =	sshll.u32 s1, $0xA;
	s3 =	sadd.s32 $0x1800, s3;
	s8 =	sshll.u32 s6, $0x9  }
0x9: {  	_ =	strace $0x80000047;
	s6 =	ssub.s32 $0x2, s6;
	s7 =	sor.u32 s8, s7  }
0xa: {  	s31 =	sshrl.u32 s6, $0x1;
	s8 =	simm.s32 $0x200;
	s9 =	sshrl.u32 s7, $0x3  }
0xb: {  	v0 =	vlaneseq.u32;
	s6 =	ssub.s32 s6, s31;
	s5 =	sadd.s32 s5, s7;
	s7 =	simm.s32 $0x2  }
0xc: {  	v0 =	vmul.u32 $0x80, v0;
	s4 =	sadd.s32 s4, s9;
	s6 =	smax.u32 s6, $0x1;
	s9 =	simm.s32 $0x400  }
.LBB2_1:
0xd: {  	[tilespmem:s2], [sflag:$0x2] =	stream.linear.gather [hbm4b:s4+s2], $0x200, $0x38;
	[tilespmem:$0x14400] =	vst v63  }
0xe: {  	_ =	swait.ge [sflag:s7], $0x200  }
0xf: {  	[sflag:s7] =	ssyncset.done $0x0  }
0x10: {  	s15 =	simm.s32 $0x0;
	[sflag:s7] =	ssyncadd.s32 $0xFFFFFE00  }
0x11: {  	s16 =	simm.s32 $0x40;
	v1 =	vld [tilespmem:s15+$0x0]  }
.LBB2_2:
0x12: {  	p0 =	sne.s32 s16, $0x7C0  }
.Ltmp0:
0x13: {  	_ = 	snop;
	(pc) =	sbr.rel @p0 .LBB2_2-.Ltmp0, $3  }
0x14: {  	_ =	sdelay $0x1  }
0x15: {  	s17 =	sshra.s32 s16, $0x2;
	s16 =	sadd.s32 $0x40, s16;
	v2 =	vand.u32 $0x3FFFF, v1  }
0x16: {  	v1 =	vld [tilespmem:s17+$0x0];
	[tilespmem:s15+$0x200] =	vst v2;
	s15 =	smov.u32 s17  }
0x17: {  	_ =	sdelay $0x3  }
0x18: {  	v1 =	vand.u32 $0x3FFFF, v1  }
0x19: {  	[tilespmem:s15+$0x200] =	vst v1  }
0x1a: {  	[tilespmem:s9], [sflag:$0x1] =	stream.indirect.gather [hbm4b:s3+s8], $0x80, s8, s8, $0xb8;
	[tilespmem:$0x14400] =	vst v63  }
0x1b: {  	_ =	swait.ge [sflag:s10], $0x10000  }
0x1c: {  	[sflag:s10] =	ssyncset.done $0x0  }
0x1d: {  	s15 =	simm.s32 $0x0;
	[sflag:s10] =	ssyncadd.s32 $0xFFFF0000  }
0x1e: {  	v1 =	vld [tilespmem:s15+$0x0];
	_ =	sdelay $0x3  }
0x1f: {  	v2 =	vmov s15  }
0x20: {  	v2 =	vshll.u32 v2, $0x7;
	v1 =	vshrl.u32 v1, $0xD  }
0x21: {  	v2 =	vor.u32 v0, v2;
	v3 =	vand.u32 $0x7FF80, v1  }
0x22: {  	v1 =	vand.u32 $0x60, v1;
	v2 =	vadd.s32 v2, v3  }
0x23: {  	v1 =	vor.u32 v1, v2;
	_ =	sdelay $0x4  }
0x24: {  	v2 =	vld.idx.msk [tilespmem:v1+s9+$0x0], $0xffff  }
0x25: {  	v3 =	vor.u32 $0x1, v1;
	_ =	sdelay $0x1  }
0x26: {  	s16 =	sand.u32 $0x70, s15;
	s17 =	sand.u32 $0xC00, s15  }
0x27: {  	s16 =	sor.u32 s16, s17  }
0x28: {  	[tilespmem:s16+$0x10400] =	vst v2  }
0x29: {  	v2 =	vld.idx.msk [tilespmem:v3+s9+$0x0], $0xffff  }
0x2a: {  	v3 =	vor.u32 $0x2, v1;
	_ =	sdelay $0x2  }
0x2b: {  	s17 =	sadd.s32 $0x10400, s16  }
0x2c: {  	[tilespmem:s17+$0x80] =	vst v2  }
0x2d: {  	v2 =	vld.idx.msk [tilespmem:v3+s9+$0x0], $0xffff  }
0x2e: {  	v3 =	vor.u32 $0x3, v1;
	_ =	sdelay $0x3  }
0x2f: {  	[tilespmem:s17+$0x100] =	vst v2  }
0x30: {  	v2 =	vld.idx.msk [tilespmem:v3+s9+$0x0], $0xffff  }
0x31: {  	v3 =	vor.u32 $0x4, v1;
	_ =	sdelay $0x3  }
0x32: {  	[tilespmem:s17+$0x180] =	vst v2  }
0x33: {  	v2 =	vld.idx.msk [tilespmem:v3+s9+$0x0], $0xffff  }
0x34: {  	v3 =	vor.u32 $0x5, v1;
	_ =	sdelay $0x3  }
0x35: {  	[tilespmem:s17+$0x200] =	vst v2  }
0x36: {  	v2 =	vld.idx.msk [tilespmem:v3+s9+$0x0], $0xffff  }
0x37: {  	v3 =	vor.u32 $0x6, v1;
	_ =	sdelay $0x3  }
0x38: {  	[tilespmem:s17+$0x280] =	vst v2  }
0x39: {  	v2 =	vld.idx.msk [tilespmem:v3+s9+$0x0], $0xffff  }
0x3a: {  	v3 =	vor.u32 $0x7, v1;
	_ =	sdelay $0x3  }
0x3b: {  	[tilespmem:s17+$0x300] =	vst v2  }
0x3c: {  	v2 =	vld.idx.msk [tilespmem:v3+s9+$0x0], $0xffff  }
0x3d: {  	v3 =	vor.u32 $0x8, v1;
	_ =	sdelay $0x1  }
0x3e: {  	s31 =	sor.u32 s15, s15  }
0x3f: {  	s17 =	sor.u32 $0x380, s31  }
0x40: {  	[tilespmem:s17+$0x10400] =	vst v2  }
0x41: {  	v2 =	vld.idx.msk [tilespmem:v3+s9+$0x0], $0xffff  }
0x42: {  	v3 =	vor.u32 $0x9, v1;
	_ =	sdelay $0x3  }
0x43: {  	[tilespmem:s16+$0x11400] =	vst v2  }
0x44: {  	v2 =	vld.idx.msk [tilespmem:v3+s9+$0x0], $0xffff  }
0x45: {  	v3 =	vor.u32 $0xA, v1;
	_ =	sdelay $0x3  }
0x46: {  	[tilespmem:s16+$0x11480] =	vst v2  }
0x47: {  	v2 =	vld.idx.msk [tilespmem:v3+s9+$0x0], $0xffff  }
0x48: {  	v3 =	vor.u32 $0xB, v1;
	_ =	sdelay $0x3  }
0x49: {  	[tilespmem:s16+$0x11500] =	vst v2  }
0x4a: {  	v2 =	vld.idx.msk [tilespmem:v3+s9+$0x0], $0xffff  }
0x4b: {  	v3 =	vor.u32 $0xC, v1;
	_ =	sdelay $0x3  }
0x4c: {  	[tilespmem:s16+$0x11580] =	vst v2  }
0x4d: {  	v2 =	vld.idx.msk [tilespmem:v3+s9+$0x0], $0xffff  }
0x4e: {  	v3 =	vor.u32 $0xD, v1;
	_ =	sdelay $0x3  }
0x4f: {  	[tilespmem:s16+$0x11600] =	vst v2  }
0x50: {  	v2 =	vld.idx.msk [tilespmem:v3+s9+$0x0], $0xffff  }
0x51: {  	v3 =	vor.u32 $0xE, v1;
	_ =	sdelay $0x3  }
0x52: {  	[tilespmem:s16+$0x11680] =	vst v2  }
0x53: {  	v2 =	vld.idx.msk [tilespmem:v3+s9+$0x0], $0xffff  }
0x54: {  	v3 =	vor.u32 $0xF, v1;
	_ =	sdelay $0x3  }
0x55: {  	[tilespmem:s16+$0x11700] =	vst v2  }
0x56: {  	v2 =	vld.idx.msk [tilespmem:v3+s9+$0x0], $0xffff  }
0x57: {  	v3 =	vor.u32 $0x10, v1;
	_ =	sdelay $0x3  }
0x58: {  	[tilespmem:s16+$0x11780] =	vst v2  }
0x59: {  	v2 =	vld.idx.msk [tilespmem:v3+s9+$0x0], $0xffff  }
0x5a: {  	v3 =	vor.u32 $0x11, v1;
	_ =	sdelay $0x3  }
0x5b: {  	[tilespmem:s16+$0x12400] =	vst v2  }
0x5c: {  	v2 =	vld.idx.msk [tilespmem:v3+s9+$0x0], $0xffff  }
0x5d: {  	v3 =	vor.u32 $0x12, v1;
	_ =	sdelay $0x3  }
0x5e: {  	[tilespmem:s16+$0x12480] =	vst v2  }
0x5f: {  	v2 =	vld.idx.msk [tilespmem:v3+s9+$0x0], $0xffff  }
0x60: {  	v3 =	vor.u32 $0x13, v1;
	_ =	sdelay $0x3  }
0x61: {  	[tilespmem:s16+$0x12500] =	vst v2  }
0x62: {  	v2 =	vld.idx.msk [tilespmem:v3+s9+$0x0], $0xffff  }
0x63: {  	v3 =	vor.u32 $0x14, v1;
	_ =	sdelay $0x3  }
0x64: {  	[tilespmem:s16+$0x12580] =	vst v2  }
0x65: {  	v2 =	vld.idx.msk [tilespmem:v3+s9+$0x0], $0xffff  }
0x66: {  	v3 =	vor.u32 $0x15, v1;
	_ =	sdelay $0x3  }
0x67: {  	[tilespmem:s16+$0x12600] =	vst v2  }
0x68: {  	v2 =	vld.idx.msk [tilespmem:v3+s9+$0x0], $0xffff  }
0x69: {  	v3 =	vor.u32 $0x16, v1;
	_ =	sdelay $0x3  }
0x6a: {  	[tilespmem:s16+$0x12680] =	vst v2  }
0x6b: {  	v2 =	vld.idx.msk [tilespmem:v3+s9+$0x0], $0xffff  }
0x6c: {  	v3 =	vor.u32 $0x17, v1;
	_ =	sdelay $0x3  }
0x6d: {  	[tilespmem:s16+$0x12700] =	vst v2  }
0x6e: {  	v2 =	vld.idx.msk [tilespmem:v3+s9+$0x0], $0xffff  }
0x6f: {  	v3 =	vor.u32 $0x18, v1;
	_ =	sdelay $0x3  }
0x70: {  	[tilespmem:s16+$0x12780] =	vst v2  }
0x71: {  	v2 =	vld.idx.msk [tilespmem:v3+s9+$0x0], $0xffff  }
0x72: {  	v3 =	vor.u32 $0x19, v1;
	_ =	sdelay $0x3  }
0x73: {  	[tilespmem:s16+$0x13400] =	vst v2  }
0x74: {  	v2 =	vld.idx.msk [tilespmem:v3+s9+$0x0], $0xffff  }
0x75: {  	v3 =	vor.u32 $0x1A, v1;
	_ =	sdelay $0x3  }
0x76: {  	[tilespmem:s16+$0x13480] =	vst v2  }
0x77: {  	v2 =	vld.idx.msk [tilespmem:v3+s9+$0x0], $0xffff  }
0x78: {  	v3 =	vor.u32 $0x1B, v1;
	_ =	sdelay $0x3  }
0x79: {  	[tilespmem:s16+$0x13500] =	vst v2  }
0x7a: {  	v2 =	vld.idx.msk [tilespmem:v3+s9+$0x0], $0xffff  }
0x7b: {  	v3 =	vor.u32 $0x1C, v1;
	_ =	sdelay $0x3  }
0x7c: {  	[tilespmem:s16+$0x13580] =	vst v2  }
0x7d: {  	v2 =	vld.idx.msk [tilespmem:v3+s9+$0x0], $0xffff  }
0x7e: {  	v3 =	vor.u32 $0x1D, v1;
	_ =	sdelay $0x3  }
0x7f: {  	[tilespmem:s16+$0x13600] =	vst v2  }
0x80: {  	v2 =	vld.idx.msk [tilespmem:v3+s9+$0x0], $0xffff  }
0x81: {  	v3 =	vor.u32 $0x1E, v1;
	_ =	sdelay $0x3  }
0x82: {  	[tilespmem:s16+$0x13680] =	vst v2  }
0x83: {  	v2 =	vld.idx.msk [tilespmem:v3+s9+$0x0], $0xffff  }
0x84: {  	v1 =	vor.u32 $0x1F, v1;
	_ =	sdelay $0x3  }
0x85: {  	[tilespmem:s16+$0x13700] =	vst v2  }
0x86: {  	s18 =	simm.s32 $0x0;
	s17 =	simm.s32 $0x10;
	v1 =	vld.idx.msk [tilespmem:v1+s9+$0x0], $0xffff  }
.LBB2_4:
0x87: {  	_ =	sdelay $0x3  }
0x88: {  	p0 =	sne.s32 s17, $0x1F0;
	s15 =	sadd.s32 $0x80, s15;
	s18 =	sadd.s32 $0x10, s18;
	[tilespmem:s16+$0x13780] =	vst v1  }
0x89: {  	s19 =	smov.u32 s17;
	s17 =	sadd.s32 $0x10, s17;
	v1 =	vld [tilespmem:s18+$0x0];
	_ =	sdelay $0x3  }
0x8a: {  	v2 =	vmov s19  }
0x8b: {  	v2 =	vshll.u32 v2, $0x7;
	v1 =	vshrl.u32 v1, $0xD  }
0x8c: {  	v2 =	vor.u32 v0, v2;
	v3 =	vand.u32 $0x7FF80, v1  }
0x8d: {  	v1 =	vand.u32 $0x60, v1;
	v2 =	vadd.s32 v2, v3  }
0x8e: {  	v1 =	vor.u32 v1, v2;
	_ =	sdelay $0x4  }
0x8f: {  	v2 =	vld.idx.msk [tilespmem:v1+s9+$0x0], $0xffff;
	_ =	sdelay $0x1  }
0x90: {  	v3 =	vor.u32 $0x1, v1;
	_ =	sdelay $0x1  }
0x91: {  	s20 =	sand.u32 $0xC00, s15;
	s16 =	sand.u32 $0x70, s19  }
0x92: {  	s16 =	sor.u32 s16, s20  }
0x93: {  	[tilespmem:s16+$0x10400] =	vst v2  }
0x94: {  	v2 =	vld.idx.msk [tilespmem:v3+s9+$0x0], $0xffff;
	_ =	sdelay $0x1  }
0x95: {  	v3 =	vor.u32 $0x2, v1;
	_ =	sdelay $0x2  }
0x96: {  	s20 =	sadd.s32 $0x10400, s16  }
0x97: {  	[tilespmem:s20+$0x80] =	vst v2  }
0x98: {  	v2 =	vld.idx.msk [tilespmem:v3+s9+$0x0], $0xffff;
	_ =	sdelay $0x1  }
0x99: {  	v3 =	vor.u32 $0x3, v1;
	_ =	sdelay $0x3  }
0x9a: {  	[tilespmem:s20+$0x100] =	vst v2  }
0x9b: {  	v2 =	vld.idx.msk [tilespmem:v3+s9+$0x0], $0xffff;
	_ =	sdelay $0x1  }
0x9c: {  	v3 =	vor.u32 $0x4, v1;
	_ =	sdelay $0x3  }
0x9d: {  	[tilespmem:s20+$0x180] =	vst v2  }
0x9e: {  	v2 =	vld.idx.msk [tilespmem:v3+s9+$0x0], $0xffff;
	_ =	sdelay $0x1  }
0x9f: {  	v3 =	vor.u32 $0x5, v1;
	_ =	sdelay $0x3  }
0xa0: {  	[tilespmem:s20+$0x200] =	vst v2  }
0xa1: {  	v2 =	vld.idx.msk [tilespmem:v3+s9+$0x0], $0xffff;
	_ =	sdelay $0x1  }
0xa2: {  	v3 =	vor.u32 $0x6, v1;
	_ =	sdelay $0x3  }
0xa3: {  	[tilespmem:s20+$0x280] =	vst v2  }
0xa4: {  	v2 =	vld.idx.msk [tilespmem:v3+s9+$0x0], $0xffff;
	_ =	sdelay $0x1  }
0xa5: {  	v3 =	vor.u32 $0x7, v1;
	_ =	sdelay $0x3  }
0xa6: {  	[tilespmem:s20+$0x300] =	vst v2  }
0xa7: {  	v2 =	vld.idx.msk [tilespmem:v3+s9+$0x0], $0xffff;
	_ =	sdelay $0x1  }
0xa8: {  	v3 =	vor.u32 $0x8, v1;
	_ =	sdelay $0x1  }
0xa9: {  	s19 =	sor.u32 s15, s19  }
0xaa: {  	s19 =	sor.u32 $0x380, s19  }
0xab: {  	[tilespmem:s19+$0x10400] =	vst v2  }
0xac: {  	v2 =	vld.idx.msk [tilespmem:v3+s9+$0x0], $0xffff;
	_ =	sdelay $0x1  }
0xad: {  	v3 =	vor.u32 $0x9, v1;
	_ =	sdelay $0x3  }
0xae: {  	[tilespmem:s16+$0x11400] =	vst v2  }
0xaf: {  	v2 =	vld.idx.msk [tilespmem:v3+s9+$0x0], $0xffff;
	_ =	sdelay $0x1  }
0xb0: {  	v3 =	vor.u32 $0xA, v1;
	_ =	sdelay $0x3  }
0xb1: {  	[tilespmem:s16+$0x11480] =	vst v2  }
0xb2: {  	v2 =	vld.idx.msk [tilespmem:v3+s9+$0x0], $0xffff;
	_ =	sdelay $0x1  }
0xb3: {  	v3 =	vor.u32 $0xB, v1;
	_ =	sdelay $0x3  }
0xb4: {  	[tilespmem:s16+$0x11500] =	vst v2  }
0xb5: {  	v2 =	vld.idx.msk [tilespmem:v3+s9+$0x0], $0xffff;
	_ =	sdelay $0x1  }
0xb6: {  	v3 =	vor.u32 $0xC, v1;
	_ =	sdelay $0x3  }
0xb7: {  	[tilespmem:s16+$0x11580] =	vst v2  }
0xb8: {  	v2 =	vld.idx.msk [tilespmem:v3+s9+$0x0], $0xffff;
	_ =	sdelay $0x1  }
0xb9: {  	v3 =	vor.u32 $0xD, v1;
	_ =	sdelay $0x3  }
0xba: {  	[tilespmem:s16+$0x11600] =	vst v2  }
0xbb: {  	v2 =	vld.idx.msk [tilespmem:v3+s9+$0x0], $0xffff;
	_ =	sdelay $0x1  }
0xbc: {  	v3 =	vor.u32 $0xE, v1;
	_ =	sdelay $0x3  }
0xbd: {  	[tilespmem:s16+$0x11680] =	vst v2  }
0xbe: {  	v2 =	vld.idx.msk [tilespmem:v3+s9+$0x0], $0xffff;
	_ =	sdelay $0x1  }
0xbf: {  	v3 =	vor.u32 $0xF, v1;
	_ =	sdelay $0x3  }
0xc0: {  	[tilespmem:s16+$0x11700] =	vst v2  }
0xc1: {  	v2 =	vld.idx.msk [tilespmem:v3+s9+$0x0], $0xffff;
	_ =	sdelay $0x1  }
0xc2: {  	v3 =	vor.u32 $0x10, v1;
	_ =	sdelay $0x3  }
0xc3: {  	[tilespmem:s16+$0x11780] =	vst v2  }
0xc4: {  	v2 =	vld.idx.msk [tilespmem:v3+s9+$0x0], $0xffff;
	_ =	sdelay $0x1  }
0xc5: {  	v3 =	vor.u32 $0x11, v1;
	_ =	sdelay $0x3  }
0xc6: {  	[tilespmem:s16+$0x12400] =	vst v2  }
0xc7: {  	v2 =	vld.idx.msk [tilespmem:v3+s9+$0x0], $0xffff;
	_ =	sdelay $0x1  }
0xc8: {  	v3 =	vor.u32 $0x12, v1;
	_ =	sdelay $0x3  }
0xc9: {  	[tilespmem:s16+$0x12480] =	vst v2  }
0xca: {  	v2 =	vld.idx.msk [tilespmem:v3+s9+$0x0], $0xffff;
	_ =	sdelay $0x1  }
0xcb: {  	v3 =	vor.u32 $0x13, v1;
	_ =	sdelay $0x3  }
0xcc: {  	[tilespmem:s16+$0x12500] =	vst v2  }
0xcd: {  	v2 =	vld.idx.msk [tilespmem:v3+s9+$0x0], $0xffff;
	_ =	sdelay $0x1  }
0xce: {  	v3 =	vor.u32 $0x14, v1;
	_ =	sdelay $0x3  }
0xcf: {  	[tilespmem:s16+$0x12580] =	vst v2  }
0xd0: {  	v2 =	vld.idx.msk [tilespmem:v3+s9+$0x0], $0xffff;
	_ =	sdelay $0x1  }
0xd1: {  	v3 =	vor.u32 $0x15, v1;
	_ =	sdelay $0x3  }
0xd2: {  	[tilespmem:s16+$0x12600] =	vst v2  }
0xd3: {  	v2 =	vld.idx.msk [tilespmem:v3+s9+$0x0], $0xffff;
	_ =	sdelay $0x1  }
0xd4: {  	v3 =	vor.u32 $0x16, v1;
	_ =	sdelay $0x3  }
0xd5: {  	[tilespmem:s16+$0x12680] =	vst v2  }
0xd6: {  	v2 =	vld.idx.msk [tilespmem:v3+s9+$0x0], $0xffff;
	_ =	sdelay $0x1  }
0xd7: {  	v3 =	vor.u32 $0x17, v1;
	_ =	sdelay $0x3  }
0xd8: {  	[tilespmem:s16+$0x12700] =	vst v2  }
0xd9: {  	v2 =	vld.idx.msk [tilespmem:v3+s9+$0x0], $0xffff;
	_ =	sdelay $0x1  }
0xda: {  	v3 =	vor.u32 $0x18, v1;
	_ =	sdelay $0x3  }
0xdb: {  	[tilespmem:s16+$0x12780] =	vst v2  }
0xdc: {  	v2 =	vld.idx.msk [tilespmem:v3+s9+$0x0], $0xffff;
	_ =	sdelay $0x1  }
0xdd: {  	v3 =	vor.u32 $0x19, v1;
	_ =	sdelay $0x3  }
0xde: {  	[tilespmem:s16+$0x13400] =	vst v2  }
0xdf: {  	v2 =	vld.idx.msk [tilespmem:v3+s9+$0x0], $0xffff;
	_ =	sdelay $0x1  }
0xe0: {  	v3 =	vor.u32 $0x1A, v1;
	_ =	sdelay $0x3  }
0xe1: {  	[tilespmem:s16+$0x13480] =	vst v2  }
0xe2: {  	v2 =	vld.idx.msk [tilespmem:v3+s9+$0x0], $0xffff;
	_ =	sdelay $0x1  }
0xe3: {  	v3 =	vor.u32 $0x1B, v1;
	_ =	sdelay $0x3  }
0xe4: {  	[tilespmem:s16+$0x13500] =	vst v2  }
0xe5: {  	v2 =	vld.idx.msk [tilespmem:v3+s9+$0x0], $0xffff;
	_ =	sdelay $0x1  }
0xe6: {  	v3 =	vor.u32 $0x1C, v1;
	_ =	sdelay $0x3  }
0xe7: {  	[tilespmem:s16+$0x13580] =	vst v2  }
0xe8: {  	v2 =	vld.idx.msk [tilespmem:v3+s9+$0x0], $0xffff;
	_ =	sdelay $0x1  }
0xe9: {  	v3 =	vor.u32 $0x1D, v1;
	_ =	sdelay $0x3  }
0xea: {  	[tilespmem:s16+$0x13600] =	vst v2  }
0xeb: {  	v2 =	vld.idx.msk [tilespmem:v3+s9+$0x0], $0xffff;
	_ =	sdelay $0x1  }
0xec: {  	v3 =	vor.u32 $0x1E, v1;
	_ =	sdelay $0x3  }
0xed: {  	[tilespmem:s16+$0x13680] =	vst v2  }
0xee: {  	v2 =	vld.idx.msk [tilespmem:v3+s9+$0x0], $0xffff;
	_ =	sdelay $0x1  }
0xef: {  	v1 =	vor.u32 $0x1F, v1  }
.Ltmp1:
0xf0: {  	(pc) =	sbr.rel @p0 .LBB2_4-.Ltmp1, $3  }
0xf1: {  	_ =	sdelay $0x1  }
0xf2: {  	[tilespmem:s16+$0x13700] =	vst v2  }
0xf3: {  	v1 =	vld.idx.msk [tilespmem:v1+s9+$0x0], $0xffff  }
0xf4: {  	_ =	sdelay $0x1  }
0xf5: {  	s14 =	sadd.s32 $0x1, s14  }
0xf6: {  	p0 =	sne.s32 s14, s6  }
.Ltmp2:
0xf7: {  	[tilespmem:s16+$0x13780] =	vst v1;
	(pc) =	sbr.rel @p0 .LBB2_1-.Ltmp2, $4  }
0xf8: {  	[hbm4b:s5+s11] =	stream.strided.scatter [tilespmem:s13], [sflag:$0x2], $0x4000, s12, s11, $0x38;
	[tilespmem:$0x14400] =	vst v63  }
0xf9: {  	_ =	swait.ge [sflag:s7], $0x4000  }
0xfa: {  	[sflag:s7] =	ssyncset.done $0x0  }
0xfb: {  	[sflag:s7] =	ssyncadd.s32 $0xFFFFC000  }
0xfc: {  	_ =	sfence.sel $0x180000  }
0xfd: {  	[bflag:$0x0] =	sbarrier.arrive $0xFFFF  }
0xfe: {  	p0 =	sne.s32 s1, $0x0;
	_ =	strace $0x90000047  }
0xff: {  	s0 =	sadd.s32 @!p0 $0x100000, s0;
	[bflag:$0x2] =	sbarrier.arrive $0xFFFF  }
0x100: {  	[sflag:s0] =	ssyncadd.tile.s32 @!p0 $0x1;
	_ =	shalt  }
.Lfunc_end2:
_tile_overlayer_lowered:
.L_overlay_start_2:
0x101: {  	(tag) =	ssettag $0x2  }
0x102: {  	s0 =	rddreg [dreg:$0x0];
	s2 =	stileid.u32  }
0x103: {  	s1 =	rddreg [dreg:$0x1];
	p0 =	sne.s32 s2, $0x0  }
0x104: {  	s3 =	rddreg [dreg:$0x2];
	[bflag:$0x3] =	sbarrier.arrive $0xFFFF;
	s2 =	simm.s32 @!p0 $0x1C02  }
0x105: {  	[timem:s3], [sflag:s2] =	dma.local @!p0 [hbm:s0], s1  }
0x106: {  	s0 =	simm.s32 @!p0 $0x2  }
0x107: {  	_ =	swait.ge @!p0 [sflag:s0], s1  }
0x108: {  	s1 =	ssub.s32 @!p0 $0x0, s1;
	[sflag:s0] =	ssyncset.done @!p0 $0x0  }
0x109: {  	[sflag:s0] =	ssyncadd.s32 @!p0 s1  }
0x10a: {  	[bflag:$0x3] =	sbarrier.arrive $0xFFFF  }
0x10b: {  	_ =	shalt  }

// kernel: kernel.7.cloned.1.call-start
scs
__scs_entry_jumppad:
0x0: {  	(pc) =	sbr.rel $0x88, $3  }
0x1: {  	(tag) =	ssettag $0x0;
	lr =	simm.s32 $0x1  }
0x2: {  	[smem:$0x3F9A] =	sst lr;
	_ =	strace $0xD0000000  }
0x3: {  	_ = 	snop  }
0x4: {  	_ = 	snop  }
0x5: {  	_ = 	snop  }
0x6: {  	_ = 	snop  }
0x7: {  	_ = 	snop  }
__scs_overlays_trampoline_lowered:
0x8: {  	[smem:$0x3FA9] =	sst s0  }
0x9: {  	[smem:$0x3FAA] =	sst s1  }
0xa: {  	[smem:$0x3FAB] =	sst s2  }
0xb: {  	[smem:$0x3FAC] =	sst s3  }
0xc: {  	[smem:$0x3FAD] =	sst s4  }
0xd: {  	[smem:$0x3FAE] =	sst s5  }
0xe: {  	[smem:$0x3FAF] =	sst s6  }
0xf: {  	[smem:$0x3FB0] =	sst s7  }
0x10: {  	[smem:$0x3FB1] =	sst s8  }
0x11: {  	[smem:$0x3FB2] =	sst s9;
	s0 =	simm.s32 @!p0 $0x0  }
0x12: {  	s1 =	sld [smem:$0x3F98];
	s0 =	simm.s32 @p0 $0x1  }
0x13: {  	[smem:$0x3FB3] =	sst s0;
	s0 =	simm.s32 @!p1 $0x0  }
0x14: {  	s2 =	sld [smem:$0x3F97];
	s0 =	simm.s32 @p1 $0x1  }
0x15: {  	[smem:$0x3FB4] =	sst s0;
	s0 =	simm.s32 @!p2 $0x0  }
0x16: {  	s3 =	sld [smem:$0x3FDB];
	s0 =	simm.s32 @p2 $0x1  }
0x17: {  	s4 =	simm.s32 $0x1BF5;
	[smem:$0x3FB6] =	sst s0  }
0x18: {  	s0 =	sld [smem:$0x3F99];
	_ =	swait.ge [sflag:s4], $0x0  }
0x19: {  	s7 =	sld [smem:$0x3F9A]  }
0x1a: {  	s8 =	sadd.s32 $0xFFFFE003, lr  }
0x1b: {  	s9 =	sadd.s32 $0xFFFFFEF7, lr;
	s5 =	simm.s32 $0xFFFFFFFF;
	p2 =	slt.u32 s8, $0xFFFFF086  }
0x1c: {  	p1 =	slt.u32 s9, $0xF7A;
	s5 =	simm.s32 @!p2 $0x0  }
0x1d: {  	s5 =	simm.s32 @p1 $0x1;
	p0 =	seq.s32 s7, s2  }
0x1e: {  	s7 =	smul.u32 @!p0 $0xF7A, s2;
	p2 =	seq.s32 @!p0 s5, $0x0  }
0x1f: {  	s9 =	smul.u32 $0xF7A, s1;
	s8 =	simm.s32 @!p0 $0x1BF5;
	p2 =	por !p2, p0  }
0x20: {  	[sflag:s8] =	ssyncset.s32 @!p0 $0xFFFFF086;
	s6 =	sadd.s32 @!p0 s3, s7;
	s7 =	simm.s32 @!p0 $0x108  }
0x21: {  	s3 =	sadd.s32 s3, s9;
	s6 =	sadd.s32 @!p0 $0x88, s6;
	s7 =	simm.s32 @p2 $0x1082  }
0x22: {  	[simem:s7], [sflag:s8] =	dma.local @!p0 [hbm:s6], $0xF7A  }
0x23: {  	s9 =	sor.u32 $0xD0000000, s2;
	s6 =	simm.s32 $0x108;
	_ =	swait.ge @!p0 [sflag:s8], $0x0  }
0x24: {  	s3 =	sadd.s32 $0x88, s3;
	s6 =	simm.s32 @!p1 $0x1082;
	[sflag:s4] =	ssyncset.s32 $0xFFFFF086  }
0x25: {  	[simem:s6], [sflag:s4] =	dma.local [hbm:s3], $0xF7A  }
0x26: {  	[smem:$0x3F9A] =	sst s1;
	(tag) =	ssettag s2;
	_ =	strace s9  }
0x27: {  	s1 =	sld [smem:$0x3FAA]  }
0x28: {  	s2 =	sld [smem:$0x3FAB]  }
0x29: {  	s4 =	sld [smem:$0x3FAD]  }
0x2a: {  	p0 =	seq.s32 s5, $0x0;
	s5 =	sld [smem:$0x3FAE]  }
0x2b: {  	s6 =	sld [smem:$0x3FAF]  }
0x2c: {  	s7 =	sld [smem:$0x3FB0]  }
0x2d: {  	s3 =	simm.s32 $0x108;
	s8 =	sld [smem:$0x3FB1]  }
0x2e: {  	s3 =	simm.s32 @!p0 $0x1082;
	s9 =	sld [smem:$0x3FB2]  }
0x2f: {  	lr =	sadd.s32 s0, s3;
	s0 =	sld [smem:$0x3FA9]  }
0x30: {  	s3 =	sld [smem:$0x3FAC]  }
0x31: {  	[smem:$0x3FB5] =	sst s10  }
0x32: {  	s10 =	sld [smem:$0x3FB3];
	_ =	sdelay $0x3  }
0x33: {  	p0 =	seq.s32 s10, $0x1;
	s10 =	sld [smem:$0x3FB5];
	_ =	sdelay $0x3  }
0x34: {  	[smem:$0x3FB5] =	sst s10  }
0x35: {  	s10 =	sld [smem:$0x3FB4];
	_ =	sdelay $0x3  }
0x36: {  	p1 =	seq.s32 s10, $0x1;
	s10 =	sld [smem:$0x3FB5];
	_ =	sdelay $0x3  }
0x37: {  	[smem:$0x3FB5] =	sst s10  }
0x38: {  	s10 =	sld [smem:$0x3FB6]  }
0x39: {  	_ = 	snop;
	(pc) =	sbr.ind lr, $3  }
0x3a: {  	_ = 	snop  }
0x3b: {  	_ = 	snop  }
0x3c: {  	p2 =	seq.s32 s10, $0x1;
	s10 =	sld [smem:$0x3FB5]  }
0x3d: {  	_ =	shalt  }
0x3e: {  	_ =	shalt  }
0x3f: {  	_ =	shalt  }
0x40: {  	_ =	shalt  }
0x41: {  	_ =	shalt  }
0x42: {  	_ =	shalt  }
0x43: {  	_ =	shalt  }
0x44: {  	_ =	shalt  }
0x45: {  	_ =	shalt  }
0x46: {  	_ =	shalt  }
0x47: {  	_ =	shalt  }
0x48: {  	_ =	shalt  }
0x49: {  	_ =	shalt  }
0x4a: {  	_ =	shalt  }
0x4b: {  	_ =	shalt  }
0x4c: {  	_ =	shalt  }
0x4d: {  	_ =	shalt  }
0x4e: {  	_ =	shalt  }
0x4f: {  	_ =	shalt  }
0x50: {  	_ =	shalt  }
0x51: {  	_ =	shalt  }
0x52: {  	_ =	shalt  }
0x53: {  	_ =	shalt  }
0x54: {  	_ =	shalt  }
0x55: {  	_ =	shalt  }
0x56: {  	_ =	shalt  }
0x57: {  	_ =	shalt  }
0x58: {  	_ =	shalt  }
0x59: {  	_ =	shalt  }
0x5a: {  	_ =	shalt  }
0x5b: {  	_ =	shalt  }
0x5c: {  	_ =	shalt  }
0x5d: {  	_ =	shalt  }
0x5e: {  	_ =	shalt  }
0x5f: {  	_ =	shalt  }
0x60: {  	_ =	shalt  }
0x61: {  	_ =	shalt  }
0x62: {  	_ =	shalt  }
0x63: {  	_ =	shalt  }
0x64: {  	_ =	shalt  }
0x65: {  	_ =	shalt  }
0x66: {  	_ =	shalt  }
0x67: {  	_ =	shalt  }
0x68: {  	_ =	shalt  }
0x69: {  	_ =	shalt  }
0x6a: {  	_ =	shalt  }
0x6b: {  	_ =	shalt  }
0x6c: {  	_ =	shalt  }
0x6d: {  	_ =	shalt  }
0x6e: {  	_ =	shalt  }
0x6f: {  	_ =	shalt  }
0x70: {  	_ =	shalt  }
0x71: {  	_ =	shalt  }
0x72: {  	_ =	shalt  }
0x73: {  	_ =	shalt  }
0x74: {  	_ =	shalt  }
0x75: {  	_ =	shalt  }
0x76: {  	_ =	shalt  }
0x77: {  	_ =	shalt  }
0x78: {  	_ =	shalt  }
0x79: {  	_ =	shalt  }
0x7a: {  	_ =	shalt  }
0x7b: {  	_ =	shalt  }
0x7c: {  	_ =	shalt  }
0x7d: {  	_ =	shalt  }
0x7e: {  	_ =	shalt  }
0x7f: {  	_ =	shalt  }
0x80: {  	_ =	shalt  }
0x81: {  	_ =	shalt  }
0x82: {  	_ =	shalt  }
0x83: {  	_ =	shalt  }
0x84: {  	_ =	shalt  }
0x85: {  	_ =	shalt  }
0x86: {  	_ =	shalt  }
0x87: {  	_ =	shalt  }
.Lfunc_end0:
.L_simem_size_0:
called_computation_lowered:
.L_overlay_start_0:
0x88: {  	s2 =	sld [smem:$0x3FD9]  }
0x89: {  	s3 =	sld [smem:$0x3FFE];
	_ =	sdelay $0x1  }
0x8a: {  	s1 =	srdreg.scid  }
0x8b: {  	s0 =	sand.u32 $0x1, s1  }
0x8c: {  	s15 =	sshll.u32 s0, $0xA;
	s2 =	sadd.s32 s3, s2  }
0x8d: {  	s2 =	sadd.s32 s2, s15  }
0x8e: {  	[smem:$0x3FC1] =	sst s2  }
0x8f: {  	_ = 	snop  }
0x90: {  	s16 =	sld [smem:$0x3FD0];
	_ =	sdelay $0x2  }
0x91: {  	s4 =	simm.s32 $0xB;
	s5 =	simm.s32 $0x10;
	s2 =	sld [smem:$0x3FC9]  }
0x92: {  	[smem:s5], [sflag:s4] =	dma.local [hbm:s16], $0x1  }
0x93: {  	_ =	swait.eq [sflag:s4], $0x1  }
0x94: {  	[sflag:s4] =	ssyncset.done $0x0  }
0x95: {  	[sflag:s4] =	ssyncadd.s32 $0xFFFFFFFF  }
0x96: {  	s17 =	sld [smem:$0x11];
	(tm) =	ssettm $0x1  }
0x97: {  	s18 =	sld [smem:$0x3FFB];
	_ =	sdelay $0x3  }
0x98: {  	_ =	strace s18  }
0x99: {  	s3 =	sld [smem:$0x3FFC];
	_ =	sdelay $0x3  }
0x9a: {  	_ =	strace s3  }
0x9b: {  	s3 =	sld [smem:$0x3FFD];
	_ =	sdelay $0x3  }
0x9c: {  	_ =	strace s3  }
0x9d: {  	_ =	strace $0x8FFFFFFF  }
0x9e: {  	s19 =	sld [smem:$0x3FDB];
	_ =	sdelay $0x1  }
0x9f: {  	s20 =	simm.s32 $_scs_section_size  }
0xa0: {  	s6 =	simm.s32 $_size__tile_overlayer_lowered;
	s7 =	simm.s32 $_tile_overlayer_lowered  }
0xa1: {  	s8 =	simm.s32 $0x1BFF;
	s21 =	sshll.u32 s7, $0x1;
	s5 =	sadd.s32 s20, s19  }
0xa2: {  	s22 =	simm.s32 $0x0;
	s6 =	sshll.u32 s6, $0x1;
	s7 =	sadd.s32 s21, s5  }
0xa3: {  	[timem:s22], [sflag:s8] =	dma.local [hbm:s7], s6  }
0xa4: {  	_ =	swait.ge [sflag:s8], s6  }
0xa5: {  	s6 =	ssub.s32 $0x0, s6;
	[sflag:s8] =	ssyncset.done $0x0  }
0xa6: {  	[sflag:s8] =	ssyncadd.s32 s6;
	_ =	sdelay $0x1  }
0xa7: {  	s23 =	simm.s32 $0x1B8B  }
0xa8: {  	_ =	swait.ge [sflag:s23], $0x1  }
0xa9: {  	[sflag:s23] =	ssyncset.done $0x0  }
0xaa: {  	[sflag:s23] =	ssyncadd.s32 $0xFFFFFFFF  }
0xab: {  	s6 =	sld [smem:$0x0]  }
0xac: {  	s7 =	sand.u32 $0xFFFFFFFE, s1  }
0xad: {  	p0 =	sne.s32 s1, s7  }
0xae: {  	s7 =	sshll.u32 @p0 s7, $0xE  }
0xaf: {  	s7 =	sadd.s32 @p0 $0x11B8D, s7;
	s8 =	sshll.u32 @p0 s6, $0x11  }
0xb0: {  	s7 =	sor.u32 @p0 s8, s7  }
0xb1: {  	[sflag:s7] =	ssyncadd.remote.s32 @p0 $0x1;
	_ =	sdelay $0x1  }
0xb2: {  	s7 =	simm.s32 @p0 $0x1B8D  }
0xb3: {  	_ =	swait.eq @p0 [sflag:s7], $0x1  }
0xb4: {  	[sflag:s7] =	ssyncadd.s32 @p0 $0xFFFFFFFF  }
0xb5: {  	s8 =	sshll.u32 @!p0 s1, $0xE  }
0xb6: {  	s8 =	sor.u32 @!p0 $0x4000, s8;
	s7 =	simm.s32 @!p0 $0x1B8D  }
0xb7: {  	s6 =	sshll.u32 @!p0 s6, $0x11;
	s8 =	sadd.s32 @!p0 $0x11B8D, s8;
	_ =	swait.eq @!p0 [sflag:s7], $0x1  }
0xb8: {  	s6 =	sor.u32 @!p0 s6, s8;
	[sflag:s7] =	ssyncadd.s32 @!p0 $0xFFFFFFFF  }
0xb9: {  	s25 =	simm.s32 $0x1B8E;
	s24 =	sld [smem:$0x3FFE];
	[sflag:s6] =	ssyncadd.remote.s32 @!p0 $0x1  }
0xba: {  	s26 =	simm.s32 $execute0_lowered;
	[smem:$0x3FD2] =	sst s25  }
0xbb: {  	s7 =	sshll.u32 s26, $0x1;
	_ =	strace $0x80000049;
	[dreg:$0x1] =	wrdreg $0xFFFFFFFF  }
0xbc: {  	s28 =	simm.s32 $_size_execute0_lowered;
	s5 =	sadd.s32 s5, s7;
	[dreg:$0x0] =	wrdreg $0x0  }
0xbd: {  	s7 =	sshll.u32 s28, $0x1;
	[dreg:$0x2] =	wrdreg s5  }
0xbe: {  	[dreg:$0x3] =	wrdreg s7  }
0xbf: {  	[dreg:$0x4] =	wrdreg $0xC0  }
0xc0: {  	_ =	task [dreg:s22], $0x5FFFF  }
0xc1: {  	[dreg:$0x1] =	wrdreg $0xFFFFFFFF  }
0xc2: {  	[dreg:$0x0] =	wrdreg $0x60  }
0xc3: {  	[dreg:$0x2] =	wrdreg s2  }
0xc4: {  	[dreg:$0x3] =	wrdreg s24  }
0xc5: {  	[dreg:$0x4] =	wrdreg s17  }
0xc6: {  	[dreg:$0x5] =	wrdreg $0x9  }
0xc7: {  	_ =	task.clear_ibuf [dreg:s22], $0x6FFFF;
	_ =	strace $0x90000049  }
0xc8: {  	s29 =	simm.s32 $0x9;
	_ =	strace $0x8000004B  }
0xc9: {  	_ =	swait.ge [sflag:s29], $0x1  }
0xca: {  	[sflag:s29] =	ssyncadd.s32 $0xFFFFFFFF  }
0xcb: {  	_ =	strace $0x9000004B  }
0xcc: {  	_ =	sfence  }
0xcd: {  	s30 =	sld [smem:$0x0];
	_ =	sdelay $0x2  }
0xce: {  	s31 =	sshll.u32 s1, $0xD;
	s1 =	sshrl.u32 s1, $0x2  }
0xcf: {  	s4 =	sand.u32 $0x4000, s31;
	s1 =	sadd.s32 s1, s30  }
0xd0: {  	s0 =	sor.u32 s4, s0;
	s1 =	sshll.u32 s1, $0x11  }
0xd1: {  	s0 =	sor.u32 s1, s0  }
0xd2: {  	s0 =	sadd.s32 $0x8F2B, s0  }
0xd3: {  	[sflag:s0] =	ssyncadd.remote.s32 $0x1  }
0xd4: {  	_ =	sfence.sel $0xFFFF  }
0xd5: {  	[dreg:$0x0] =	wrdreg $0xFFFFFFFF;
	(pc) =	sbr.abs _section_cstart, $3  }
0xd6: {  	[dreg:$0x1] =	wrdreg $0xFFFFFFFF  }
0xd7: {  	_ =	task.clear_ibuf [dreg:s22], $0x2FFFF;
	_ =	strace $0x9FFFFFFF  }
0xd8: {  	(tm) =	ssettm $0x7FFFFFFF  }
0xd9: {  	_ =	shalt  }
tec
execute0_lowered:
.L_overlay_start_1:
0x0: {  	(tag) =	ssettag $0x1  }
0x1: {  	s5 =	rddreg [dreg:$0x0]  }
0x2: {  	s6 =	rddreg [dreg:$0x1]  }
0x3: {  	s8 =	rddreg [dreg:$0x2]  }
0x4: {  	s0 =	rddreg [dreg:$0x3]  }
0x5: {  	s2 =	simm.s32 $0x0;
	s3 =	srdreg.scid;
	s1 =	stileid.u32  }
0x6: {  	s12 =	simm.s32 $0x1000;
	s13 =	simm.s32 $0x20000;
	s14 =	simm.s32 $0x400  }
0x7: {  	s15 =	simm.s32 $0x3400;
	s16 =	simm.s32 $0x7280;
	s17 =	simm.s32 $0x1  }
0x8: {  	s18 =	simm.s32 $0x0;
	[smem:$0x7FF] =	sst s2;
	s7 =	sand.u32 $0x1, s3  }
0x9: {  	s3 =	sadd.s32 $0x40D800, s6;
	s9 =	sshll.u32 s1, $0xA;
	s10 =	sshll.u32 s7, $0x9  }
0xa: {  	s4 =	sadd.s32 $0x40E000, s6;
	s7 =	ssub.s32 $0x2, s7;
	s9 =	sor.u32 s10, s9  }
0xb: {  	s31 =	sshrl.u32 s7, $0x1;
	s10 =	sadd.s32 s9, s6;
	s9 =	sshrl.u32 s9, $0x3  }
0xc: {  	_ =	strace $0x8000004A;
	s11 =	ssub.s32 s7, s31;
	s5 =	sadd.s32 s5, s9  }
0xd: {  	s6 =	sadd.s32 $0x401800, s10;
	s7 =	sadd.s32 $0x42CA00, s10;
	s8 =	sadd.s32 s8, s9  }
0xe: {  	v63 =	vimm.f32 $1.000000000e+00;
	s9 =	smax.u32 s11, $0x1;
	s10 =	simm.s32 $0x2;
	s11 =	simm.s32 $0x200  }
.LBB2_1:
0xf: {  	[tilespmem:s2], [sflag:$0x2] =	stream.linear.gather [hbm4b:s5+s2], $0x200, $0x38;
	[tilespmem:$0x9280] =	vst v63  }
0x10: {  	_ =	swait.ge [sflag:s10], $0x200  }
0x11: {  	[sflag:s10] =	ssyncset.done $0x0  }
0x12: {  	[sflag:s10] =	ssyncadd.s32 $0xFFFFFE00  }
0x13: {  	[tilespmem:s11], [sflag:$0x1] =	stream.indirect.gather [hbm4b:s4+s11], $0x1, s2, s11, $0xb8;
	[tilespmem:$0x9280] =	vst v63  }
0x14: {  	_ = 	snop  }
0x15: {  	[tilespmem:s14], [sflag:$0x2] =	stream.strided.gather [hbm4b:s6+s12], $0x3000, s13, s12, $0x38;
	[tilespmem:$0x9280] =	vst v63  }
0x16: {  	_ =	swait.ge [sflag:s10], $0x3000  }
0x17: {  	[sflag:s10] =	ssyncset.done $0x0  }
0x18: {  	[sflag:s10] =	ssyncadd.s32 $0xFFFFD000  }
0x19: {  	[tilespmem:s15], [sflag:$0x2] =	stream.linear.gather [hbm4b:s3+s2], $0x3E80, $0x38;
	[tilespmem:$0x9280] =	vst v63  }
0x1a: {  	_ =	swait.ge [sflag:s10], $0x3E80  }
0x1b: {  	[sflag:s10] =	ssyncset.done $0x0  }
0x1c: {  	s19 =	simm.s32 $0x0;
	s20 =	simm.s32 $0x0;
	[sflag:s10] =	ssyncadd.s32 $0xFFFFC180  }
.LBB2_2:
0x1d: {  	s21 =	sand.u32 $0x70, s20;
	s22 =	sand.u32 $0xC00, s19  }
0x1e: {  	s21 =	sor.u32 s21, s22  }
0x1f: {  	v7 =	vld [tilespmem:s21+$0x400];
	_ =	sdelay $0x4  }
0x20: {  	v1 =	vshll.u32 v7, $0x4  }
0x21: {  	v0 =	vor.u32 $0x1, v1  }
0x22: {  	v2 =	vor.u32 $0x2, v1  }
0x23: {  	v3 =	vor.u32 $0x3, v1  }
0x24: {  	v36 =	vor.u32 $0x6, v1  }
0x25: {  	v4 =	vor.u32 $0x4, v1;
	v5 =	vld.idx.msk [tilespmem:v1+s15+$0x0], $0xffff  }
0x26: {  	v6 =	vor.u32 $0x5, v1;
	v19 =	vld.idx.msk [tilespmem:v0+s15+$0x0], $0xffff  }
0x27: {  	v37 =	vor.u32 $0x7, v1;
	v28 =	vld.idx.msk [tilespmem:v2+s15+$0x0], $0xffff  }
0x28: {  	v38 =	vor.u32 $0x8, v1;
	v40 =	vld.idx.msk [tilespmem:v3+s15+$0x0], $0xffff  }
0x29: {  	v0 =	vld.idx.msk [tilespmem:v36+s15+$0x0], $0xffff  }
0x2a: {  	v39 =	vor.u32 $0x9, v1;
	v26 =	vld.idx.msk [tilespmem:v4+s15+$0x0], $0xffff  }
0x2b: {  	v41 =	vor.u32 $0xA, v1;
	v8 =	vor.u32 $0xB, v1;
	v42 =	vor.u32 $0xC, v1;
	v61 =	vld.idx.msk [tilespmem:v6+s15+$0x0], $0xffff  }
0x2c: {  	v43 =	vor.u32 $0xD, v1;
	v44 =	vor.u32 $0xE, v1;
	v1 =	vor.u32 $0xF, v1;
	v2 =	vld.idx.msk [tilespmem:v37+s15+$0x0], $0xffff  }
0x2d: {  	v3 =	vld.idx.msk [tilespmem:v38+s15+$0x0], $0xffff  }
0x2e: {  	[tilespmem:$0x1F430] =	vst v0;
	v0 =	vld [tilespmem:s21+$0x480]  }
0x2f: {  	v4 =	vld.idx.msk [tilespmem:v39+s15+$0x0], $0xffff  }
0x30: {  	v6 =	vld.idx.msk [tilespmem:v41+s15+$0x0], $0xffff  }
0x31: {  	v1 =	vld.idx.msk [tilespmem:v1+s15+$0x0], $0xffff  }
0x32: {  	[tilespmem:$0x1F440] =	vst v2;
	v2 =	vld.idx.msk [tilespmem:v42+s15+$0x0], $0xffff  }
0x33: {  	[tilespmem:$0x1F450] =	vst v3;
	v3 =	vld.idx.msk [tilespmem:v43+s15+$0x0], $0xffff;
	v46 =	vshll.u32 v0, $0x4  }
0x34: {  	s31 =	sand.u32 $0xFFFFFC00, s19;
	v45 =	vld.idx.msk [tilespmem:v8+s15+$0x0], $0xffff;
	v47 =	vor.u32 $0x1, v46  }
0x35: {  	s24 =	sadd.s32 s31, s20;
	v49 =	vld.idx.msk [tilespmem:v44+s15+$0x0], $0xffff;
	v48 =	vor.u32 $0x2, v46  }
0x36: {  	s22 =	sor.u32 $0x180, s24;
	[tilespmem:$0x1F4C0] =	vst v1;
	v1 =	vld [tilespmem:s21+$0x500];
	v50 =	vor.u32 $0x3, v46  }
0x37: {  	[tilespmem:$0x1F490] =	vst v2;
	v2 =	vld [tilespmem:s22+$0x400];
	v51 =	vor.u32 $0x4, v46  }
0x38: {  	[tilespmem:$0x1F4A0] =	vst v3;
	v10 =	vor.u32 $0x5, v46;
	v3 =	vld.idx.msk [tilespmem:v46+s15+$0x0], $0xffff  }
0x39: {  	v52 =	vor.u32 $0x6, v46;
	v29 =	vld.idx.msk [tilespmem:v47+s15+$0x0], $0xffff  }
0x3a: {  	v53 =	vor.u32 $0x7, v46;
	v9 =	vld.idx.msk [tilespmem:v48+s15+$0x0], $0xffff  }
0x3b: {  	v54 =	vor.u32 $0x8, v46;
	v11 =	vld.idx.msk [tilespmem:v50+s15+$0x0], $0xffff  }
0x3c: {  	v55 =	vor.u32 $0x9, v46;
	v12 =	vld.idx.msk [tilespmem:v51+s15+$0x0], $0xffff  }
0x3d: {  	v56 =	vor.u32 $0xA, v46;
	v13 =	vld.idx.msk [tilespmem:v10+s15+$0x0], $0xffff  }
0x3e: {  	v18 =	vor.u32 $0xB, v46;
	v15 =	vld.idx.msk [tilespmem:v52+s15+$0x0], $0xffff  }
0x3f: {  	v57 =	vor.u32 $0xC, v46;
	v16 =	vld.idx.msk [tilespmem:v53+s15+$0x0], $0xffff  }
0x40: {  	v58 =	vor.u32 $0xD, v46;
	v14 =	vld.idx.msk [tilespmem:v54+s15+$0x0], $0xffff  }
0x41: {  	v59 =	vor.u32 $0xE, v46;
	v17 =	vld.idx.msk [tilespmem:v55+s15+$0x0], $0xffff  }
0x42: {  	v60 =	vor.u32 $0xF, v46;
	v32 =	vld.idx.msk [tilespmem:v56+s15+$0x0], $0xffff  }
0x43: {  	v62 =	vshll.u32 v1, $0x4;
	v23 =	vld.idx.msk [tilespmem:v18+s15+$0x0], $0xffff  }
0x44: {  	v21 =	vor.u32 $0x1, v62;
	v24 =	vld.idx.msk [tilespmem:v57+s15+$0x0], $0xffff  }
0x45: {  	[tilespmem:$0x1F4B0] =	vst v49;
	v22 =	vor.u32 $0x2, v62;
	v49 =	vld.idx.msk [tilespmem:v58+s15+$0x0], $0xffff  }
0x46: {  	v30 =	vor.u32 $0x3, v62;
	v31 =	vld.idx.msk [tilespmem:v59+s15+$0x0], $0xffff  }
0x47: {  	v33 =	vor.u32 $0x4, v62;
	v51 =	vld.idx.msk [tilespmem:v60+s15+$0x0], $0xffff  }
0x48: {  	v34 =	vor.u32 $0x5, v62;
	v46 =	vld.idx.msk [tilespmem:v62+s15+$0x0], $0xffff  }
0x49: {  	v35 =	vor.u32 $0x6, v62;
	v27 =	vld.idx.msk [tilespmem:v21+s15+$0x0], $0xffff  }
0x4a: {  	v43 =	vor.u32 $0x7, v62;
	v58 =	vld.idx.msk [tilespmem:v22+s15+$0x0], $0xffff  }
0x4b: {  	[tilespmem:$0x1F470] =	vst v6;
	v20 =	vor.u32 $0xA, v62;
	v42 =	vld.idx.msk [tilespmem:v30+s15+$0x0], $0xffff  }
0x4c: {  	[tilespmem:$0x1F480] =	vst v45;
	v6 =	vor.u32 $0xF, v62;
	v45 =	vld.idx.msk [tilespmem:v33+s15+$0x0], $0xffff  }
0x4d: {  	v48 =	vor.u32 $0x8, v62;
	v38 =	vld.idx.msk [tilespmem:v34+s15+$0x0], $0xffff  }
0x4e: {  	v50 =	vor.u32 $0x9, v62;
	v59 =	vld.idx.msk [tilespmem:v35+s15+$0x0], $0xffff  }
0x4f: {  	v52 =	vor.u32 $0xB, v62;
	v22 =	vld.idx.msk [tilespmem:v43+s15+$0x0], $0xffff  }
0x50: {  	v53 =	vor.u32 $0xC, v62;
	v36 =	vld.idx.msk [tilespmem:v20+s15+$0x0], $0xffff  }
0x51: {  	v54 =	vor.u32 $0xD, v62;
	v30 =	vld.idx.msk [tilespmem:v6+s15+$0x0], $0xffff  }
0x52: {  	v55 =	vor.u32 $0xE, v62;
	v21 =	vld.idx.msk [tilespmem:v48+s15+$0x0], $0xffff  }
0x53: {  	v37 =	vld.idx.msk [tilespmem:v50+s15+$0x0], $0xffff  }
0x54: {  	v20 =	vshll.u32 v2, $0x4;
	v34 =	vld.idx.msk [tilespmem:v52+s15+$0x0], $0xffff  }
0x55: {  	v56 =	vor.u32 $0x1, v20;
	v33 =	vld.idx.msk [tilespmem:v53+s15+$0x0], $0xffff  }
0x56: {  	v57 =	vor.u32 $0x2, v20;
	v35 =	vld.idx.msk [tilespmem:v54+s15+$0x0], $0xffff  }
0x57: {  	v60 =	vor.u32 $0x3, v20;
	v43 =	vld.idx.msk [tilespmem:v55+s15+$0x0], $0xffff  }
0x58: {  	v25 =	vor.u32 $0x5, v20;
	v52 =	vld [tilespmem:s21+$0x600]  }
0x59: {  	v62 =	vor.u32 $0x4, v20;
	v18 =	vld.idx.msk [tilespmem:v20+s15+$0x0], $0xffff  }
0x5a: {  	[tilespmem:$0x1F460] =	vst v4;
	v48 =	vor.u32 $0x8, v20;
	v4 =	vld.idx.msk [tilespmem:v56+s15+$0x0], $0xffff  }
0x5b: {  	v39 =	vor.u32 $0x6, v20;
	v8 =	vld.idx.msk [tilespmem:v57+s15+$0x0], $0xffff  }
0x5c: {  	v44 =	vor.u32 $0x7, v20;
	v41 =	vld.idx.msk [tilespmem:v60+s15+$0x0], $0xffff  }
0x5d: {  	v50 =	vor.u32 $0x9, v20;
	v6 =	vld.idx.msk [tilespmem:v25+s15+$0x0], $0xffff  }
0x5e: {  	v47 =	vld.idx.msk [tilespmem:v62+s15+$0x0], $0xffff;
	v57 =	vor.u32 $0xB, v20  }
0x5f: {  	v10 =	vld.idx.msk [tilespmem:v48+s15+$0x0], $0xffff;
	v62 =	vor.u32 $0xD, v20  }
0x60: {  	v25 =	vor.u32 $0xE, v20;
	[tilespmem:$0x1F4D0] =	vst v4;
	v4 =	vld.idx.msk [tilespmem:v39+s15+$0x0], $0xffff  }
0x61: {  	v56 =	vor.u32 $0xA, v20;
	v60 =	vor.u32 $0xC, v20;
	v20 =	vor.u32 $0xF, v20;
	[tilespmem:$0x1F4E0] =	vst v8;
	v8 =	vld.idx.msk [tilespmem:v44+s15+$0x0], $0xffff  }
0x62: {  	[tilespmem:$0x1F510] =	vst v6;
	v6 =	vld.idx.msk [tilespmem:v50+s15+$0x0], $0xffff  }
0x63: {  	[tilespmem:$0x1F500] =	vst v47;
	v39 =	vshll.u32 v52, $0x4;
	v47 =	vld.idx.msk [tilespmem:v57+s15+$0x0], $0xffff  }
0x64: {  	v44 =	vld.idx.msk [tilespmem:v62+s15+$0x0], $0xffff;
	v48 =	vor.u32 $0x1, v39  }
0x65: {  	v57 =	vld.idx.msk [tilespmem:v25+s15+$0x0], $0xffff  }
0x66: {  	v20 =	vld.idx.msk [tilespmem:v20+s15+$0x0], $0xffff;
	v53 =	vor.u32 $0x3, v39  }
0x67: {  	v54 =	vor.u32 $0x4, v39;
	[tilespmem:$0x1F520] =	vst v4;
	v4 =	vld.idx.msk [tilespmem:v56+s15+$0x0], $0xffff  }
0x68: {  	v50 =	vor.u32 $0x2, v39;
	v56 =	vld.idx.msk [tilespmem:v60+s15+$0x0], $0xffff  }
0x69: {  	[tilespmem:$0x1F530] =	vst v8;
	v60 =	vor.u32 $0x6, v39;
	v8 =	vld.idx.msk [tilespmem:v48+s15+$0x0], $0xffff  }
0x6a: {  	[tilespmem:$0x1F4F0] =	vst v41;
	v25 =	vld [tilespmem:s21+$0x680];
	v55 =	vor.u32 $0x5, v39  }
0x6b: {  	v62 =	vor.u32 $0x7, v39;
	[tilespmem:$0x1F550] =	vst v6;
	v6 =	vld.idx.msk [tilespmem:v53+s15+$0x0], $0xffff  }
0x6c: {  	v41 =	vor.u32 $0x8, v39;
	[tilespmem:$0x1F560] =	vst v4;
	v4 =	vld.idx.msk [tilespmem:v54+s15+$0x0], $0xffff  }
0x6d: {  	[tilespmem:$0x1F540] =	vst v10;
	v10 =	vld.idx.msk [tilespmem:v50+s15+$0x0], $0xffff;
	v50 =	vor.u32 $0x9, v39  }
0x6e: {  	v53 =	vor.u32 $0xA, v39;
	[tilespmem:$0x1F580] =	vst v8;
	v8 =	vld.idx.msk [tilespmem:v60+s15+$0x0], $0xffff  }
0x6f: {  	[tilespmem:$0x1F570] =	vst v20;
	v48 =	vld.idx.msk [tilespmem:v55+s15+$0x0], $0xffff  }
0x70: {  	v54 =	vor.u32 $0xB, v39;
	[tilespmem:$0x1F5A0] =	vst v6;
	v6 =	vld.idx.msk [tilespmem:v62+s15+$0x0], $0xffff  }
0x71: {  	v55 =	vor.u32 $0xC, v39;
	[tilespmem:$0x1F5B0] =	vst v4;
	v4 =	vld.idx.msk [tilespmem:v41+s15+$0x0], $0xffff  }
0x72: {  	[tilespmem:$0x1F590] =	vst v10;
	v10 =	vld.idx.msk [tilespmem:v50+s15+$0x0], $0xffff;
	v60 =	vor.u32 $0xD, v39  }
0x73: {  	v62 =	vor.u32 $0xE, v39;
	[tilespmem:$0x1F5D0] =	vst v8;
	v8 =	vld.idx.msk [tilespmem:v53+s15+$0x0], $0xffff  }
0x74: {  	v20 =	vld.idx.msk [tilespmem:v39+s15+$0x0], $0xffff;
	[tilespmem:$0x1F5C0] =	vst v48;
	v39 =	vor.u32 $0xF, v39;
	v48 =	vshll.u32 v25, $0x4  }
0x75: {  	[tilespmem:$0x1F5E0] =	vst v6;
	v6 =	vld.idx.msk [tilespmem:v54+s15+$0x0], $0xffff;
	v53 =	vor.u32 $0x1, v48  }
0x76: {  	v54 =	vor.u32 $0x2, v48;
	[tilespmem:$0x1F5F0] =	vst v4;
	v4 =	vld.idx.msk [tilespmem:v55+s15+$0x0], $0xffff  }
0x77: {  	[tilespmem:$0x1F600] =	vst v10;
	v10 =	vld.idx.msk [tilespmem:v60+s15+$0x0], $0xffff;
	v55 =	vor.u32 $0x3, v48  }
0x78: {  	v60 =	vor.u32 $0x4, v48;
	[tilespmem:$0x1F610] =	vst v8;
	v8 =	vld.idx.msk [tilespmem:v62+s15+$0x0], $0xffff  }
0x79: {  	v39 =	vld.idx.msk [tilespmem:v39+s15+$0x0], $0xffff  }
0x7a: {  	[tilespmem:$0x1F620] =	vst v6;
	v62 =	vor.u32 $0x5, v48;
	v6 =	vld.idx.msk [tilespmem:v53+s15+$0x0], $0xffff  }
0x7b: {  	v50 =	vor.u32 $0x6, v48;
	[tilespmem:$0x1F630] =	vst v4;
	v4 =	vld.idx.msk [tilespmem:v54+s15+$0x0], $0xffff  }
0x7c: {  	v53 =	vld.idx.msk [tilespmem:v55+s15+$0x0], $0xffff;
	v54 =	vor.u32 $0x7, v48  }
0x7d: {  	v55 =	vor.u32 $0x8, v48;
	[tilespmem:$0x1F650] =	vst v8;
	v8 =	vld.idx.msk [tilespmem:v60+s15+$0x0], $0xffff  }
0x7e: {  	[tilespmem:$0x1F640] =	vst v10;
	v10 =	vld [tilespmem:s21+$0x700]  }
0x7f: {  	[tilespmem:$0x1F670] =	vst v6;
	v60 =	vld.idx.msk [tilespmem:v62+s15+$0x0], $0xffff;
	v62 =	vor.u32 $0x9, v48  }
0x80: {  	v6 =	vld.idx.msk [tilespmem:v50+s15+$0x0], $0xffff;
	v50 =	vor.u32 $0xA, v48;
	[tilespmem:$0x1F680] =	vst v4  }
0x81: {  	[tilespmem:$0x1F690] =	vst v53;
	v4 =	vld.idx.msk [tilespmem:v54+s15+$0x0], $0xffff  }
0x82: {  	v53 =	vor.u32 $0xC, v48;
	[tilespmem:$0x1F6A0] =	vst v8;
	v8 =	vld.idx.msk [tilespmem:v55+s15+$0x0], $0xffff  }
0x83: {  	[tilespmem:$0x1F660] =	vst v39  }
0x84: {  	v54 =	vor.u32 $0xD, v48;
	[tilespmem:$0x1F6B0] =	vst v60;
	v39 =	vld.idx.msk [tilespmem:v62+s15+$0x0], $0xffff  }
0x85: {  	[tilespmem:$0x1F6C0] =	vst v6;
	v6 =	vld.idx.msk [tilespmem:v50+s15+$0x0], $0xffff;
	v55 =	vor.u32 $0xE, v48  }
0x86: {  	v60 =	vshll.u32 v10, $0x4;
	[tilespmem:$0x1F6D0] =	vst v4;
	v4 =	vor.u32 $0xB, v48  }
0x87: {  	[tilespmem:$0x1F6E0] =	vst v8;
	v8 =	vld.idx.msk [tilespmem:v53+s15+$0x0], $0xffff;
	v53 =	vor.u32 $0x2, v60;
	_ =	sdelay $0x1  }
0x88: {  	[tilespmem:$0x1F6F0] =	vst v39;
	v39 =	vld.idx.msk [tilespmem:v54+s15+$0x0], $0xffff  }
0x89: {  	[tilespmem:$0x1F700] =	vst v6;
	v54 =	vor.u32 $0x3, v60;
	v6 =	vld.idx.msk [tilespmem:v55+s15+$0x0], $0xffff  }
0x8a: {  	v4 =	vld.idx.msk [tilespmem:v4+s15+$0x0], $0xffff  }
0x8b: {  	v55 =	vor.u32 $0x4, v60;
	[tilespmem:$0x1F720] =	vst v8;
	v8 =	vld.idx.msk [tilespmem:v53+s15+$0x0], $0xffff  }
0x8c: {  	v62 =	vor.u32 $0x5, v60  }
0x8d: {  	v41 =	vld.idx.msk [tilespmem:v48+s15+$0x0], $0xffff  }
0x8e: {  	v48 =	vor.u32 $0xF, v48;
	[tilespmem:$0x1F740] =	vst v6;
	v53 =	vld.idx.msk [tilespmem:v54+s15+$0x0], $0xffff  }
0x8f: {  	[tilespmem:$0x1F710] =	vst v4;
	v4 =	vor.u32 $0x1, v60  }
0x90: {  	v6 =	vld.idx.msk [tilespmem:v55+s15+$0x0], $0xffff;
	[tilespmem:$0x1F770] =	vst v8;
	v8 =	vor.u32 $0x7, v60  }
0x91: {  	v55 =	vld.idx.msk [tilespmem:v62+s15+$0x0], $0xffff;
	v62 =	vor.u32 $0x9, v60  }
0x92: {  	v54 =	vor.u32 $0x8, v60  }
0x93: {  	v48 =	vld.idx.msk [tilespmem:v48+s15+$0x0], $0xffff;
	[tilespmem:$0x1F780] =	vst v53;
	v53 =	vor.u32 $0xA, v60  }
0x94: {  	v50 =	vor.u32 $0x6, v60;
	v4 =	vld.idx.msk [tilespmem:v4+s15+$0x0], $0xffff  }
0x95: {  	v8 =	vld.idx.msk [tilespmem:v8+s15+$0x0], $0xffff  }
0x96: {  	[tilespmem:$0x1F730] =	vst v39;
	v39 =	vld.idx.msk [tilespmem:v62+s15+$0x0], $0xffff  }
0x97: {  	[tilespmem:$0x1F790] =	vst v6;
	v6 =	vld.idx.msk [tilespmem:v54+s15+$0x0], $0xffff  }
0x98: {  	[tilespmem:$0x1F750] =	vst v48;
	v48 =	vld.idx.msk [tilespmem:v53+s15+$0x0], $0xffff  }
0x99: {  	[tilespmem:$0x1F760] =	vst v4;
	v4 =	vld.idx.msk [tilespmem:v50+s15+$0x0], $0xffff  }
0x9a: {  	[tilespmem:$0x1F7C0] =	vst v8;
	v8 =	vor.u32 $0xB, v60  }
0x9b: {  	[tilespmem:$0x1F7E0] =	vst v39;
	v39 =	vor.u32 $0xD, v60  }
0x9c: {  	s25 =	sor.u32 s20, s19;
	[tilespmem:$0x1F7D0] =	vst v6;
	v50 =	vor.u32 $0xE, v60  }
0x9d: {  	s23 =	sor.u32 $0x380, s25;
	[tilespmem:$0x1F7F0] =	vst v48;
	v48 =	vld.idx.msk [tilespmem:v60+s15+$0x0], $0xffff  }
0x9e: {  	v6 =	vor.u32 $0xC, v60;
	[tilespmem:$0x1F7B0] =	vst v4;
	v4 =	vld [tilespmem:s23+$0x400]  }
0x9f: {  	v8 =	vld.idx.msk [tilespmem:v8+s15+$0x0], $0xffff  }
0xa0: {  	v60 =	vor.u32 $0xF, v60;
	v39 =	vld.idx.msk [tilespmem:v39+s15+$0x0], $0xffff  }
0xa1: {  	v50 =	vld.idx.msk [tilespmem:v50+s15+$0x0], $0xffff;
	_ =	sdelay $0x1  }
0xa2: {  	v6 =	vld.idx.msk [tilespmem:v6+s15+$0x0], $0xffff;
	v53 =	vshll.u32 v4, $0x4  }
0xa3: {  	[tilespmem:$0x1F800] =	vst v8;
	v8 =	vor.u32 $0x1, v53  }
0xa4: {  	[tilespmem:$0x1F820] =	vst v39;
	v54 =	vld.idx.msk [tilespmem:v60+s15+$0x0], $0xffff;
	v39 =	vor.u32 $0x3, v53  }
0xa5: {  	[tilespmem:$0x1F830] =	vst v50;
	v50 =	vor.u32 $0x4, v53;
	_ =	sdelay $0x1  }
0xa6: {  	[tilespmem:$0x1F810] =	vst v6;
	v6 =	vor.u32 $0x2, v53  }
0xa7: {  	v60 =	vor.u32 $0x5, v53;
	v8 =	vld.idx.msk [tilespmem:v8+s15+$0x0], $0xffff  }
0xa8: {  	[tilespmem:$0x1F840] =	vst v54;
	v54 =	vld.idx.msk [tilespmem:v39+s15+$0x0], $0xffff;
	v39 =	vor.u32 $0x7, v53  }
0xa9: {  	[tilespmem:$0x1F7A0] =	vst v55;
	v55 =	vld.idx.msk [tilespmem:v50+s15+$0x0], $0xffff;
	v50 =	vor.u32 $0x8, v53;
	_ =	sdelay $0x1  }
0xaa: {  	v6 =	vld.idx.msk [tilespmem:v6+s15+$0x0], $0xffff  }
0xab: {  	v62 =	vld.idx.msk [tilespmem:v60+s15+$0x0], $0xffff  }
0xac: {  	v39 =	vld.idx.msk [tilespmem:v39+s15+$0x0], $0xffff  }
0xad: {  	[tilespmem:$0x1F850] =	vst v8;
	v50 =	vld.idx.msk [tilespmem:v50+s15+$0x0], $0xffff  }
0xae: {  	[tilespmem:$0x1F870] =	vst v54;
	v54 =	vor.u32 $0x9, v53  }
0xaf: {  	v8 =	vor.u32 $0x6, v53;
	[tilespmem:$0x1F860] =	vst v6  }
0xb0: {  	[tilespmem:$0x1F890] =	vst v62;
	v62 =	vor.u32 $0xA, v53  }
0xb1: {  	[tilespmem:$0x1F8B0] =	vst v39;
	v39 =	vor.u32 $0xB, v53  }
0xb2: {  	v6 =	vld [tilespmem:s21+$0x1400];
	[tilespmem:$0x1F8C0] =	vst v50;
	v50 =	vor.u32 $0xC, v53  }
0xb3: {  	v60 =	vld.idx.msk [tilespmem:v54+s15+$0x0], $0xffff;
	v54 =	vor.u32 $0xD, v53  }
0xb4: {  	[tilespmem:$0x1F880] =	vst v55;
	v55 =	vld.idx.msk [tilespmem:v8+s15+$0x0], $0xffff  }
0xb5: {  	v8 =	vld.idx.msk [tilespmem:v62+s15+$0x0], $0xffff  }
0xb6: {  	v39 =	vld.idx.msk [tilespmem:v39+s15+$0x0], $0xffff  }
0xb7: {  	v50 =	vld.idx.msk [tilespmem:v50+s15+$0x0], $0xffff  }
0xb8: {  	v54 =	vld.idx.msk [tilespmem:v54+s15+$0x0], $0xffff  }
0xb9: {  	[tilespmem:$0x1F8A0] =	vst v55  }
0xba: {  	[tilespmem:$0x1F8E0] =	vst v8;
	v8 =	vor.u32 $0xE, v53;
	v55 =	vshll.u32 v6, $0x4  }
0xbb: {  	[tilespmem:$0x1F8F0] =	vst v39;
	v39 =	vor.u32 $0x1, v55  }
0xbc: {  	[tilespmem:$0x1F900] =	vst v50;
	v50 =	vor.u32 $0x2, v55  }
0xbd: {  	[tilespmem:$0x1F910] =	vst v54;
	v54 =	vor.u32 $0x3, v55  }
0xbe: {  	[tilespmem:$0x1F8D0] =	vst v60;
	v60 =	vld.idx.msk [tilespmem:v53+s15+$0x0], $0xffff;
	v53 =	vor.u32 $0xF, v53  }
0xbf: {  	v8 =	vld.idx.msk [tilespmem:v8+s15+$0x0], $0xffff  }
0xc0: {  	v39 =	vld.idx.msk [tilespmem:v39+s15+$0x0], $0xffff  }
0xc1: {  	v50 =	vld.idx.msk [tilespmem:v50+s15+$0x0], $0xffff  }
0xc2: {  	v54 =	vld.idx.msk [tilespmem:v54+s15+$0x0], $0xffff  }
0xc3: {  	v62 =	vor.u32 $0x5, v55;
	v53 =	vld.idx.msk [tilespmem:v53+s15+$0x0], $0xffff  }
0xc4: {  	[tilespmem:$0x1F920] =	vst v8;
	v8 =	vor.u32 $0x4, v55  }
0xc5: {  	[tilespmem:$0x1F950] =	vst v39;
	v39 =	vor.u32 $0x6, v55  }
0xc6: {  	[tilespmem:$0x1F960] =	vst v50;
	v50 =	vor.u32 $0x7, v55  }
0xc7: {  	[tilespmem:$0x1F970] =	vst v54;
	v54 =	vor.u32 $0x8, v55  }
0xc8: {  	v62 =	vld.idx.msk [tilespmem:v62+s15+$0x0], $0xffff;
	[tilespmem:$0x1F930] =	vst v53;
	v53 =	vor.u32 $0x9, v55  }
0xc9: {  	v8 =	vld.idx.msk [tilespmem:v8+s15+$0x0], $0xffff  }
0xca: {  	v39 =	vld.idx.msk [tilespmem:v39+s15+$0x0], $0xffff  }
0xcb: {  	v50 =	vld.idx.msk [tilespmem:v50+s15+$0x0], $0xffff  }
0xcc: {  	v54 =	vld.idx.msk [tilespmem:v54+s15+$0x0], $0xffff  }
0xcd: {  	[tilespmem:$0x1F990] =	vst v62;
	v53 =	vld.idx.msk [tilespmem:v53+s15+$0x0], $0xffff  }
0xce: {  	v62 =	vor.u32 $0xA, v55;
	[tilespmem:$0x1F980] =	vst v8  }
0xcf: {  	[tilespmem:$0x1F9A0] =	vst v39  }
0xd0: {  	[tilespmem:$0x1F9B0] =	vst v50  }
0xd1: {  	[tilespmem:$0x1F9C0] =	vst v54  }
0xd2: {  	v8 =	vld [tilespmem:s21+$0x1480];
	v54 =	vor.u32 $0xC, v55;
	[tilespmem:$0x1F9D0] =	vst v53  }
0xd3: {  	v53 =	vor.u32 $0xD, v55;
	v39 =	vld.idx.msk [tilespmem:v62+s15+$0x0], $0xffff  }
0xd4: {  	v50 =	vor.u32 $0xB, v55;
	_ =	sdelay $0x1  }
0xd5: {  	v62 =	vld.idx.msk [tilespmem:v55+s15+$0x0], $0xffff  }
0xd6: {  	v54 =	vld.idx.msk [tilespmem:v54+s15+$0x0], $0xffff  }
0xd7: {  	v53 =	vld.idx.msk [tilespmem:v53+s15+$0x0], $0xffff;
	[tilespmem:$0x1F9E0] =	vst v39;
	v39 =	vor.u32 $0xE, v55  }
0xd8: {  	v50 =	vld.idx.msk [tilespmem:v50+s15+$0x0], $0xffff;
	v55 =	vor.u32 $0xF, v55;
	_ =	sdelay $0x1  }
0xd9: {  	[tilespmem:$0x1F940] =	vst v62;
	v62 =	vshll.u32 v8, $0x4  }
0xda: {  	[tilespmem:$0x1FA00] =	vst v54;
	v54 =	vor.u32 $0x2, v62  }
0xdb: {  	[tilespmem:$0x1FA10] =	vst v53;
	v53 =	vor.u32 $0x3, v62;
	v39 =	vld.idx.msk [tilespmem:v39+s15+$0x0], $0xffff  }
0xdc: {  	[tilespmem:$0x1F9F0] =	vst v50;
	v50 =	vor.u32 $0x1, v62;
	v55 =	vld.idx.msk [tilespmem:v55+s15+$0x0], $0xffff  }
0xdd: {  	vm1 =	veq.s32 v0, $0x0;
	v0 =	vadd.f32 $0.0e+00, v5  }
0xde: {  	vm0 =	veq.s32 v7, $0x0;
	v7 =	vor.u32 $0x8, v62  }
0xdf: {  	v0 =	vadd.f32 v3, v0;
	v54 =	vld.idx.msk [tilespmem:v54+s15+$0x0], $0xffff  }
0xe0: {  	v53 =	vld.idx.msk [tilespmem:v53+s15+$0x0], $0xffff;
	[tilespmem:$0x1FA20] =	vst v39;
	v39 =	vor.u32 $0x4, v62  }
0xe1: {  	v0 =	vadd.f32 v46, v0;
	v50 =	vld.idx.msk [tilespmem:v50+s15+$0x0], $0xffff;
	[tilespmem:$0x1FA30] =	vst v55;
	v55 =	vor.u32 $0x5, v62;
	_ =	sdelay $0x1  }
0xe2: {  	v0 =	vadd.f32 v18, v0;
	v7 =	vld.idx.msk [tilespmem:v7+s15+$0x0], $0xffff  }
0xe3: {  	v5 =	vor.u32 $0x9, v62;
	[tilespmem:$0x1FA60] =	vst v54  }
0xe4: {  	v40 =	vadd.f32 $0.0e+00, v40;
	v0 =	vadd.f32 v20, v0;
	[tilespmem:$0x1FA70] =	vst v53;
	v53 =	vor.u32 $0x7, v62;
	v54 =	vld.idx.msk [tilespmem:v39+s15+$0x0], $0xffff  }
0xe5: {  	[tilespmem:$0x1FA50] =	vst v50;
	v50 =	vor.u32 $0x6, v62;
	v39 =	vld.idx.msk [tilespmem:v55+s15+$0x0], $0xffff  }
0xe6: {  	v11 =	vadd.f32 v11, v40;
	v0 =	vadd.f32 v41, v0;
	v41 =	vld [tilespmem:$0x1F680];
	v40 =	vor.u32 $0xE, v62  }
0xe7: {  	vm13 =	veq.s32 v10, $0x0;
	v10 =	vld [tilespmem:$0x1F940];
	[tilespmem:$0x1FAB0] =	vst v7;
	v7 =	vor.u32 $0xC, v62  }
0xe8: {  	v5 =	vld.idx.msk [tilespmem:v5+s15+$0x0], $0xffff  }
0xe9: {  	v53 =	vld.idx.msk [tilespmem:v53+s15+$0x0], $0xffff;
	[tilespmem:$0x1FA80] =	vst v54;
	v54 =	vor.u32 $0xA, v62  }
0xea: {  	v55 =	vld.idx.msk [tilespmem:v50+s15+$0x0], $0xffff;
	v50 =	vsel vm1, $0x0, v63;
	[tilespmem:$0x1FA90] =	vst v39;
	v39 =	vsel vm0, $0x0, v63  }
0xeb: {  	v40 =	vld.idx.msk [tilespmem:v40+s15+$0x0], $0xffff;
	v39 =	vadd.f32 v50, v39;
	v50 =	vadd.f32 $0.0e+00, v19  }
0xec: {  	v3 =	vadd.f32 $0.0e+00, v28;
	v7 =	vld.idx.msk [tilespmem:v7+s15+$0x0], $0xffff  }
0xed: {  	[tilespmem:$0x1FAC0] =	vst v5;
	v5 =	vor.u32 $0xD, v62;
	v19 =	vld [tilespmem:s21+$0x1500];
	v29 =	vadd.f32 v29, v50;
	v50 =	vadd.f32 $0.0e+00, v26  }
0xee: {  	v28 =	vor.u32 $0xB, v62;
	[tilespmem:$0x1FAA0] =	vst v53;
	v53 =	vadd.f32 $0.0e+00, v61;
	v61 =	vld.idx.msk [tilespmem:v54+s15+$0x0], $0xffff  }
0xef: {  	v3 =	vadd.f32 v9, v3;
	v9 =	vadd.f32 v12, v50;
	v50 =	vld.idx.msk [tilespmem:v62+s15+$0x0], $0xffff  }
0xf0: {  	v13 =	vadd.f32 v13, v53;
	v53 =	vld [tilespmem:$0x1F430]  }
0xf1: {  	v12 =	vor.u32 $0xF, v62;
	v54 =	vld [tilespmem:$0x1F450]  }
0xf2: {  	v5 =	vld.idx.msk [tilespmem:v5+s15+$0x0], $0xffff  }
0xf3: {  	v62 =	vld.idx.msk [tilespmem:v28+s15+$0x0], $0xffff  }
0xf4: {  	v27 =	vadd.f32 v27, v29;
	v29 =	vld [tilespmem:$0x1F6F0];
	[tilespmem:$0x1FA40] =	vst v50;
	v50 =	vshll.u32 v19, $0x4  }
0xf5: {  	v26 =	vadd.f32 $0.0e+00, v53;
	v28 =	vor.u32 $0x1, v50;
	v53 =	vld [tilespmem:$0x1F440]  }
0xf6: {  	[tilespmem:$0x1FAD0] =	vst v7;
	v54 =	vadd.f32 $0.0e+00, v54;
	v12 =	vld.idx.msk [tilespmem:v12+s15+$0x0], $0xffff;
	v7 =	vor.u32 $0x2, v50  }
0xf7: {  	v15 =	vadd.f32 v15, v26;
	v26 =	vld [tilespmem:$0x1F460]  }
0xf8: {  	v11 =	vadd.f32 v42, v11;
	v42 =	vor.u32 $0xC, v50;
	v14 =	vadd.f32 v14, v54;
	v54 =	vld [tilespmem:$0x1F470]  }
0xf9: {  	v9 =	vadd.f32 v45, v9;
	v45 =	vor.u32 $0xD, v50;
	v46 =	vld.idx.msk [tilespmem:v50+s15+$0x0], $0xffff  }
0xfa: {  	v53 =	vadd.f32 $0.0e+00, v53;
	v28 =	vld.idx.msk [tilespmem:v28+s15+$0x0], $0xffff  }
0xfb: {  	v14 =	vadd.f32 v21, v14;
	v21 =	vor.u32 $0xF, v50;
	v7 =	vld.idx.msk [tilespmem:v7+s15+$0x0], $0xffff  }
0xfc: {  	v26 =	vadd.f32 $0.0e+00, v26;
	v16 =	vadd.f32 v16, v53;
	v53 =	vld [tilespmem:$0x1F480]  }
0xfd: {  	v13 =	vadd.f32 v38, v13;
	v38 =	vld.idx.msk [tilespmem:v42+s15+$0x0], $0xffff  }
0xfe: {  	[tilespmem:$0x1FAE0] =	vst v5;
	v5 =	vor.u32 $0x3, v50;
	v42 =	vld.idx.msk [tilespmem:v45+s15+$0x0], $0xffff;
	v17 =	vadd.f32 v17, v26  }
0xff: {  	v26 =	vadd.f32 $0.0e+00, v54;
	v54 =	vld [tilespmem:$0x1F490];
	v16 =	vadd.f32 v22, v16;
	v22 =	vor.u32 $0xE, v50  }
0x100: {  	v21 =	vld.idx.msk [tilespmem:v21+s15+$0x0], $0xffff;
	[tilespmem:$0x1FB20] =	vst v28;
	v28 =	vor.u32 $0x6, v50  }
0x101: {  	v26 =	vadd.f32 v32, v26;
	v32 =	vld [tilespmem:$0x1F4A0];
	v53 =	vadd.f32 $0.0e+00, v53  }
0x102: {  	v17 =	vadd.f32 v37, v17;
	v37 =	vld [tilespmem:$0x1F4D0]  }
0x103: {  	[tilespmem:$0x1FB30] =	vst v7;
	v7 =	vadd.f32 v23, v53;
	v53 =	vld.idx.msk [tilespmem:v5+s15+$0x0], $0xffff  }
0x104: {  	v54 =	vadd.f32 $0.0e+00, v54;
	v22 =	vld.idx.msk [tilespmem:v22+s15+$0x0], $0xffff  }
0x105: {  	v28 =	vld.idx.msk [tilespmem:v28+s15+$0x0], $0xffff  }
0x106: {  	v24 =	vadd.f32 v24, v54;
	v54 =	vld [tilespmem:$0x1F4C0]  }
0x107: {  	v5 =	vor.u32 $0x7, v50;
	v32 =	vadd.f32 $0.0e+00, v32;
	v18 =	vadd.f32 v37, v27;
	v27 =	vld [tilespmem:$0x1F4F0]  }
0x108: {  	v7 =	vadd.f32 v34, v7;
	v34 =	vld [tilespmem:$0x1F510]  }
0x109: {  	[tilespmem:$0x1FB00] =	vst v12;
	v12 =	vor.u32 $0x5, v50;
	v32 =	vadd.f32 v49, v32;
	v49 =	vld [tilespmem:$0x1F4B0]  }
0x10a: {  	v24 =	vadd.f32 v33, v24;
	v33 =	vld [tilespmem:$0x1F500]  }
0x10b: {  	[tilespmem:$0x1FAF0] =	vst v40;
	v40 =	vor.u32 $0x4, v50;
	v7 =	vadd.f32 v47, v7;
	v47 =	vld [tilespmem:$0x1F5A0]  }
0x10c: {  	v5 =	vld.idx.msk [tilespmem:v5+s15+$0x0], $0xffff  }
0x10d: {  	v24 =	vadd.f32 v56, v24;
	v56 =	vld [tilespmem:$0x1F5B0]  }
0x10e: {  	vm9 =	veq.s32 v1, $0x0;
	[tilespmem:$0x1FB40] =	vst v28;
	v28 =	vor.u32 $0xA, v50;
	v1 =	vadd.f32 $0.0e+00, v54;
	v54 =	vld.idx.msk [tilespmem:v12+s15+$0x0], $0xffff  }
0x10f: {  	vm5 =	veq.s32 v19, $0x0;
	v19 =	vld [tilespmem:$0x1FB40]  }
0x110: {  	s24 =	sor.u32 $0x1180, s24;
	v12 =	vor.u32 $0x9, v50;
	v11 =	vadd.f32 v27, v11;
	v23 =	vadd.f32 $0.0e+00, v49;
	v49 =	vld.idx.msk [tilespmem:v40+s15+$0x0], $0xffff  }
0x111: {  	v1 =	vadd.f32 v51, v1;
	v51 =	vld [tilespmem:s24+$0x400]  }
0x112: {  	v9 =	vadd.f32 v33, v9;
	v11 =	vadd.f32 v47, v11;
	v47 =	vld [tilespmem:$0x1F630]  }
0x113: {  	v15 =	vadd.f32 v59, v15;
	v40 =	vor.u32 $0x8, v50;
	v59 =	vld.idx.msk [tilespmem:v28+s15+$0x0], $0xffff  }
0x114: {  	v31 =	vadd.f32 v31, v23;
	v23 =	vsel vm9, $0x0, v63;
	v9 =	vadd.f32 v56, v9;
	v56 =	vld [tilespmem:$0x1F640]  }
0x115: {  	vm10 =	veq.s32 v2, $0x0;
	[tilespmem:$0x1FB50] =	vst v5;
	v5 =	vor.u32 $0xB, v50;
	v39 =	vadd.f32 v23, v39;
	v12 =	vld.idx.msk [tilespmem:v12+s15+$0x0], $0xffff  }
0x116: {  	[tilespmem:$0x1FB10] =	vst v46;
	v46 =	vsel vm10, $0x0, v63;
	v23 =	vld [tilespmem:$0x1F810]  }
0x117: {  	[tilespmem:$0x1FBB0] =	vst v22;
	v22 =	vadd.f32 v46, v39;
	v39 =	vld [tilespmem:$0x1F520]  }
0x118: {  	v46 =	vld [tilespmem:$0x1F550]  }
0x119: {  	v40 =	vld.idx.msk [tilespmem:v40+s15+$0x0], $0xffff;
	v28 =	vshll.u32 v51, $0x4  }
0x11a: {  	v3 =	vadd.f32 v58, v3;
	v5 =	vld.idx.msk [tilespmem:v5+s15+$0x0], $0xffff;
	v58 =	vor.u32 $0x1, v28  }
0x11b: {  	[tilespmem:$0x1FB70] =	vst v12;
	v12 =	vadd.f32 v43, v31;
	v31 =	vld [tilespmem:$0x1F560]  }
0x11c: {  	v45 =	vor.u32 $0x3, v28;
	v15 =	vadd.f32 v39, v15;
	v39 =	vld [tilespmem:s21+$0x1600]  }
0x11d: {  	v50 =	vor.u32 $0x4, v28;
	v17 =	vadd.f32 v46, v17;
	v46 =	vld [tilespmem:$0x1F590]  }
0x11e: {  	v12 =	vadd.f32 v57, v12;
	v57 =	vld.idx.msk [tilespmem:v28+s15+$0x0], $0xffff  }
0x11f: {  	v26 =	vadd.f32 v36, v26;
	v36 =	vor.u32 $0x5, v28;
	[tilespmem:$0x1FB80] =	vst v5;
	v5 =	vld.idx.msk [tilespmem:v58+s15+$0x0], $0xffff  }
0x120: {  	[tilespmem:$0x1FB90] =	vst v38;
	v38 =	vor.u32 $0x6, v28;
	v58 =	vld [tilespmem:$0x1F4E0]  }
0x121: {  	v32 =	vadd.f32 v35, v32;
	v35 =	vor.u32 $0x7, v28;
	v2 =	vld.idx.msk [tilespmem:v45+s15+$0x0], $0xffff  }
0x122: {  	[tilespmem:$0x1FBA0] =	vst v42;
	v42 =	vld.idx.msk [tilespmem:v50+s15+$0x0], $0xffff  }
0x123: {  	v45 =	vld [tilespmem:$0x1F540]  }
0x124: {  	v50 =	vld.idx.msk [tilespmem:v36+s15+$0x0], $0xffff  }
0x125: {  	v33 =	vld.idx.msk [tilespmem:v38+s15+$0x0], $0xffff  }
0x126: {  	vm11 =	veq.s32 v52, $0x0;
	[tilespmem:$0x1FB60] =	vst v40;
	v40 =	vor.u32 $0x2, v28;
	v35 =	vld.idx.msk [tilespmem:v35+s15+$0x0], $0xffff  }
0x127: {  	vm12 =	veq.s32 v25, $0x0;
	v36 =	vsel vm11, $0x0, v63;
	v38 =	vld [tilespmem:$0x1F570]  }
0x128: {  	v13 =	vadd.f32 v34, v13;
	v34 =	vor.u32 $0xA, v28;
	v22 =	vadd.f32 v36, v22;
	v36 =	vld [tilespmem:$0x1F5E0]  }
0x129: {  	v25 =	vsel vm12, $0x0, v63;
	v26 =	vadd.f32 v31, v26;
	v31 =	vld [tilespmem:$0x1F700]  }
0x12a: {  	v37 =	vor.u32 $0xB, v28;
	v22 =	vadd.f32 v25, v22;
	v25 =	vld [tilespmem:$0x1F6E0]  }
0x12b: {  	v1 =	vadd.f32 v30, v1;
	v30 =	vld.idx.msk [tilespmem:v40+s15+$0x0], $0xffff  }
0x12c: {  	v40 =	vld [tilespmem:$0x1F530]  }
0x12d: {  	v43 =	vor.u32 $0x8, v28;
	[tilespmem:$0x1FC20] =	vst v50;
	v50 =	vld.idx.msk [tilespmem:v34+s15+$0x0], $0xffff  }
0x12e: {  	[tilespmem:$0x1FC30] =	vst v33;
	v33 =	vld [tilespmem:$0x1F5D0]  }
0x12f: {  	v3 =	vadd.f32 v58, v3;
	v34 =	vld.idx.msk [tilespmem:v37+s15+$0x0], $0xffff  }
0x130: {  	v58 =	vor.u32 $0x9, v28;
	v37 =	vld [tilespmem:$0x1F5F0]  }
0x131: {  	[tilespmem:$0x1FC10] =	vst v42;
	v42 =	vor.u32 $0xC, v28;
	v3 =	vadd.f32 v46, v3;
	v46 =	vld [tilespmem:$0x1F620]  }
0x132: {  	v16 =	vadd.f32 v40, v16;
	v40 =	vld.idx.msk [tilespmem:v43+s15+$0x0], $0xffff  }
0x133: {  	v52 =	vor.u32 $0xE, v28;
	v43 =	vld [tilespmem:$0x1F580]  }
0x134: {  	[tilespmem:$0x1FBF0] =	vst v30;
	v30 =	vadd.f32 v44, v32;
	v32 =	vld [tilespmem:$0x1F5C0]  }
0x135: {  	v44 =	vld.idx.msk [tilespmem:v58+s15+$0x0], $0xffff  }
0x136: {  	v1 =	vadd.f32 v38, v1;
	v38 =	vld.idx.msk [tilespmem:v42+s15+$0x0], $0xffff  }
0x137: {  	v14 =	vadd.f32 v45, v14;
	v42 =	vld [tilespmem:$0x1F600]  }
0x138: {  	[tilespmem:$0x1FC70] =	vst v50;
	v50 =	vld.idx.msk [tilespmem:v52+s15+$0x0], $0xffff  }
0x139: {  	v14 =	vadd.f32 v37, v14;
	v37 =	vld [tilespmem:$0x1F670]  }
0x13a: {  	v45 =	vor.u32 $0xD, v28;
	v30 =	vadd.f32 v56, v30;
	v56 =	vld [tilespmem:$0x1F6D0]  }
0x13b: {  	v58 =	vor.u32 $0xF, v28;
	v7 =	vadd.f32 v46, v7;
	v46 =	vld [tilespmem:$0x1F6B0]  }
0x13c: {  	v14 =	vadd.f32 v25, v14;
	v25 =	vld [tilespmem:s21+$0x1680]  }
0x13d: {  	v28 =	vshll.u32 v39, $0x4;
	v18 =	vadd.f32 v43, v18;
	v43 =	vld [tilespmem:$0x1F610]  }
0x13e: {  	[tilespmem:$0x1FC40] =	vst v35;
	v35 =	vor.u32 $0x1, v28;
	v13 =	vadd.f32 v32, v13;
	v32 =	vld [tilespmem:$0x1F650]  }
0x13f: {  	[tilespmem:$0x1FC60] =	vst v44;
	v44 =	vld.idx.msk [tilespmem:v45+s15+$0x0], $0xffff  }
0x140: {  	[tilespmem:$0x1FBD0] =	vst v57;
	v57 =	vld.idx.msk [tilespmem:v58+s15+$0x0], $0xffff  }
0x141: {  	[tilespmem:$0x1FC50] =	vst v40;
	v40 =	vor.u32 $0x2, v28;
	v17 =	vadd.f32 v42, v17;
	v42 =	vld [tilespmem:$0x1F690]  }
0x142: {  	v52 =	vor.u32 $0x4, v28;
	v20 =	vld.idx.msk [tilespmem:v28+s15+$0x0], $0xffff  }
0x143: {  	v15 =	vadd.f32 v33, v15;
	v33 =	vld.idx.msk [tilespmem:v35+s15+$0x0], $0xffff  }
0x144: {  	v35 =	vld [tilespmem:$0x1F660]  }
0x145: {  	v45 =	vor.u32 $0x3, v28;
	v17 =	vadd.f32 v29, v17;
	v29 =	vld [tilespmem:$0x1F820]  }
0x146: {  	v16 =	vadd.f32 v36, v16;
	v36 =	vld.idx.msk [tilespmem:v40+s15+$0x0], $0xffff  }
0x147: {  	v58 =	vor.u32 $0x5, v28;
	v26 =	vadd.f32 v43, v26;
	v43 =	vld.idx.msk [tilespmem:v52+s15+$0x0], $0xffff  }
0x148: {  	[tilespmem:$0x1FC80] =	vst v34;
	v34 =	vor.u32 $0x6, v28;
	v52 =	vld [tilespmem:$0x1F6C0]  }
0x149: {  	[tilespmem:$0x1FCB0] =	vst v50;
	v50 =	vor.u32 $0x9, v28;
	v12 =	vadd.f32 v32, v12;
	v32 =	vld [tilespmem:$0x1F710]  }
0x14a: {  	[tilespmem:$0x1FC90] =	vst v38;
	v38 =	vld.idx.msk [tilespmem:v45+s15+$0x0], $0xffff  }
0x14b: {  	v40 =	vor.u32 $0x7, v28;
	v45 =	vld [tilespmem:$0x1F6A0]  }
0x14c: {  	v24 =	vadd.f32 v47, v24;
	v47 =	vld.idx.msk [tilespmem:v58+s15+$0x0], $0xffff  }
0x14d: {  	[tilespmem:$0x1FCC0] =	vst v57;
	v57 =	vld.idx.msk [tilespmem:v34+s15+$0x0], $0xffff  }
0x14e: {  	v3 =	vadd.f32 v41, v3;
	v41 =	vld.idx.msk [tilespmem:v50+s15+$0x0], $0xffff  }
0x14f: {  	[tilespmem:$0x1FCA0] =	vst v44;
	v44 =	vor.u32 $0x8, v28;
	v1 =	vadd.f32 v35, v1;
	v35 =	vld [tilespmem:$0x1F720]  }
0x150: {  	v58 =	vor.u32 $0xA, v28;
	[tilespmem:$0x1FCD0] =	vst v33;
	v33 =	vld.idx.msk [tilespmem:v40+s15+$0x0], $0xffff  }
0x151: {  	[tilespmem:$0x1FCE0] =	vst v36;
	v36 =	vld [tilespmem:$0x1F730]  }
0x152: {  	v34 =	vor.u32 $0xB, v28;
	v40 =	vld [tilespmem:$0x1F740]  }
0x153: {  	[tilespmem:$0x1FD00] =	vst v43;
	v43 =	vld [tilespmem:$0x1F750]  }
0x154: {  	v27 =	vadd.f32 v37, v18;
	v11 =	vadd.f32 v42, v11;
	v42 =	vor.u32 $0xD, v28;
	v37 =	vld.idx.msk [tilespmem:v44+s15+$0x0], $0xffff  }
0x155: {  	v44 =	vld.idx.msk [tilespmem:v58+s15+$0x0], $0xffff  }
0x156: {  	[tilespmem:$0x1FD10] =	vst v47;
	v47 =	vld [tilespmem:$0x1F760]  }
0x157: {  	v0 =	vadd.f32 v48, v0;
	v13 =	vadd.f32 v46, v13;
	v46 =	vor.u32 $0xE, v28;
	v48 =	vld.idx.msk [tilespmem:v34+s15+$0x0], $0xffff  }
0x158: {  	v34 =	vld [tilespmem:$0x1F770]  }
0x159: {  	v16 =	vadd.f32 v56, v16;
	v26 =	vadd.f32 v31, v26;
	v31 =	vshll.u32 v25, $0x4;
	v56 =	vld.idx.msk [tilespmem:v42+s15+$0x0], $0xffff  }
0x15a: {  	v50 =	vor.u32 $0x1, v31;
	[tilespmem:$0x1FD50] =	vst v41;
	v41 =	vld [tilespmem:$0x1F7B0]  }
0x15b: {  	[tilespmem:$0x1FCF0] =	vst v38;
	v42 =	vld [tilespmem:$0x1F7C0]  }
0x15c: {  	[tilespmem:$0x1FD20] =	vst v57;
	v38 =	vor.u32 $0xC, v28;
	v57 =	vld.idx.msk [tilespmem:v46+s15+$0x0], $0xffff  }
0x15d: {  	v9 =	vadd.f32 v45, v9;
	v45 =	vsel vm13, $0x0, v63;
	v24 =	vadd.f32 v35, v24;
	v35 =	vld [tilespmem:$0x1F780]  }
0x15e: {  	vm14 =	veq.s32 v4, $0x0;
	v22 =	vadd.f32 v45, v22;
	v45 =	vld [tilespmem:$0x1F7E0]  }
0x15f: {  	v4 =	vsel vm14, $0x0, v63;
	v50 =	vld.idx.msk [tilespmem:v50+s15+$0x0], $0xffff  }
0x160: {  	[tilespmem:$0x1FBC0] =	vst v21;
	v28 =	vor.u32 $0xF, v28;
	v21 =	vadd.f32 v4, v22;
	v4 =	vld [tilespmem:$0x1F9B0]  }
0x161: {  	v15 =	vadd.f32 v52, v15;
	v52 =	vld.idx.msk [tilespmem:v38+s15+$0x0], $0xffff  }
0x162: {  	[tilespmem:$0x1FD40] =	vst v37;
	v37 =	vld [tilespmem:$0x1F790]  }
0x163: {  	v38 =	vld [tilespmem:$0x1F7A0]  }
0x164: {  	[tilespmem:$0x1FD60] =	vst v44;
	v44 =	vld [tilespmem:$0x1F7D0]  }
0x165: {  	v58 =	vld.idx.msk [tilespmem:v28+s15+$0x0], $0xffff  }
0x166: {  	v30 =	vadd.f32 v36, v30;
	v36 =	vor.u32 $0x2, v31;
	v27 =	vadd.f32 v47, v27;
	v47 =	vld [tilespmem:$0x1F7F0]  }
0x167: {  	v22 =	vadd.f32 v60, v0;
	v12 =	vadd.f32 v40, v12;
	v40 =	vor.u32 $0x3, v31;
	[tilespmem:$0x1FD70] =	vst v48;
	v48 =	vld [tilespmem:$0x1F800]  }
0x168: {  	v3 =	vadd.f32 v34, v3;
	v34 =	vld [tilespmem:$0x1F830]  }
0x169: {  	v1 =	vadd.f32 v43, v1;
	v43 =	vor.u32 $0x4, v31;
	v22 =	vadd.f32 v10, v22;
	v10 =	vld [tilespmem:$0x1F9E0]  }
0x16a: {  	v7 =	vadd.f32 v32, v7;
	v46 =	vor.u32 $0x5, v31;
	v32 =	vadd.f32 v45, v17;
	v45 =	vld [tilespmem:$0x1F870]  }
0x16b: {  	[tilespmem:$0x1FD30] =	vst v33;
	v33 =	vld.idx.msk [tilespmem:v36+s15+$0x0], $0xffff  }
0x16c: {  	v11 =	vadd.f32 v35, v11;
	v35 =	vld.idx.msk [tilespmem:v40+s15+$0x0], $0xffff  }
0x16d: {  	v40 =	vld [tilespmem:$0x1F840]  }
0x16e: {  	v15 =	vadd.f32 v41, v15;
	v41 =	vld.idx.msk [tilespmem:v43+s15+$0x0], $0xffff  }
0x16f: {  	v43 =	vld.idx.msk [tilespmem:v46+s15+$0x0], $0xffff  }
0x170: {  	v16 =	vadd.f32 v42, v16;
	v42 =	vor.u32 $0x8, v31;
	v46 =	vld [tilespmem:$0x1F880]  }
0x171: {  	v9 =	vadd.f32 v37, v9;
	v37 =	vld [tilespmem:$0x1F850]  }
0x172: {  	v13 =	vadd.f32 v38, v13;
	v38 =	vld [tilespmem:$0x1F860]  }
0x173: {  	v18 =	vor.u32 $0x6, v31;
	v26 =	vadd.f32 v47, v26;
	v47 =	vld [tilespmem:$0x1F890]  }
0x174: {  	v7 =	vadd.f32 v48, v7;
	v48 =	vld [tilespmem:$0x1F8A0]  }
0x175: {  	v36 =	vor.u32 $0x7, v31;
	v17 =	vld.idx.msk [tilespmem:v42+s15+$0x0], $0xffff  }
0x176: {  	v42 =	vld [tilespmem:$0x1F8D0]  }
0x177: {  	v29 =	vadd.f32 v29, v30;
	v30 =	vadd.f32 v45, v11;
	v45 =	vld [tilespmem:$0x1F900]  }
0x178: {  	v14 =	vadd.f32 v44, v14;
	v44 =	vor.u32 $0x9, v31;
	v1 =	vadd.f32 v40, v1;
	v40 =	vld.idx.msk [tilespmem:v18+s15+$0x0], $0xffff  }
0x179: {  	v18 =	vld [tilespmem:s21+$0x1700]  }
0x17a: {  	[tilespmem:$0x1FD80] =	vst v50;
	v50 =	vld.idx.msk [tilespmem:v36+s15+$0x0], $0xffff  }
0x17b: {  	[tilespmem:$0x1FDC0] =	vst v43;
	v43 =	vld [tilespmem:$0x1F8E0]  }
0x17c: {  	v11 =	vor.u32 $0xD, v31;
	[tilespmem:$0x1FDA0] =	vst v35;
	v35 =	vadd.f32 v48, v15;
	v15 =	vld [tilespmem:$0x1F8B0]  }
0x17d: {  	v0 =	vld.idx.msk [tilespmem:v44+s15+$0x0], $0xffff  }
0x17e: {  	[tilespmem:$0x1FBE0] =	vst v5;
	v44 =	vld [tilespmem:$0x1F8F0]  }
0x17f: {  	v5 =	vadd.f32 v34, v12;
	[tilespmem:$0x1FDB0] =	vst v41;
	v41 =	vor.u32 $0xA, v31;
	v34 =	vadd.f32 v47, v13;
	v13 =	vld [tilespmem:$0x1F910]  }
0x180: {  	v24 =	vadd.f32 v23, v24;
	v23 =	vor.u32 $0xC, v31;
	v48 =	vld [tilespmem:$0x1F930]  }
0x181: {  	v11 =	vld.idx.msk [tilespmem:v11+s15+$0x0], $0xffff  }
0x182: {  	v60 =	vor.u32 $0xB, v31;
	[tilespmem:$0x1FDF0] =	vst v17;
	v24 =	vadd.f32 v45, v24;
	v45 =	vld [tilespmem:$0x1F960]  }
0x183: {  	vm8 =	veq.s32 v25, $0x0;
	v25 =	vld [tilespmem:$0x1FDF0]  }
0x184: {  	[tilespmem:$0x1FD90] =	vst v33;
	v33 =	vadd.f32 v46, v9;
	v46 =	vld.idx.msk [tilespmem:v41+s15+$0x0], $0xffff  }
0x185: {  	[tilespmem:$0x1FDE0] =	vst v50;
	v50 =	vld.idx.msk [tilespmem:v23+s15+$0x0], $0xffff  }
0x186: {  	v47 =	vor.u32 $0xE, v31;
	v36 =	vadd.f32 v15, v16;
	v16 =	vld [tilespmem:$0x1F8C0]  }
0x187: {  	v15 =	vld.idx.msk [tilespmem:v60+s15+$0x0], $0xffff  }
0x188: {  	v12 =	vor.u32 $0xF, v31;
	v3 =	vadd.f32 v38, v3;
	v38 =	vadd.f32 v44, v7;
	v44 =	vld [tilespmem:$0x1F950]  }
0x189: {  	[tilespmem:$0x1FDD0] =	vst v40;
	v40 =	vadd.f32 v48, v1;
	v48 =	vld [tilespmem:$0x1F980]  }
0x18a: {  	v36 =	vadd.f32 v4, v36;
	v4 =	vld [tilespmem:$0x1FA20]  }
0x18b: {  	[tilespmem:$0x1FE10] =	vst v46;
	v46 =	vld.idx.msk [tilespmem:v47+s15+$0x0], $0xffff  }
0x18c: {  	v47 =	vld [tilespmem:$0x1F970]  }
0x18d: {  	v28 =	vadd.f32 v13, v29;
	v29 =	vshll.u32 v18, $0x4;
	[tilespmem:$0x1FE30] =	vst v50;
	v50 =	vld.idx.msk [tilespmem:v12+s15+$0x0], $0xffff  }
0x18e: {  	v27 =	vadd.f32 v37, v27;
	v17 =	vor.u32 $0x1, v29;
	v37 =	vadd.f32 v16, v14;
	v16 =	vld.idx.msk [tilespmem:v31+s15+$0x0], $0xffff  }
0x18f: {  	v9 =	vor.u32 $0x2, v29;
	v14 =	vld [tilespmem:$0x1F920]  }
0x190: {  	v26 =	vadd.f32 v43, v26;
	[tilespmem:$0x1FE20] =	vst v15;
	v15 =	vld [tilespmem:$0x1F9A0]  }
0x191: {  	vm15 =	veq.s32 v6, $0x0;
	v13 =	vor.u32 $0x3, v29;
	v33 =	vadd.f32 v48, v33;
	v48 =	vld [tilespmem:$0x1FA10]  }
0x192: {  	v60 =	vsel vm15, $0x0, v63;
	v27 =	vadd.f32 v44, v27;
	v44 =	vadd.f32 v10, v26;
	v10 =	vld [tilespmem:$0x1FA50]  }
0x193: {  	v21 =	vadd.f32 v60, v21;
	v60 =	vor.u32 $0x5, v29;
	v17 =	vld.idx.msk [tilespmem:v17+s15+$0x0], $0xffff  }
0x194: {  	v7 =	vld.idx.msk [tilespmem:v9+s15+$0x0], $0xffff  }
0x195: {  	v12 =	vor.u32 $0x7, v29;
	v9 =	vld [tilespmem:$0x1F9D0]  }
0x196: {  	[tilespmem:$0x1FE40] =	vst v11;
	v11 =	vld.idx.msk [tilespmem:v13+s15+$0x0], $0xffff  }
0x197: {  	v13 =	vld [tilespmem:$0x1F9F0]  }
0x198: {  	s25 =	sor.u32 $0x1380, s25;
	[tilespmem:$0x1FE60] =	vst v50;
	v50 =	vld.idx.msk [tilespmem:v60+s15+$0x0], $0xffff  }
0x199: {  	[tilespmem:$0x1FE50] =	vst v46;
	v46 =	vld [tilespmem:s25+$0x400]  }
0x19a: {  	v41 =	vadd.f32 v45, v3;
	v3 =	vor.u32 $0x4, v29;
	v44 =	vadd.f32 v61, v44;
	v26 =	vld.idx.msk [tilespmem:v12+s15+$0x0], $0xffff  }
0x19b: {  	v12 =	vld [tilespmem:$0x1FA60]  }
0x19c: {  	v44 =	vadd.f32 v59, v44;
	v59 =	vld [tilespmem:$0x1FBA0]  }
0x19d: {  	v31 =	vadd.f32 v14, v5;
	v14 =	vld [tilespmem:$0x1F990]  }
0x19e: {  	v5 =	vld [tilespmem:$0x1F9C0]  }
0x19f: {  	v32 =	vadd.f32 v42, v32;
	v35 =	vadd.f32 v15, v35;
	v15 =	vld.idx.msk [tilespmem:v3+s15+$0x0], $0xffff  }
0x1a0: {  	v60 =	vor.u32 $0x9, v29;
	[tilespmem:$0x1FE80] =	vst v7;
	v7 =	vld [tilespmem:$0x1FA30]  }
0x1a1: {  	v6 =	vor.u32 $0xA, v29;
	v32 =	vadd.f32 v9, v32;
	v9 =	vld [tilespmem:$0x1FA40]  }
0x1a2: {  	vm4 =	veq.s32 v8, $0x0;
	v38 =	vadd.f32 v13, v38;
	v13 =	vld [tilespmem:$0x1FA70]  }
0x1a3: {  	v8 =	vsel vm4, $0x0, v63;
	v63 =	vadd.f32 v55, v35;
	v35 =	vld [tilespmem:$0x1FAA0]  }
0x1a4: {  	v42 =	vadd.f32 v4, v31;
	v31 =	vld [tilespmem:$0x1FB00]  }
0x1a5: {  	v23 =	vor.u32 $0x6, v29;
	v30 =	vadd.f32 v47, v30;
	v47 =	vadd.f32 v48, v28;
	v28 =	vld.idx.msk [tilespmem:v60+s15+$0x0], $0xffff  }
0x1a6: {  	[tilespmem:$0x1FEB0] =	vst v50;
	v50 =	vld.idx.msk [tilespmem:v6+s15+$0x0], $0xffff  }
0x1a7: {  	v6 =	vld [tilespmem:$0x1FAB0]  }
0x1a8: {  	[tilespmem:$0x1FE90] =	vst v11;
	v11 =	vor.u32 $0xB, v29;
	v60 =	vld [tilespmem:$0x1FB20]  }
0x1a9: {  	v34 =	vadd.f32 v14, v34;
	v14 =	vld [tilespmem:$0x1FA00]  }
0x1aa: {  	v37 =	vadd.f32 v5, v37;
	v5 =	vld.idx.msk [tilespmem:v23+s15+$0x0], $0xffff  }
0x1ab: {  	v55 =	vor.u32 $0xE, v29;
	v23 =	vld [tilespmem:$0x1FA90]  }
0x1ac: {  	v40 =	vadd.f32 v7, v40;
	v7 =	vld [tilespmem:$0x1FAC0]  }
0x1ad: {  	v43 =	vadd.f32 v9, v22;
	v22 =	vld.idx.msk [tilespmem:v11+s15+$0x0], $0xffff  }
0x1ae: {  	v9 =	vld [tilespmem:$0x1FAD0]  }
0x1af: {  	v30 =	vadd.f32 v13, v30;
	v13 =	vld [tilespmem:$0x1FB30]  }
0x1b0: {  	v1 =	vld.idx.msk [tilespmem:v55+s15+$0x0], $0xffff  }
0x1b1: {  	[tilespmem:$0x1FE70] =	vst v17;
	v17 =	vor.u32 $0x8, v29;
	v55 =	vld [tilespmem:$0x1FB10]  }
0x1b2: {  	[tilespmem:$0x1FE00] =	vst v0;
	v40 =	vadd.f32 v31, v40;
	v31 =	vld [tilespmem:$0x1FB60]  }
0x1b3: {  	v27 =	vadd.f32 v10, v27;
	[tilespmem:$0x1FEA0] =	vst v15;
	v15 =	vor.u32 $0xC, v29;
	v30 =	vadd.f32 v53, v30;
	v53 =	vld [tilespmem:$0x1FB80]  }
0x1b4: {  	v0 =	vshll.u32 v46, $0x4;
	[tilespmem:$0x1FEE0] =	vst v50;
	v50 =	vld.idx.msk [tilespmem:v29+s15+$0x0], $0xffff  }
0x1b5: {  	v21 =	vadd.f32 v8, v21;
	v8 =	vor.u32 $0x1, v0;
	v27 =	vadd.f32 v60, v27;
	v60 =	vld [tilespmem:$0x1FBB0]  }
0x1b6: {  	[tilespmem:$0x1FC00] =	vst v2;
	v2 =	vor.u32 $0x4, v0;
	v45 =	vadd.f32 v14, v24;
	v14 =	vld.idx.msk [tilespmem:v17+s15+$0x0], $0xffff  }
0x1b7: {  	v17 =	vld [tilespmem:$0x1FA80]  }
0x1b8: {  	v38 =	vadd.f32 v62, v38;
	v62 =	vor.u32 $0x6, v0;
	v10 =	vld.idx.msk [tilespmem:v15+s15+$0x0], $0xffff  }
0x1b9: {  	[tilespmem:$0x1FEC0] =	vst v5;
	v5 =	vld [tilespmem:$0x1FAE0]  }
0x1ba: {  	v61 =	vld.idx.msk [tilespmem:v8+s15+$0x0], $0xffff  }
0x1bb: {  	v2 =	vld.idx.msk [tilespmem:v2+s15+$0x0], $0xffff  }
0x1bc: {  	v24 =	vor.u32 $0xD, v29;
	v4 =	vadd.f32 v7, v32;
	v32 =	vld [tilespmem:$0x1FB70]  }
0x1bd: {  	[tilespmem:$0x1FF10] =	vst v1;
	v1 =	vld.idx.msk [tilespmem:v62+s15+$0x0], $0xffff  }
0x1be: {  	v29 =	vor.u32 $0xF, v29;
	v43 =	vadd.f32 v55, v43;
	v55 =	vld [tilespmem:$0x1FB90]  }
0x1bf: {  	v11 =	vor.u32 $0x2, v0;
	v45 =	vadd.f32 v9, v45;
	v9 =	vld [tilespmem:$0x1FC20]  }
0x1c0: {  	v7 =	vor.u32 $0x3, v0;
	v38 =	vadd.f32 v53, v38;
	v53 =	vld [tilespmem:$0x1FC00]  }
0x1c1: {  	v37 =	vadd.f32 v6, v37;
	v6 =	vld.idx.msk [tilespmem:v24+s15+$0x0], $0xffff  }
0x1c2: {  	v33 =	vadd.f32 v17, v33;
	v17 =	vld [tilespmem:$0x1FAF0]  }
0x1c3: {  	v36 =	vadd.f32 v35, v36;
	v35 =	vld.idx.msk [tilespmem:v29+s15+$0x0], $0xffff  }
0x1c4: {  	v34 =	vadd.f32 v23, v34;
	v23 =	vimm.f32 $1.000000000e+00;
	[tilespmem:$0x1FED0] =	vst v14;
	v14 =	vld.idx.msk [tilespmem:v11+s15+$0x0], $0xffff  }
0x1c5: {  	v24 =	vsel vm5, $0x0, v23;
	v15 =	vld.idx.msk [tilespmem:v7+s15+$0x0], $0xffff  }
0x1c6: {  	v41 =	vadd.f32 v12, v41;
	v29 =	vor.u32 $0x8, v0;
	v12 =	vadd.f32 v24, v21;
	v24 =	vld [tilespmem:$0x1FB50]  }
0x1c7: {  	v11 =	vadd.f32 v54, v34;
	v54 =	vor.u32 $0xA, v0;
	v8 =	vadd.f32 v32, v4;
	v32 =	vld [tilespmem:$0x1FC60]  }
0x1c8: {  	v48 =	vadd.f32 v49, v33;
	v33 =	vld [tilespmem:$0x1FBD0]  }
0x1c9: {  	v49 =	vld [tilespmem:$0x1FBF0]  }
0x1ca: {  	v21 =	vor.u32 $0x5, v0;
	v45 =	vadd.f32 v55, v45;
	v55 =	vld [tilespmem:$0x1FC10]  }
0x1cb: {  	[tilespmem:$0x1FF60] =	vst v2;
	v2 =	vld.idx.msk [tilespmem:v29+s15+$0x0], $0xffff  }
0x1cc: {  	v7 =	vadd.f32 v19, v63;
	v63 =	vor.u32 $0xB, v0;
	[tilespmem:$0x1FF80] =	vst v1;
	v1 =	vld.idx.msk [tilespmem:v54+s15+$0x0], $0xffff  }
0x1cd: {  	[tilespmem:$0x1FF40] =	vst v14;
	v14 =	vld [tilespmem:$0x1FC30]  }
0x1ce: {  	v29 =	vld [tilespmem:$0x1FC50]  }
0x1cf: {  	v34 =	vld.idx.msk [tilespmem:v21+s15+$0x0], $0xffff  }
0x1d0: {  	v41 =	vadd.f32 v13, v41;
	v13 =	vadd.f32 v24, v36;
	v24 =	vld [tilespmem:s21+$0x2400]  }
0x1d1: {  	[tilespmem:$0x1FF50] =	vst v15;
	v15 =	vld.idx.msk [tilespmem:v63+s15+$0x0], $0xffff  }
0x1d2: {  	v21 =	vld [tilespmem:$0x1FC40]  }
0x1d3: {  	v42 =	vadd.f32 v17, v42;
	v17 =	vor.u32 $0x7, v0;
	v8 =	vadd.f32 v32, v8;
	v32 =	vld [tilespmem:$0x1FCF0]  }
0x1d4: {  	[tilespmem:$0x1FEF0] =	vst v10;
	v10 =	vadd.f32 v55, v48;
	v48 =	vld.idx.msk [tilespmem:v0+s15+$0x0], $0xffff  }
0x1d5: {  	vm6 =	veq.s32 v51, $0x0;
	[tilespmem:$0x1FF20] =	vst v35;
	v35 =	vor.u32 $0x9, v0;
	v43 =	vadd.f32 v33, v43;
	v33 =	vld [tilespmem:$0x1FC70]  }
0x1d6: {  	v62 =	vsel vm6, $0x0, v23;
	v19 =	vor.u32 $0xC, v0;
	v51 =	vadd.f32 v60, v42;
	v60 =	vld [tilespmem:$0x1FCC0]  }
0x1d7: {  	v42 =	vadd.f32 v62, v12;
	v62 =	vld [tilespmem:$0x1FCD0]  }
0x1d8: {  	v47 =	vadd.f32 v5, v47;
	[tilespmem:$0x1FF30] =	vst v61;
	v54 =	vor.u32 $0xE, v0;
	v61 =	vld.idx.msk [tilespmem:v17+s15+$0x0], $0xffff  }
0x1d9: {  	v17 =	vld [tilespmem:$0x1FBC0]  }
0x1da: {  	v47 =	vadd.f32 v59, v47;
	v59 =	vor.u32 $0xF, v0;
	v36 =	vadd.f32 v31, v37;
	v35 =	vld.idx.msk [tilespmem:v35+s15+$0x0], $0xffff  }
0x1db: {  	[tilespmem:$0x1FFA0] =	vst v2;
	v2 =	vld.idx.msk [tilespmem:v19+s15+$0x0], $0xffff  }
0x1dc: {  	v11 =	vadd.f32 v9, v11;
	v9 =	vadd.f32 v29, v36;
	v36 =	vld [tilespmem:$0x1FC80]  }
0x1dd: {  	v55 =	vld.idx.msk [tilespmem:v54+s15+$0x0], $0xffff  }
0x1de: {  	v37 =	vor.u32 $0xD, v0;
	v19 =	vld [tilespmem:$0x1FCA0]  }
0x1df: {  	v54 =	vld.idx.msk [tilespmem:v59+s15+$0x0], $0xffff  }
0x1e0: {  	v29 =	vld [tilespmem:$0x1FDD0]  }
0x1e1: {  	[tilespmem:$0x1FF70] =	vst v34;
	v34 =	vld [tilespmem:$0x1FBE0]  }
0x1e2: {  	v0 =	vshll.u32 v24, $0x4;
	v44 =	vadd.f32 v33, v44;
	v33 =	vld [tilespmem:$0x1FD00]  }
0x1e3: {  	v31 =	vor.u32 $0x2, v0;
	[tilespmem:$0x1FF90] =	vst v61;
	v61 =	vld.idx.msk [tilespmem:v37+s15+$0x0], $0xffff  }
0x1e4: {  	v37 =	vld [tilespmem:$0x1FC90]  }
0x1e5: {  	v12 =	vadd.f32 v49, v41;
	v49 =	vor.u32 $0x4, v0;
	[tilespmem:$0x1FFB0] =	vst v35;
	v35 =	vld [tilespmem:$0x1FCB0]  }
0x1e6: {  	v5 =	vadd.f32 v19, v47;
	v47 =	vld [tilespmem:$0x1FD60]  }
0x1e7: {  	v40 =	vadd.f32 v17, v40;
	v17 =	vor.u32 $0x1, v0;
	v19 =	vld [tilespmem:$0x1FDB0]  }
0x1e8: {  	v41 =	vadd.f32 v14, v7;
	v7 =	vadd.f32 v21, v13;
	v21 =	vor.u32 $0x5, v0;
	v59 =	vld.idx.msk [tilespmem:v31+s15+$0x0], $0xffff  }
0x1e9: {  	v31 =	vld [tilespmem:$0x1FCE0]  }
0x1ea: {  	v30 =	vadd.f32 v53, v30;
	v53 =	vld.idx.msk [tilespmem:v49+s15+$0x0], $0xffff  }
0x1eb: {  	[tilespmem:$0x1FFD0] =	vst v15;
	v27 =	vadd.f32 v34, v27;
	v34 =	vor.u32 $0x3, v0;
	v15 =	vadd.f32 v56, v5;
	v5 =	vld [tilespmem:$0x1FD90]  }
0x1ec: {  	[tilespmem:$0x1FFC0] =	vst v1;
	v1 =	vld.idx.msk [tilespmem:v17+s15+$0x0], $0xffff  }
0x1ed: {  	vm7 =	veq.s32 v39, $0x0;
	v10 =	vadd.f32 v33, v10;
	v39 =	vadd.f32 v35, v51;
	v51 =	vld.idx.msk [tilespmem:v21+s15+$0x0], $0xffff  }
0x1ee: {  	v21 =	vld [tilespmem:$0x1FD30]  }
0x1ef: {  	v45 =	vadd.f32 v37, v45;
	v37 =	vor.u32 $0x6, v0;
	v10 =	vadd.f32 v19, v10;
	v19 =	vld [tilespmem:$0x1FE50]  }
0x1f0: {  	v40 =	vadd.f32 v60, v40;
	v60 =	vld.idx.msk [tilespmem:v34+s15+$0x0], $0xffff  }
0x1f1: {  	v38 =	vadd.f32 v36, v38;
	v34 =	vld [tilespmem:$0x1FD10]  }
0x1f2: {  	v36 =	vsel vm7, $0x0, v23;
	v17 =	vadd.f32 v32, v30;
	v39 =	vadd.f32 v57, v39;
	v57 =	vld [tilespmem:$0x1FE10]  }
0x1f3: {  	v30 =	vor.u32 $0x8, v0;
	[tilespmem:$0x1FFF0] =	vst v1;
	v1 =	vadd.f32 v36, v42;
	v42 =	vadd.f32 v20, v43;
	v20 =	vld [tilespmem:$0x1FD20]  }
0x1f4: {  	v35 =	vor.u32 $0x9, v0;
	v49 =	vld.idx.msk [tilespmem:v37+s15+$0x0], $0xffff  }
0x1f5: {  	v36 =	vld [tilespmem:$0x1FD40]  }
0x1f6: {  	v37 =	vld [tilespmem:$0x1FD50]  }
0x1f7: {  	v44 =	vadd.f32 v47, v44;
	v47 =	vor.u32 $0xC, v0;
	v43 =	vadd.f32 v62, v27;
	v62 =	vld [tilespmem:$0x1FD70]  }
0x1f8: {  	v45 =	vadd.f32 v52, v45;
	v52 =	vld.idx.msk [tilespmem:v30+s15+$0x0], $0xffff  }
0x1f9: {  	v63 =	vor.u32 $0x7, v0;
	v33 =	vld.idx.msk [tilespmem:v35+s15+$0x0], $0xffff  }
0x1fa: {  	v13 =	vadd.f32 v21, v7;
	v21 =	vld.idx.msk [tilespmem:v0+s15+$0x0], $0xffff  }
0x1fb: {  	[tilespmem:$0x1FFE0] =	vst v2;
	v2 =	vor.u32 $0xF, v0;
	v7 =	vld [tilespmem:$0x1FDA0]  }
0x1fc: {  	v47 =	vld.idx.msk [tilespmem:v47+s15+$0x0], $0xffff  }
0x1fd: {  	v27 =	vor.u32 $0xA, v0;
	v41 =	vadd.f32 v20, v41;
	v20 =	vld [tilespmem:s21+$0x2480]  }
0x1fe: {  	v14 =	vadd.f32 v62, v38;
	v38 =	vld.idx.msk [tilespmem:v63+s15+$0x0], $0xffff;
	v63 =	vor.u32 $0xB, v0  }
0x1ff: {  	v30 =	vld [tilespmem:$0x1FDE0];
	v16 =	vadd.f32 v16, v42  }
0x200: {  	v11 =	vadd.f32 v34, v11;
	v34 =	vld.idx.msk [tilespmem:v2+s15+$0x0], $0xffff  }
0x201: {  	v40 =	vadd.f32 v58, v40;
	v35 =	vor.u32 $0xD, v0;
	v50 =	vadd.f32 v50, v16;
	v16 =	vld [tilespmem:$0x1FEA0]  }
0x202: {  	v3 =	vadd.f32 v37, v8;
	v56 =	vld.idx.msk [tilespmem:v27+s15+$0x0], $0xffff;
	v37 =	vor.u32 $0xE, v0;
	v58 =	vshll.u32 v20, $0x4  }
0x203: {  	v42 =	vld.idx.msk [tilespmem:v63+s15+$0x0], $0xffff;
	v63 =	vor.u32 $0x1, v58  }
0x204: {  	v62 =	vld [tilespmem:$0x1FD80]  }
0x205: {  	v27 =	vld [tilespmem:$0x1FDC0]  }
0x206: {  	v9 =	vadd.f32 v36, v9;
	v36 =	vsel vm8, $0x0, v23;
	v35 =	vld.idx.msk [tilespmem:v35+s15+$0x0], $0xffff  }
0x207: {  	v8 =	vadd.f32 v36, v1;
	v36 =	vld.idx.msk [tilespmem:v37+s15+$0x0], $0xffff  }
0x208: {  	v37 =	vld.idx.msk [tilespmem:v63+s15+$0x0], $0xffff  }
0x209: {  	v13 =	vadd.f32 v30, v13;
	v63 =	vld [tilespmem:$0x1FE30]  }
0x20a: {  	v30 =	vld [tilespmem:$0x1FE60]  }
0x20b: {  	vm9 =	veq.s32 v18, $0x0;
	v13 =	vadd.f32 v26, v13;
	v26 =	vld [tilespmem:$0x1FED0]  }
0x20c: {  	v9 =	vadd.f32 v25, v9;
	v25 =	vsel vm9, $0x0, v23;
	v43 =	vadd.f32 v62, v43;
	v62 =	vld [tilespmem:$0x1FE20]  }
0x20d: {  	v18 =	vadd.f32 v25, v8;
	v8 =	vld [tilespmem:$0x1FE90]  }
0x20e: {  	v12 =	vadd.f32 v31, v12;
	v45 =	vadd.f32 v63, v45;
	v63 =	vld [tilespmem:$0x1FE80]  }
0x20f: {  	v25 =	vld [tilespmem:$0x1FEC0];
	v0 =	vor.u32 $0x2, v58  }
0x210: {  	v12 =	vadd.f32 v5, v12;
	v11 =	vadd.f32 v27, v11;
	v27 =	vld [tilespmem:$0x1FE00];
	v31 =	vor.u32 $0x4, v58  }
0x211: {  	v5 =	vadd.f32 v7, v17;
	v7 =	vadd.f32 v62, v14;
	v14 =	vld [tilespmem:$0x1FE40]  }
0x212: {  	vm10 =	veq.s32 v46, $0x0;
	[tilespmem:$0x1FF00] =	vst v6;
	v4 =	vor.u32 $0x6, v58;
	v46 =	vld.idx.msk [tilespmem:v58+s15+$0x0], $0xffff  }
0x213: {  	v12 =	vadd.f32 v63, v12;
	v63 =	vld [tilespmem:$0x1FF00]  }
0x214: {  	v2 =	vor.u32 $0xA, v58;
	v62 =	vld.idx.msk [tilespmem:v0+s15+$0x0], $0xffff  }
0x215: {  	v1 =	vor.u32 $0x8, v58;
	v32 =	vld.idx.msk [tilespmem:v31+s15+$0x0], $0xffff  }
0x216: {  	v31 =	vld [tilespmem:$0x1FE70];
	v15 =	vadd.f32 v14, v15  }
0x217: {  	v40 =	vadd.f32 v30, v40;
	v30 =	vld.idx.msk [tilespmem:v4+s15+$0x0], $0xffff  }
0x218: {  	v17 =	vadd.f32 v27, v3;
	v15 =	vadd.f32 v63, v15;
	v63 =	vld [tilespmem:$0x1FF40]  }
0x219: {  	v6 =	vor.u32 $0x3, v58;
	v9 =	vadd.f32 v26, v9;
	v26 =	vld.idx.msk [tilespmem:v2+s15+$0x0], $0xffff  }
0x21a: {  	v10 =	vadd.f32 v16, v10;
	v16 =	vadd.f32 v28, v17;
	v28 =	vld.idx.msk [tilespmem:v1+s15+$0x0], $0xffff  }
0x21b: {  	v41 =	vadd.f32 v29, v41;
	v29 =	vor.u32 $0x5, v58;
	v14 =	vadd.f32 v19, v39;
	v19 =	vld [tilespmem:$0x1FEB0]  }
0x21c: {  	v27 =	vor.u32 $0x7, v58;
	v7 =	vadd.f32 v22, v7;
	v22 =	vld [tilespmem:$0x1FF20]  }
0x21d: {  	v12 =	vadd.f32 v63, v12;
	v63 =	vld [tilespmem:$0x1FF70]  }
0x21e: {  	v39 =	vld.idx.msk [tilespmem:v6+s15+$0x0], $0xffff  }
0x21f: {  	v4 =	vor.u32 $0xD, v58;
	v6 =	vld [tilespmem:$0x1FF10]  }
0x220: {  	v43 =	vadd.f32 v31, v43;
	v31 =	vld.idx.msk [tilespmem:v29+s15+$0x0], $0xffff;
	v11 =	vadd.f32 v19, v11  }
0x221: {  	v29 =	vld.idx.msk [tilespmem:v27+s15+$0x0], $0xffff  }
0x222: {  	v11 =	vadd.f32 v63, v11;
	v63 =	vld [tilespmem:$0x1FFA0]  }
0x223: {  	v44 =	vadd.f32 v57, v44;
	v57 =	vor.u32 $0x9, v58;
	v27 =	vld [tilespmem:$0x1FEE0]  }
0x224: {  	v40 =	vadd.f32 v22, v40;
	v22 =	vld.idx.msk [tilespmem:v4+s15+$0x0], $0xffff  }
0x225: {  	v3 =	vor.u32 $0xB, v58;
	v4 =	vld [tilespmem:$0x1FF50]  }
0x226: {  	v19 =	vld [tilespmem:s21+$0x2500]  }
0x227: {  	v9 =	vadd.f32 v63, v9;
	v63 =	vld [tilespmem:$0x1FFB0]  }
0x228: {  	v44 =	vadd.f32 v27, v44;
	v27 =	vld.idx.msk [tilespmem:v57+s15+$0x0], $0xffff  }
0x229: {  	v8 =	vadd.f32 v8, v5;
	v41 =	vadd.f32 v25, v41;
	v5 =	vor.u32 $0xC, v58;
	v57 =	vld [tilespmem:$0x1FEF0]  }
0x22a: {  	v2 =	vor.u32 $0xE, v58;
	v17 =	vsel vm10, $0x0, v23;
	v25 =	vld.idx.msk [tilespmem:v3+s15+$0x0], $0xffff;
	v14 =	vadd.f32 v6, v14  }
0x22b: {  	v58 =	vor.u32 $0xF, v58;
	v6 =	vadd.f32 v17, v18;
	v18 =	vadd.f32 v48, v50;
	v50 =	vld [tilespmem:$0x1FF30]  }
0x22c: {  	v16 =	vadd.f32 v63, v16;
	v63 =	vld [tilespmem:$0x1FFC0]  }
0x22d: {  	v8 =	vadd.f32 v4, v8;
	v4 =	vld [tilespmem:$0x1FF80]  }
0x22e: {  	v0 =	vshll.u32 v19, $0x4;
	v45 =	vadd.f32 v57, v45;
	v57 =	vld.idx.msk [tilespmem:v5+s15+$0x0], $0xffff  }
0x22f: {  	v5 =	vld [tilespmem:$0x1FF60]  }
0x230: {  	v58 =	vld.idx.msk [tilespmem:v58+s15+$0x0], $0xffff;
	v48 =	vor.u32 $0x2, v0  }
0x231: {  	v44 =	vadd.f32 v63, v44;
	v63 =	vld [tilespmem:$0x1FFD0]  }
0x232: {  	v17 =	vld.idx.msk [tilespmem:v2+s15+$0x0], $0xffff;
	v43 =	vadd.f32 v50, v43;
	v50 =	vor.u32 $0x3, v0  }
0x233: {  	v1 =	vor.u32 $0x4, v0;
	v41 =	vadd.f32 v4, v41;
	v4 =	vld.idx.msk [tilespmem:v0+s15+$0x0], $0xffff  }
0x234: {  	v2 =	vor.u32 $0x5, v0;
	v10 =	vadd.f32 v5, v10;
	v5 =	vld [tilespmem:$0x1FF90]  }
0x235: {  	vm11 =	veq.s32 v24, $0x0;
	v24 =	vor.u32 $0x8, v0;
	v48 =	vld.idx.msk [tilespmem:v48+s15+$0x0], $0xffff  }
0x236: {  	v7 =	vadd.f32 v63, v7;
	v63 =	vld [tilespmem:$0x1FFE0]  }
0x237: {  	vm12 =	veq.s32 v20, $0x0;
	v23 =	vsel vm11, $0x0, v23;
	v50 =	vld.idx.msk [tilespmem:v50+s15+$0x0], $0xffff  }
0x238: {  	v14 =	vadd.f32 v55, v14;
	v18 =	vadd.f32 v21, v18;
	v21 =	vor.u32 $0xA, v0;
	v1 =	vld.idx.msk [tilespmem:v1+s15+$0x0], $0xffff  }
0x239: {  	v40 =	vadd.f32 v54, v40;
	v6 =	vadd.f32 v23, v6;
	v3 =	vor.u32 $0x1, v0;
	v2 =	vld.idx.msk [tilespmem:v2+s15+$0x0], $0xffff  }
0x23a: {  	v8 =	vadd.f32 v60, v8;
	v14 =	vadd.f32 v36, v14;
	v60 =	vor.u32 $0xC, v0;
	v24 =	vld.idx.msk [tilespmem:v24+s15+$0x0], $0xffff  }
0x23b: {  	v15 =	vadd.f32 v61, v15;
	v61 =	vor.u32 $0x7, v0;
	v45 =	vadd.f32 v63, v45;
	v63 =	vld [tilespmem:$0x1FFF0]  }
0x23c: {  	vm13 =	veq.s32 v19, $0x0;
	v54 =	vor.u32 $0xB, v0;
	v12 =	vadd.f32 v59, v12;
	v59 =	vld [tilespmem:s21+$0x2580]  }
0x23d: {  	v55 =	vor.u32 $0x9, v0;
	v41 =	vadd.f32 v49, v41;
	v49 =	vor.u32 $0xD, v0;
	v20 =	vld.idx.msk [tilespmem:v21+s15+$0x0], $0xffff  }
0x23e: {  	v10 =	vadd.f32 v53, v10;
	v13 =	vadd.f32 v5, v13;
	v5 =	vld.idx.msk [tilespmem:v3+s15+$0x0], $0xffff;
	v3 =	vor.u32 $0x6, v0  }
0x23f: {  	v19 =	vld.idx.msk [tilespmem:v60+s15+$0x0], $0xffff;
	v11 =	vadd.f32 v51, v11;
	v51 =	vor.u32 $0xE, v0;
	v0 =	vor.u32 $0xF, v0  }
0x240: {  	v53 =	vld.idx.msk [tilespmem:v61+s15+$0x0], $0xffff;
	v9 =	vadd.f32 v52, v9;
	v43 =	vadd.f32 v63, v43;
	v63 =	vimm.f32 $1.000000000e+00  }
0x241: {  	v52 =	vld.idx.msk [tilespmem:v54+s15+$0x0], $0xffff;
	v54 =	vshll.u32 v59, $0x4;
	v16 =	vadd.f32 v33, v16;
	v33 =	vsel vm12, $0x0, v63  }
0x242: {  	v49 =	vld.idx.msk [tilespmem:v49+s15+$0x0], $0xffff;
	v21 =	vadd.f32 v56, v44;
	v44 =	vor.u32 $0x1, v54;
	v6 =	vadd.f32 v33, v6  }
0x243: {  	v13 =	vadd.f32 v38, v13;
	v38 =	vld.idx.msk [tilespmem:v55+s15+$0x0], $0xffff;
	v23 =	vor.u32 $0x2, v54;
	v61 =	vsel vm13, $0x0, v63  }
0x244: {  	v18 =	vadd.f32 v46, v18;
	vm14 =	veq.s32 v59, $0x0;
	v3 =	vld.idx.msk [tilespmem:v3+s15+$0x0], $0xffff;
	v6 =	vadd.f32 v61, v6  }
0x245: {  	v8 =	vadd.f32 v39, v8;
	v0 =	vld.idx.msk [tilespmem:v0+s15+$0x0], $0xffff;
	v46 =	vor.u32 $0xC, v54;
	v33 =	vsel vm14, $0x0, v63  }
0x246: {  	v15 =	vadd.f32 v35, v15;
	v59 =	vor.u32 $0x8, v54;
	v35 =	vld.idx.msk [tilespmem:v54+s15+$0x0], $0xffff;
	v6 =	vadd.f32 v33, v6  }
0x247: {  	v14 =	vadd.f32 v17, v14;
	v30 =	vadd.f32 v30, v41;
	v36 =	vld.idx.msk [tilespmem:v44+s15+$0x0], $0xffff;
	v61 =	vor.u32 $0x5, v54  }
0x248: {  	v44 =	vld.idx.msk [tilespmem:v23+s15+$0x0], $0xffff;
	v23 =	vor.u32 $0x7, v54;
	v33 =	vadd.f32 v34, v40;
	v34 =	vmax.f32 v6, $1.000000000e+00  }
0x249: {  	v7 =	vadd.f32 v42, v7;
	v42 =	vld.idx.msk [tilespmem:v51+s15+$0x0], $0xffff;
	v51 =	vor.u32 $0x3, v54;
	(erf) = vrcp.f32 v34  }
0x24a: {  	v9 =	vadd.f32 v28, v9;
	v28 =	vld.idx.msk [tilespmem:v46+s15+$0x0], $0xffff;
	v45 =	vadd.f32 v47, v45;
	v47 =	vor.u32 $0xD, v54  }
0x24b: {  	v15 =	vadd.f32 v22, v15;
	v60 =	vor.u32 $0x4, v54;
	v7 =	vadd.f32 v25, v7;
	v25 =	vld.idx.msk [tilespmem:v59+s15+$0x0], $0xffff  }
0x24c: {  	v12 =	vadd.f32 v62, v12;
	v11 =	vadd.f32 v31, v11;
	v31 =	vld.idx.msk [tilespmem:v61+s15+$0x0], $0xffff;
	v61 =	vor.u32 $0xA, v54  }
0x24d: {  	v10 =	vadd.f32 v32, v10;
	v62 =	vor.u32 $0xB, v54;
	v16 =	vadd.f32 v27, v16;
	v27 =	vld.idx.msk [tilespmem:v23+s15+$0x0], $0xffff  }
0x24e: {  	v4 =	vadd.f32 v4, v18;
	v37 =	vadd.f32 v37, v43;
	v43 =	vld.idx.msk [tilespmem:v51+s15+$0x0], $0xffff;
	v40 =	vor.u32 $0x6, v54  }
0x24f: {  	v8 =	vadd.f32 v50, v8;
	v21 =	vadd.f32 v26, v21;
	v59 =	vor.u32 $0xF, v54;
	v26 =	vld.idx.msk [tilespmem:v47+s15+$0x0], $0xffff  }
0x250: {  	v12 =	vadd.f32 v48, v12;
	v1 =	vadd.f32 v1, v10;
	v56 =	vor.u32 $0xE, v54;
	v34 =	vld.idx.msk [tilespmem:v60+s15+$0x0], $0xffff  }
0x251: {  	v51 =	vadd.f32 v57, v45;
	v5 =	vadd.f32 v5, v37;
	v60 =	vor.u32 $0x9, v54;
	v57 =	vld.idx.msk [tilespmem:v61+s15+$0x0], $0xffff  }
0x252: {  	v13 =	vadd.f32 v29, v13;
	v4 =	vadd.f32 v35, v4;
	vm15 =	vgt.f32 v6, $0.0e+00;
	v61 =	vld.idx.msk [tilespmem:v62+s15+$0x0], $0xffff;
	v62 =	vpop (erf)  }
0x253: {  	v2 =	vadd.f32 v2, v11;
	v5 =	vadd.f32 v36, v5;
	v29 =	vld.idx.msk [tilespmem:v40+s15+$0x0], $0xffff;
	v6 =	vnsel vm15, $0x0, v62  }
0x254: {  	v3 =	vadd.f32 v3, v30;
	v35 =	vadd.f32 v44, v12;
	v37 =	vld.idx.msk [tilespmem:v59+s15+$0x0], $0xffff;
	v4 =	vmul.f32 v6, v4  }
0x255: {  	v46 =	vadd.f32 v20, v21;
	v36 =	vld.idx.msk [tilespmem:v56+s15+$0x0], $0xffff;
	v8 =	vadd.f32 v43, v8;
	v5 =	vmul.f32 v6, v5  }
0x256: {  	v55 =	vld.idx.msk [tilespmem:v60+s15+$0x0], $0xffff;
	v1 =	vadd.f32 v34, v1;
	v39 =	vmul.f32 v6, v35;
	[tilespmem:s21+$0x7280] =	vst v4  }
0x257: {  	v40 =	vadd.f32 v53, v13;
	v2 =	vadd.f32 v31, v2;
	v41 =	vmul.f32 v6, v8;
	[tilespmem:s21+$0x7300] =	vst v5  }
0x258: {  	v43 =	vadd.f32 v24, v9;
	v3 =	vadd.f32 v29, v3;
	v1 =	vmul.f32 v6, v1;
	[tilespmem:s21+$0x7380] =	vst v39  }
0x259: {  	v44 =	vadd.f32 v38, v16;
	v45 =	vadd.f32 v27, v40;
	v2 =	vmul.f32 v2, v6;
	[tilespmem:s22+$0x7280] =	vst v41  }
0x25a: {  	v48 =	vadd.f32 v52, v7;
	v8 =	vadd.f32 v25, v43;
	v47 =	vmul.f32 v3, v6;
	[tilespmem:s21+$0x7480] =	vst v1  }
0x25b: {  	v51 =	vadd.f32 v19, v51;
	v50 =	vmul.f32 v45, v6;
	v4 =	vadd.f32 v55, v44;
	[tilespmem:s21+$0x7500] =	vst v2  }
0x25c: {  	v53 =	vadd.f32 v49, v15;
	v5 =	vadd.f32 v57, v46;
	v52 =	vmul.f32 v8, v6;
	[tilespmem:s21+$0x7580] =	vst v47  }
0x25d: {  	v60 =	vadd.f32 v58, v33;
	v3 =	vadd.f32 v61, v48;
	v54 =	vmul.f32 v4, v6;
	[tilespmem:s23+$0x7280] =	vst v50  }
0x25e: {  	v7 =	vadd.f32 v28, v51;
	v55 =	vadd.f32 v42, v14;
	v56 =	vmul.f32 v5, v6;
	[tilespmem:s21+$0x8280] =	vst v52  }
0x25f: {  	v0 =	vadd.f32 v0, v60;
	v57 =	vadd.f32 v26, v53;
	v58 =	vmul.f32 v3, v6;
	[tilespmem:s21+$0x8300] =	vst v54  }
0x260: {  	p0 =	sne.s32 s20, $0x1F0;
	v60 =	vmul.f32 v7, v6;
	v59 =	vadd.f32 v36, v55;
	[tilespmem:s21+$0x8380] =	vst v56  }
.Ltmp0:
0x261: {  	v0 =	vadd.f32 v37, v0;
	v61 =	vmul.f32 v57, v6;
	[tilespmem:s24+$0x7280] =	vst v58;
	(pc) =	sbr.rel @p0 .LBB2_2-.Ltmp0, $4  }
0x262: {  	v62 =	vmul.f32 v59, v6;
	[tilespmem:s21+$0x8480] =	vst v60  }
0x263: {  	v0 =	vmul.f32 v0, v6;
	[tilespmem:s21+$0x8500] =	vst v61  }
0x264: {  	[tilespmem:s21+$0x8580] =	vst v62  }
0x265: {  	s19 =	sadd.s32 $0x80, s19;
	s20 =	sadd.s32 $0x10, s20;
	[tilespmem:s25+$0x7280] =	vst v0  }
0x266: {  	[hbm4b:s7+s12] =	stream.strided.scatter [tilespmem:s16], [sflag:$0x2], $0x2000, s13, s12, $0x38;
	[tilespmem:$0x9280] =	vst v63  }
0x267: {  	_ =	swait.ge [sflag:s10], $0x2000  }
0x268: {  	[sflag:s10] =	ssyncset.done $0x0  }
0x269: {  	[sflag:s10] =	ssyncadd.s32 $0xFFFFE000  }
0x26a: {  	s18 =	sadd.s32 $0x1, s18;
	_ =	swait.ge [sflag:s17], $0x200  }
0x26b: {  	p0 =	sne.s32 s18, s9;
	[sflag:s17] =	ssyncset.done $0x0  }
.Ltmp1:
0x26c: {  	[sflag:s17] =	ssyncadd.s32 $0xFFFFFE00;
	(pc) =	sbr.rel @p0 .LBB2_1-.Ltmp1, $4  }
0x26d: {  	[hbm4b:s8+s2] =	stream.linear.scatter [tilespmem:s11], [sflag:$0x2], $0x200, $0x38;
	[tilespmem:$0x9280] =	vst v63  }
0x26e: {  	_ =	swait.ge [sflag:s10], $0x200  }
0x26f: {  	[sflag:s10] =	ssyncset.done $0x0  }
0x270: {  	[sflag:s10] =	ssyncadd.s32 $0xFFFFFE00  }
0x271: {  	_ =	sfence.sel $0x180000  }
0x272: {  	[bflag:$0x0] =	sbarrier.arrive $0xFFFF  }
0x273: {  	p0 =	sne.s32 s1, $0x0;
	_ =	strace $0x9000004A  }
0x274: {  	s0 =	sadd.s32 @!p0 $0x100000, s0;
	[bflag:$0x2] =	sbarrier.arrive $0xFFFF  }
0x275: {  	[sflag:s0] =	ssyncadd.tile.s32 @!p0 $0x1;
	_ =	shalt  }
.Lfunc_end2:
_tile_overlayer_lowered:
.L_overlay_start_2:
0x276: {  	(tag) =	ssettag $0x2  }
0x277: {  	s0 =	rddreg [dreg:$0x0];
	s2 =	stileid.u32  }
0x278: {  	s1 =	rddreg [dreg:$0x1];
	p0 =	sne.s32 s2, $0x0  }
0x279: {  	s3 =	rddreg [dreg:$0x2];
	[bflag:$0x3] =	sbarrier.arrive $0xFFFF;
	s2 =	simm.s32 @!p0 $0x1C02  }
0x27a: {  	[timem:s3], [sflag:s2] =	dma.local @!p0 [hbm:s0], s1  }
0x27b: {  	s0 =	simm.s32 @!p0 $0x2  }
0x27c: {  	_ =	swait.ge @!p0 [sflag:s0], s1  }
0x27d: {  	s1 =	ssub.s32 @!p0 $0x0, s1;
	[sflag:s0] =	ssyncset.done @!p0 $0x0  }
0x27e: {  	[sflag:s0] =	ssyncadd.s32 @!p0 s1  }
0x27f: {  	[bflag:$0x3] =	sbarrier.arrive $0xFFFF  }
0x280: {  	_ =	shalt  }

</sc_bundles>
